<compile_context>
chip_gen: v7x
topology: tpu7x:2x2x1
jax: 0.10.2.dev20260603
libtpu: 0.0.44.dev20260713+nightly
codegen_flags: <defaults>
</compile_context>

<pallas_src>
import jax
import jax.numpy as jnp
from jax import lax
from jax.experimental import pallas as pl
from jax.experimental.pallas import tpu as pltpu
from jax.experimental.pallas import tpu_sc as plsc

NUM_ACTIONS = 16
D = 128
NUM_ARGS = 3
L_TOTAL = 819200

NC = 2
NS = 16
NW = NC * NS
CHUNK = 320
GATHER = 64
NBUF = 3

ROWS_PER_W = L_TOTAL // NW
N_CHUNKS = ROWS_PER_W // CHUNK


def _build_combined(table):

    def body(t_ref, out_ref):
        t = t_ref[...]
        tb = jnp.broadcast_to(t[None], (NUM_ARGS, NUM_ACTIONS, D - 1))
        g = lax.broadcasted_iota(jnp.int32, (NUM_ARGS, NUM_ACTIONS, 1), 0).astype(jnp.float32)
        comb = jnp.concatenate([tb, g], axis=2)
        out_ref[...] = comb.reshape(NUM_ACTIONS * NUM_ARGS, D)

    return pl.pallas_call(
        body,
        out_shape=jax.ShapeDtypeStruct((NUM_ACTIONS * NUM_ARGS, D), jnp.float32),
    )(table)


def _sc_lookup_body(comb_hbm, act_hbm, arg_hbm, out_hbm, tbl_sh, a_v, g_v, *bufs):
    idx = bufs[:NBUF]
    rows = bufs[NBUF:2 * NBUF]
    sem_g = bufs[2 * NBUF:3 * NBUF]
    sem_o = bufs[3 * NBUF:4 * NBUF]
    sid = lax.axis_index("s")
    wid = sid * NC + lax.axis_index("c")
    w_base = wid * ROWS_PER_W

    @pl.when(sid == 0)
    def _stage():
        pltpu.sync_copy(comb_hbm, tbl_sh)

    plsc.subcore_barrier()

    def fire_gathers(c, b):
        base = w_base + c * CHUNK
        pltpu.sync_copy(act_hbm.at[pl.ds(base, CHUNK)], a_v)
        pltpu.sync_copy(arg_hbm.at[pl.ds(base, CHUNK)], g_v)
        vpr = GATHER // 16
        for i in range(CHUNK // 16):
            a = a_v[pl.ds(i * 16, 16)]
            g = g_v[pl.ds(i * 16, 16)]
            idx[b][i // vpr, pl.ds((i % vpr) * 16, 16)] = g * NUM_ACTIONS + a
        for j in range(CHUNK // GATHER):
            pltpu.async_copy(
                tbl_sh.at[idx[b].at[j]],
                rows[b].at[pl.ds(j * GATHER, GATHER)],
                sem_g[b],
            )

    def drain_gathers(b):
        for j in range(CHUNK // GATHER):
            pltpu.make_async_copy(
                tbl_sh.at[idx[b].at[j]],
                rows[b].at[pl.ds(j * GATHER, GATHER)],
                sem_g[b],
            ).wait()

    def drain_out(b):
        pltpu.make_async_copy(
            rows[b], out_hbm.at[pl.ds(w_base, CHUNK)], sem_o[b]).wait()

    def step(c, b, drain_prev_out, prefetch):
        nb = (b + 1) % NBUF
        if drain_prev_out:
            drain_out(nb)
        if prefetch:
            fire_gathers(c + 1, nb)
        drain_gathers(b)
        pltpu.async_copy(
            rows[b], out_hbm.at[pl.ds(w_base + c * CHUNK, CHUNK)], sem_o[b])

    fire_gathers(0, 0)
    for c0 in range(NBUF - 1):
        step(c0, c0 % NBUF, False, True)

    start = NBUF - 1
    q = (N_CHUNKS - start - 1) // NBUF

    def group(k, carry):
        c = start + k * NBUF
        for j in range(NBUF):
            step(c + j, (start + j) % NBUF, True, True)
        return carry

    lax.fori_loop(0, q, group, 0, unroll=False)
    for c0 in range(start + q * NBUF, N_CHUNKS - 1):
        step(c0, c0 % NBUF, True, True)
    step(N_CHUNKS - 1, (N_CHUNKS - 1) % NBUF, True, False)
    for i in range(NBUF - 1):
        drain_out((N_CHUNKS - 1 - i) % NBUF)


@jax.jit
def kernel(actions, arguments, table):
    comb = _build_combined(table.astype(jnp.float32))
    act = actions.astype(jnp.int32)
    arg = arguments.astype(jnp.int32)

    mesh = plsc.VectorSubcoreMesh(core_axis_name="c", subcore_axis_name="s")
    scratch = [
        pltpu.VMEM_SHARED((NUM_ACTIONS * NUM_ARGS, D), jnp.float32),
        pltpu.VMEM((CHUNK,), jnp.int32),
        pltpu.VMEM((CHUNK,), jnp.int32),
    ]
    scratch += [pltpu.VMEM((CHUNK // GATHER, GATHER), jnp.int32)
                for _ in range(NBUF)]
    scratch += [pltpu.VMEM((CHUNK, D), jnp.float32)
                for _ in range(NBUF)]
    scratch += [pltpu.SemaphoreType.DMA for _ in range(2 * NBUF)]
    lookup = pl.kernel(
        _sc_lookup_body,
        out_type=jax.ShapeDtypeStruct((L_TOTAL, D), jnp.float32),
        mesh=mesh,
        scratch_types=scratch,
    )
    return lookup(comb, act, arg)

# --- scband reference (transcript-rebuilt; emitter-appended) ---
"""Pipeline reference for scband-action-encoder-8229157339702 (READ-ONLY COPY).

The authoritative reference and input builder live on the scoring server;
editing this copy changes nothing except your own understanding.
"""

import jax, jax.numpy as jnp
import numpy as np

NUM_ACTIONS = 16
D_EMB = 128
L = 4096 * 200  # 819200

def setup_inputs(seed: int = 0) -> dict:
    key = jax.random.key(seed)
    k1, k2, k3 = jax.random.split(key, 3)
    actions = jax.random.randint(k1, (L,), 0, NUM_ACTIONS)
    arguments = jax.random.randint(k2, (L,), 0, 3)
    # learned parameter: nn.Embedding(len(PhysicalAction), d_emb - 1).weight
    table = jax.random.normal(k3, (NUM_ACTIONS, D_EMB - 1), dtype=jnp.float32)
    return {"actions": actions, "arguments": arguments, "table": table}

def reference(actions, arguments, table):
    # act_emd = self.encoder(torch.tensor(actions))
    act_emd = jnp.take(table, actions, axis=0)            # [L, d_emb-1]
    # arg_emd = torch.tensor(arguments).unsqueeze(dim=1)  (cast to float for concat)
    arg_emd = arguments[:, None].astype(table.dtype)      # [L, 1]
    # torch.cat((act_emd, arg_emd), dim=1)
    return jnp.concatenate([act_emd, arg_emd], axis=1)    # [L, d_emb]

if __name__ == "__main__":
    import jax
    _d = setup_inputs()
    print(jax.jit(kernel)(*tuple(_d.values())))

</pallas_src>

<mosaic_0001>
#map = affine_map<(d0, d1) -> (0, 0)>
#map1 = affine_map<(d0, d1) -> (0)>
module attributes {stable_mosaic.version = 14 : i64} {
  func.func @_sc_lookup_body(%arg0: i32, %arg1: i32, %arg2: memref<48x128xf32, #tpu.memory_space<hbm>>, %arg3: memref<819200xi32, #tpu.memory_space<hbm>>, %arg4: memref<819200xi32, #tpu.memory_space<hbm>>, %arg5: memref<819200x128xf32, #tpu.memory_space<hbm>>, %arg6: memref<48x128xf32, #tpu.memory_space<vmem_shared>>, %arg7: memref<320xi32, #tpu.memory_space<vmem>>, %arg8: memref<320xi32, #tpu.memory_space<vmem>>, %arg9: memref<5x64xi32, #tpu.memory_space<vmem>>, %arg10: memref<5x64xi32, #tpu.memory_space<vmem>>, %arg11: memref<5x64xi32, #tpu.memory_space<vmem>>, %arg12: memref<320x128xf32, #tpu.memory_space<vmem>>, %arg13: memref<320x128xf32, #tpu.memory_space<vmem>>, %arg14: memref<320x128xf32, #tpu.memory_space<vmem>>, %arg15: memref<!tpu.dma_semaphore, #tpu.memory_space<semaphore_mem>>, %arg16: memref<!tpu.dma_semaphore, #tpu.memory_space<semaphore_mem>>, %arg17: memref<!tpu.dma_semaphore, #tpu.memory_space<semaphore_mem>>, %arg18: memref<!tpu.dma_semaphore, #tpu.memory_space<semaphore_mem>>, %arg19: memref<!tpu.dma_semaphore, #tpu.memory_space<semaphore_mem>>, %arg20: memref<!tpu.dma_semaphore, #tpu.memory_space<semaphore_mem>>) attributes {dimension_semantics = [#tpu.dimension_semantics<core_parallel>, #tpu.dimension_semantics<subcore_parallel>], iteration_bounds = array<i64: 2, 16>, scalar_prefetch = 0 : i64, scratch_operands = 15 : i64, tpu.core_type = #tpu.core_type<sc_vector_subcore>, window_params = [{transform_indices = #map}, {transform_indices = #map1}, {transform_indices = #map1}, {transform_indices = #map}]} {
    %mul3A = arith.constant 2 : i32
    %mul3A_0 = arith.muli %arg1, %mul3A : i32
    %add3A = arith.addi %mul3A_0, %arg0 : i32
    %mul3A_1 = arith.constant 25600 : i32
    %mul3A_2 = arith.muli %add3A, %mul3A_1 : i32
    %eq3A = arith.constant 0 : i32
    %eq3A_3 = arith.cmpi eq, %arg1, %eq3A : i32
    %convert_element_type3A = arith.extui %eq3A_3 : i1 to i32
    %cond3A = arith.constant 0 : i32
    %cond3A_4 = arith.cmpi ne, %convert_element_type3A, %cond3A : i32
    scf.if %cond3A_4 {
      "tpu.region"() ({
        %run_scoped3A = tpu.sem_alloc : memref<!tpu.dma_semaphore, #tpu.memory_space<semaphore_mem>>
        tpu.enqueue_dma source(%arg2 : memref<48x128xf32, #tpu.memory_space<hbm>>) target(%arg6 : memref<48x128xf32, #tpu.memory_space<vmem_shared>>) target_semaphore(%run_scoped3A : memref<!tpu.dma_semaphore, #tpu.memory_space<semaphore_mem>>)
        tpu.wait_dma2 semaphore(%run_scoped3A : memref<!tpu.dma_semaphore, #tpu.memory_space<semaphore_mem>>) src(%arg2 : memref<48x128xf32, #tpu.memory_space<hbm>>) dst(%arg6 : memref<48x128xf32, #tpu.memory_space<vmem_shared>>)
        tpu.yield
      }) : () -> ()
    } else {
    }
    %barrier3A = arith.constant 0 : index
    tpu.barrier barrier_id(%barrier3A)
    %add3A_5 = arith.constant 0 : i32
    %add3A_6 = arith.addi %mul3A_2, %add3A_5 : i32
    "tpu.region"() ({
      %run_scoped3A = tpu.sem_alloc : memref<!tpu.dma_semaphore, #tpu.memory_space<semaphore_mem>>
      %dma_start3A_2166 = tpu.memref_slice %arg3[%add3A_6] : memref<819200xi32, #tpu.memory_space<hbm>> -> memref<320xi32, #tpu.memory_space<hbm>>
      %dma_start3A_2167 = tpu.memref_slice %arg3[%add3A_6] : memref<819200xi32, #tpu.memory_space<hbm>> -> memref<320xi32, #tpu.memory_space<hbm>>
      tpu.enqueue_dma source(%dma_start3A_2167 : memref<320xi32, #tpu.memory_space<hbm>>) target(%arg7 : memref<320xi32, #tpu.memory_space<vmem>>) target_semaphore(%run_scoped3A : memref<!tpu.dma_semaphore, #tpu.memory_space<semaphore_mem>>)
      %dma_wait3A_2168 = tpu.memref_slice %arg3[%add3A_6] : memref<819200xi32, #tpu.memory_space<hbm>> -> memref<320xi32, #tpu.memory_space<hbm>>
      %dma_wait3A_2169 = tpu.memref_slice %arg3[%add3A_6] : memref<819200xi32, #tpu.memory_space<hbm>> -> memref<320xi32, #tpu.memory_space<hbm>>
      tpu.wait_dma2 semaphore(%run_scoped3A : memref<!tpu.dma_semaphore, #tpu.memory_space<semaphore_mem>>) src(%dma_wait3A_2169 : memref<320xi32, #tpu.memory_space<hbm>>) dst(%arg7 : memref<320xi32, #tpu.memory_space<vmem>>)
      tpu.yield
    }) : () -> ()
    "tpu.region"() ({
      %run_scoped3A = tpu.sem_alloc : memref<!tpu.dma_semaphore, #tpu.memory_space<semaphore_mem>>
      %dma_start3A_2166 = tpu.memref_slice %arg4[%add3A_6] : memref<819200xi32, #tpu.memory_space<hbm>> -> memref<320xi32, #tpu.memory_space<hbm>>
      %dma_start3A_2167 = tpu.memref_slice %arg4[%add3A_6] : memref<819200xi32, #tpu.memory_space<hbm>> -> memref<320xi32, #tpu.memory_space<hbm>>
      tpu.enqueue_dma source(%dma_start3A_2167 : memref<320xi32, #tpu.memory_space<hbm>>) target(%arg8 : memref<320xi32, #tpu.memory_space<vmem>>) target_semaphore(%run_scoped3A : memref<!tpu.dma_semaphore, #tpu.memory_space<semaphore_mem>>)
      %dma_wait3A_2168 = tpu.memref_slice %arg4[%add3A_6] : memref<819200xi32, #tpu.memory_space<hbm>> -> memref<320xi32, #tpu.memory_space<hbm>>
      %dma_wait3A_2169 = tpu.memref_slice %arg4[%add3A_6] : memref<819200xi32, #tpu.memory_space<hbm>> -> memref<320xi32, #tpu.memory_space<hbm>>
      tpu.wait_dma2 semaphore(%run_scoped3A : memref<!tpu.dma_semaphore, #tpu.memory_space<semaphore_mem>>) src(%dma_wait3A_2169 : memref<320xi32, #tpu.memory_space<hbm>>) dst(%arg8 : memref<320xi32, #tpu.memory_space<vmem>>)
      tpu.yield
    }) : () -> ()
    %get3A = arith.constant 0 : index
    %get3A_7 = tpu.vector_load %arg7[%get3A] {strides = array<i32>} : memref<320xi32, #tpu.memory_space<vmem>>, vector<16xi32>,
    %get3A_8 = vector.shape_cast %get3A_7 : vector<16xi32> to vector<16xi32>
    %get3A_9 = arith.constant 0 : index
    %get3A_10 = tpu.vector_load %arg8[%get3A_9] {strides = array<i32>} : memref<320xi32, #tpu.memory_space<vmem>>, vector<16xi32>,
    %get3A_11 = vector.shape_cast %get3A_10 : vector<16xi32> to vector<16xi32>
    %mul3A_12 = arith.constant 16 : i32
    %mul3A_13 = vector.broadcast %mul3A_12 : i32 to vector<16xi32>
    %mul3A_14 = arith.muli %get3A_11, %mul3A_13 : vector<16xi32>
    %add3A_15 = arith.addi %mul3A_14, %get3A_8 : vector<16xi32>
    %swap3A = arith.constant 0 : i32
    %swap3A_16 = arith.index_cast %swap3A : i32 to index
    %swap3A_17 = arith.constant 0 : index
    %swap3A_18 = tpu.vector_load %arg9[%swap3A_16, %swap3A_17] {strides = array<i32>} : memref<5x64xi32, #tpu.memory_space<vmem>>, vector<1x16xi32>,
    %swap3A_19 = vector.shape_cast %swap3A_18 : vector<1x16xi32> to vector<16xi32>
    %swap3A_20 = vector.shape_cast %add3A_15 : vector<16xi32> to vector<1x16xi32>
    tpu.vector_store %arg9[%swap3A_16, %swap3A_17], %swap3A_20 {strides = array<i32>} : memref<5x64xi32, #tpu.memory_space<vmem>>, vector<1x16xi32>,
    %get3A_21 = arith.constant 16 : index
    %get3A_22 = tpu.vector_load %arg7[%get3A_21] {strides = array<i32>} : memref<320xi32, #tpu.memory_space<vmem>>, vector<16xi32>,
    %get3A_23 = vector.shape_cast %get3A_22 : vector<16xi32> to vector<16xi32>
    %get3A_24 = arith.constant 16 : index
    %get3A_25 = tpu.vector_load %arg8[%get3A_24] {strides = array<i32>} : memref<320xi32, #tpu.memory_space<vmem>>, vector<16xi32>,
    %get3A_26 = vector.shape_cast %get3A_25 : vector<16xi32> to vector<16xi32>
    %mul3A_27 = arith.constant 16 : i32
    %mul3A_28 = vector.broadcast %mul3A_27 : i32 to vector<16xi32>
    %mul3A_29 = arith.muli %get3A_26, %mul3A_28 : vector<16xi32>
    %add3A_30 = arith.addi %mul3A_29, %get3A_23 : vector<16xi32>
    %swap3A_31 = arith.constant 0 : i32
    %swap3A_32 = arith.index_cast %swap3A_31 : i32 to index
    %swap3A_33 = arith.constant 16 : index
    %swap3A_34 = tpu.vector_load %arg9[%swap3A_32, %swap3A_33] {strides = array<i32>} : memref<5x64xi32, #tpu.memory_space<vmem>>, vector<1x16xi32>,
    %swap3A_35 = vector.shape_cast %swap3A_34 : vector<1x16xi32> to vector<16xi32>
    %swap3A_36 = vector.shape_cast %add3A_30 : vector<16xi32> to vector<1x16xi32>
    tpu.vector_store %arg9[%swap3A_32, %swap3A_33], %swap3A_36 {strides = array<i32>} : memref<5x64xi32, #tpu.memory_space<vmem>>, vector<1x16xi32>,
    %get3A_37 = arith.constant 32 : index
    %get3A_38 = tpu.vector_load %arg7[%get3A_37] {strides = array<i32>} : memref<320xi32, #tpu.memory_space<vmem>>, vector<16xi32>,
    %get3A_39 = vector.shape_cast %get3A_38 : vector<16xi32> to vector<16xi32>
    %get3A_40 = arith.constant 32 : index
    %get3A_41 = tpu.vector_load %arg8[%get3A_40] {strides = array<i32>} : memref<320xi32, #tpu.memory_space<vmem>>, vector<16xi32>,
    %get3A_42 = vector.shape_cast %get3A_41 : vector<16xi32> to vector<16xi32>
    %mul3A_43 = arith.constant 16 : i32
    %mul3A_44 = vector.broadcast %mul3A_43 : i32 to vector<16xi32>
    %mul3A_45 = arith.muli %get3A_42, %mul3A_44 : vector<16xi32>
    %add3A_46 = arith.addi %mul3A_45, %get3A_39 : vector<16xi32>
    %swap3A_47 = arith.constant 0 : i32
    %swap3A_48 = arith.index_cast %swap3A_47 : i32 to index
    %swap3A_49 = arith.constant 32 : index
    %swap3A_50 = tpu.vector_load %arg9[%swap3A_48, %swap3A_49] {strides = array<i32>} : memref<5x64xi32, #tpu.memory_space<vmem>>, vector<1x16xi32>,
    %swap3A_51 = vector.shape_cast %swap3A_50 : vector<1x16xi32> to vector<16xi32>
    %swap3A_52 = vector.shape_cast %add3A_46 : vector<16xi32> to vector<1x16xi32>
    tpu.vector_store %arg9[%swap3A_48, %swap3A_49], %swap3A_52 {strides = array<i32>} : memref<5x64xi32, #tpu.memory_space<vmem>>, vector<1x16xi32>,
    %get3A_53 = arith.constant 48 : index
    %get3A_54 = tpu.vector_load %arg7[%get3A_53] {strides = array<i32>} : memref<320xi32, #tpu.memory_space<vmem>>, vector<16xi32>,
    %get3A_55 = vector.shape_cast %get3A_54 : vector<16xi32> to vector<16xi32>
    %get3A_56 = arith.constant 48 : index
    %get3A_57 = tpu.vector_load %arg8[%get3A_56] {strides = array<i32>} : memref<320xi32, #tpu.memory_space<vmem>>, vector<16xi32>,
    %get3A_58 = vector.shape_cast %get3A_57 : vector<16xi32> to vector<16xi32>
    %mul3A_59 = arith.constant 16 : i32
    %mul3A_60 = vector.broadcast %mul3A_59 : i32 to vector<16xi32>
    %mul3A_61 = arith.muli %get3A_58, %mul3A_60 : vector<16xi32>
    %add3A_62 = arith.addi %mul3A_61, %get3A_55 : vector<16xi32>
    %swap3A_63 = arith.constant 0 : i32
    %swap3A_64 = arith.index_cast %swap3A_63 : i32 to index
    %swap3A_65 = arith.constant 48 : index
    %swap3A_66 = tpu.vector_load %arg9[%swap3A_64, %swap3A_65] {strides = array<i32>} : memref<5x64xi32, #tpu.memory_space<vmem>>, vector<1x16xi32>,
    %swap3A_67 = vector.shape_cast %swap3A_66 : vector<1x16xi32> to vector<16xi32>
    %swap3A_68 = vector.shape_cast %add3A_62 : vector<16xi32> to vector<1x16xi32>
    tpu.vector_store %arg9[%swap3A_64, %swap3A_65], %swap3A_68 {strides = array<i32>} : memref<5x64xi32, #tpu.memory_space<vmem>>, vector<1x16xi32>,
    %get3A_69 = arith.constant 64 : index
    %get3A_70 = tpu.vector_load %arg7[%get3A_69] {strides = array<i32>} : memref<320xi32, #tpu.memory_space<vmem>>, vector<16xi32>,
    %get3A_71 = vector.shape_cast %get3A_70 : vector<16xi32> to vector<16xi32>
    %get3A_72 = arith.constant 64 : index
    %get3A_73 = tpu.vector_load %arg8[%get3A_72] {strides = array<i32>} : memref<320xi32, #tpu.memory_space<vmem>>, vector<16xi32>,
    %get3A_74 = vector.shape_cast %get3A_73 : vector<16xi32> to vector<16xi32>
    %mul3A_75 = arith.constant 16 : i32
    %mul3A_76 = vector.broadcast %mul3A_75 : i32 to vector<16xi32>
    %mul3A_77 = arith.muli %get3A_74, %mul3A_76 : vector<16xi32>
    %add3A_78 = arith.addi %mul3A_77, %get3A_71 : vector<16xi32>
    %swap3A_79 = arith.constant 1 : i32
    %swap3A_80 = arith.index_cast %swap3A_79 : i32 to index
    %swap3A_81 = arith.constant 0 : index
    %swap3A_82 = tpu.vector_load %arg9[%swap3A_80, %swap3A_81] {strides = array<i32>} : memref<5x64xi32, #tpu.memory_space<vmem>>, vector<1x16xi32>,
    %swap3A_83 = vector.shape_cast %swap3A_82 : vector<1x16xi32> to vector<16xi32>
    %swap3A_84 = vector.shape_cast %add3A_78 : vector<16xi32> to vector<1x16xi32>
    tpu.vector_store %arg9[%swap3A_80, %swap3A_81], %swap3A_84 {strides = array<i32>} : memref<5x64xi32, #tpu.memory_space<vmem>>, vector<1x16xi32>,
    %get3A_85 = arith.constant 80 : index
    %get3A_86 = tpu.vector_load %arg7[%get3A_85] {strides = array<i32>} : memref<320xi32, #tpu.memory_space<vmem>>, vector<16xi32>,
    %get3A_87 = vector.shape_cast %get3A_86 : vector<16xi32> to vector<16xi32>
    %get3A_88 = arith.constant 80 : index
    %get3A_89 = tpu.vector_load %arg8[%get3A_88] {strides = array<i32>} : memref<320xi32, #tpu.memory_space<vmem>>, vector<16xi32>,
    %get3A_90 = vector.shape_cast %get3A_89 : vector<16xi32> to vector<16xi32>
    %mul3A_91 = arith.constant 16 : i32
    %mul3A_92 = vector.broadcast %mul3A_91 : i32 to vector<16xi32>
    %mul3A_93 = arith.muli %get3A_90, %mul3A_92 : vector<16xi32>
    %add3A_94 = arith.addi %mul3A_93, %get3A_87 : vector<16xi32>
    %swap3A_95 = arith.constant 1 : i32
    %swap3A_96 = arith.index_cast %swap3A_95 : i32 to index
    %swap3A_97 = arith.constant 16 : index
    %swap3A_98 = tpu.vector_load %arg9[%swap3A_96, %swap3A_97] {strides = array<i32>} : memref<5x64xi32, #tpu.memory_space<vmem>>, vector<1x16xi32>,
    %swap3A_99 = vector.shape_cast %swap3A_98 : vector<1x16xi32> to vector<16xi32>
    %swap3A_100 = vector.shape_cast %add3A_94 : vector<16xi32> to vector<1x16xi32>
    tpu.vector_store %arg9[%swap3A_96, %swap3A_97], %swap3A_100 {strides = array<i32>} : memref<5x64xi32, #tpu.memory_space<vmem>>, vector<1x16xi32>,
    %get3A_101 = arith.constant 96 : index
    %get3A_102 = tpu.vector_load %arg7[%get3A_101] {strides = array<i32>} : memref<320xi32, #tpu.memory_space<vmem>>, vector<16xi32>,
    %get3A_103 = vector.shape_cast %get3A_102 : vector<16xi32> to vector<16xi32>
    %get3A_104 = arith.constant 96 : index
    %get3A_105 = tpu.vector_load %arg8[%get3A_104] {strides = array<i32>} : memref<320xi32, #tpu.memory_space<vmem>>, vector<16xi32>,
    %get3A_106 = vector.shape_cast %get3A_105 : vector<16xi32> to vector<16xi32>
    %mul3A_107 = arith.constant 16 : i32
    %mul3A_108 = vector.broadcast %mul3A_107 : i32 to vector<16xi32>
    %mul3A_109 = arith.muli %get3A_106, %mul3A_108 : vector<16xi32>
    %add3A_110 = arith.addi %mul3A_109, %get3A_103 : vector<16xi32>
    %swap3A_111 = arith.constant 1 : i32
    %swap3A_112 = arith.index_cast %swap3A_111 : i32 to index
    %swap3A_113 = arith.constant 32 : index
    %swap3A_114 = tpu.vector_load %arg9[%swap3A_112, %swap3A_113] {strides = array<i32>} : memref<5x64xi32, #tpu.memory_space<vmem>>, vector<1x16xi32>,
    %swap3A_115 = vector.shape_cast %swap3A_114 : vector<1x16xi32> to vector<16xi32>
    %swap3A_116 = vector.shape_cast %add3A_110 : vector<16xi32> to vector<1x16xi32>
    tpu.vector_store %arg9[%swap3A_112, %swap3A_113], %swap3A_116 {strides = array<i32>} : memref<5x64xi32, #tpu.memory_space<vmem>>, vector<1x16xi32>,
    %get3A_117 = arith.constant 112 : index
    %get3A_118 = tpu.vector_load %arg7[%get3A_117] {strides = array<i32>} : memref<320xi32, #tpu.memory_space<vmem>>, vector<16xi32>,
    %get3A_119 = vector.shape_cast %get3A_118 : vector<16xi32> to vector<16xi32>
    %get3A_120 = arith.constant 112 : index
    %get3A_121 = tpu.vector_load %arg8[%get3A_120] {strides = array<i32>} : memref<320xi32, #tpu.memory_space<vmem>>, vector<16xi32>,
    %get3A_122 = vector.shape_cast %get3A_121 : vector<16xi32> to vector<16xi32>
    %mul3A_123 = arith.constant 16 : i32
    %mul3A_124 = vector.broadcast %mul3A_123 : i32 to vector<16xi32>
    %mul3A_125 = arith.muli %get3A_122, %mul3A_124 : vector<16xi32>
    %add3A_126 = arith.addi %mul3A_125, %get3A_119 : vector<16xi32>
    %swap3A_127 = arith.constant 1 : i32
    %swap3A_128 = arith.index_cast %swap3A_127 : i32 to index
    %swap3A_129 = arith.constant 48 : index
    %swap3A_130 = tpu.vector_load %arg9[%swap3A_128, %swap3A_129] {strides = array<i32>} : memref<5x64xi32, #tpu.memory_space<vmem>>, vector<1x16xi32>,
    %swap3A_131 = vector.shape_cast %swap3A_130 : vector<1x16xi32> to vector<16xi32>
    %swap3A_132 = vector.shape_cast %add3A_126 : vector<16xi32> to vector<1x16xi32>
    tpu.vector_store %arg9[%swap3A_128, %swap3A_129], %swap3A_132 {strides = array<i32>} : memref<5x64xi32, #tpu.memory_space<vmem>>, vector<1x16xi32>,
    %get3A_133 = arith.constant 128 : index
    %get3A_134 = tpu.vector_load %arg7[%get3A_133] {strides = array<i32>} : memref<320xi32, #tpu.memory_space<vmem>>, vector<16xi32>,
    %get3A_135 = vector.shape_cast %get3A_134 : vector<16xi32> to vector<16xi32>
    %get3A_136 = arith.constant 128 : index
    %get3A_137 = tpu.vector_load %arg8[%get3A_136] {strides = array<i32>} : memref<320xi32, #tpu.memory_space<vmem>>, vector<16xi32>,
    %get3A_138 = vector.shape_cast %get3A_137 : vector<16xi32> to vector<16xi32>
    %mul3A_139 = arith.constant 16 : i32
    %mul3A_140 = vector.broadcast %mul3A_139 : i32 to vector<16xi32>
    %mul3A_141 = arith.muli %get3A_138, %mul3A_140 : vector<16xi32>
    %add3A_142 = arith.addi %mul3A_141, %get3A_135 : vector<16xi32>
    %swap3A_143 = arith.constant 2 : i32
    %swap3A_144 = arith.index_cast %swap3A_143 : i32 to index
    %swap3A_145 = arith.constant 0 : index
    %swap3A_146 = tpu.vector_load %arg9[%swap3A_144, %swap3A_145] {strides = array<i32>} : memref<5x64xi32, #tpu.memory_space<vmem>>, vector<1x16xi32>,
    %swap3A_147 = vector.shape_cast %swap3A_146 : vector<1x16xi32> to vector<16xi32>
    %swap3A_148 = vector.shape_cast %add3A_142 : vector<16xi32> to vector<1x16xi32>
    tpu.vector_store %arg9[%swap3A_144, %swap3A_145], %swap3A_148 {strides = array<i32>} : memref<5x64xi32, #tpu.memory_space<vmem>>, vector<1x16xi32>,
    %get3A_149 = arith.constant 144 : index
    %get3A_150 = tpu.vector_load %arg7[%get3A_149] {strides = array<i32>} : memref<320xi32, #tpu.memory_space<vmem>>, vector<16xi32>,
    %get3A_151 = vector.shape_cast %get3A_150 : vector<16xi32> to vector<16xi32>
    %get3A_152 = arith.constant 144 : index
    %get3A_153 = tpu.vector_load %arg8[%get3A_152] {strides = array<i32>} : memref<320xi32, #tpu.memory_space<vmem>>, vector<16xi32>,
    %get3A_154 = vector.shape_cast %get3A_153 : vector<16xi32> to vector<16xi32>
    %mul3A_155 = arith.constant 16 : i32
    %mul3A_156 = vector.broadcast %mul3A_155 : i32 to vector<16xi32>
    %mul3A_157 = arith.muli %get3A_154, %mul3A_156 : vector<16xi32>
    %add3A_158 = arith.addi %mul3A_157, %get3A_151 : vector<16xi32>
    %swap3A_159 = arith.constant 2 : i32
    %swap3A_160 = arith.index_cast %swap3A_159 : i32 to index
    %swap3A_161 = arith.constant 16 : index
    %swap3A_162 = tpu.vector_load %arg9[%swap3A_160, %swap3A_161] {strides = array<i32>} : memref<5x64xi32, #tpu.memory_space<vmem>>, vector<1x16xi32>,
    %swap3A_163 = vector.shape_cast %swap3A_162 : vector<1x16xi32> to vector<16xi32>
    %swap3A_164 = vector.shape_cast %add3A_158 : vector<16xi32> to vector<1x16xi32>
    tpu.vector_store %arg9[%swap3A_160, %swap3A_161], %swap3A_164 {strides = array<i32>} : memref<5x64xi32, #tpu.memory_space<vmem>>, vector<1x16xi32>,
    %get3A_165 = arith.constant 160 : index
    %get3A_166 = tpu.vector_load %arg7[%get3A_165] {strides = array<i32>} : memref<320xi32, #tpu.memory_space<vmem>>, vector<16xi32>,
    %get3A_167 = vector.shape_cast %get3A_166 : vector<16xi32> to vector<16xi32>
    %get3A_168 = arith.constant 160 : index
    %get3A_169 = tpu.vector_load %arg8[%get3A_168] {strides = array<i32>} : memref<320xi32, #tpu.memory_space<vmem>>, vector<16xi32>,
    %get3A_170 = vector.shape_cast %get3A_169 : vector<16xi32> to vector<16xi32>
    %mul3A_171 = arith.constant 16 : i32
    %mul3A_172 = vector.broadcast %mul3A_171 : i32 to vector<16xi32>
    %mul3A_173 = arith.muli %get3A_170, %mul3A_172 : vector<16xi32>
    %add3A_174 = arith.addi %mul3A_173, %get3A_167 : vector<16xi32>
    %swap3A_175 = arith.constant 2 : i32
    %swap3A_176 = arith.index_cast %swap3A_175 : i32 to index
    %swap3A_177 = arith.constant 32 : index
    %swap3A_178 = tpu.vector_load %arg9[%swap3A_176, %swap3A_177] {strides = array<i32>} : memref<5x64xi32, #tpu.memory_space<vmem>>, vector<1x16xi32>,
    %swap3A_179 = vector.shape_cast %swap3A_178 : vector<1x16xi32> to vector<16xi32>
    %swap3A_180 = vector.shape_cast %add3A_174 : vector<16xi32> to vector<1x16xi32>
    tpu.vector_store %arg9[%swap3A_176, %swap3A_177], %swap3A_180 {strides = array<i32>} : memref<5x64xi32, #tpu.memory_space<vmem>>, vector<1x16xi32>,
    %get3A_181 = arith.constant 176 : index
    %get3A_182 = tpu.vector_load %arg7[%get3A_181] {strides = array<i32>} : memref<320xi32, #tpu.memory_space<vmem>>, vector<16xi32>,
    %get3A_183 = vector.shape_cast %get3A_182 : vector<16xi32> to vector<16xi32>
    %get3A_184 = arith.constant 176 : index
    %get3A_185 = tpu.vector_load %arg8[%get3A_184] {strides = array<i32>} : memref<320xi32, #tpu.memory_space<vmem>>, vector<16xi32>,
    %get3A_186 = vector.shape_cast %get3A_185 : vector<16xi32> to vector<16xi32>
    %mul3A_187 = arith.constant 16 : i32
    %mul3A_188 = vector.broadcast %mul3A_187 : i32 to vector<16xi32>
    %mul3A_189 = arith.muli %get3A_186, %mul3A_188 : vector<16xi32>
    %add3A_190 = arith.addi %mul3A_189, %get3A_183 : vector<16xi32>
    %swap3A_191 = arith.constant 2 : i32
    %swap3A_192 = arith.index_cast %swap3A_191 : i32 to index
    %swap3A_193 = arith.constant 48 : index
    %swap3A_194 = tpu.vector_load %arg9[%swap3A_192, %swap3A_193] {strides = array<i32>} : memref<5x64xi32, #tpu.memory_space<vmem>>, vector<1x16xi32>,
    %swap3A_195 = vector.shape_cast %swap3A_194 : vector<1x16xi32> to vector<16xi32>
    %swap3A_196 = vector.shape_cast %add3A_190 : vector<16xi32> to vector<1x16xi32>
    tpu.vector_store %arg9[%swap3A_192, %swap3A_193], %swap3A_196 {strides = array<i32>} : memref<5x64xi32, #tpu.memory_space<vmem>>, vector<1x16xi32>,
    %get3A_197 = arith.constant 192 : index
    %get3A_198 = tpu.vector_load %arg7[%get3A_197] {strides = array<i32>} : memref<320xi32, #tpu.memory_space<vmem>>, vector<16xi32>,
    %get3A_199 = vector.shape_cast %get3A_198 : vector<16xi32> to vector<16xi32>
    %get3A_200 = arith.constant 192 : index
    %get3A_201 = tpu.vector_load %arg8[%get3A_200] {strides = array<i32>} : memref<320xi32, #tpu.memory_space<vmem>>, vector<16xi32>,
    %get3A_202 = vector.shape_cast %get3A_201 : vector<16xi32> to vector<16xi32>
    %mul3A_203 = arith.constant 16 : i32
    %mul3A_204 = vector.broadcast %mul3A_203 : i32 to vector<16xi32>
    %mul3A_205 = arith.muli %get3A_202, %mul3A_204 : vector<16xi32>
    %add3A_206 = arith.addi %mul3A_205, %get3A_199 : vector<16xi32>
    %swap3A_207 = arith.constant 3 : i32
    %swap3A_208 = arith.index_cast %swap3A_207 : i32 to index
    %swap3A_209 = arith.constant 0 : index
    %swap3A_210 = tpu.vector_load %arg9[%swap3A_208, %swap3A_209] {strides = array<i32>} : memref<5x64xi32, #tpu.memory_space<vmem>>, vector<1x16xi32>,
    %swap3A_211 = vector.shape_cast %swap3A_210 : vector<1x16xi32> to vector<16xi32>
    %swap3A_212 = vector.shape_cast %add3A_206 : vector<16xi32> to vector<1x16xi32>
    tpu.vector_store %arg9[%swap3A_208, %swap3A_209], %swap3A_212 {strides = array<i32>} : memref<5x64xi32, #tpu.memory_space<vmem>>, vector<1x16xi32>,
    %get3A_213 = arith.constant 208 : index
    %get3A_214 = tpu.vector_load %arg7[%get3A_213] {strides = array<i32>} : memref<320xi32, #tpu.memory_space<vmem>>, vector<16xi32>,
    %get3A_215 = vector.shape_cast %get3A_214 : vector<16xi32> to vector<16xi32>
    %get3A_216 = arith.constant 208 : index
    %get3A_217 = tpu.vector_load %arg8[%get3A_216] {strides = array<i32>} : memref<320xi32, #tpu.memory_space<vmem>>, vector<16xi32>,
    %get3A_218 = vector.shape_cast %get3A_217 : vector<16xi32> to vector<16xi32>
    %mul3A_219 = arith.constant 16 : i32
    %mul3A_220 = vector.broadcast %mul3A_219 : i32 to vector<16xi32>
    %mul3A_221 = arith.muli %get3A_218, %mul3A_220 : vector<16xi32>
    %add3A_222 = arith.addi %mul3A_221, %get3A_215 : vector<16xi32>
    %swap3A_223 = arith.constant 3 : i32
    %swap3A_224 = arith.index_cast %swap3A_223 : i32 to index
    %swap3A_225 = arith.constant 16 : index
    %swap3A_226 = tpu.vector_load %arg9[%swap3A_224, %swap3A_225] {strides = array<i32>} : memref<5x64xi32, #tpu.memory_space<vmem>>, vector<1x16xi32>,
    %swap3A_227 = vector.shape_cast %swap3A_226 : vector<1x16xi32> to vector<16xi32>
    %swap3A_228 = vector.shape_cast %add3A_222 : vector<16xi32> to vector<1x16xi32>
    tpu.vector_store %arg9[%swap3A_224, %swap3A_225], %swap3A_228 {strides = array<i32>} : memref<5x64xi32, #tpu.memory_space<vmem>>, vector<1x16xi32>,
    %get3A_229 = arith.constant 224 : index
    %get3A_230 = tpu.vector_load %arg7[%get3A_229] {strides = array<i32>} : memref<320xi32, #tpu.memory_space<vmem>>, vector<16xi32>,
    %get3A_231 = vector.shape_cast %get3A_230 : vector<16xi32> to vector<16xi32>
    %get3A_232 = arith.constant 224 : index
    %get3A_233 = tpu.vector_load %arg8[%get3A_232] {strides = array<i32>} : memref<320xi32, #tpu.memory_space<vmem>>, vector<16xi32>,
    %get3A_234 = vector.shape_cast %get3A_233 : vector<16xi32> to vector<16xi32>
    %mul3A_235 = arith.constant 16 : i32
    %mul3A_236 = vector.broadcast %mul3A_235 : i32 to vector<16xi32>
    %mul3A_237 = arith.muli %get3A_234, %mul3A_236 : vector<16xi32>
    %add3A_238 = arith.addi %mul3A_237, %get3A_231 : vector<16xi32>
    %swap3A_239 = arith.constant 3 : i32
    %swap3A_240 = arith.index_cast %swap3A_239 : i32 to index
    %swap3A_241 = arith.constant 32 : index
    %swap3A_242 = tpu.vector_load %arg9[%swap3A_240, %swap3A_241] {strides = array<i32>} : memref<5x64xi32, #tpu.memory_space<vmem>>, vector<1x16xi32>,
    %swap3A_243 = vector.shape_cast %swap3A_242 : vector<1x16xi32> to vector<16xi32>
    %swap3A_244 = vector.shape_cast %add3A_238 : vector<16xi32> to vector<1x16xi32>
    tpu.vector_store %arg9[%swap3A_240, %swap3A_241], %swap3A_244 {strides = array<i32>} : memref<5x64xi32, #tpu.memory_space<vmem>>, vector<1x16xi32>,
    %get3A_245 = arith.constant 240 : index
    %get3A_246 = tpu.vector_load %arg7[%get3A_245] {strides = array<i32>} : memref<320xi32, #tpu.memory_space<vmem>>, vector<16xi32>,
    %get3A_247 = vector.shape_cast %get3A_246 : vector<16xi32> to vector<16xi32>
    %get3A_248 = arith.constant 240 : index
    %get3A_249 = tpu.vector_load %arg8[%get3A_248] {strides = array<i32>} : memref<320xi32, #tpu.memory_space<vmem>>, vector<16xi32>,
    %get3A_250 = vector.shape_cast %get3A_249 : vector<16xi32> to vector<16xi32>
    %mul3A_251 = arith.constant 16 : i32
    %mul3A_252 = vector.broadcast %mul3A_251 : i32 to vector<16xi32>
    %mul3A_253 = arith.muli %get3A_250, %mul3A_252 : vector<16xi32>
    %add3A_254 = arith.addi %mul3A_253, %get3A_247 : vector<16xi32>
    %swap3A_255 = arith.constant 3 : i32
    %swap3A_256 = arith.index_cast %swap3A_255 : i32 to index
    %swap3A_257 = arith.constant 48 : index
    %swap3A_258 = tpu.vector_load %arg9[%swap3A_256, %swap3A_257] {strides = array<i32>} : memref<5x64xi32, #tpu.memory_space<vmem>>, vector<1x16xi32>,
    %swap3A_259 = vector.shape_cast %swap3A_258 : vector<1x16xi32> to vector<16xi32>
    %swap3A_260 = vector.shape_cast %add3A_254 : vector<16xi32> to vector<1x16xi32>
    tpu.vector_store %arg9[%swap3A_256, %swap3A_257], %swap3A_260 {strides = array<i32>} : memref<5x64xi32, #tpu.memory_space<vmem>>, vector<1x16xi32>,
    %get3A_261 = arith.constant 256 : index
    %get3A_262 = tpu.vector_load %arg7[%get3A_261] {strides = array<i32>} : memref<320xi32, #tpu.memory_space<vmem>>, vector<16xi32>,
    %get3A_263 = vector.shape_cast %get3A_262 : vector<16xi32> to vector<16xi32>
    %get3A_264 = arith.constant 256 : index
    %get3A_265 = tpu.vector_load %arg8[%get3A_264] {strides = array<i32>} : memref<320xi32, #tpu.memory_space<vmem>>, vector<16xi32>,
    %get3A_266 = vector.shape_cast %get3A_265 : vector<16xi32> to vector<16xi32>
    %mul3A_267 = arith.constant 16 : i32
    %mul3A_268 = vector.broadcast %mul3A_267 : i32 to vector<16xi32>
    %mul3A_269 = arith.muli %get3A_266, %mul3A_268 : vector<16xi32>
    %add3A_270 = arith.addi %mul3A_269, %get3A_263 : vector<16xi32>
    %swap3A_271 = arith.constant 4 : i32
    %swap3A_272 = arith.index_cast %swap3A_271 : i32 to index
    %swap3A_273 = arith.constant 0 : index
    %swap3A_274 = tpu.vector_load %arg9[%swap3A_272, %swap3A_273] {strides = array<i32>} : memref<5x64xi32, #tpu.memory_space<vmem>>, vector<1x16xi32>,
    %swap3A_275 = vector.shape_cast %swap3A_274 : vector<1x16xi32> to vector<16xi32>
    %swap3A_276 = vector.shape_cast %add3A_270 : vector<16xi32> to vector<1x16xi32>
    tpu.vector_store %arg9[%swap3A_272, %swap3A_273], %swap3A_276 {strides = array<i32>} : memref<5x64xi32, #tpu.memory_space<vmem>>, vector<1x16xi32>,
    %get3A_277 = arith.constant 272 : index
    %get3A_278 = tpu.vector_load %arg7[%get3A_277] {strides = array<i32>} : memref<320xi32, #tpu.memory_space<vmem>>, vector<16xi32>,
    %get3A_279 = vector.shape_cast %get3A_278 : vector<16xi32> to vector<16xi32>
    %get3A_280 = arith.constant 272 : index
    %get3A_281 = tpu.vector_load %arg8[%get3A_280] {strides = array<i32>} : memref<320xi32, #tpu.memory_space<vmem>>, vector<16xi32>,
    %get3A_282 = vector.shape_cast %get3A_281 : vector<16xi32> to vector<16xi32>
    %mul3A_283 = arith.constant 16 : i32
    %mul3A_284 = vector.broadcast %mul3A_283 : i32 to vector<16xi32>
    %mul3A_285 = arith.muli %get3A_282, %mul3A_284 : vector<16xi32>
    %add3A_286 = arith.addi %mul3A_285, %get3A_279 : vector<16xi32>
    %swap3A_287 = arith.constant 4 : i32
    %swap3A_288 = arith.index_cast %swap3A_287 : i32 to index
    %swap3A_289 = arith.constant 16 : index
    %swap3A_290 = tpu.vector_load %arg9[%swap3A_288, %swap3A_289] {strides = array<i32>} : memref<5x64xi32, #tpu.memory_space<vmem>>, vector<1x16xi32>,
    %swap3A_291 = vector.shape_cast %swap3A_290 : vector<1x16xi32> to vector<16xi32>
    %swap3A_292 = vector.shape_cast %add3A_286 : vector<16xi32> to vector<1x16xi32>
    tpu.vector_store %arg9[%swap3A_288, %swap3A_289], %swap3A_292 {strides = array<i32>} : memref<5x64xi32, #tpu.memory_space<vmem>>, vector<1x16xi32>,
    %get3A_293 = arith.constant 288 : index
    %get3A_294 = tpu.vector_load %arg7[%get3A_293] {strides = array<i32>} : memref<320xi32, #tpu.memory_space<vmem>>, vector<16xi32>,
    %get3A_295 = vector.shape_cast %get3A_294 : vector<16xi32> to vector<16xi32>
    %get3A_296 = arith.constant 288 : index
    %get3A_297 = tpu.vector_load %arg8[%get3A_296] {strides = array<i32>} : memref<320xi32, #tpu.memory_space<vmem>>, vector<16xi32>,
    %get3A_298 = vector.shape_cast %get3A_297 : vector<16xi32> to vector<16xi32>
    %mul3A_299 = arith.constant 16 : i32
    %mul3A_300 = vector.broadcast %mul3A_299 : i32 to vector<16xi32>
    %mul3A_301 = arith.muli %get3A_298, %mul3A_300 : vector<16xi32>
    %add3A_302 = arith.addi %mul3A_301, %get3A_295 : vector<16xi32>
    %swap3A_303 = arith.constant 4 : i32
    %swap3A_304 = arith.index_cast %swap3A_303 : i32 to index
    %swap3A_305 = arith.constant 32 : index
    %swap3A_306 = tpu.vector_load %arg9[%swap3A_304, %swap3A_305] {strides = array<i32>} : memref<5x64xi32, #tpu.memory_space<vmem>>, vector<1x16xi32>,
    %swap3A_307 = vector.shape_cast %swap3A_306 : vector<1x16xi32> to vector<16xi32>
    %swap3A_308 = vector.shape_cast %add3A_302 : vector<16xi32> to vector<1x16xi32>
    tpu.vector_store %arg9[%swap3A_304, %swap3A_305], %swap3A_308 {strides = array<i32>} : memref<5x64xi32, #tpu.memory_space<vmem>>, vector<1x16xi32>,
    %get3A_309 = arith.constant 304 : index
    %get3A_310 = tpu.vector_load %arg7[%get3A_309] {strides = array<i32>} : memref<320xi32, #tpu.memory_space<vmem>>, vector<16xi32>,
    %get3A_311 = vector.shape_cast %get3A_310 : vector<16xi32> to vector<16xi32>
    %get3A_312 = arith.constant 304 : index
    %get3A_313 = tpu.vector_load %arg8[%get3A_312] {strides = array<i32>} : memref<320xi32, #tpu.memory_space<vmem>>, vector<16xi32>,
    %get3A_314 = vector.shape_cast %get3A_313 : vector<16xi32> to vector<16xi32>
    %mul3A_315 = arith.constant 16 : i32
    %mul3A_316 = vector.broadcast %mul3A_315 : i32 to vector<16xi32>
    %mul3A_317 = arith.muli %get3A_314, %mul3A_316 : vector<16xi32>
    %add3A_318 = arith.addi %mul3A_317, %get3A_311 : vector<16xi32>
    %swap3A_319 = arith.constant 4 : i32
    %swap3A_320 = arith.index_cast %swap3A_319 : i32 to index
    %swap3A_321 = arith.constant 48 : index
    %swap3A_322 = tpu.vector_load %arg9[%swap3A_320, %swap3A_321] {strides = array<i32>} : memref<5x64xi32, #tpu.memory_space<vmem>>, vector<1x16xi32>,
    %swap3A_323 = vector.shape_cast %swap3A_322 : vector<1x16xi32> to vector<16xi32>
    %swap3A_324 = vector.shape_cast %add3A_318 : vector<16xi32> to vector<1x16xi32>
    tpu.vector_store %arg9[%swap3A_320, %swap3A_321], %swap3A_324 {strides = array<i32>} : memref<5x64xi32, #tpu.memory_space<vmem>>, vector<1x16xi32>,
    %dma_start3A = arith.constant 0 : i32
    %dma_start3A_325 = arith.constant 0 : i32
    %dma_start3A_326 = arith.constant 0 : i32
    %dma_start3A_327 = tpu.memref_slice %arg12[%dma_start3A_325, %dma_start3A_326] : memref<320x128xf32, #tpu.memory_space<vmem>> -> memref<64x128xf32, #tpu.memory_space<vmem>>
    %dma_start3A_328 = arith.constant 0 : i32
    %dma_start3A_329 = tpu.memref_slice %arg9[%dma_start3A, %dma_start3A_328] : memref<5x64xi32, #tpu.memory_space<vmem>> -> memref<1x64xi32, #tpu.memory_space<vmem>>
    %dma_start3A_330 = tpu.memref_squeeze %dma_start3A_329 : memref<1x64xi32, #tpu.memory_space<vmem>> -> memref<64xi32, #tpu.memory_space<vmem>>
    %dma_start3A_331 = arith.constant 0 : i32
    %dma_start3A_332 = arith.constant 0 : i32
    %dma_start3A_333 = tpu.memref_slice %arg6[%dma_start3A_331, %dma_start3A_332] : memref<48x128xf32, #tpu.memory_space<vmem_shared>> -> memref<48x128xf32, #tpu.memory_space<vmem_shared>>
    tpu.enqueue_indirect_dma source(%dma_start3A_333 : memref<48x128xf32, #tpu.memory_space<vmem_shared>>) target(%dma_start3A_327 : memref<64x128xf32, #tpu.memory_space<vmem>>) offsets(%dma_start3A_330 : memref<64xi32, #tpu.memory_space<vmem>>) semaphore(%arg15 : memref<!tpu.dma_semaphore, #tpu.memory_space<semaphore_mem>>)
    %dma_start3A_334 = arith.constant 1 : i32
    %dma_start3A_335 = arith.constant 64 : i32
    %dma_start3A_336 = arith.constant 0 : i32
    %dma_start3A_337 = tpu.memref_slice %arg12[%dma_start3A_335, %dma_start3A_336] : memref<320x128xf32, #tpu.memory_space<vmem>> -> memref<64x128xf32, #tpu.memory_space<vmem>>
    %dma_start3A_338 = arith.constant 0 : i32
    %dma_start3A_339 = tpu.memref_slice %arg9[%dma_start3A_334, %dma_start3A_338] : memref<5x64xi32, #tpu.memory_space<vmem>> -> memref<1x64xi32, #tpu.memory_space<vmem>>
    %dma_start3A_340 = tpu.memref_squeeze %dma_start3A_339 : memref<1x64xi32, #tpu.memory_space<vmem>> -> memref<64xi32, #tpu.memory_space<vmem>>
    %dma_start3A_341 = arith.constant 0 : i32
    %dma_start3A_342 = arith.constant 0 : i32
    %dma_start3A_343 = tpu.memref_slice %arg6[%dma_start3A_341, %dma_start3A_342] : memref<48x128xf32, #tpu.memory_space<vmem_shared>> -> memref<48x128xf32, #tpu.memory_space<vmem_shared>>
    tpu.enqueue_indirect_dma source(%dma_start3A_343 : memref<48x128xf32, #tpu.memory_space<vmem_shared>>) target(%dma_start3A_337 : memref<64x128xf32, #tpu.memory_space<vmem>>) offsets(%dma_start3A_340 : memref<64xi32, #tpu.memory_space<vmem>>) semaphore(%arg15 : memref<!tpu.dma_semaphore, #tpu.memory_space<semaphore_mem>>)
    %dma_start3A_344 = arith.constant 2 : i32
    %dma_start3A_345 = arith.constant 128 : i32
    %dma_start3A_346 = arith.constant 0 : i32
    %dma_start3A_347 = tpu.memref_slice %arg12[%dma_start3A_345, %dma_start3A_346] : memref<320x128xf32, #tpu.memory_space<vmem>> -> memref<64x128xf32, #tpu.memory_space<vmem>>
    %dma_start3A_348 = arith.constant 0 : i32
    %dma_start3A_349 = tpu.memref_slice %arg9[%dma_start3A_344, %dma_start3A_348] : memref<5x64xi32, #tpu.memory_space<vmem>> -> memref<1x64xi32, #tpu.memory_space<vmem>>
    %dma_start3A_350 = tpu.memref_squeeze %dma_start3A_349 : memref<1x64xi32, #tpu.memory_space<vmem>> -> memref<64xi32, #tpu.memory_space<vmem>>
    %dma_start3A_351 = arith.constant 0 : i32
    %dma_start3A_352 = arith.constant 0 : i32
    %dma_start3A_353 = tpu.memref_slice %arg6[%dma_start3A_351, %dma_start3A_352] : memref<48x128xf32, #tpu.memory_space<vmem_shared>> -> memref<48x128xf32, #tpu.memory_space<vmem_shared>>
    tpu.enqueue_indirect_dma source(%dma_start3A_353 : memref<48x128xf32, #tpu.memory_space<vmem_shared>>) target(%dma_start3A_347 : memref<64x128xf32, #tpu.memory_space<vmem>>) offsets(%dma_start3A_350 : memref<64xi32, #tpu.memory_space<vmem>>) semaphore(%arg15 : memref<!tpu.dma_semaphore, #tpu.memory_space<semaphore_mem>>)
    %dma_start3A_354 = arith.constant 3 : i32
    %dma_start3A_355 = arith.constant 192 : i32
    %dma_start3A_356 = arith.constant 0 : i32
    %dma_start3A_357 = tpu.memref_slice %arg12[%dma_start3A_355, %dma_start3A_356] : memref<320x128xf32, #tpu.memory_space<vmem>> -> memref<64x128xf32, #tpu.memory_space<vmem>>
    %dma_start3A_358 = arith.constant 0 : i32
    %dma_start3A_359 = tpu.memref_slice %arg9[%dma_start3A_354, %dma_start3A_358] : memref<5x64xi32, #tpu.memory_space<vmem>> -> memref<1x64xi32, #tpu.memory_space<vmem>>
    %dma_start3A_360 = tpu.memref_squeeze %dma_start3A_359 : memref<1x64xi32, #tpu.memory_space<vmem>> -> memref<64xi32, #tpu.memory_space<vmem>>
    %dma_start3A_361 = arith.constant 0 : i32
    %dma_start3A_362 = arith.constant 0 : i32
    %dma_start3A_363 = tpu.memref_slice %arg6[%dma_start3A_361, %dma_start3A_362] : memref<48x128xf32, #tpu.memory_space<vmem_shared>> -> memref<48x128xf32, #tpu.memory_space<vmem_shared>>
    tpu.enqueue_indirect_dma source(%dma_start3A_363 : memref<48x128xf32, #tpu.memory_space<vmem_shared>>) target(%dma_start3A_357 : memref<64x128xf32, #tpu.memory_space<vmem>>) offsets(%dma_start3A_360 : memref<64xi32, #tpu.memory_space<vmem>>) semaphore(%arg15 : memref<!tpu.dma_semaphore, #tpu.memory_space<semaphore_mem>>)
    %dma_start3A_364 = arith.constant 4 : i32
    %dma_start3A_365 = arith.constant 256 : i32
    %dma_start3A_366 = arith.constant 0 : i32
    %dma_start3A_367 = tpu.memref_slice %arg12[%dma_start3A_365, %dma_start3A_366] : memref<320x128xf32, #tpu.memory_space<vmem>> -> memref<64x128xf32, #tpu.memory_space<vmem>>
    %dma_start3A_368 = arith.constant 0 : i32
    %dma_start3A_369 = tpu.memref_slice %arg9[%dma_start3A_364, %dma_start3A_368] : memref<5x64xi32, #tpu.memory_space<vmem>> -> memref<1x64xi32, #tpu.memory_space<vmem>>
    %dma_start3A_370 = tpu.memref_squeeze %dma_start3A_369 : memref<1x64xi32, #tpu.memory_space<vmem>> -> memref<64xi32, #tpu.memory_space<vmem>>
    %dma_start3A_371 = arith.constant 0 : i32
    %dma_start3A_372 = arith.constant 0 : i32
    %dma_start3A_373 = tpu.memref_slice %arg6[%dma_start3A_371, %dma_start3A_372] : memref<48x128xf32, #tpu.memory_space<vmem_shared>> -> memref<48x128xf32, #tpu.memory_space<vmem_shared>>
    tpu.enqueue_indirect_dma source(%dma_start3A_373 : memref<48x128xf32, #tpu.memory_space<vmem_shared>>) target(%dma_start3A_367 : memref<64x128xf32, #tpu.memory_space<vmem>>) offsets(%dma_start3A_370 : memref<64xi32, #tpu.memory_space<vmem>>) semaphore(%arg15 : memref<!tpu.dma_semaphore, #tpu.memory_space<semaphore_mem>>)
    %add3A_374 = arith.constant 320 : i32
    %add3A_375 = arith.addi %mul3A_2, %add3A_374 : i32
    "tpu.region"() ({
      %run_scoped3A = tpu.sem_alloc : memref<!tpu.dma_semaphore, #tpu.memory_space<semaphore_mem>>
      %dma_start3A_2166 = tpu.memref_slice %arg3[%add3A_375] : memref<819200xi32, #tpu.memory_space<hbm>> -> memref<320xi32, #tpu.memory_space<hbm>>
      %dma_start3A_2167 = tpu.memref_slice %arg3[%add3A_375] : memref<819200xi32, #tpu.memory_space<hbm>> -> memref<320xi32, #tpu.memory_space<hbm>>
      tpu.enqueue_dma source(%dma_start3A_2167 : memref<320xi32, #tpu.memory_space<hbm>>) target(%arg7 : memref<320xi32, #tpu.memory_space<vmem>>) target_semaphore(%run_scoped3A : memref<!tpu.dma_semaphore, #tpu.memory_space<semaphore_mem>>)
      %dma_wait3A_2168 = tpu.memref_slice %arg3[%add3A_375] : memref<819200xi32, #tpu.memory_space<hbm>> -> memref<320xi32, #tpu.memory_space<hbm>>
      %dma_wait3A_2169 = tpu.memref_slice %arg3[%add3A_375] : memref<819200xi32, #tpu.memory_space<hbm>> -> memref<320xi32, #tpu.memory_space<hbm>>
      tpu.wait_dma2 semaphore(%run_scoped3A : memref<!tpu.dma_semaphore, #tpu.memory_space<semaphore_mem>>) src(%dma_wait3A_2169 : memref<320xi32, #tpu.memory_space<hbm>>) dst(%arg7 : memref<320xi32, #tpu.memory_space<vmem>>)
      tpu.yield
    }) : () -> ()
    "tpu.region"() ({
      %run_scoped3A = tpu.sem_alloc : memref<!tpu.dma_semaphore, #tpu.memory_space<semaphore_mem>>
      %dma_start3A_2166 = tpu.memref_slice %arg4[%add3A_375] : memref<819200xi32, #tpu.memory_space<hbm>> -> memref<320xi32, #tpu.memory_space<hbm>>
      %dma_start3A_2167 = tpu.memref_slice %arg4[%add3A_375] : memref<819200xi32, #tpu.memory_space<hbm>> -> memref<320xi32, #tpu.memory_space<hbm>>
      tpu.enqueue_dma source(%dma_start3A_2167 : memref<320xi32, #tpu.memory_space<hbm>>) target(%arg8 : memref<320xi32, #tpu.memory_space<vmem>>) target_semaphore(%run_scoped3A : memref<!tpu.dma_semaphore, #tpu.memory_space<semaphore_mem>>)
      %dma_wait3A_2168 = tpu.memref_slice %arg4[%add3A_375] : memref<819200xi32, #tpu.memory_space<hbm>> -> memref<320xi32, #tpu.memory_space<hbm>>
      %dma_wait3A_2169 = tpu.memref_slice %arg4[%add3A_375] : memref<819200xi32, #tpu.memory_space<hbm>> -> memref<320xi32, #tpu.memory_space<hbm>>
      tpu.wait_dma2 semaphore(%run_scoped3A : memref<!tpu.dma_semaphore, #tpu.memory_space<semaphore_mem>>) src(%dma_wait3A_2169 : memref<320xi32, #tpu.memory_space<hbm>>) dst(%arg8 : memref<320xi32, #tpu.memory_space<vmem>>)
      tpu.yield
    }) : () -> ()
    %get3A_376 = arith.constant 0 : index
    %get3A_377 = tpu.vector_load %arg7[%get3A_376] {strides = array<i32>} : memref<320xi32, #tpu.memory_space<vmem>>, vector<16xi32>,
    %get3A_378 = vector.shape_cast %get3A_377 : vector<16xi32> to vector<16xi32>
    %get3A_379 = arith.constant 0 : index
    %get3A_380 = tpu.vector_load %arg8[%get3A_379] {strides = array<i32>} : memref<320xi32, #tpu.memory_space<vmem>>, vector<16xi32>,
    %get3A_381 = vector.shape_cast %get3A_380 : vector<16xi32> to vector<16xi32>
    %mul3A_382 = arith.constant 16 : i32
    %mul3A_383 = vector.broadcast %mul3A_382 : i32 to vector<16xi32>
    %mul3A_384 = arith.muli %get3A_381, %mul3A_383 : vector<16xi32>
    %add3A_385 = arith.addi %mul3A_384, %get3A_378 : vector<16xi32>
    %swap3A_386 = arith.constant 0 : i32
    %swap3A_387 = arith.index_cast %swap3A_386 : i32 to index
    %swap3A_388 = arith.constant 0 : index
    %swap3A_389 = tpu.vector_load %arg10[%swap3A_387, %swap3A_388] {strides = array<i32>} : memref<5x64xi32, #tpu.memory_space<vmem>>, vector<1x16xi32>,
    %swap3A_390 = vector.shape_cast %swap3A_389 : vector<1x16xi32> to vector<16xi32>
    %swap3A_391 = vector.shape_cast %add3A_385 : vector<16xi32> to vector<1x16xi32>
    tpu.vector_store %arg10[%swap3A_387, %swap3A_388], %swap3A_391 {strides = array<i32>} : memref<5x64xi32, #tpu.memory_space<vmem>>, vector<1x16xi32>,
    %get3A_392 = arith.constant 16 : index
    %get3A_393 = tpu.vector_load %arg7[%get3A_392] {strides = array<i32>} : memref<320xi32, #tpu.memory_space<vmem>>, vector<16xi32>,
    %get3A_394 = vector.shape_cast %get3A_393 : vector<16xi32> to vector<16xi32>
    %get3A_395 = arith.constant 16 : index
    %get3A_396 = tpu.vector_load %arg8[%get3A_395] {strides = array<i32>} : memref<320xi32, #tpu.memory_space<vmem>>, vector<16xi32>,
    %get3A_397 = vector.shape_cast %get3A_396 : vector<16xi32> to vector<16xi32>
    %mul3A_398 = arith.constant 16 : i32
    %mul3A_399 = vector.broadcast %mul3A_398 : i32 to vector<16xi32>
    %mul3A_400 = arith.muli %get3A_397, %mul3A_399 : vector<16xi32>
    %add3A_401 = arith.addi %mul3A_400, %get3A_394 : vector<16xi32>
    %swap3A_402 = arith.constant 0 : i32
    %swap3A_403 = arith.index_cast %swap3A_402 : i32 to index
    %swap3A_404 = arith.constant 16 : index
    %swap3A_405 = tpu.vector_load %arg10[%swap3A_403, %swap3A_404] {strides = array<i32>} : memref<5x64xi32, #tpu.memory_space<vmem>>, vector<1x16xi32>,
    %swap3A_406 = vector.shape_cast %swap3A_405 : vector<1x16xi32> to vector<16xi32>
    %swap3A_407 = vector.shape_cast %add3A_401 : vector<16xi32> to vector<1x16xi32>
    tpu.vector_store %arg10[%swap3A_403, %swap3A_404], %swap3A_407 {strides = array<i32>} : memref<5x64xi32, #tpu.memory_space<vmem>>, vector<1x16xi32>,
    %get3A_408 = arith.constant 32 : index
    %get3A_409 = tpu.vector_load %arg7[%get3A_408] {strides = array<i32>} : memref<320xi32, #tpu.memory_space<vmem>>, vector<16xi32>,
    %get3A_410 = vector.shape_cast %get3A_409 : vector<16xi32> to vector<16xi32>
    %get3A_411 = arith.constant 32 : index
    %get3A_412 = tpu.vector_load %arg8[%get3A_411] {strides = array<i32>} : memref<320xi32, #tpu.memory_space<vmem>>, vector<16xi32>,
    %get3A_413 = vector.shape_cast %get3A_412 : vector<16xi32> to vector<16xi32>
    %mul3A_414 = arith.constant 16 : i32
    %mul3A_415 = vector.broadcast %mul3A_414 : i32 to vector<16xi32>
    %mul3A_416 = arith.muli %get3A_413, %mul3A_415 : vector<16xi32>
    %add3A_417 = arith.addi %mul3A_416, %get3A_410 : vector<16xi32>
    %swap3A_418 = arith.constant 0 : i32
    %swap3A_419 = arith.index_cast %swap3A_418 : i32 to index
    %swap3A_420 = arith.constant 32 : index
    %swap3A_421 = tpu.vector_load %arg10[%swap3A_419, %swap3A_420] {strides = array<i32>} : memref<5x64xi32, #tpu.memory_space<vmem>>, vector<1x16xi32>,
    %swap3A_422 = vector.shape_cast %swap3A_421 : vector<1x16xi32> to vector<16xi32>
    %swap3A_423 = vector.shape_cast %add3A_417 : vector<16xi32> to vector<1x16xi32>
    tpu.vector_store %arg10[%swap3A_419, %swap3A_420], %swap3A_423 {strides = array<i32>} : memref<5x64xi32, #tpu.memory_space<vmem>>, vector<1x16xi32>,
    %get3A_424 = arith.constant 48 : index
    %get3A_425 = tpu.vector_load %arg7[%get3A_424] {strides = array<i32>} : memref<320xi32, #tpu.memory_space<vmem>>, vector<16xi32>,
    %get3A_426 = vector.shape_cast %get3A_425 : vector<16xi32> to vector<16xi32>
    %get3A_427 = arith.constant 48 : index
    %get3A_428 = tpu.vector_load %arg8[%get3A_427] {strides = array<i32>} : memref<320xi32, #tpu.memory_space<vmem>>, vector<16xi32>,
    %get3A_429 = vector.shape_cast %get3A_428 : vector<16xi32> to vector<16xi32>
    %mul3A_430 = arith.constant 16 : i32
    %mul3A_431 = vector.broadcast %mul3A_430 : i32 to vector<16xi32>
    %mul3A_432 = arith.muli %get3A_429, %mul3A_431 : vector<16xi32>
    %add3A_433 = arith.addi %mul3A_432, %get3A_426 : vector<16xi32>
    %swap3A_434 = arith.constant 0 : i32
    %swap3A_435 = arith.index_cast %swap3A_434 : i32 to index
    %swap3A_436 = arith.constant 48 : index
    %swap3A_437 = tpu.vector_load %arg10[%swap3A_435, %swap3A_436] {strides = array<i32>} : memref<5x64xi32, #tpu.memory_space<vmem>>, vector<1x16xi32>,
    %swap3A_438 = vector.shape_cast %swap3A_437 : vector<1x16xi32> to vector<16xi32>
    %swap3A_439 = vector.shape_cast %add3A_433 : vector<16xi32> to vector<1x16xi32>
    tpu.vector_store %arg10[%swap3A_435, %swap3A_436], %swap3A_439 {strides = array<i32>} : memref<5x64xi32, #tpu.memory_space<vmem>>, vector<1x16xi32>,
    %get3A_440 = arith.constant 64 : index
    %get3A_441 = tpu.vector_load %arg7[%get3A_440] {strides = array<i32>} : memref<320xi32, #tpu.memory_space<vmem>>, vector<16xi32>,
    %get3A_442 = vector.shape_cast %get3A_441 : vector<16xi32> to vector<16xi32>
    %get3A_443 = arith.constant 64 : index
    %get3A_444 = tpu.vector_load %arg8[%get3A_443] {strides = array<i32>} : memref<320xi32, #tpu.memory_space<vmem>>, vector<16xi32>,
    %get3A_445 = vector.shape_cast %get3A_444 : vector<16xi32> to vector<16xi32>
    %mul3A_446 = arith.constant 16 : i32
    %mul3A_447 = vector.broadcast %mul3A_446 : i32 to vector<16xi32>
    %mul3A_448 = arith.muli %get3A_445, %mul3A_447 : vector<16xi32>
    %add3A_449 = arith.addi %mul3A_448, %get3A_442 : vector<16xi32>
    %swap3A_450 = arith.constant 1 : i32
    %swap3A_451 = arith.index_cast %swap3A_450 : i32 to index
    %swap3A_452 = arith.constant 0 : index
    %swap3A_453 = tpu.vector_load %arg10[%swap3A_451, %swap3A_452] {strides = array<i32>} : memref<5x64xi32, #tpu.memory_space<vmem>>, vector<1x16xi32>,
    %swap3A_454 = vector.shape_cast %swap3A_453 : vector<1x16xi32> to vector<16xi32>
    %swap3A_455 = vector.shape_cast %add3A_449 : vector<16xi32> to vector<1x16xi32>
    tpu.vector_store %arg10[%swap3A_451, %swap3A_452], %swap3A_455 {strides = array<i32>} : memref<5x64xi32, #tpu.memory_space<vmem>>, vector<1x16xi32>,
    %get3A_456 = arith.constant 80 : index
    %get3A_457 = tpu.vector_load %arg7[%get3A_456] {strides = array<i32>} : memref<320xi32, #tpu.memory_space<vmem>>, vector<16xi32>,
    %get3A_458 = vector.shape_cast %get3A_457 : vector<16xi32> to vector<16xi32>
    %get3A_459 = arith.constant 80 : index
    %get3A_460 = tpu.vector_load %arg8[%get3A_459] {strides = array<i32>} : memref<320xi32, #tpu.memory_space<vmem>>, vector<16xi32>,
    %get3A_461 = vector.shape_cast %get3A_460 : vector<16xi32> to vector<16xi32>
    %mul3A_462 = arith.constant 16 : i32
    %mul3A_463 = vector.broadcast %mul3A_462 : i32 to vector<16xi32>
    %mul3A_464 = arith.muli %get3A_461, %mul3A_463 : vector<16xi32>
    %add3A_465 = arith.addi %mul3A_464, %get3A_458 : vector<16xi32>
    %swap3A_466 = arith.constant 1 : i32
    %swap3A_467 = arith.index_cast %swap3A_466 : i32 to index
    %swap3A_468 = arith.constant 16 : index
    %swap3A_469 = tpu.vector_load %arg10[%swap3A_467, %swap3A_468] {strides = array<i32>} : memref<5x64xi32, #tpu.memory_space<vmem>>, vector<1x16xi32>,
    %swap3A_470 = vector.shape_cast %swap3A_469 : vector<1x16xi32> to vector<16xi32>
    %swap3A_471 = vector.shape_cast %add3A_465 : vector<16xi32> to vector<1x16xi32>
    tpu.vector_store %arg10[%swap3A_467, %swap3A_468], %swap3A_471 {strides = array<i32>} : memref<5x64xi32, #tpu.memory_space<vmem>>, vector<1x16xi32>,
    %get3A_472 = arith.constant 96 : index
    %get3A_473 = tpu.vector_load %arg7[%get3A_472] {strides = array<i32>} : memref<320xi32, #tpu.memory_space<vmem>>, vector<16xi32>,
    %get3A_474 = vector.shape_cast %get3A_473 : vector<16xi32> to vector<16xi32>
    %get3A_475 = arith.constant 96 : index
    %get3A_476 = tpu.vector_load %arg8[%get3A_475] {strides = array<i32>} : memref<320xi32, #tpu.memory_space<vmem>>, vector<16xi32>,
    %get3A_477 = vector.shape_cast %get3A_476 : vector<16xi32> to vector<16xi32>
    %mul3A_478 = arith.constant 16 : i32
    %mul3A_479 = vector.broadcast %mul3A_478 : i32 to vector<16xi32>
    %mul3A_480 = arith.muli %get3A_477, %mul3A_479 : vector<16xi32>
    %add3A_481 = arith.addi %mul3A_480, %get3A_474 : vector<16xi32>
    %swap3A_482 = arith.constant 1 : i32
    %swap3A_483 = arith.index_cast %swap3A_482 : i32 to index
    %swap3A_484 = arith.constant 32 : index
    %swap3A_485 = tpu.vector_load %arg10[%swap3A_483, %swap3A_484] {strides = array<i32>} : memref<5x64xi32, #tpu.memory_space<vmem>>, vector<1x16xi32>,
    %swap3A_486 = vector.shape_cast %swap3A_485 : vector<1x16xi32> to vector<16xi32>
    %swap3A_487 = vector.shape_cast %add3A_481 : vector<16xi32> to vector<1x16xi32>
    tpu.vector_store %arg10[%swap3A_483, %swap3A_484], %swap3A_487 {strides = array<i32>} : memref<5x64xi32, #tpu.memory_space<vmem>>, vector<1x16xi32>,
    %get3A_488 = arith.constant 112 : index
    %get3A_489 = tpu.vector_load %arg7[%get3A_488] {strides = array<i32>} : memref<320xi32, #tpu.memory_space<vmem>>, vector<16xi32>,
    %get3A_490 = vector.shape_cast %get3A_489 : vector<16xi32> to vector<16xi32>
    %get3A_491 = arith.constant 112 : index
    %get3A_492 = tpu.vector_load %arg8[%get3A_491] {strides = array<i32>} : memref<320xi32, #tpu.memory_space<vmem>>, vector<16xi32>,
    %get3A_493 = vector.shape_cast %get3A_492 : vector<16xi32> to vector<16xi32>
    %mul3A_494 = arith.constant 16 : i32
    %mul3A_495 = vector.broadcast %mul3A_494 : i32 to vector<16xi32>
    %mul3A_496 = arith.muli %get3A_493, %mul3A_495 : vector<16xi32>
    %add3A_497 = arith.addi %mul3A_496, %get3A_490 : vector<16xi32>
    %swap3A_498 = arith.constant 1 : i32
    %swap3A_499 = arith.index_cast %swap3A_498 : i32 to index
    %swap3A_500 = arith.constant 48 : index
    %swap3A_501 = tpu.vector_load %arg10[%swap3A_499, %swap3A_500] {strides = array<i32>} : memref<5x64xi32, #tpu.memory_space<vmem>>, vector<1x16xi32>,
    %swap3A_502 = vector.shape_cast %swap3A_501 : vector<1x16xi32> to vector<16xi32>
    %swap3A_503 = vector.shape_cast %add3A_497 : vector<16xi32> to vector<1x16xi32>
    tpu.vector_store %arg10[%swap3A_499, %swap3A_500], %swap3A_503 {strides = array<i32>} : memref<5x64xi32, #tpu.memory_space<vmem>>, vector<1x16xi32>,
    %get3A_504 = arith.constant 128 : index
    %get3A_505 = tpu.vector_load %arg7[%get3A_504] {strides = array<i32>} : memref<320xi32, #tpu.memory_space<vmem>>, vector<16xi32>,
    %get3A_506 = vector.shape_cast %get3A_505 : vector<16xi32> to vector<16xi32>
    %get3A_507 = arith.constant 128 : index
    %get3A_508 = tpu.vector_load %arg8[%get3A_507] {strides = array<i32>} : memref<320xi32, #tpu.memory_space<vmem>>, vector<16xi32>,
    %get3A_509 = vector.shape_cast %get3A_508 : vector<16xi32> to vector<16xi32>
    %mul3A_510 = arith.constant 16 : i32
    %mul3A_511 = vector.broadcast %mul3A_510 : i32 to vector<16xi32>
    %mul3A_512 = arith.muli %get3A_509, %mul3A_511 : vector<16xi32>
    %add3A_513 = arith.addi %mul3A_512, %get3A_506 : vector<16xi32>
    %swap3A_514 = arith.constant 2 : i32
    %swap3A_515 = arith.index_cast %swap3A_514 : i32 to index
    %swap3A_516 = arith.constant 0 : index
    %swap3A_517 = tpu.vector_load %arg10[%swap3A_515, %swap3A_516] {strides = array<i32>} : memref<5x64xi32, #tpu.memory_space<vmem>>, vector<1x16xi32>,
    %swap3A_518 = vector.shape_cast %swap3A_517 : vector<1x16xi32> to vector<16xi32>
    %swap3A_519 = vector.shape_cast %add3A_513 : vector<16xi32> to vector<1x16xi32>
    tpu.vector_store %arg10[%swap3A_515, %swap3A_516], %swap3A_519 {strides = array<i32>} : memref<5x64xi32, #tpu.memory_space<vmem>>, vector<1x16xi32>,
    %get3A_520 = arith.constant 144 : index
    %get3A_521 = tpu.vector_load %arg7[%get3A_520] {strides = array<i32>} : memref<320xi32, #tpu.memory_space<vmem>>, vector<16xi32>,
    %get3A_522 = vector.shape_cast %get3A_521 : vector<16xi32> to vector<16xi32>
    %get3A_523 = arith.constant 144 : index
    %get3A_524 = tpu.vector_load %arg8[%get3A_523] {strides = array<i32>} : memref<320xi32, #tpu.memory_space<vmem>>, vector<16xi32>,
    %get3A_525 = vector.shape_cast %get3A_524 : vector<16xi32> to vector<16xi32>
    %mul3A_526 = arith.constant 16 : i32
    %mul3A_527 = vector.broadcast %mul3A_526 : i32 to vector<16xi32>
    %mul3A_528 = arith.muli %get3A_525, %mul3A_527 : vector<16xi32>
    %add3A_529 = arith.addi %mul3A_528, %get3A_522 : vector<16xi32>
    %swap3A_530 = arith.constant 2 : i32
    %swap3A_531 = arith.index_cast %swap3A_530 : i32 to index
    %swap3A_532 = arith.constant 16 : index
    %swap3A_533 = tpu.vector_load %arg10[%swap3A_531, %swap3A_532] {strides = array<i32>} : memref<5x64xi32, #tpu.memory_space<vmem>>, vector<1x16xi32>,
    %swap3A_534 = vector.shape_cast %swap3A_533 : vector<1x16xi32> to vector<16xi32>
    %swap3A_535 = vector.shape_cast %add3A_529 : vector<16xi32> to vector<1x16xi32>
    tpu.vector_store %arg10[%swap3A_531, %swap3A_532], %swap3A_535 {strides = array<i32>} : memref<5x64xi32, #tpu.memory_space<vmem>>, vector<1x16xi32>,
    %get3A_536 = arith.constant 160 : index
    %get3A_537 = tpu.vector_load %arg7[%get3A_536] {strides = array<i32>} : memref<320xi32, #tpu.memory_space<vmem>>, vector<16xi32>,
    %get3A_538 = vector.shape_cast %get3A_537 : vector<16xi32> to vector<16xi32>
    %get3A_539 = arith.constant 160 : index
    %get3A_540 = tpu.vector_load %arg8[%get3A_539] {strides = array<i32>} : memref<320xi32, #tpu.memory_space<vmem>>, vector<16xi32>,
    %get3A_541 = vector.shape_cast %get3A_540 : vector<16xi32> to vector<16xi32>
    %mul3A_542 = arith.constant 16 : i32
    %mul3A_543 = vector.broadcast %mul3A_542 : i32 to vector<16xi32>
    %mul3A_544 = arith.muli %get3A_541, %mul3A_543 : vector<16xi32>
    %add3A_545 = arith.addi %mul3A_544, %get3A_538 : vector<16xi32>
    %swap3A_546 = arith.constant 2 : i32
    %swap3A_547 = arith.index_cast %swap3A_546 : i32 to index
    %swap3A_548 = arith.constant 32 : index
    %swap3A_549 = tpu.vector_load %arg10[%swap3A_547, %swap3A_548] {strides = array<i32>} : memref<5x64xi32, #tpu.memory_space<vmem>>, vector<1x16xi32>,
    %swap3A_550 = vector.shape_cast %swap3A_549 : vector<1x16xi32> to vector<16xi32>
    %swap3A_551 = vector.shape_cast %add3A_545 : vector<16xi32> to vector<1x16xi32>
    tpu.vector_store %arg10[%swap3A_547, %swap3A_548], %swap3A_551 {strides = array<i32>} : memref<5x64xi32, #tpu.memory_space<vmem>>, vector<1x16xi32>,
    %get3A_552 = arith.constant 176 : index
    %get3A_553 = tpu.vector_load %arg7[%get3A_552] {strides = array<i32>} : memref<320xi32, #tpu.memory_space<vmem>>, vector<16xi32>,
    %get3A_554 = vector.shape_cast %get3A_553 : vector<16xi32> to vector<16xi32>
    %get3A_555 = arith.constant 176 : index
    %get3A_556 = tpu.vector_load %arg8[%get3A_555] {strides = array<i32>} : memref<320xi32, #tpu.memory_space<vmem>>, vector<16xi32>,
    %get3A_557 = vector.shape_cast %get3A_556 : vector<16xi32> to vector<16xi32>
    %mul3A_558 = arith.constant 16 : i32
    %mul3A_559 = vector.broadcast %mul3A_558 : i32 to vector<16xi32>
    %mul3A_560 = arith.muli %get3A_557, %mul3A_559 : vector<16xi32>
    %add3A_561 = arith.addi %mul3A_560, %get3A_554 : vector<16xi32>
    %swap3A_562 = arith.constant 2 : i32
    %swap3A_563 = arith.index_cast %swap3A_562 : i32 to index
    %swap3A_564 = arith.constant 48 : index
    %swap3A_565 = tpu.vector_load %arg10[%swap3A_563, %swap3A_564] {strides = array<i32>} : memref<5x64xi32, #tpu.memory_space<vmem>>, vector<1x16xi32>,
    %swap3A_566 = vector.shape_cast %swap3A_565 : vector<1x16xi32> to vector<16xi32>
    %swap3A_567 = vector.shape_cast %add3A_561 : vector<16xi32> to vector<1x16xi32>
    tpu.vector_store %arg10[%swap3A_563, %swap3A_564], %swap3A_567 {strides = array<i32>} : memref<5x64xi32, #tpu.memory_space<vmem>>, vector<1x16xi32>,
    %get3A_568 = arith.constant 192 : index
    %get3A_569 = tpu.vector_load %arg7[%get3A_568] {strides = array<i32>} : memref<320xi32, #tpu.memory_space<vmem>>, vector<16xi32>,
    %get3A_570 = vector.shape_cast %get3A_569 : vector<16xi32> to vector<16xi32>
    %get3A_571 = arith.constant 192 : index
    %get3A_572 = tpu.vector_load %arg8[%get3A_571] {strides = array<i32>} : memref<320xi32, #tpu.memory_space<vmem>>, vector<16xi32>,
    %get3A_573 = vector.shape_cast %get3A_572 : vector<16xi32> to vector<16xi32>
    %mul3A_574 = arith.constant 16 : i32
    %mul3A_575 = vector.broadcast %mul3A_574 : i32 to vector<16xi32>
    %mul3A_576 = arith.muli %get3A_573, %mul3A_575 : vector<16xi32>
    %add3A_577 = arith.addi %mul3A_576, %get3A_570 : vector<16xi32>
    %swap3A_578 = arith.constant 3 : i32
    %swap3A_579 = arith.index_cast %swap3A_578 : i32 to index
    %swap3A_580 = arith.constant 0 : index
    %swap3A_581 = tpu.vector_load %arg10[%swap3A_579, %swap3A_580] {strides = array<i32>} : memref<5x64xi32, #tpu.memory_space<vmem>>, vector<1x16xi32>,
    %swap3A_582 = vector.shape_cast %swap3A_581 : vector<1x16xi32> to vector<16xi32>
    %swap3A_583 = vector.shape_cast %add3A_577 : vector<16xi32> to vector<1x16xi32>
    tpu.vector_store %arg10[%swap3A_579, %swap3A_580], %swap3A_583 {strides = array<i32>} : memref<5x64xi32, #tpu.memory_space<vmem>>, vector<1x16xi32>,
    %get3A_584 = arith.constant 208 : index
    %get3A_585 = tpu.vector_load %arg7[%get3A_584] {strides = array<i32>} : memref<320xi32, #tpu.memory_space<vmem>>, vector<16xi32>,
    %get3A_586 = vector.shape_cast %get3A_585 : vector<16xi32> to vector<16xi32>
    %get3A_587 = arith.constant 208 : index
    %get3A_588 = tpu.vector_load %arg8[%get3A_587] {strides = array<i32>} : memref<320xi32, #tpu.memory_space<vmem>>, vector<16xi32>,
    %get3A_589 = vector.shape_cast %get3A_588 : vector<16xi32> to vector<16xi32>
    %mul3A_590 = arith.constant 16 : i32
    %mul3A_591 = vector.broadcast %mul3A_590 : i32 to vector<16xi32>
    %mul3A_592 = arith.muli %get3A_589, %mul3A_591 : vector<16xi32>
    %add3A_593 = arith.addi %mul3A_592, %get3A_586 : vector<16xi32>
    %swap3A_594 = arith.constant 3 : i32
    %swap3A_595 = arith.index_cast %swap3A_594 : i32 to index
    %swap3A_596 = arith.constant 16 : index
    %swap3A_597 = tpu.vector_load %arg10[%swap3A_595, %swap3A_596] {strides = array<i32>} : memref<5x64xi32, #tpu.memory_space<vmem>>, vector<1x16xi32>,
    %swap3A_598 = vector.shape_cast %swap3A_597 : vector<1x16xi32> to vector<16xi32>
    %swap3A_599 = vector.shape_cast %add3A_593 : vector<16xi32> to vector<1x16xi32>
    tpu.vector_store %arg10[%swap3A_595, %swap3A_596], %swap3A_599 {strides = array<i32>} : memref<5x64xi32, #tpu.memory_space<vmem>>, vector<1x16xi32>,
    %get3A_600 = arith.constant 224 : index
    %get3A_601 = tpu.vector_load %arg7[%get3A_600] {strides = array<i32>} : memref<320xi32, #tpu.memory_space<vmem>>, vector<16xi32>,
    %get3A_602 = vector.shape_cast %get3A_601 : vector<16xi32> to vector<16xi32>
    %get3A_603 = arith.constant 224 : index
    %get3A_604 = tpu.vector_load %arg8[%get3A_603] {strides = array<i32>} : memref<320xi32, #tpu.memory_space<vmem>>, vector<16xi32>,
    %get3A_605 = vector.shape_cast %get3A_604 : vector<16xi32> to vector<16xi32>
    %mul3A_606 = arith.constant 16 : i32
    %mul3A_607 = vector.broadcast %mul3A_606 : i32 to vector<16xi32>
    %mul3A_608 = arith.muli %get3A_605, %mul3A_607 : vector<16xi32>
    %add3A_609 = arith.addi %mul3A_608, %get3A_602 : vector<16xi32>
    %swap3A_610 = arith.constant 3 : i32
    %swap3A_611 = arith.index_cast %swap3A_610 : i32 to index
    %swap3A_612 = arith.constant 32 : index
    %swap3A_613 = tpu.vector_load %arg10[%swap3A_611, %swap3A_612] {strides = array<i32>} : memref<5x64xi32, #tpu.memory_space<vmem>>, vector<1x16xi32>,
    %swap3A_614 = vector.shape_cast %swap3A_613 : vector<1x16xi32> to vector<16xi32>
    %swap3A_615 = vector.shape_cast %add3A_609 : vector<16xi32> to vector<1x16xi32>
    tpu.vector_store %arg10[%swap3A_611, %swap3A_612], %swap3A_615 {strides = array<i32>} : memref<5x64xi32, #tpu.memory_space<vmem>>, vector<1x16xi32>,
    %get3A_616 = arith.constant 240 : index
    %get3A_617 = tpu.vector_load %arg7[%get3A_616] {strides = array<i32>} : memref<320xi32, #tpu.memory_space<vmem>>, vector<16xi32>,
    %get3A_618 = vector.shape_cast %get3A_617 : vector<16xi32> to vector<16xi32>
    %get3A_619 = arith.constant 240 : index
    %get3A_620 = tpu.vector_load %arg8[%get3A_619] {strides = array<i32>} : memref<320xi32, #tpu.memory_space<vmem>>, vector<16xi32>,
    %get3A_621 = vector.shape_cast %get3A_620 : vector<16xi32> to vector<16xi32>
    %mul3A_622 = arith.constant 16 : i32
    %mul3A_623 = vector.broadcast %mul3A_622 : i32 to vector<16xi32>
    %mul3A_624 = arith.muli %get3A_621, %mul3A_623 : vector<16xi32>
    %add3A_625 = arith.addi %mul3A_624, %get3A_618 : vector<16xi32>
    %swap3A_626 = arith.constant 3 : i32
    %swap3A_627 = arith.index_cast %swap3A_626 : i32 to index
    %swap3A_628 = arith.constant 48 : index
    %swap3A_629 = tpu.vector_load %arg10[%swap3A_627, %swap3A_628] {strides = array<i32>} : memref<5x64xi32, #tpu.memory_space<vmem>>, vector<1x16xi32>,
    %swap3A_630 = vector.shape_cast %swap3A_629 : vector<1x16xi32> to vector<16xi32>
    %swap3A_631 = vector.shape_cast %add3A_625 : vector<16xi32> to vector<1x16xi32>
    tpu.vector_store %arg10[%swap3A_627, %swap3A_628], %swap3A_631 {strides = array<i32>} : memref<5x64xi32, #tpu.memory_space<vmem>>, vector<1x16xi32>,
    %get3A_632 = arith.constant 256 : index
    %get3A_633 = tpu.vector_load %arg7[%get3A_632] {strides = array<i32>} : memref<320xi32, #tpu.memory_space<vmem>>, vector<16xi32>,
    %get3A_634 = vector.shape_cast %get3A_633 : vector<16xi32> to vector<16xi32>
    %get3A_635 = arith.constant 256 : index
    %get3A_636 = tpu.vector_load %arg8[%get3A_635] {strides = array<i32>} : memref<320xi32, #tpu.memory_space<vmem>>, vector<16xi32>,
    %get3A_637 = vector.shape_cast %get3A_636 : vector<16xi32> to vector<16xi32>
    %mul3A_638 = arith.constant 16 : i32
    %mul3A_639 = vector.broadcast %mul3A_638 : i32 to vector<16xi32>
    %mul3A_640 = arith.muli %get3A_637, %mul3A_639 : vector<16xi32>
    %add3A_641 = arith.addi %mul3A_640, %get3A_634 : vector<16xi32>
    %swap3A_642 = arith.constant 4 : i32
    %swap3A_643 = arith.index_cast %swap3A_642 : i32 to index
    %swap3A_644 = arith.constant 0 : index
    %swap3A_645 = tpu.vector_load %arg10[%swap3A_643, %swap3A_644] {strides = array<i32>} : memref<5x64xi32, #tpu.memory_space<vmem>>, vector<1x16xi32>,
    %swap3A_646 = vector.shape_cast %swap3A_645 : vector<1x16xi32> to vector<16xi32>
    %swap3A_647 = vector.shape_cast %add3A_641 : vector<16xi32> to vector<1x16xi32>
    tpu.vector_store %arg10[%swap3A_643, %swap3A_644], %swap3A_647 {strides = array<i32>} : memref<5x64xi32, #tpu.memory_space<vmem>>, vector<1x16xi32>,
    %get3A_648 = arith.constant 272 : index
    %get3A_649 = tpu.vector_load %arg7[%get3A_648] {strides = array<i32>} : memref<320xi32, #tpu.memory_space<vmem>>, vector<16xi32>,
    %get3A_650 = vector.shape_cast %get3A_649 : vector<16xi32> to vector<16xi32>
    %get3A_651 = arith.constant 272 : index
    %get3A_652 = tpu.vector_load %arg8[%get3A_651] {strides = array<i32>} : memref<320xi32, #tpu.memory_space<vmem>>, vector<16xi32>,
    %get3A_653 = vector.shape_cast %get3A_652 : vector<16xi32> to vector<16xi32>
    %mul3A_654 = arith.constant 16 : i32
    %mul3A_655 = vector.broadcast %mul3A_654 : i32 to vector<16xi32>
    %mul3A_656 = arith.muli %get3A_653, %mul3A_655 : vector<16xi32>
    %add3A_657 = arith.addi %mul3A_656, %get3A_650 : vector<16xi32>
    %swap3A_658 = arith.constant 4 : i32
    %swap3A_659 = arith.index_cast %swap3A_658 : i32 to index
    %swap3A_660 = arith.constant 16 : index
    %swap3A_661 = tpu.vector_load %arg10[%swap3A_659, %swap3A_660] {strides = array<i32>} : memref<5x64xi32, #tpu.memory_space<vmem>>, vector<1x16xi32>,
    %swap3A_662 = vector.shape_cast %swap3A_661 : vector<1x16xi32> to vector<16xi32>
    %swap3A_663 = vector.shape_cast %add3A_657 : vector<16xi32> to vector<1x16xi32>
    tpu.vector_store %arg10[%swap3A_659, %swap3A_660], %swap3A_663 {strides = array<i32>} : memref<5x64xi32, #tpu.memory_space<vmem>>, vector<1x16xi32>,
    %get3A_664 = arith.constant 288 : index
    %get3A_665 = tpu.vector_load %arg7[%get3A_664] {strides = array<i32>} : memref<320xi32, #tpu.memory_space<vmem>>, vector<16xi32>,
    %get3A_666 = vector.shape_cast %get3A_665 : vector<16xi32> to vector<16xi32>
    %get3A_667 = arith.constant 288 : index
    %get3A_668 = tpu.vector_load %arg8[%get3A_667] {strides = array<i32>} : memref<320xi32, #tpu.memory_space<vmem>>, vector<16xi32>,
    %get3A_669 = vector.shape_cast %get3A_668 : vector<16xi32> to vector<16xi32>
    %mul3A_670 = arith.constant 16 : i32
    %mul3A_671 = vector.broadcast %mul3A_670 : i32 to vector<16xi32>
    %mul3A_672 = arith.muli %get3A_669, %mul3A_671 : vector<16xi32>
    %add3A_673 = arith.addi %mul3A_672, %get3A_666 : vector<16xi32>
    %swap3A_674 = arith.constant 4 : i32
    %swap3A_675 = arith.index_cast %swap3A_674 : i32 to index
    %swap3A_676 = arith.constant 32 : index
    %swap3A_677 = tpu.vector_load %arg10[%swap3A_675, %swap3A_676] {strides = array<i32>} : memref<5x64xi32, #tpu.memory_space<vmem>>, vector<1x16xi32>,
    %swap3A_678 = vector.shape_cast %swap3A_677 : vector<1x16xi32> to vector<16xi32>
    %swap3A_679 = vector.shape_cast %add3A_673 : vector<16xi32> to vector<1x16xi32>
    tpu.vector_store %arg10[%swap3A_675, %swap3A_676], %swap3A_679 {strides = array<i32>} : memref<5x64xi32, #tpu.memory_space<vmem>>, vector<1x16xi32>,
    %get3A_680 = arith.constant 304 : index
    %get3A_681 = tpu.vector_load %arg7[%get3A_680] {strides = array<i32>} : memref<320xi32, #tpu.memory_space<vmem>>, vector<16xi32>,
    %get3A_682 = vector.shape_cast %get3A_681 : vector<16xi32> to vector<16xi32>
    %get3A_683 = arith.constant 304 : index
    %get3A_684 = tpu.vector_load %arg8[%get3A_683] {strides = array<i32>} : memref<320xi32, #tpu.memory_space<vmem>>, vector<16xi32>,
    %get3A_685 = vector.shape_cast %get3A_684 : vector<16xi32> to vector<16xi32>
    %mul3A_686 = arith.constant 16 : i32
    %mul3A_687 = vector.broadcast %mul3A_686 : i32 to vector<16xi32>
    %mul3A_688 = arith.muli %get3A_685, %mul3A_687 : vector<16xi32>
    %add3A_689 = arith.addi %mul3A_688, %get3A_682 : vector<16xi32>
    %swap3A_690 = arith.constant 4 : i32
    %swap3A_691 = arith.index_cast %swap3A_690 : i32 to index
    %swap3A_692 = arith.constant 48 : index
    %swap3A_693 = tpu.vector_load %arg10[%swap3A_691, %swap3A_692] {strides = array<i32>} : memref<5x64xi32, #tpu.memory_space<vmem>>, vector<1x16xi32>,
    %swap3A_694 = vector.shape_cast %swap3A_693 : vector<1x16xi32> to vector<16xi32>
    %swap3A_695 = vector.shape_cast %add3A_689 : vector<16xi32> to vector<1x16xi32>
    tpu.vector_store %arg10[%swap3A_691, %swap3A_692], %swap3A_695 {strides = array<i32>} : memref<5x64xi32, #tpu.memory_space<vmem>>, vector<1x16xi32>,
    %dma_start3A_696 = arith.constant 0 : i32
    %dma_start3A_697 = arith.constant 0 : i32
    %dma_start3A_698 = arith.constant 0 : i32
    %dma_start3A_699 = tpu.memref_slice %arg13[%dma_start3A_697, %dma_start3A_698] : memref<320x128xf32, #tpu.memory_space<vmem>> -> memref<64x128xf32, #tpu.memory_space<vmem>>
    %dma_start3A_700 = arith.constant 0 : i32
    %dma_start3A_701 = tpu.memref_slice %arg10[%dma_start3A_696, %dma_start3A_700] : memref<5x64xi32, #tpu.memory_space<vmem>> -> memref<1x64xi32, #tpu.memory_space<vmem>>
    %dma_start3A_702 = tpu.memref_squeeze %dma_start3A_701 : memref<1x64xi32, #tpu.memory_space<vmem>> -> memref<64xi32, #tpu.memory_space<vmem>>
    %dma_start3A_703 = arith.constant 0 : i32
    %dma_start3A_704 = arith.constant 0 : i32
    %dma_start3A_705 = tpu.memref_slice %arg6[%dma_start3A_703, %dma_start3A_704] : memref<48x128xf32, #tpu.memory_space<vmem_shared>> -> memref<48x128xf32, #tpu.memory_space<vmem_shared>>
    tpu.enqueue_indirect_dma source(%dma_start3A_705 : memref<48x128xf32, #tpu.memory_space<vmem_shared>>) target(%dma_start3A_699 : memref<64x128xf32, #tpu.memory_space<vmem>>) offsets(%dma_start3A_702 : memref<64xi32, #tpu.memory_space<vmem>>) semaphore(%arg16 : memref<!tpu.dma_semaphore, #tpu.memory_space<semaphore_mem>>)
    %dma_start3A_706 = arith.constant 1 : i32
    %dma_start3A_707 = arith.constant 64 : i32
    %dma_start3A_708 = arith.constant 0 : i32
    %dma_start3A_709 = tpu.memref_slice %arg13[%dma_start3A_707, %dma_start3A_708] : memref<320x128xf32, #tpu.memory_space<vmem>> -> memref<64x128xf32, #tpu.memory_space<vmem>>
    %dma_start3A_710 = arith.constant 0 : i32
    %dma_start3A_711 = tpu.memref_slice %arg10[%dma_start3A_706, %dma_start3A_710] : memref<5x64xi32, #tpu.memory_space<vmem>> -> memref<1x64xi32, #tpu.memory_space<vmem>>
    %dma_start3A_712 = tpu.memref_squeeze %dma_start3A_711 : memref<1x64xi32, #tpu.memory_space<vmem>> -> memref<64xi32, #tpu.memory_space<vmem>>
    %dma_start3A_713 = arith.constant 0 : i32
    %dma_start3A_714 = arith.constant 0 : i32
    %dma_start3A_715 = tpu.memref_slice %arg6[%dma_start3A_713, %dma_start3A_714] : memref<48x128xf32, #tpu.memory_space<vmem_shared>> -> memref<48x128xf32, #tpu.memory_space<vmem_shared>>
    tpu.enqueue_indirect_dma source(%dma_start3A_715 : memref<48x128xf32, #tpu.memory_space<vmem_shared>>) target(%dma_start3A_709 : memref<64x128xf32, #tpu.memory_space<vmem>>) offsets(%dma_start3A_712 : memref<64xi32, #tpu.memory_space<vmem>>) semaphore(%arg16 : memref<!tpu.dma_semaphore, #tpu.memory_space<semaphore_mem>>)
    %dma_start3A_716 = arith.constant 2 : i32
    %dma_start3A_717 = arith.constant 128 : i32
    %dma_start3A_718 = arith.constant 0 : i32
    %dma_start3A_719 = tpu.memref_slice %arg13[%dma_start3A_717, %dma_start3A_718] : memref<320x128xf32, #tpu.memory_space<vmem>> -> memref<64x128xf32, #tpu.memory_space<vmem>>
    %dma_start3A_720 = arith.constant 0 : i32
    %dma_start3A_721 = tpu.memref_slice %arg10[%dma_start3A_716, %dma_start3A_720] : memref<5x64xi32, #tpu.memory_space<vmem>> -> memref<1x64xi32, #tpu.memory_space<vmem>>
    %dma_start3A_722 = tpu.memref_squeeze %dma_start3A_721 : memref<1x64xi32, #tpu.memory_space<vmem>> -> memref<64xi32, #tpu.memory_space<vmem>>
    %dma_start3A_723 = arith.constant 0 : i32
    %dma_start3A_724 = arith.constant 0 : i32
    %dma_start3A_725 = tpu.memref_slice %arg6[%dma_start3A_723, %dma_start3A_724] : memref<48x128xf32, #tpu.memory_space<vmem_shared>> -> memref<48x128xf32, #tpu.memory_space<vmem_shared>>
    tpu.enqueue_indirect_dma source(%dma_start3A_725 : memref<48x128xf32, #tpu.memory_space<vmem_shared>>) target(%dma_start3A_719 : memref<64x128xf32, #tpu.memory_space<vmem>>) offsets(%dma_start3A_722 : memref<64xi32, #tpu.memory_space<vmem>>) semaphore(%arg16 : memref<!tpu.dma_semaphore, #tpu.memory_space<semaphore_mem>>)
    %dma_start3A_726 = arith.constant 3 : i32
    %dma_start3A_727 = arith.constant 192 : i32
    %dma_start3A_728 = arith.constant 0 : i32
    %dma_start3A_729 = tpu.memref_slice %arg13[%dma_start3A_727, %dma_start3A_728] : memref<320x128xf32, #tpu.memory_space<vmem>> -> memref<64x128xf32, #tpu.memory_space<vmem>>
    %dma_start3A_730 = arith.constant 0 : i32
    %dma_start3A_731 = tpu.memref_slice %arg10[%dma_start3A_726, %dma_start3A_730] : memref<5x64xi32, #tpu.memory_space<vmem>> -> memref<1x64xi32, #tpu.memory_space<vmem>>
    %dma_start3A_732 = tpu.memref_squeeze %dma_start3A_731 : memref<1x64xi32, #tpu.memory_space<vmem>> -> memref<64xi32, #tpu.memory_space<vmem>>
    %dma_start3A_733 = arith.constant 0 : i32
    %dma_start3A_734 = arith.constant 0 : i32
    %dma_start3A_735 = tpu.memref_slice %arg6[%dma_start3A_733, %dma_start3A_734] : memref<48x128xf32, #tpu.memory_space<vmem_shared>> -> memref<48x128xf32, #tpu.memory_space<vmem_shared>>
    tpu.enqueue_indirect_dma source(%dma_start3A_735 : memref<48x128xf32, #tpu.memory_space<vmem_shared>>) target(%dma_start3A_729 : memref<64x128xf32, #tpu.memory_space<vmem>>) offsets(%dma_start3A_732 : memref<64xi32, #tpu.memory_space<vmem>>) semaphore(%arg16 : memref<!tpu.dma_semaphore, #tpu.memory_space<semaphore_mem>>)
    %dma_start3A_736 = arith.constant 4 : i32
    %dma_start3A_737 = arith.constant 256 : i32
    %dma_start3A_738 = arith.constant 0 : i32
    %dma_start3A_739 = tpu.memref_slice %arg13[%dma_start3A_737, %dma_start3A_738] : memref<320x128xf32, #tpu.memory_space<vmem>> -> memref<64x128xf32, #tpu.memory_space<vmem>>
    %dma_start3A_740 = arith.constant 0 : i32
    %dma_start3A_741 = tpu.memref_slice %arg10[%dma_start3A_736, %dma_start3A_740] : memref<5x64xi32, #tpu.memory_space<vmem>> -> memref<1x64xi32, #tpu.memory_space<vmem>>
    %dma_start3A_742 = tpu.memref_squeeze %dma_start3A_741 : memref<1x64xi32, #tpu.memory_space<vmem>> -> memref<64xi32, #tpu.memory_space<vmem>>
    %dma_start3A_743 = arith.constant 0 : i32
    %dma_start3A_744 = arith.constant 0 : i32
    %dma_start3A_745 = tpu.memref_slice %arg6[%dma_start3A_743, %dma_start3A_744] : memref<48x128xf32, #tpu.memory_space<vmem_shared>> -> memref<48x128xf32, #tpu.memory_space<vmem_shared>>
    tpu.enqueue_indirect_dma source(%dma_start3A_745 : memref<48x128xf32, #tpu.memory_space<vmem_shared>>) target(%dma_start3A_739 : memref<64x128xf32, #tpu.memory_space<vmem>>) offsets(%dma_start3A_742 : memref<64xi32, #tpu.memory_space<vmem>>) semaphore(%arg16 : memref<!tpu.dma_semaphore, #tpu.memory_space<semaphore_mem>>)
    %dma_wait3A = arith.constant 0 : i32
    %dma_wait3A_746 = arith.constant 0 : i32
    %dma_wait3A_747 = arith.constant 0 : i32
    %dma_wait3A_748 = tpu.memref_slice %arg12[%dma_wait3A_746, %dma_wait3A_747] : memref<320x128xf32, #tpu.memory_space<vmem>> -> memref<64x128xf32, #tpu.memory_space<vmem>>
    %dma_wait3A_749 = arith.constant 0 : i32
    %dma_wait3A_750 = tpu.memref_slice %arg9[%dma_wait3A, %dma_wait3A_749] : memref<5x64xi32, #tpu.memory_space<vmem>> -> memref<1x64xi32, #tpu.memory_space<vmem>>
    %dma_wait3A_751 = tpu.memref_squeeze %dma_wait3A_750 : memref<1x64xi32, #tpu.memory_space<vmem>> -> memref<64xi32, #tpu.memory_space<vmem>>
    %dma_wait3A_752 = arith.constant 0 : i32
    %dma_wait3A_753 = arith.constant 0 : i32
    %dma_wait3A_754 = tpu.memref_slice %arg6[%dma_wait3A_752, %dma_wait3A_753] : memref<48x128xf32, #tpu.memory_space<vmem_shared>> -> memref<48x128xf32, #tpu.memory_space<vmem_shared>>
    tpu.wait_indirect_dma semaphore(%arg15 : memref<!tpu.dma_semaphore, #tpu.memory_space<semaphore_mem>>) src(%dma_wait3A_754 : memref<48x128xf32, #tpu.memory_space<vmem_shared>>) dst(%dma_wait3A_748 : memref<64x128xf32, #tpu.memory_space<vmem>>)
    %dma_wait3A_755 = arith.constant 1 : i32
    %dma_wait3A_756 = arith.constant 64 : i32
    %dma_wait3A_757 = arith.constant 0 : i32
    %dma_wait3A_758 = tpu.memref_slice %arg12[%dma_wait3A_756, %dma_wait3A_757] : memref<320x128xf32, #tpu.memory_space<vmem>> -> memref<64x128xf32, #tpu.memory_space<vmem>>
    %dma_wait3A_759 = arith.constant 0 : i32
    %dma_wait3A_760 = tpu.memref_slice %arg9[%dma_wait3A_755, %dma_wait3A_759] : memref<5x64xi32, #tpu.memory_space<vmem>> -> memref<1x64xi32, #tpu.memory_space<vmem>>
    %dma_wait3A_761 = tpu.memref_squeeze %dma_wait3A_760 : memref<1x64xi32, #tpu.memory_space<vmem>> -> memref<64xi32, #tpu.memory_space<vmem>>
    %dma_wait3A_762 = arith.constant 0 : i32
    %dma_wait3A_763 = arith.constant 0 : i32
    %dma_wait3A_764 = tpu.memref_slice %arg6[%dma_wait3A_762, %dma_wait3A_763] : memref<48x128xf32, #tpu.memory_space<vmem_shared>> -> memref<48x128xf32, #tpu.memory_space<vmem_shared>>
    tpu.wait_indirect_dma semaphore(%arg15 : memref<!tpu.dma_semaphore, #tpu.memory_space<semaphore_mem>>) src(%dma_wait3A_764 : memref<48x128xf32, #tpu.memory_space<vmem_shared>>) dst(%dma_wait3A_758 : memref<64x128xf32, #tpu.memory_space<vmem>>)
    %dma_wait3A_765 = arith.constant 2 : i32
    %dma_wait3A_766 = arith.constant 128 : i32
    %dma_wait3A_767 = arith.constant 0 : i32
    %dma_wait3A_768 = tpu.memref_slice %arg12[%dma_wait3A_766, %dma_wait3A_767] : memref<320x128xf32, #tpu.memory_space<vmem>> -> memref<64x128xf32, #tpu.memory_space<vmem>>
    %dma_wait3A_769 = arith.constant 0 : i32
    %dma_wait3A_770 = tpu.memref_slice %arg9[%dma_wait3A_765, %dma_wait3A_769] : memref<5x64xi32, #tpu.memory_space<vmem>> -> memref<1x64xi32, #tpu.memory_space<vmem>>
    %dma_wait3A_771 = tpu.memref_squeeze %dma_wait3A_770 : memref<1x64xi32, #tpu.memory_space<vmem>> -> memref<64xi32, #tpu.memory_space<vmem>>
    %dma_wait3A_772 = arith.constant 0 : i32
    %dma_wait3A_773 = arith.constant 0 : i32
    %dma_wait3A_774 = tpu.memref_slice %arg6[%dma_wait3A_772, %dma_wait3A_773] : memref<48x128xf32, #tpu.memory_space<vmem_shared>> -> memref<48x128xf32, #tpu.memory_space<vmem_shared>>
    tpu.wait_indirect_dma semaphore(%arg15 : memref<!tpu.dma_semaphore, #tpu.memory_space<semaphore_mem>>) src(%dma_wait3A_774 : memref<48x128xf32, #tpu.memory_space<vmem_shared>>) dst(%dma_wait3A_768 : memref<64x128xf32, #tpu.memory_space<vmem>>)
    %dma_wait3A_775 = arith.constant 3 : i32
    %dma_wait3A_776 = arith.constant 192 : i32
    %dma_wait3A_777 = arith.constant 0 : i32
    %dma_wait3A_778 = tpu.memref_slice %arg12[%dma_wait3A_776, %dma_wait3A_777] : memref<320x128xf32, #tpu.memory_space<vmem>> -> memref<64x128xf32, #tpu.memory_space<vmem>>
    %dma_wait3A_779 = arith.constant 0 : i32
    %dma_wait3A_780 = tpu.memref_slice %arg9[%dma_wait3A_775, %dma_wait3A_779] : memref<5x64xi32, #tpu.memory_space<vmem>> -> memref<1x64xi32, #tpu.memory_space<vmem>>
    %dma_wait3A_781 = tpu.memref_squeeze %dma_wait3A_780 : memref<1x64xi32, #tpu.memory_space<vmem>> -> memref<64xi32, #tpu.memory_space<vmem>>
    %dma_wait3A_782 = arith.constant 0 : i32
    %dma_wait3A_783 = arith.constant 0 : i32
    %dma_wait3A_784 = tpu.memref_slice %arg6[%dma_wait3A_782, %dma_wait3A_783] : memref<48x128xf32, #tpu.memory_space<vmem_shared>> -> memref<48x128xf32, #tpu.memory_space<vmem_shared>>
    tpu.wait_indirect_dma semaphore(%arg15 : memref<!tpu.dma_semaphore, #tpu.memory_space<semaphore_mem>>) src(%dma_wait3A_784 : memref<48x128xf32, #tpu.memory_space<vmem_shared>>) dst(%dma_wait3A_778 : memref<64x128xf32, #tpu.memory_space<vmem>>)
    %dma_wait3A_785 = arith.constant 4 : i32
    %dma_wait3A_786 = arith.constant 256 : i32
    %dma_wait3A_787 = arith.constant 0 : i32
    %dma_wait3A_788 = tpu.memref_slice %arg12[%dma_wait3A_786, %dma_wait3A_787] : memref<320x128xf32, #tpu.memory_space<vmem>> -> memref<64x128xf32, #tpu.memory_space<vmem>>
    %dma_wait3A_789 = arith.constant 0 : i32
    %dma_wait3A_790 = tpu.memref_slice %arg9[%dma_wait3A_785, %dma_wait3A_789] : memref<5x64xi32, #tpu.memory_space<vmem>> -> memref<1x64xi32, #tpu.memory_space<vmem>>
    %dma_wait3A_791 = tpu.memref_squeeze %dma_wait3A_790 : memref<1x64xi32, #tpu.memory_space<vmem>> -> memref<64xi32, #tpu.memory_space<vmem>>
    %dma_wait3A_792 = arith.constant 0 : i32
    %dma_wait3A_793 = arith.constant 0 : i32
    %dma_wait3A_794 = tpu.memref_slice %arg6[%dma_wait3A_792, %dma_wait3A_793] : memref<48x128xf32, #tpu.memory_space<vmem_shared>> -> memref<48x128xf32, #tpu.memory_space<vmem_shared>>
    tpu.wait_indirect_dma semaphore(%arg15 : memref<!tpu.dma_semaphore, #tpu.memory_space<semaphore_mem>>) src(%dma_wait3A_794 : memref<48x128xf32, #tpu.memory_space<vmem_shared>>) dst(%dma_wait3A_788 : memref<64x128xf32, #tpu.memory_space<vmem>>)
    %add3A_795 = arith.constant 0 : i32
    %add3A_796 = arith.addi %mul3A_2, %add3A_795 : i32
    %dma_start3A_797 = arith.constant 0 : i32
    %dma_start3A_798 = tpu.memref_slice %arg5[%add3A_796, %dma_start3A_797] : memref<819200x128xf32, #tpu.memory_space<hbm>> -> memref<320x128xf32, #tpu.memory_space<hbm>>
    %dma_start3A_799 = arith.constant 0 : i32
    %dma_start3A_800 = tpu.memref_slice %arg5[%add3A_796, %dma_start3A_799] : memref<819200x128xf32, #tpu.memory_space<hbm>> -> memref<320x128xf32, #tpu.memory_space<hbm>>
    tpu.enqueue_dma source(%arg12 : memref<320x128xf32, #tpu.memory_space<vmem>>) target(%dma_start3A_800 : memref<320x128xf32, #tpu.memory_space<hbm>>) target_semaphore(%arg18 : memref<!tpu.dma_semaphore, #tpu.memory_space<semaphore_mem>>)
    %add3A_801 = arith.constant 640 : i32
    %add3A_802 = arith.addi %mul3A_2, %add3A_801 : i32
    "tpu.region"() ({
      %run_scoped3A = tpu.sem_alloc : memref<!tpu.dma_semaphore, #tpu.memory_space<semaphore_mem>>
      %dma_start3A_2166 = tpu.memref_slice %arg3[%add3A_802] : memref<819200xi32, #tpu.memory_space<hbm>> -> memref<320xi32, #tpu.memory_space<hbm>>
      %dma_start3A_2167 = tpu.memref_slice %arg3[%add3A_802] : memref<819200xi32, #tpu.memory_space<hbm>> -> memref<320xi32, #tpu.memory_space<hbm>>
      tpu.enqueue_dma source(%dma_start3A_2167 : memref<320xi32, #tpu.memory_space<hbm>>) target(%arg7 : memref<320xi32, #tpu.memory_space<vmem>>) target_semaphore(%run_scoped3A : memref<!tpu.dma_semaphore, #tpu.memory_space<semaphore_mem>>)
      %dma_wait3A_2168 = tpu.memref_slice %arg3[%add3A_802] : memref<819200xi32, #tpu.memory_space<hbm>> -> memref<320xi32, #tpu.memory_space<hbm>>
      %dma_wait3A_2169 = tpu.memref_slice %arg3[%add3A_802] : memref<819200xi32, #tpu.memory_space<hbm>> -> memref<320xi32, #tpu.memory_space<hbm>>
      tpu.wait_dma2 semaphore(%run_scoped3A : memref<!tpu.dma_semaphore, #tpu.memory_space<semaphore_mem>>) src(%dma_wait3A_2169 : memref<320xi32, #tpu.memory_space<hbm>>) dst(%arg7 : memref<320xi32, #tpu.memory_space<vmem>>)
      tpu.yield
    }) : () -> ()
    "tpu.region"() ({
      %run_scoped3A = tpu.sem_alloc : memref<!tpu.dma_semaphore, #tpu.memory_space<semaphore_mem>>
      %dma_start3A_2166 = tpu.memref_slice %arg4[%add3A_802] : memref<819200xi32, #tpu.memory_space<hbm>> -> memref<320xi32, #tpu.memory_space<hbm>>
      %dma_start3A_2167 = tpu.memref_slice %arg4[%add3A_802] : memref<819200xi32, #tpu.memory_space<hbm>> -> memref<320xi32, #tpu.memory_space<hbm>>
      tpu.enqueue_dma source(%dma_start3A_2167 : memref<320xi32, #tpu.memory_space<hbm>>) target(%arg8 : memref<320xi32, #tpu.memory_space<vmem>>) target_semaphore(%run_scoped3A : memref<!tpu.dma_semaphore, #tpu.memory_space<semaphore_mem>>)
      %dma_wait3A_2168 = tpu.memref_slice %arg4[%add3A_802] : memref<819200xi32, #tpu.memory_space<hbm>> -> memref<320xi32, #tpu.memory_space<hbm>>
      %dma_wait3A_2169 = tpu.memref_slice %arg4[%add3A_802] : memref<819200xi32, #tpu.memory_space<hbm>> -> memref<320xi32, #tpu.memory_space<hbm>>
      tpu.wait_dma2 semaphore(%run_scoped3A : memref<!tpu.dma_semaphore, #tpu.memory_space<semaphore_mem>>) src(%dma_wait3A_2169 : memref<320xi32, #tpu.memory_space<hbm>>) dst(%arg8 : memref<320xi32, #tpu.memory_space<vmem>>)
      tpu.yield
    }) : () -> ()
    %get3A_803 = arith.constant 0 : index
    %get3A_804 = tpu.vector_load %arg7[%get3A_803] {strides = array<i32>} : memref<320xi32, #tpu.memory_space<vmem>>, vector<16xi32>,
    %get3A_805 = vector.shape_cast %get3A_804 : vector<16xi32> to vector<16xi32>
    %get3A_806 = arith.constant 0 : index
    %get3A_807 = tpu.vector_load %arg8[%get3A_806] {strides = array<i32>} : memref<320xi32, #tpu.memory_space<vmem>>, vector<16xi32>,
    %get3A_808 = vector.shape_cast %get3A_807 : vector<16xi32> to vector<16xi32>
    %mul3A_809 = arith.constant 16 : i32
    %mul3A_810 = vector.broadcast %mul3A_809 : i32 to vector<16xi32>
    %mul3A_811 = arith.muli %get3A_808, %mul3A_810 : vector<16xi32>
    %add3A_812 = arith.addi %mul3A_811, %get3A_805 : vector<16xi32>
    %swap3A_813 = arith.constant 0 : i32
    %swap3A_814 = arith.index_cast %swap3A_813 : i32 to index
    %swap3A_815 = arith.constant 0 : index
    %swap3A_816 = tpu.vector_load %arg11[%swap3A_814, %swap3A_815] {strides = array<i32>} : memref<5x64xi32, #tpu.memory_space<vmem>>, vector<1x16xi32>,
    %swap3A_817 = vector.shape_cast %swap3A_816 : vector<1x16xi32> to vector<16xi32>
    %swap3A_818 = vector.shape_cast %add3A_812 : vector<16xi32> to vector<1x16xi32>
    tpu.vector_store %arg11[%swap3A_814, %swap3A_815], %swap3A_818 {strides = array<i32>} : memref<5x64xi32, #tpu.memory_space<vmem>>, vector<1x16xi32>,
    %get3A_819 = arith.constant 16 : index
    %get3A_820 = tpu.vector_load %arg7[%get3A_819] {strides = array<i32>} : memref<320xi32, #tpu.memory_space<vmem>>, vector<16xi32>,
    %get3A_821 = vector.shape_cast %get3A_820 : vector<16xi32> to vector<16xi32>
    %get3A_822 = arith.constant 16 : index
    %get3A_823 = tpu.vector_load %arg8[%get3A_822] {strides = array<i32>} : memref<320xi32, #tpu.memory_space<vmem>>, vector<16xi32>,
    %get3A_824 = vector.shape_cast %get3A_823 : vector<16xi32> to vector<16xi32>
    %mul3A_825 = arith.constant 16 : i32
    %mul3A_826 = vector.broadcast %mul3A_825 : i32 to vector<16xi32>
    %mul3A_827 = arith.muli %get3A_824, %mul3A_826 : vector<16xi32>
    %add3A_828 = arith.addi %mul3A_827, %get3A_821 : vector<16xi32>
    %swap3A_829 = arith.constant 0 : i32
    %swap3A_830 = arith.index_cast %swap3A_829 : i32 to index
    %swap3A_831 = arith.constant 16 : index
    %swap3A_832 = tpu.vector_load %arg11[%swap3A_830, %swap3A_831] {strides = array<i32>} : memref<5x64xi32, #tpu.memory_space<vmem>>, vector<1x16xi32>,
    %swap3A_833 = vector.shape_cast %swap3A_832 : vector<1x16xi32> to vector<16xi32>
    %swap3A_834 = vector.shape_cast %add3A_828 : vector<16xi32> to vector<1x16xi32>
    tpu.vector_store %arg11[%swap3A_830, %swap3A_831], %swap3A_834 {strides = array<i32>} : memref<5x64xi32, #tpu.memory_space<vmem>>, vector<1x16xi32>,
    %get3A_835 = arith.constant 32 : index
    %get3A_836 = tpu.vector_load %arg7[%get3A_835] {strides = array<i32>} : memref<320xi32, #tpu.memory_space<vmem>>, vector<16xi32>,
    %get3A_837 = vector.shape_cast %get3A_836 : vector<16xi32> to vector<16xi32>
    %get3A_838 = arith.constant 32 : index
    %get3A_839 = tpu.vector_load %arg8[%get3A_838] {strides = array<i32>} : memref<320xi32, #tpu.memory_space<vmem>>, vector<16xi32>,
    %get3A_840 = vector.shape_cast %get3A_839 : vector<16xi32> to vector<16xi32>
    %mul3A_841 = arith.constant 16 : i32
    %mul3A_842 = vector.broadcast %mul3A_841 : i32 to vector<16xi32>
    %mul3A_843 = arith.muli %get3A_840, %mul3A_842 : vector<16xi32>
    %add3A_844 = arith.addi %mul3A_843, %get3A_837 : vector<16xi32>
    %swap3A_845 = arith.constant 0 : i32
    %swap3A_846 = arith.index_cast %swap3A_845 : i32 to index
    %swap3A_847 = arith.constant 32 : index
    %swap3A_848 = tpu.vector_load %arg11[%swap3A_846, %swap3A_847] {strides = array<i32>} : memref<5x64xi32, #tpu.memory_space<vmem>>, vector<1x16xi32>,
    %swap3A_849 = vector.shape_cast %swap3A_848 : vector<1x16xi32> to vector<16xi32>
    %swap3A_850 = vector.shape_cast %add3A_844 : vector<16xi32> to vector<1x16xi32>
    tpu.vector_store %arg11[%swap3A_846, %swap3A_847], %swap3A_850 {strides = array<i32>} : memref<5x64xi32, #tpu.memory_space<vmem>>, vector<1x16xi32>,
    %get3A_851 = arith.constant 48 : index
    %get3A_852 = tpu.vector_load %arg7[%get3A_851] {strides = array<i32>} : memref<320xi32, #tpu.memory_space<vmem>>, vector<16xi32>,
    %get3A_853 = vector.shape_cast %get3A_852 : vector<16xi32> to vector<16xi32>
    %get3A_854 = arith.constant 48 : index
    %get3A_855 = tpu.vector_load %arg8[%get3A_854] {strides = array<i32>} : memref<320xi32, #tpu.memory_space<vmem>>, vector<16xi32>,
    %get3A_856 = vector.shape_cast %get3A_855 : vector<16xi32> to vector<16xi32>
    %mul3A_857 = arith.constant 16 : i32
    %mul3A_858 = vector.broadcast %mul3A_857 : i32 to vector<16xi32>
    %mul3A_859 = arith.muli %get3A_856, %mul3A_858 : vector<16xi32>
    %add3A_860 = arith.addi %mul3A_859, %get3A_853 : vector<16xi32>
    %swap3A_861 = arith.constant 0 : i32
    %swap3A_862 = arith.index_cast %swap3A_861 : i32 to index
    %swap3A_863 = arith.constant 48 : index
    %swap3A_864 = tpu.vector_load %arg11[%swap3A_862, %swap3A_863] {strides = array<i32>} : memref<5x64xi32, #tpu.memory_space<vmem>>, vector<1x16xi32>,
    %swap3A_865 = vector.shape_cast %swap3A_864 : vector<1x16xi32> to vector<16xi32>
    %swap3A_866 = vector.shape_cast %add3A_860 : vector<16xi32> to vector<1x16xi32>
    tpu.vector_store %arg11[%swap3A_862, %swap3A_863], %swap3A_866 {strides = array<i32>} : memref<5x64xi32, #tpu.memory_space<vmem>>, vector<1x16xi32>,
    %get3A_867 = arith.constant 64 : index
    %get3A_868 = tpu.vector_load %arg7[%get3A_867] {strides = array<i32>} : memref<320xi32, #tpu.memory_space<vmem>>, vector<16xi32>,
    %get3A_869 = vector.shape_cast %get3A_868 : vector<16xi32> to vector<16xi32>
    %get3A_870 = arith.constant 64 : index
    %get3A_871 = tpu.vector_load %arg8[%get3A_870] {strides = array<i32>} : memref<320xi32, #tpu.memory_space<vmem>>, vector<16xi32>,
    %get3A_872 = vector.shape_cast %get3A_871 : vector<16xi32> to vector<16xi32>
    %mul3A_873 = arith.constant 16 : i32
    %mul3A_874 = vector.broadcast %mul3A_873 : i32 to vector<16xi32>
    %mul3A_875 = arith.muli %get3A_872, %mul3A_874 : vector<16xi32>
    %add3A_876 = arith.addi %mul3A_875, %get3A_869 : vector<16xi32>
    %swap3A_877 = arith.constant 1 : i32
    %swap3A_878 = arith.index_cast %swap3A_877 : i32 to index
    %swap3A_879 = arith.constant 0 : index
    %swap3A_880 = tpu.vector_load %arg11[%swap3A_878, %swap3A_879] {strides = array<i32>} : memref<5x64xi32, #tpu.memory_space<vmem>>, vector<1x16xi32>,
    %swap3A_881 = vector.shape_cast %swap3A_880 : vector<1x16xi32> to vector<16xi32>
    %swap3A_882 = vector.shape_cast %add3A_876 : vector<16xi32> to vector<1x16xi32>
    tpu.vector_store %arg11[%swap3A_878, %swap3A_879], %swap3A_882 {strides = array<i32>} : memref<5x64xi32, #tpu.memory_space<vmem>>, vector<1x16xi32>,
    %get3A_883 = arith.constant 80 : index
    %get3A_884 = tpu.vector_load %arg7[%get3A_883] {strides = array<i32>} : memref<320xi32, #tpu.memory_space<vmem>>, vector<16xi32>,
    %get3A_885 = vector.shape_cast %get3A_884 : vector<16xi32> to vector<16xi32>
    %get3A_886 = arith.constant 80 : index
    %get3A_887 = tpu.vector_load %arg8[%get3A_886] {strides = array<i32>} : memref<320xi32, #tpu.memory_space<vmem>>, vector<16xi32>,
    %get3A_888 = vector.shape_cast %get3A_887 : vector<16xi32> to vector<16xi32>
    %mul3A_889 = arith.constant 16 : i32
    %mul3A_890 = vector.broadcast %mul3A_889 : i32 to vector<16xi32>
    %mul3A_891 = arith.muli %get3A_888, %mul3A_890 : vector<16xi32>
    %add3A_892 = arith.addi %mul3A_891, %get3A_885 : vector<16xi32>
    %swap3A_893 = arith.constant 1 : i32
    %swap3A_894 = arith.index_cast %swap3A_893 : i32 to index
    %swap3A_895 = arith.constant 16 : index
    %swap3A_896 = tpu.vector_load %arg11[%swap3A_894, %swap3A_895] {strides = array<i32>} : memref<5x64xi32, #tpu.memory_space<vmem>>, vector<1x16xi32>,
    %swap3A_897 = vector.shape_cast %swap3A_896 : vector<1x16xi32> to vector<16xi32>
    %swap3A_898 = vector.shape_cast %add3A_892 : vector<16xi32> to vector<1x16xi32>
    tpu.vector_store %arg11[%swap3A_894, %swap3A_895], %swap3A_898 {strides = array<i32>} : memref<5x64xi32, #tpu.memory_space<vmem>>, vector<1x16xi32>,
    %get3A_899 = arith.constant 96 : index
    %get3A_900 = tpu.vector_load %arg7[%get3A_899] {strides = array<i32>} : memref<320xi32, #tpu.memory_space<vmem>>, vector<16xi32>,
    %get3A_901 = vector.shape_cast %get3A_900 : vector<16xi32> to vector<16xi32>
    %get3A_902 = arith.constant 96 : index
    %get3A_903 = tpu.vector_load %arg8[%get3A_902] {strides = array<i32>} : memref<320xi32, #tpu.memory_space<vmem>>, vector<16xi32>,
    %get3A_904 = vector.shape_cast %get3A_903 : vector<16xi32> to vector<16xi32>
    %mul3A_905 = arith.constant 16 : i32
    %mul3A_906 = vector.broadcast %mul3A_905 : i32 to vector<16xi32>
    %mul3A_907 = arith.muli %get3A_904, %mul3A_906 : vector<16xi32>
    %add3A_908 = arith.addi %mul3A_907, %get3A_901 : vector<16xi32>
    %swap3A_909 = arith.constant 1 : i32
    %swap3A_910 = arith.index_cast %swap3A_909 : i32 to index
    %swap3A_911 = arith.constant 32 : index
    %swap3A_912 = tpu.vector_load %arg11[%swap3A_910, %swap3A_911] {strides = array<i32>} : memref<5x64xi32, #tpu.memory_space<vmem>>, vector<1x16xi32>,
    %swap3A_913 = vector.shape_cast %swap3A_912 : vector<1x16xi32> to vector<16xi32>
    %swap3A_914 = vector.shape_cast %add3A_908 : vector<16xi32> to vector<1x16xi32>
    tpu.vector_store %arg11[%swap3A_910, %swap3A_911], %swap3A_914 {strides = array<i32>} : memref<5x64xi32, #tpu.memory_space<vmem>>, vector<1x16xi32>,
    %get3A_915 = arith.constant 112 : index
    %get3A_916 = tpu.vector_load %arg7[%get3A_915] {strides = array<i32>} : memref<320xi32, #tpu.memory_space<vmem>>, vector<16xi32>,
    %get3A_917 = vector.shape_cast %get3A_916 : vector<16xi32> to vector<16xi32>
    %get3A_918 = arith.constant 112 : index
    %get3A_919 = tpu.vector_load %arg8[%get3A_918] {strides = array<i32>} : memref<320xi32, #tpu.memory_space<vmem>>, vector<16xi32>,
    %get3A_920 = vector.shape_cast %get3A_919 : vector<16xi32> to vector<16xi32>
    %mul3A_921 = arith.constant 16 : i32
    %mul3A_922 = vector.broadcast %mul3A_921 : i32 to vector<16xi32>
    %mul3A_923 = arith.muli %get3A_920, %mul3A_922 : vector<16xi32>
    %add3A_924 = arith.addi %mul3A_923, %get3A_917 : vector<16xi32>
    %swap3A_925 = arith.constant 1 : i32
    %swap3A_926 = arith.index_cast %swap3A_925 : i32 to index
    %swap3A_927 = arith.constant 48 : index
    %swap3A_928 = tpu.vector_load %arg11[%swap3A_926, %swap3A_927] {strides = array<i32>} : memref<5x64xi32, #tpu.memory_space<vmem>>, vector<1x16xi32>,
    %swap3A_929 = vector.shape_cast %swap3A_928 : vector<1x16xi32> to vector<16xi32>
    %swap3A_930 = vector.shape_cast %add3A_924 : vector<16xi32> to vector<1x16xi32>
    tpu.vector_store %arg11[%swap3A_926, %swap3A_927], %swap3A_930 {strides = array<i32>} : memref<5x64xi32, #tpu.memory_space<vmem>>, vector<1x16xi32>,
    %get3A_931 = arith.constant 128 : index
    %get3A_932 = tpu.vector_load %arg7[%get3A_931] {strides = array<i32>} : memref<320xi32, #tpu.memory_space<vmem>>, vector<16xi32>,
    %get3A_933 = vector.shape_cast %get3A_932 : vector<16xi32> to vector<16xi32>
    %get3A_934 = arith.constant 128 : index
    %get3A_935 = tpu.vector_load %arg8[%get3A_934] {strides = array<i32>} : memref<320xi32, #tpu.memory_space<vmem>>, vector<16xi32>,
    %get3A_936 = vector.shape_cast %get3A_935 : vector<16xi32> to vector<16xi32>
    %mul3A_937 = arith.constant 16 : i32
    %mul3A_938 = vector.broadcast %mul3A_937 : i32 to vector<16xi32>
    %mul3A_939 = arith.muli %get3A_936, %mul3A_938 : vector<16xi32>
    %add3A_940 = arith.addi %mul3A_939, %get3A_933 : vector<16xi32>
    %swap3A_941 = arith.constant 2 : i32
    %swap3A_942 = arith.index_cast %swap3A_941 : i32 to index
    %swap3A_943 = arith.constant 0 : index
    %swap3A_944 = tpu.vector_load %arg11[%swap3A_942, %swap3A_943] {strides = array<i32>} : memref<5x64xi32, #tpu.memory_space<vmem>>, vector<1x16xi32>,
    %swap3A_945 = vector.shape_cast %swap3A_944 : vector<1x16xi32> to vector<16xi32>
    %swap3A_946 = vector.shape_cast %add3A_940 : vector<16xi32> to vector<1x16xi32>
    tpu.vector_store %arg11[%swap3A_942, %swap3A_943], %swap3A_946 {strides = array<i32>} : memref<5x64xi32, #tpu.memory_space<vmem>>, vector<1x16xi32>,
    %get3A_947 = arith.constant 144 : index
    %get3A_948 = tpu.vector_load %arg7[%get3A_947] {strides = array<i32>} : memref<320xi32, #tpu.memory_space<vmem>>, vector<16xi32>,
    %get3A_949 = vector.shape_cast %get3A_948 : vector<16xi32> to vector<16xi32>
    %get3A_950 = arith.constant 144 : index
    %get3A_951 = tpu.vector_load %arg8[%get3A_950] {strides = array<i32>} : memref<320xi32, #tpu.memory_space<vmem>>, vector<16xi32>,
    %get3A_952 = vector.shape_cast %get3A_951 : vector<16xi32> to vector<16xi32>
    %mul3A_953 = arith.constant 16 : i32
    %mul3A_954 = vector.broadcast %mul3A_953 : i32 to vector<16xi32>
    %mul3A_955 = arith.muli %get3A_952, %mul3A_954 : vector<16xi32>
    %add3A_956 = arith.addi %mul3A_955, %get3A_949 : vector<16xi32>
    %swap3A_957 = arith.constant 2 : i32
    %swap3A_958 = arith.index_cast %swap3A_957 : i32 to index
    %swap3A_959 = arith.constant 16 : index
    %swap3A_960 = tpu.vector_load %arg11[%swap3A_958, %swap3A_959] {strides = array<i32>} : memref<5x64xi32, #tpu.memory_space<vmem>>, vector<1x16xi32>,
    %swap3A_961 = vector.shape_cast %swap3A_960 : vector<1x16xi32> to vector<16xi32>
    %swap3A_962 = vector.shape_cast %add3A_956 : vector<16xi32> to vector<1x16xi32>
    tpu.vector_store %arg11[%swap3A_958, %swap3A_959], %swap3A_962 {strides = array<i32>} : memref<5x64xi32, #tpu.memory_space<vmem>>, vector<1x16xi32>,
    %get3A_963 = arith.constant 160 : index
    %get3A_964 = tpu.vector_load %arg7[%get3A_963] {strides = array<i32>} : memref<320xi32, #tpu.memory_space<vmem>>, vector<16xi32>,
    %get3A_965 = vector.shape_cast %get3A_964 : vector<16xi32> to vector<16xi32>
    %get3A_966 = arith.constant 160 : index
    %get3A_967 = tpu.vector_load %arg8[%get3A_966] {strides = array<i32>} : memref<320xi32, #tpu.memory_space<vmem>>, vector<16xi32>,
    %get3A_968 = vector.shape_cast %get3A_967 : vector<16xi32> to vector<16xi32>
    %mul3A_969 = arith.constant 16 : i32
    %mul3A_970 = vector.broadcast %mul3A_969 : i32 to vector<16xi32>
    %mul3A_971 = arith.muli %get3A_968, %mul3A_970 : vector<16xi32>
    %add3A_972 = arith.addi %mul3A_971, %get3A_965 : vector<16xi32>
    %swap3A_973 = arith.constant 2 : i32
    %swap3A_974 = arith.index_cast %swap3A_973 : i32 to index
    %swap3A_975 = arith.constant 32 : index
    %swap3A_976 = tpu.vector_load %arg11[%swap3A_974, %swap3A_975] {strides = array<i32>} : memref<5x64xi32, #tpu.memory_space<vmem>>, vector<1x16xi32>,
    %swap3A_977 = vector.shape_cast %swap3A_976 : vector<1x16xi32> to vector<16xi32>
    %swap3A_978 = vector.shape_cast %add3A_972 : vector<16xi32> to vector<1x16xi32>
    tpu.vector_store %arg11[%swap3A_974, %swap3A_975], %swap3A_978 {strides = array<i32>} : memref<5x64xi32, #tpu.memory_space<vmem>>, vector<1x16xi32>,
    %get3A_979 = arith.constant 176 : index
    %get3A_980 = tpu.vector_load %arg7[%get3A_979] {strides = array<i32>} : memref<320xi32, #tpu.memory_space<vmem>>, vector<16xi32>,
    %get3A_981 = vector.shape_cast %get3A_980 : vector<16xi32> to vector<16xi32>
    %get3A_982 = arith.constant 176 : index
    %get3A_983 = tpu.vector_load %arg8[%get3A_982] {strides = array<i32>} : memref<320xi32, #tpu.memory_space<vmem>>, vector<16xi32>,
    %get3A_984 = vector.shape_cast %get3A_983 : vector<16xi32> to vector<16xi32>
    %mul3A_985 = arith.constant 16 : i32
    %mul3A_986 = vector.broadcast %mul3A_985 : i32 to vector<16xi32>
    %mul3A_987 = arith.muli %get3A_984, %mul3A_986 : vector<16xi32>
    %add3A_988 = arith.addi %mul3A_987, %get3A_981 : vector<16xi32>
    %swap3A_989 = arith.constant 2 : i32
    %swap3A_990 = arith.index_cast %swap3A_989 : i32 to index
    %swap3A_991 = arith.constant 48 : index
    %swap3A_992 = tpu.vector_load %arg11[%swap3A_990, %swap3A_991] {strides = array<i32>} : memref<5x64xi32, #tpu.memory_space<vmem>>, vector<1x16xi32>,
    %swap3A_993 = vector.shape_cast %swap3A_992 : vector<1x16xi32> to vector<16xi32>
    %swap3A_994 = vector.shape_cast %add3A_988 : vector<16xi32> to vector<1x16xi32>
    tpu.vector_store %arg11[%swap3A_990, %swap3A_991], %swap3A_994 {strides = array<i32>} : memref<5x64xi32, #tpu.memory_space<vmem>>, vector<1x16xi32>,
    %get3A_995 = arith.constant 192 : index
    %get3A_996 = tpu.vector_load %arg7[%get3A_995] {strides = array<i32>} : memref<320xi32, #tpu.memory_space<vmem>>, vector<16xi32>,
    %get3A_997 = vector.shape_cast %get3A_996 : vector<16xi32> to vector<16xi32>
    %get3A_998 = arith.constant 192 : index
    %get3A_999 = tpu.vector_load %arg8[%get3A_998] {strides = array<i32>} : memref<320xi32, #tpu.memory_space<vmem>>, vector<16xi32>,
    %get3A_1000 = vector.shape_cast %get3A_999 : vector<16xi32> to vector<16xi32>
    %mul3A_1001 = arith.constant 16 : i32
    %mul3A_1002 = vector.broadcast %mul3A_1001 : i32 to vector<16xi32>
    %mul3A_1003 = arith.muli %get3A_1000, %mul3A_1002 : vector<16xi32>
    %add3A_1004 = arith.addi %mul3A_1003, %get3A_997 : vector<16xi32>
    %swap3A_1005 = arith.constant 3 : i32
    %swap3A_1006 = arith.index_cast %swap3A_1005 : i32 to index
    %swap3A_1007 = arith.constant 0 : index
    %swap3A_1008 = tpu.vector_load %arg11[%swap3A_1006, %swap3A_1007] {strides = array<i32>} : memref<5x64xi32, #tpu.memory_space<vmem>>, vector<1x16xi32>,
    %swap3A_1009 = vector.shape_cast %swap3A_1008 : vector<1x16xi32> to vector<16xi32>
    %swap3A_1010 = vector.shape_cast %add3A_1004 : vector<16xi32> to vector<1x16xi32>
    tpu.vector_store %arg11[%swap3A_1006, %swap3A_1007], %swap3A_1010 {strides = array<i32>} : memref<5x64xi32, #tpu.memory_space<vmem>>, vector<1x16xi32>,
    %get3A_1011 = arith.constant 208 : index
    %get3A_1012 = tpu.vector_load %arg7[%get3A_1011] {strides = array<i32>} : memref<320xi32, #tpu.memory_space<vmem>>, vector<16xi32>,
    %get3A_1013 = vector.shape_cast %get3A_1012 : vector<16xi32> to vector<16xi32>
    %get3A_1014 = arith.constant 208 : index
    %get3A_1015 = tpu.vector_load %arg8[%get3A_1014] {strides = array<i32>} : memref<320xi32, #tpu.memory_space<vmem>>, vector<16xi32>,
    %get3A_1016 = vector.shape_cast %get3A_1015 : vector<16xi32> to vector<16xi32>
    %mul3A_1017 = arith.constant 16 : i32
    %mul3A_1018 = vector.broadcast %mul3A_1017 : i32 to vector<16xi32>
    %mul3A_1019 = arith.muli %get3A_1016, %mul3A_1018 : vector<16xi32>
    %add3A_1020 = arith.addi %mul3A_1019, %get3A_1013 : vector<16xi32>
    %swap3A_1021 = arith.constant 3 : i32
    %swap3A_1022 = arith.index_cast %swap3A_1021 : i32 to index
    %swap3A_1023 = arith.constant 16 : index
    %swap3A_1024 = tpu.vector_load %arg11[%swap3A_1022, %swap3A_1023] {strides = array<i32>} : memref<5x64xi32, #tpu.memory_space<vmem>>, vector<1x16xi32>,
    %swap3A_1025 = vector.shape_cast %swap3A_1024 : vector<1x16xi32> to vector<16xi32>
    %swap3A_1026 = vector.shape_cast %add3A_1020 : vector<16xi32> to vector<1x16xi32>
    tpu.vector_store %arg11[%swap3A_1022, %swap3A_1023], %swap3A_1026 {strides = array<i32>} : memref<5x64xi32, #tpu.memory_space<vmem>>, vector<1x16xi32>,
    %get3A_1027 = arith.constant 224 : index
    %get3A_1028 = tpu.vector_load %arg7[%get3A_1027] {strides = array<i32>} : memref<320xi32, #tpu.memory_space<vmem>>, vector<16xi32>,
    %get3A_1029 = vector.shape_cast %get3A_1028 : vector<16xi32> to vector<16xi32>
    %get3A_1030 = arith.constant 224 : index
    %get3A_1031 = tpu.vector_load %arg8[%get3A_1030] {strides = array<i32>} : memref<320xi32, #tpu.memory_space<vmem>>, vector<16xi32>,
    %get3A_1032 = vector.shape_cast %get3A_1031 : vector<16xi32> to vector<16xi32>
    %mul3A_1033 = arith.constant 16 : i32
    %mul3A_1034 = vector.broadcast %mul3A_1033 : i32 to vector<16xi32>
    %mul3A_1035 = arith.muli %get3A_1032, %mul3A_1034 : vector<16xi32>
    %add3A_1036 = arith.addi %mul3A_1035, %get3A_1029 : vector<16xi32>
    %swap3A_1037 = arith.constant 3 : i32
    %swap3A_1038 = arith.index_cast %swap3A_1037 : i32 to index
    %swap3A_1039 = arith.constant 32 : index
    %swap3A_1040 = tpu.vector_load %arg11[%swap3A_1038, %swap3A_1039] {strides = array<i32>} : memref<5x64xi32, #tpu.memory_space<vmem>>, vector<1x16xi32>,
    %swap3A_1041 = vector.shape_cast %swap3A_1040 : vector<1x16xi32> to vector<16xi32>
    %swap3A_1042 = vector.shape_cast %add3A_1036 : vector<16xi32> to vector<1x16xi32>
    tpu.vector_store %arg11[%swap3A_1038, %swap3A_1039], %swap3A_1042 {strides = array<i32>} : memref<5x64xi32, #tpu.memory_space<vmem>>, vector<1x16xi32>,
    %get3A_1043 = arith.constant 240 : index
    %get3A_1044 = tpu.vector_load %arg7[%get3A_1043] {strides = array<i32>} : memref<320xi32, #tpu.memory_space<vmem>>, vector<16xi32>,
    %get3A_1045 = vector.shape_cast %get3A_1044 : vector<16xi32> to vector<16xi32>
    %get3A_1046 = arith.constant 240 : index
    %get3A_1047 = tpu.vector_load %arg8[%get3A_1046] {strides = array<i32>} : memref<320xi32, #tpu.memory_space<vmem>>, vector<16xi32>,
    %get3A_1048 = vector.shape_cast %get3A_1047 : vector<16xi32> to vector<16xi32>
    %mul3A_1049 = arith.constant 16 : i32
    %mul3A_1050 = vector.broadcast %mul3A_1049 : i32 to vector<16xi32>
    %mul3A_1051 = arith.muli %get3A_1048, %mul3A_1050 : vector<16xi32>
    %add3A_1052 = arith.addi %mul3A_1051, %get3A_1045 : vector<16xi32>
    %swap3A_1053 = arith.constant 3 : i32
    %swap3A_1054 = arith.index_cast %swap3A_1053 : i32 to index
    %swap3A_1055 = arith.constant 48 : index
    %swap3A_1056 = tpu.vector_load %arg11[%swap3A_1054, %swap3A_1055] {strides = array<i32>} : memref<5x64xi32, #tpu.memory_space<vmem>>, vector<1x16xi32>,
    %swap3A_1057 = vector.shape_cast %swap3A_1056 : vector<1x16xi32> to vector<16xi32>
    %swap3A_1058 = vector.shape_cast %add3A_1052 : vector<16xi32> to vector<1x16xi32>
    tpu.vector_store %arg11[%swap3A_1054, %swap3A_1055], %swap3A_1058 {strides = array<i32>} : memref<5x64xi32, #tpu.memory_space<vmem>>, vector<1x16xi32>,
    %get3A_1059 = arith.constant 256 : index
    %get3A_1060 = tpu.vector_load %arg7[%get3A_1059] {strides = array<i32>} : memref<320xi32, #tpu.memory_space<vmem>>, vector<16xi32>,
    %get3A_1061 = vector.shape_cast %get3A_1060 : vector<16xi32> to vector<16xi32>
    %get3A_1062 = arith.constant 256 : index
    %get3A_1063 = tpu.vector_load %arg8[%get3A_1062] {strides = array<i32>} : memref<320xi32, #tpu.memory_space<vmem>>, vector<16xi32>,
    %get3A_1064 = vector.shape_cast %get3A_1063 : vector<16xi32> to vector<16xi32>
    %mul3A_1065 = arith.constant 16 : i32
    %mul3A_1066 = vector.broadcast %mul3A_1065 : i32 to vector<16xi32>
    %mul3A_1067 = arith.muli %get3A_1064, %mul3A_1066 : vector<16xi32>
    %add3A_1068 = arith.addi %mul3A_1067, %get3A_1061 : vector<16xi32>
    %swap3A_1069 = arith.constant 4 : i32
    %swap3A_1070 = arith.index_cast %swap3A_1069 : i32 to index
    %swap3A_1071 = arith.constant 0 : index
    %swap3A_1072 = tpu.vector_load %arg11[%swap3A_1070, %swap3A_1071] {strides = array<i32>} : memref<5x64xi32, #tpu.memory_space<vmem>>, vector<1x16xi32>,
    %swap3A_1073 = vector.shape_cast %swap3A_1072 : vector<1x16xi32> to vector<16xi32>
    %swap3A_1074 = vector.shape_cast %add3A_1068 : vector<16xi32> to vector<1x16xi32>
    tpu.vector_store %arg11[%swap3A_1070, %swap3A_1071], %swap3A_1074 {strides = array<i32>} : memref<5x64xi32, #tpu.memory_space<vmem>>, vector<1x16xi32>,
    %get3A_1075 = arith.constant 272 : index
    %get3A_1076 = tpu.vector_load %arg7[%get3A_1075] {strides = array<i32>} : memref<320xi32, #tpu.memory_space<vmem>>, vector<16xi32>,
    %get3A_1077 = vector.shape_cast %get3A_1076 : vector<16xi32> to vector<16xi32>
    %get3A_1078 = arith.constant 272 : index
    %get3A_1079 = tpu.vector_load %arg8[%get3A_1078] {strides = array<i32>} : memref<320xi32, #tpu.memory_space<vmem>>, vector<16xi32>,
    %get3A_1080 = vector.shape_cast %get3A_1079 : vector<16xi32> to vector<16xi32>
    %mul3A_1081 = arith.constant 16 : i32
    %mul3A_1082 = vector.broadcast %mul3A_1081 : i32 to vector<16xi32>
    %mul3A_1083 = arith.muli %get3A_1080, %mul3A_1082 : vector<16xi32>
    %add3A_1084 = arith.addi %mul3A_1083, %get3A_1077 : vector<16xi32>
    %swap3A_1085 = arith.constant 4 : i32
    %swap3A_1086 = arith.index_cast %swap3A_1085 : i32 to index
    %swap3A_1087 = arith.constant 16 : index
    %swap3A_1088 = tpu.vector_load %arg11[%swap3A_1086, %swap3A_1087] {strides = array<i32>} : memref<5x64xi32, #tpu.memory_space<vmem>>, vector<1x16xi32>,
    %swap3A_1089 = vector.shape_cast %swap3A_1088 : vector<1x16xi32> to vector<16xi32>
    %swap3A_1090 = vector.shape_cast %add3A_1084 : vector<16xi32> to vector<1x16xi32>
    tpu.vector_store %arg11[%swap3A_1086, %swap3A_1087], %swap3A_1090 {strides = array<i32>} : memref<5x64xi32, #tpu.memory_space<vmem>>, vector<1x16xi32>,
    %get3A_1091 = arith.constant 288 : index
    %get3A_1092 = tpu.vector_load %arg7[%get3A_1091] {strides = array<i32>} : memref<320xi32, #tpu.memory_space<vmem>>, vector<16xi32>,
    %get3A_1093 = vector.shape_cast %get3A_1092 : vector<16xi32> to vector<16xi32>
    %get3A_1094 = arith.constant 288 : index
    %get3A_1095 = tpu.vector_load %arg8[%get3A_1094] {strides = array<i32>} : memref<320xi32, #tpu.memory_space<vmem>>, vector<16xi32>,
    %get3A_1096 = vector.shape_cast %get3A_1095 : vector<16xi32> to vector<16xi32>
    %mul3A_1097 = arith.constant 16 : i32
    %mul3A_1098 = vector.broadcast %mul3A_1097 : i32 to vector<16xi32>
    %mul3A_1099 = arith.muli %get3A_1096, %mul3A_1098 : vector<16xi32>
    %add3A_1100 = arith.addi %mul3A_1099, %get3A_1093 : vector<16xi32>
    %swap3A_1101 = arith.constant 4 : i32
    %swap3A_1102 = arith.index_cast %swap3A_1101 : i32 to index
    %swap3A_1103 = arith.constant 32 : index
    %swap3A_1104 = tpu.vector_load %arg11[%swap3A_1102, %swap3A_1103] {strides = array<i32>} : memref<5x64xi32, #tpu.memory_space<vmem>>, vector<1x16xi32>,
    %swap3A_1105 = vector.shape_cast %swap3A_1104 : vector<1x16xi32> to vector<16xi32>
    %swap3A_1106 = vector.shape_cast %add3A_1100 : vector<16xi32> to vector<1x16xi32>
    tpu.vector_store %arg11[%swap3A_1102, %swap3A_1103], %swap3A_1106 {strides = array<i32>} : memref<5x64xi32, #tpu.memory_space<vmem>>, vector<1x16xi32>,
    %get3A_1107 = arith.constant 304 : index
    %get3A_1108 = tpu.vector_load %arg7[%get3A_1107] {strides = array<i32>} : memref<320xi32, #tpu.memory_space<vmem>>, vector<16xi32>,
    %get3A_1109 = vector.shape_cast %get3A_1108 : vector<16xi32> to vector<16xi32>
    %get3A_1110 = arith.constant 304 : index
    %get3A_1111 = tpu.vector_load %arg8[%get3A_1110] {strides = array<i32>} : memref<320xi32, #tpu.memory_space<vmem>>, vector<16xi32>,
    %get3A_1112 = vector.shape_cast %get3A_1111 : vector<16xi32> to vector<16xi32>
    %mul3A_1113 = arith.constant 16 : i32
    %mul3A_1114 = vector.broadcast %mul3A_1113 : i32 to vector<16xi32>
    %mul3A_1115 = arith.muli %get3A_1112, %mul3A_1114 : vector<16xi32>
    %add3A_1116 = arith.addi %mul3A_1115, %get3A_1109 : vector<16xi32>
    %swap3A_1117 = arith.constant 4 : i32
    %swap3A_1118 = arith.index_cast %swap3A_1117 : i32 to index
    %swap3A_1119 = arith.constant 48 : index
    %swap3A_1120 = tpu.vector_load %arg11[%swap3A_1118, %swap3A_1119] {strides = array<i32>} : memref<5x64xi32, #tpu.memory_space<vmem>>, vector<1x16xi32>,
    %swap3A_1121 = vector.shape_cast %swap3A_1120 : vector<1x16xi32> to vector<16xi32>
    %swap3A_1122 = vector.shape_cast %add3A_1116 : vector<16xi32> to vector<1x16xi32>
    tpu.vector_store %arg11[%swap3A_1118, %swap3A_1119], %swap3A_1122 {strides = array<i32>} : memref<5x64xi32, #tpu.memory_space<vmem>>, vector<1x16xi32>,
    %dma_start3A_1123 = arith.constant 0 : i32
    %dma_start3A_1124 = arith.constant 0 : i32
    %dma_start3A_1125 = arith.constant 0 : i32
    %dma_start3A_1126 = tpu.memref_slice %arg14[%dma_start3A_1124, %dma_start3A_1125] : memref<320x128xf32, #tpu.memory_space<vmem>> -> memref<64x128xf32, #tpu.memory_space<vmem>>
    %dma_start3A_1127 = arith.constant 0 : i32
    %dma_start3A_1128 = tpu.memref_slice %arg11[%dma_start3A_1123, %dma_start3A_1127] : memref<5x64xi32, #tpu.memory_space<vmem>> -> memref<1x64xi32, #tpu.memory_space<vmem>>
    %dma_start3A_1129 = tpu.memref_squeeze %dma_start3A_1128 : memref<1x64xi32, #tpu.memory_space<vmem>> -> memref<64xi32, #tpu.memory_space<vmem>>
    %dma_start3A_1130 = arith.constant 0 : i32
    %dma_start3A_1131 = arith.constant 0 : i32
    %dma_start3A_1132 = tpu.memref_slice %arg6[%dma_start3A_1130, %dma_start3A_1131] : memref<48x128xf32, #tpu.memory_space<vmem_shared>> -> memref<48x128xf32, #tpu.memory_space<vmem_shared>>
    tpu.enqueue_indirect_dma source(%dma_start3A_1132 : memref<48x128xf32, #tpu.memory_space<vmem_shared>>) target(%dma_start3A_1126 : memref<64x128xf32, #tpu.memory_space<vmem>>) offsets(%dma_start3A_1129 : memref<64xi32, #tpu.memory_space<vmem>>) semaphore(%arg17 : memref<!tpu.dma_semaphore, #tpu.memory_space<semaphore_mem>>)
    %dma_start3A_1133 = arith.constant 1 : i32
    %dma_start3A_1134 = arith.constant 64 : i32
    %dma_start3A_1135 = arith.constant 0 : i32
    %dma_start3A_1136 = tpu.memref_slice %arg14[%dma_start3A_1134, %dma_start3A_1135] : memref<320x128xf32, #tpu.memory_space<vmem>> -> memref<64x128xf32, #tpu.memory_space<vmem>>
    %dma_start3A_1137 = arith.constant 0 : i32
    %dma_start3A_1138 = tpu.memref_slice %arg11[%dma_start3A_1133, %dma_start3A_1137] : memref<5x64xi32, #tpu.memory_space<vmem>> -> memref<1x64xi32, #tpu.memory_space<vmem>>
    %dma_start3A_1139 = tpu.memref_squeeze %dma_start3A_1138 : memref<1x64xi32, #tpu.memory_space<vmem>> -> memref<64xi32, #tpu.memory_space<vmem>>
    %dma_start3A_1140 = arith.constant 0 : i32
    %dma_start3A_1141 = arith.constant 0 : i32
    %dma_start3A_1142 = tpu.memref_slice %arg6[%dma_start3A_1140, %dma_start3A_1141] : memref<48x128xf32, #tpu.memory_space<vmem_shared>> -> memref<48x128xf32, #tpu.memory_space<vmem_shared>>
    tpu.enqueue_indirect_dma source(%dma_start3A_1142 : memref<48x128xf32, #tpu.memory_space<vmem_shared>>) target(%dma_start3A_1136 : memref<64x128xf32, #tpu.memory_space<vmem>>) offsets(%dma_start3A_1139 : memref<64xi32, #tpu.memory_space<vmem>>) semaphore(%arg17 : memref<!tpu.dma_semaphore, #tpu.memory_space<semaphore_mem>>)
    %dma_start3A_1143 = arith.constant 2 : i32
    %dma_start3A_1144 = arith.constant 128 : i32
    %dma_start3A_1145 = arith.constant 0 : i32
    %dma_start3A_1146 = tpu.memref_slice %arg14[%dma_start3A_1144, %dma_start3A_1145] : memref<320x128xf32, #tpu.memory_space<vmem>> -> memref<64x128xf32, #tpu.memory_space<vmem>>
    %dma_start3A_1147 = arith.constant 0 : i32
    %dma_start3A_1148 = tpu.memref_slice %arg11[%dma_start3A_1143, %dma_start3A_1147] : memref<5x64xi32, #tpu.memory_space<vmem>> -> memref<1x64xi32, #tpu.memory_space<vmem>>
    %dma_start3A_1149 = tpu.memref_squeeze %dma_start3A_1148 : memref<1x64xi32, #tpu.memory_space<vmem>> -> memref<64xi32, #tpu.memory_space<vmem>>
    %dma_start3A_1150 = arith.constant 0 : i32
    %dma_start3A_1151 = arith.constant 0 : i32
    %dma_start3A_1152 = tpu.memref_slice %arg6[%dma_start3A_1150, %dma_start3A_1151] : memref<48x128xf32, #tpu.memory_space<vmem_shared>> -> memref<48x128xf32, #tpu.memory_space<vmem_shared>>
    tpu.enqueue_indirect_dma source(%dma_start3A_1152 : memref<48x128xf32, #tpu.memory_space<vmem_shared>>) target(%dma_start3A_1146 : memref<64x128xf32, #tpu.memory_space<vmem>>) offsets(%dma_start3A_1149 : memref<64xi32, #tpu.memory_space<vmem>>) semaphore(%arg17 : memref<!tpu.dma_semaphore, #tpu.memory_space<semaphore_mem>>)
    %dma_start3A_1153 = arith.constant 3 : i32
    %dma_start3A_1154 = arith.constant 192 : i32
    %dma_start3A_1155 = arith.constant 0 : i32
    %dma_start3A_1156 = tpu.memref_slice %arg14[%dma_start3A_1154, %dma_start3A_1155] : memref<320x128xf32, #tpu.memory_space<vmem>> -> memref<64x128xf32, #tpu.memory_space<vmem>>
    %dma_start3A_1157 = arith.constant 0 : i32
    %dma_start3A_1158 = tpu.memref_slice %arg11[%dma_start3A_1153, %dma_start3A_1157] : memref<5x64xi32, #tpu.memory_space<vmem>> -> memref<1x64xi32, #tpu.memory_space<vmem>>
    %dma_start3A_1159 = tpu.memref_squeeze %dma_start3A_1158 : memref<1x64xi32, #tpu.memory_space<vmem>> -> memref<64xi32, #tpu.memory_space<vmem>>
    %dma_start3A_1160 = arith.constant 0 : i32
    %dma_start3A_1161 = arith.constant 0 : i32
    %dma_start3A_1162 = tpu.memref_slice %arg6[%dma_start3A_1160, %dma_start3A_1161] : memref<48x128xf32, #tpu.memory_space<vmem_shared>> -> memref<48x128xf32, #tpu.memory_space<vmem_shared>>
    tpu.enqueue_indirect_dma source(%dma_start3A_1162 : memref<48x128xf32, #tpu.memory_space<vmem_shared>>) target(%dma_start3A_1156 : memref<64x128xf32, #tpu.memory_space<vmem>>) offsets(%dma_start3A_1159 : memref<64xi32, #tpu.memory_space<vmem>>) semaphore(%arg17 : memref<!tpu.dma_semaphore, #tpu.memory_space<semaphore_mem>>)
    %dma_start3A_1163 = arith.constant 4 : i32
    %dma_start3A_1164 = arith.constant 256 : i32
    %dma_start3A_1165 = arith.constant 0 : i32
    %dma_start3A_1166 = tpu.memref_slice %arg14[%dma_start3A_1164, %dma_start3A_1165] : memref<320x128xf32, #tpu.memory_space<vmem>> -> memref<64x128xf32, #tpu.memory_space<vmem>>
    %dma_start3A_1167 = arith.constant 0 : i32
    %dma_start3A_1168 = tpu.memref_slice %arg11[%dma_start3A_1163, %dma_start3A_1167] : memref<5x64xi32, #tpu.memory_space<vmem>> -> memref<1x64xi32, #tpu.memory_space<vmem>>
    %dma_start3A_1169 = tpu.memref_squeeze %dma_start3A_1168 : memref<1x64xi32, #tpu.memory_space<vmem>> -> memref<64xi32, #tpu.memory_space<vmem>>
    %dma_start3A_1170 = arith.constant 0 : i32
    %dma_start3A_1171 = arith.constant 0 : i32
    %dma_start3A_1172 = tpu.memref_slice %arg6[%dma_start3A_1170, %dma_start3A_1171] : memref<48x128xf32, #tpu.memory_space<vmem_shared>> -> memref<48x128xf32, #tpu.memory_space<vmem_shared>>
    tpu.enqueue_indirect_dma source(%dma_start3A_1172 : memref<48x128xf32, #tpu.memory_space<vmem_shared>>) target(%dma_start3A_1166 : memref<64x128xf32, #tpu.memory_space<vmem>>) offsets(%dma_start3A_1169 : memref<64xi32, #tpu.memory_space<vmem>>) semaphore(%arg17 : memref<!tpu.dma_semaphore, #tpu.memory_space<semaphore_mem>>)
    %dma_wait3A_1173 = arith.constant 0 : i32
    %dma_wait3A_1174 = arith.constant 0 : i32
    %dma_wait3A_1175 = arith.constant 0 : i32
    %dma_wait3A_1176 = tpu.memref_slice %arg13[%dma_wait3A_1174, %dma_wait3A_1175] : memref<320x128xf32, #tpu.memory_space<vmem>> -> memref<64x128xf32, #tpu.memory_space<vmem>>
    %dma_wait3A_1177 = arith.constant 0 : i32
    %dma_wait3A_1178 = tpu.memref_slice %arg10[%dma_wait3A_1173, %dma_wait3A_1177] : memref<5x64xi32, #tpu.memory_space<vmem>> -> memref<1x64xi32, #tpu.memory_space<vmem>>
    %dma_wait3A_1179 = tpu.memref_squeeze %dma_wait3A_1178 : memref<1x64xi32, #tpu.memory_space<vmem>> -> memref<64xi32, #tpu.memory_space<vmem>>
    %dma_wait3A_1180 = arith.constant 0 : i32
    %dma_wait3A_1181 = arith.constant 0 : i32
    %dma_wait3A_1182 = tpu.memref_slice %arg6[%dma_wait3A_1180, %dma_wait3A_1181] : memref<48x128xf32, #tpu.memory_space<vmem_shared>> -> memref<48x128xf32, #tpu.memory_space<vmem_shared>>
    tpu.wait_indirect_dma semaphore(%arg16 : memref<!tpu.dma_semaphore, #tpu.memory_space<semaphore_mem>>) src(%dma_wait3A_1182 : memref<48x128xf32, #tpu.memory_space<vmem_shared>>) dst(%dma_wait3A_1176 : memref<64x128xf32, #tpu.memory_space<vmem>>)
    %dma_wait3A_1183 = arith.constant 1 : i32
    %dma_wait3A_1184 = arith.constant 64 : i32
    %dma_wait3A_1185 = arith.constant 0 : i32
    %dma_wait3A_1186 = tpu.memref_slice %arg13[%dma_wait3A_1184, %dma_wait3A_1185] : memref<320x128xf32, #tpu.memory_space<vmem>> -> memref<64x128xf32, #tpu.memory_space<vmem>>
    %dma_wait3A_1187 = arith.constant 0 : i32
    %dma_wait3A_1188 = tpu.memref_slice %arg10[%dma_wait3A_1183, %dma_wait3A_1187] : memref<5x64xi32, #tpu.memory_space<vmem>> -> memref<1x64xi32, #tpu.memory_space<vmem>>
    %dma_wait3A_1189 = tpu.memref_squeeze %dma_wait3A_1188 : memref<1x64xi32, #tpu.memory_space<vmem>> -> memref<64xi32, #tpu.memory_space<vmem>>
    %dma_wait3A_1190 = arith.constant 0 : i32
    %dma_wait3A_1191 = arith.constant 0 : i32
    %dma_wait3A_1192 = tpu.memref_slice %arg6[%dma_wait3A_1190, %dma_wait3A_1191] : memref<48x128xf32, #tpu.memory_space<vmem_shared>> -> memref<48x128xf32, #tpu.memory_space<vmem_shared>>
    tpu.wait_indirect_dma semaphore(%arg16 : memref<!tpu.dma_semaphore, #tpu.memory_space<semaphore_mem>>) src(%dma_wait3A_1192 : memref<48x128xf32, #tpu.memory_space<vmem_shared>>) dst(%dma_wait3A_1186 : memref<64x128xf32, #tpu.memory_space<vmem>>)
    %dma_wait3A_1193 = arith.constant 2 : i32
    %dma_wait3A_1194 = arith.constant 128 : i32
    %dma_wait3A_1195 = arith.constant 0 : i32
    %dma_wait3A_1196 = tpu.memref_slice %arg13[%dma_wait3A_1194, %dma_wait3A_1195] : memref<320x128xf32, #tpu.memory_space<vmem>> -> memref<64x128xf32, #tpu.memory_space<vmem>>
    %dma_wait3A_1197 = arith.constant 0 : i32
    %dma_wait3A_1198 = tpu.memref_slice %arg10[%dma_wait3A_1193, %dma_wait3A_1197] : memref<5x64xi32, #tpu.memory_space<vmem>> -> memref<1x64xi32, #tpu.memory_space<vmem>>
    %dma_wait3A_1199 = tpu.memref_squeeze %dma_wait3A_1198 : memref<1x64xi32, #tpu.memory_space<vmem>> -> memref<64xi32, #tpu.memory_space<vmem>>
    %dma_wait3A_1200 = arith.constant 0 : i32
    %dma_wait3A_1201 = arith.constant 0 : i32
    %dma_wait3A_1202 = tpu.memref_slice %arg6[%dma_wait3A_1200, %dma_wait3A_1201] : memref<48x128xf32, #tpu.memory_space<vmem_shared>> -> memref<48x128xf32, #tpu.memory_space<vmem_shared>>
    tpu.wait_indirect_dma semaphore(%arg16 : memref<!tpu.dma_semaphore, #tpu.memory_space<semaphore_mem>>) src(%dma_wait3A_1202 : memref<48x128xf32, #tpu.memory_space<vmem_shared>>) dst(%dma_wait3A_1196 : memref<64x128xf32, #tpu.memory_space<vmem>>)
    %dma_wait3A_1203 = arith.constant 3 : i32
    %dma_wait3A_1204 = arith.constant 192 : i32
    %dma_wait3A_1205 = arith.constant 0 : i32
    %dma_wait3A_1206 = tpu.memref_slice %arg13[%dma_wait3A_1204, %dma_wait3A_1205] : memref<320x128xf32, #tpu.memory_space<vmem>> -> memref<64x128xf32, #tpu.memory_space<vmem>>
    %dma_wait3A_1207 = arith.constant 0 : i32
    %dma_wait3A_1208 = tpu.memref_slice %arg10[%dma_wait3A_1203, %dma_wait3A_1207] : memref<5x64xi32, #tpu.memory_space<vmem>> -> memref<1x64xi32, #tpu.memory_space<vmem>>
    %dma_wait3A_1209 = tpu.memref_squeeze %dma_wait3A_1208 : memref<1x64xi32, #tpu.memory_space<vmem>> -> memref<64xi32, #tpu.memory_space<vmem>>
    %dma_wait3A_1210 = arith.constant 0 : i32
    %dma_wait3A_1211 = arith.constant 0 : i32
    %dma_wait3A_1212 = tpu.memref_slice %arg6[%dma_wait3A_1210, %dma_wait3A_1211] : memref<48x128xf32, #tpu.memory_space<vmem_shared>> -> memref<48x128xf32, #tpu.memory_space<vmem_shared>>
    tpu.wait_indirect_dma semaphore(%arg16 : memref<!tpu.dma_semaphore, #tpu.memory_space<semaphore_mem>>) src(%dma_wait3A_1212 : memref<48x128xf32, #tpu.memory_space<vmem_shared>>) dst(%dma_wait3A_1206 : memref<64x128xf32, #tpu.memory_space<vmem>>)
    %dma_wait3A_1213 = arith.constant 4 : i32
    %dma_wait3A_1214 = arith.constant 256 : i32
    %dma_wait3A_1215 = arith.constant 0 : i32
    %dma_wait3A_1216 = tpu.memref_slice %arg13[%dma_wait3A_1214, %dma_wait3A_1215] : memref<320x128xf32, #tpu.memory_space<vmem>> -> memref<64x128xf32, #tpu.memory_space<vmem>>
    %dma_wait3A_1217 = arith.constant 0 : i32
    %dma_wait3A_1218 = tpu.memref_slice %arg10[%dma_wait3A_1213, %dma_wait3A_1217] : memref<5x64xi32, #tpu.memory_space<vmem>> -> memref<1x64xi32, #tpu.memory_space<vmem>>
    %dma_wait3A_1219 = tpu.memref_squeeze %dma_wait3A_1218 : memref<1x64xi32, #tpu.memory_space<vmem>> -> memref<64xi32, #tpu.memory_space<vmem>>
    %dma_wait3A_1220 = arith.constant 0 : i32
    %dma_wait3A_1221 = arith.constant 0 : i32
    %dma_wait3A_1222 = tpu.memref_slice %arg6[%dma_wait3A_1220, %dma_wait3A_1221] : memref<48x128xf32, #tpu.memory_space<vmem_shared>> -> memref<48x128xf32, #tpu.memory_space<vmem_shared>>
    tpu.wait_indirect_dma semaphore(%arg16 : memref<!tpu.dma_semaphore, #tpu.memory_space<semaphore_mem>>) src(%dma_wait3A_1222 : memref<48x128xf32, #tpu.memory_space<vmem_shared>>) dst(%dma_wait3A_1216 : memref<64x128xf32, #tpu.memory_space<vmem>>)
    %add3A_1223 = arith.constant 320 : i32
    %add3A_1224 = arith.addi %mul3A_2, %add3A_1223 : i32
    %dma_start3A_1225 = arith.constant 0 : i32
    %dma_start3A_1226 = tpu.memref_slice %arg5[%add3A_1224, %dma_start3A_1225] : memref<819200x128xf32, #tpu.memory_space<hbm>> -> memref<320x128xf32, #tpu.memory_space<hbm>>
    %dma_start3A_1227 = arith.constant 0 : i32
    %dma_start3A_1228 = tpu.memref_slice %arg5[%add3A_1224, %dma_start3A_1227] : memref<819200x128xf32, #tpu.memory_space<hbm>> -> memref<320x128xf32, #tpu.memory_space<hbm>>
    tpu.enqueue_dma source(%arg13 : memref<320x128xf32, #tpu.memory_space<vmem>>) target(%dma_start3A_1228 : memref<320x128xf32, #tpu.memory_space<hbm>>) target_semaphore(%arg19 : memref<!tpu.dma_semaphore, #tpu.memory_space<semaphore_mem>>)
    %scan3A = arith.constant 0 : i32
    %scan3A_1229 = arith.constant 0 : i32
    %scan3A_1230 = arith.constant 25 : i32
    %scan3A_1231 = arith.addi %scan3A_1229, %scan3A_1230 : i32
    %scan3A_1232 = arith.constant 1 : i32
    scf.for %scan3A_2166 = %scan3A_1229 to %scan3A_1231 step %scan3A_1232  : i32 {
      %mul3A_2167 = arith.constant 3 : i32
      %mul3A_2168 = arith.muli %scan3A_2166, %mul3A_2167 : i32
      %add3A_2169 = arith.constant 2 : i32
      %add3A_2170 = arith.addi %add3A_2169, %mul3A_2168 : i32
      %add3A_2171 = arith.constant 0 : i32
      %add3A_2172 = arith.addi %add3A_2170, %add3A_2171 : i32
      %dma_wait3A_2173 = arith.constant 0 : i32
      %dma_wait3A_2174 = tpu.memref_slice %arg5[%mul3A_2, %dma_wait3A_2173] : memref<819200x128xf32, #tpu.memory_space<hbm>> -> memref<320x128xf32, #tpu.memory_space<hbm>>
      %dma_wait3A_2175 = arith.constant 0 : i32
      %dma_wait3A_2176 = tpu.memref_slice %arg5[%mul3A_2, %dma_wait3A_2175] : memref<819200x128xf32, #tpu.memory_space<hbm>> -> memref<320x128xf32, #tpu.memory_space<hbm>>
      tpu.wait_dma2 semaphore(%arg18 : memref<!tpu.dma_semaphore, #tpu.memory_space<semaphore_mem>>) src(%arg12 : memref<320x128xf32, #tpu.memory_space<vmem>>) dst(%dma_wait3A_2176 : memref<320x128xf32, #tpu.memory_space<hbm>>)
      %add3A_2177 = arith.constant 1 : i32
      %add3A_2178 = arith.addi %add3A_2172, %add3A_2177 : i32
      %mul3A_2179 = arith.constant 320 : i32
      %mul3A_2180 = arith.muli %add3A_2178, %mul3A_2179 : i32
      %add3A_2181 = arith.addi %mul3A_2, %mul3A_2180 : i32
      "tpu.region"() ({
        %run_scoped3A = tpu.sem_alloc : memref<!tpu.dma_semaphore, #tpu.memory_space<semaphore_mem>>
        %dma_start3A_3485 = tpu.memref_slice %arg3[%add3A_2181] : memref<819200xi32, #tpu.memory_space<hbm>> -> memref<320xi32, #tpu.memory_space<hbm>>
        %dma_start3A_3486 = tpu.memref_slice %arg3[%add3A_2181] : memref<819200xi32, #tpu.memory_space<hbm>> -> memref<320xi32, #tpu.memory_space<hbm>>
        tpu.enqueue_dma source(%dma_start3A_3486 : memref<320xi32, #tpu.memory_space<hbm>>) target(%arg7 : memref<320xi32, #tpu.memory_space<vmem>>) target_semaphore(%run_scoped3A : memref<!tpu.dma_semaphore, #tpu.memory_space<semaphore_mem>>)
        %dma_wait3A_3487 = tpu.memref_slice %arg3[%add3A_2181] : memref<819200xi32, #tpu.memory_space<hbm>> -> memref<320xi32, #tpu.memory_space<hbm>>
        %dma_wait3A_3488 = tpu.memref_slice %arg3[%add3A_2181] : memref<819200xi32, #tpu.memory_space<hbm>> -> memref<320xi32, #tpu.memory_space<hbm>>
        tpu.wait_dma2 semaphore(%run_scoped3A : memref<!tpu.dma_semaphore, #tpu.memory_space<semaphore_mem>>) src(%dma_wait3A_3488 : memref<320xi32, #tpu.memory_space<hbm>>) dst(%arg7 : memref<320xi32, #tpu.memory_space<vmem>>)
        tpu.yield
      }) : () -> ()
      "tpu.region"() ({
        %run_scoped3A = tpu.sem_alloc : memref<!tpu.dma_semaphore, #tpu.memory_space<semaphore_mem>>
        %dma_start3A_3485 = tpu.memref_slice %arg4[%add3A_2181] : memref<819200xi32, #tpu.memory_space<hbm>> -> memref<320xi32, #tpu.memory_space<hbm>>
        %dma_start3A_3486 = tpu.memref_slice %arg4[%add3A_2181] : memref<819200xi32, #tpu.memory_space<hbm>> -> memref<320xi32, #tpu.memory_space<hbm>>
        tpu.enqueue_dma source(%dma_start3A_3486 : memref<320xi32, #tpu.memory_space<hbm>>) target(%arg8 : memref<320xi32, #tpu.memory_space<vmem>>) target_semaphore(%run_scoped3A : memref<!tpu.dma_semaphore, #tpu.memory_space<semaphore_mem>>)
        %dma_wait3A_3487 = tpu.memref_slice %arg4[%add3A_2181] : memref<819200xi32, #tpu.memory_space<hbm>> -> memref<320xi32, #tpu.memory_space<hbm>>
        %dma_wait3A_3488 = tpu.memref_slice %arg4[%add3A_2181] : memref<819200xi32, #tpu.memory_space<hbm>> -> memref<320xi32, #tpu.memory_space<hbm>>
        tpu.wait_dma2 semaphore(%run_scoped3A : memref<!tpu.dma_semaphore, #tpu.memory_space<semaphore_mem>>) src(%dma_wait3A_3488 : memref<320xi32, #tpu.memory_space<hbm>>) dst(%arg8 : memref<320xi32, #tpu.memory_space<vmem>>)
        tpu.yield
      }) : () -> ()
      %get3A_2182 = arith.constant 0 : index
      %get3A_2183 = tpu.vector_load %arg7[%get3A_2182] {strides = array<i32>} : memref<320xi32, #tpu.memory_space<vmem>>, vector<16xi32>,
      %get3A_2184 = vector.shape_cast %get3A_2183 : vector<16xi32> to vector<16xi32>
      %get3A_2185 = arith.constant 0 : index
      %get3A_2186 = tpu.vector_load %arg8[%get3A_2185] {strides = array<i32>} : memref<320xi32, #tpu.memory_space<vmem>>, vector<16xi32>,
      %get3A_2187 = vector.shape_cast %get3A_2186 : vector<16xi32> to vector<16xi32>
      %mul3A_2188 = arith.constant 16 : i32
      %mul3A_2189 = vector.broadcast %mul3A_2188 : i32 to vector<16xi32>
      %mul3A_2190 = arith.muli %get3A_2187, %mul3A_2189 : vector<16xi32>
      %add3A_2191 = arith.addi %mul3A_2190, %get3A_2184 : vector<16xi32>
      %swap3A_2192 = arith.constant 0 : i32
      %swap3A_2193 = arith.index_cast %swap3A_2192 : i32 to index
      %swap3A_2194 = arith.constant 0 : index
      %swap3A_2195 = tpu.vector_load %arg9[%swap3A_2193, %swap3A_2194] {strides = array<i32>} : memref<5x64xi32, #tpu.memory_space<vmem>>, vector<1x16xi32>,
      %swap3A_2196 = vector.shape_cast %swap3A_2195 : vector<1x16xi32> to vector<16xi32>
      %swap3A_2197 = vector.shape_cast %add3A_2191 : vector<16xi32> to vector<1x16xi32>
      tpu.vector_store %arg9[%swap3A_2193, %swap3A_2194], %swap3A_2197 {strides = array<i32>} : memref<5x64xi32, #tpu.memory_space<vmem>>, vector<1x16xi32>,
      %get3A_2198 = arith.constant 16 : index
      %get3A_2199 = tpu.vector_load %arg7[%get3A_2198] {strides = array<i32>} : memref<320xi32, #tpu.memory_space<vmem>>, vector<16xi32>,
      %get3A_2200 = vector.shape_cast %get3A_2199 : vector<16xi32> to vector<16xi32>
      %get3A_2201 = arith.constant 16 : index
      %get3A_2202 = tpu.vector_load %arg8[%get3A_2201] {strides = array<i32>} : memref<320xi32, #tpu.memory_space<vmem>>, vector<16xi32>,
      %get3A_2203 = vector.shape_cast %get3A_2202 : vector<16xi32> to vector<16xi32>
      %mul3A_2204 = arith.constant 16 : i32
      %mul3A_2205 = vector.broadcast %mul3A_2204 : i32 to vector<16xi32>
      %mul3A_2206 = arith.muli %get3A_2203, %mul3A_2205 : vector<16xi32>
      %add3A_2207 = arith.addi %mul3A_2206, %get3A_2200 : vector<16xi32>
      %swap3A_2208 = arith.constant 0 : i32
      %swap3A_2209 = arith.index_cast %swap3A_2208 : i32 to index
      %swap3A_2210 = arith.constant 16 : index
      %swap3A_2211 = tpu.vector_load %arg9[%swap3A_2209, %swap3A_2210] {strides = array<i32>} : memref<5x64xi32, #tpu.memory_space<vmem>>, vector<1x16xi32>,
      %swap3A_2212 = vector.shape_cast %swap3A_2211 : vector<1x16xi32> to vector<16xi32>
      %swap3A_2213 = vector.shape_cast %add3A_2207 : vector<16xi32> to vector<1x16xi32>
      tpu.vector_store %arg9[%swap3A_2209, %swap3A_2210], %swap3A_2213 {strides = array<i32>} : memref<5x64xi32, #tpu.memory_space<vmem>>, vector<1x16xi32>,
      %get3A_2214 = arith.constant 32 : index
      %get3A_2215 = tpu.vector_load %arg7[%get3A_2214] {strides = array<i32>} : memref<320xi32, #tpu.memory_space<vmem>>, vector<16xi32>,
      %get3A_2216 = vector.shape_cast %get3A_2215 : vector<16xi32> to vector<16xi32>
      %get3A_2217 = arith.constant 32 : index
      %get3A_2218 = tpu.vector_load %arg8[%get3A_2217] {strides = array<i32>} : memref<320xi32, #tpu.memory_space<vmem>>, vector<16xi32>,
      %get3A_2219 = vector.shape_cast %get3A_2218 : vector<16xi32> to vector<16xi32>
      %mul3A_2220 = arith.constant 16 : i32
      %mul3A_2221 = vector.broadcast %mul3A_2220 : i32 to vector<16xi32>
      %mul3A_2222 = arith.muli %get3A_2219, %mul3A_2221 : vector<16xi32>
      %add3A_2223 = arith.addi %mul3A_2222, %get3A_2216 : vector<16xi32>
      %swap3A_2224 = arith.constant 0 : i32
      %swap3A_2225 = arith.index_cast %swap3A_2224 : i32 to index
      %swap3A_2226 = arith.constant 32 : index
      %swap3A_2227 = tpu.vector_load %arg9[%swap3A_2225, %swap3A_2226] {strides = array<i32>} : memref<5x64xi32, #tpu.memory_space<vmem>>, vector<1x16xi32>,
      %swap3A_2228 = vector.shape_cast %swap3A_2227 : vector<1x16xi32> to vector<16xi32>
      %swap3A_2229 = vector.shape_cast %add3A_2223 : vector<16xi32> to vector<1x16xi32>
      tpu.vector_store %arg9[%swap3A_2225, %swap3A_2226], %swap3A_2229 {strides = array<i32>} : memref<5x64xi32, #tpu.memory_space<vmem>>, vector<1x16xi32>,
      %get3A_2230 = arith.constant 48 : index
      %get3A_2231 = tpu.vector_load %arg7[%get3A_2230] {strides = array<i32>} : memref<320xi32, #tpu.memory_space<vmem>>, vector<16xi32>,
      %get3A_2232 = vector.shape_cast %get3A_2231 : vector<16xi32> to vector<16xi32>
      %get3A_2233 = arith.constant 48 : index
      %get3A_2234 = tpu.vector_load %arg8[%get3A_2233] {strides = array<i32>} : memref<320xi32, #tpu.memory_space<vmem>>, vector<16xi32>,
      %get3A_2235 = vector.shape_cast %get3A_2234 : vector<16xi32> to vector<16xi32>
      %mul3A_2236 = arith.constant 16 : i32
      %mul3A_2237 = vector.broadcast %mul3A_2236 : i32 to vector<16xi32>
      %mul3A_2238 = arith.muli %get3A_2235, %mul3A_2237 : vector<16xi32>
      %add3A_2239 = arith.addi %mul3A_2238, %get3A_2232 : vector<16xi32>
      %swap3A_2240 = arith.constant 0 : i32
      %swap3A_2241 = arith.index_cast %swap3A_2240 : i32 to index
      %swap3A_2242 = arith.constant 48 : index
      %swap3A_2243 = tpu.vector_load %arg9[%swap3A_2241, %swap3A_2242] {strides = array<i32>} : memref<5x64xi32, #tpu.memory_space<vmem>>, vector<1x16xi32>,
      %swap3A_2244 = vector.shape_cast %swap3A_2243 : vector<1x16xi32> to vector<16xi32>
      %swap3A_2245 = vector.shape_cast %add3A_2239 : vector<16xi32> to vector<1x16xi32>
      tpu.vector_store %arg9[%swap3A_2241, %swap3A_2242], %swap3A_2245 {strides = array<i32>} : memref<5x64xi32, #tpu.memory_space<vmem>>, vector<1x16xi32>,
      %get3A_2246 = arith.constant 64 : index
      %get3A_2247 = tpu.vector_load %arg7[%get3A_2246] {strides = array<i32>} : memref<320xi32, #tpu.memory_space<vmem>>, vector<16xi32>,
      %get3A_2248 = vector.shape_cast %get3A_2247 : vector<16xi32> to vector<16xi32>
      %get3A_2249 = arith.constant 64 : index
      %get3A_2250 = tpu.vector_load %arg8[%get3A_2249] {strides = array<i32>} : memref<320xi32, #tpu.memory_space<vmem>>, vector<16xi32>,
      %get3A_2251 = vector.shape_cast %get3A_2250 : vector<16xi32> to vector<16xi32>
      %mul3A_2252 = arith.constant 16 : i32
      %mul3A_2253 = vector.broadcast %mul3A_2252 : i32 to vector<16xi32>
      %mul3A_2254 = arith.muli %get3A_2251, %mul3A_2253 : vector<16xi32>
      %add3A_2255 = arith.addi %mul3A_2254, %get3A_2248 : vector<16xi32>
      %swap3A_2256 = arith.constant 1 : i32
      %swap3A_2257 = arith.index_cast %swap3A_2256 : i32 to index
      %swap3A_2258 = arith.constant 0 : index
      %swap3A_2259 = tpu.vector_load %arg9[%swap3A_2257, %swap3A_2258] {strides = array<i32>} : memref<5x64xi32, #tpu.memory_space<vmem>>, vector<1x16xi32>,
      %swap3A_2260 = vector.shape_cast %swap3A_2259 : vector<1x16xi32> to vector<16xi32>
      %swap3A_2261 = vector.shape_cast %add3A_2255 : vector<16xi32> to vector<1x16xi32>
      tpu.vector_store %arg9[%swap3A_2257, %swap3A_2258], %swap3A_2261 {strides = array<i32>} : memref<5x64xi32, #tpu.memory_space<vmem>>, vector<1x16xi32>,
      %get3A_2262 = arith.constant 80 : index
      %get3A_2263 = tpu.vector_load %arg7[%get3A_2262] {strides = array<i32>} : memref<320xi32, #tpu.memory_space<vmem>>, vector<16xi32>,
      %get3A_2264 = vector.shape_cast %get3A_2263 : vector<16xi32> to vector<16xi32>
      %get3A_2265 = arith.constant 80 : index
      %get3A_2266 = tpu.vector_load %arg8[%get3A_2265] {strides = array<i32>} : memref<320xi32, #tpu.memory_space<vmem>>, vector<16xi32>,
      %get3A_2267 = vector.shape_cast %get3A_2266 : vector<16xi32> to vector<16xi32>
      %mul3A_2268 = arith.constant 16 : i32
      %mul3A_2269 = vector.broadcast %mul3A_2268 : i32 to vector<16xi32>
      %mul3A_2270 = arith.muli %get3A_2267, %mul3A_2269 : vector<16xi32>
      %add3A_2271 = arith.addi %mul3A_2270, %get3A_2264 : vector<16xi32>
      %swap3A_2272 = arith.constant 1 : i32
      %swap3A_2273 = arith.index_cast %swap3A_2272 : i32 to index
      %swap3A_2274 = arith.constant 16 : index
      %swap3A_2275 = tpu.vector_load %arg9[%swap3A_2273, %swap3A_2274] {strides = array<i32>} : memref<5x64xi32, #tpu.memory_space<vmem>>, vector<1x16xi32>,
      %swap3A_2276 = vector.shape_cast %swap3A_2275 : vector<1x16xi32> to vector<16xi32>
      %swap3A_2277 = vector.shape_cast %add3A_2271 : vector<16xi32> to vector<1x16xi32>
      tpu.vector_store %arg9[%swap3A_2273, %swap3A_2274], %swap3A_2277 {strides = array<i32>} : memref<5x64xi32, #tpu.memory_space<vmem>>, vector<1x16xi32>,
      %get3A_2278 = arith.constant 96 : index
      %get3A_2279 = tpu.vector_load %arg7[%get3A_2278] {strides = array<i32>} : memref<320xi32, #tpu.memory_space<vmem>>, vector<16xi32>,
      %get3A_2280 = vector.shape_cast %get3A_2279 : vector<16xi32> to vector<16xi32>
      %get3A_2281 = arith.constant 96 : index
      %get3A_2282 = tpu.vector_load %arg8[%get3A_2281] {strides = array<i32>} : memref<320xi32, #tpu.memory_space<vmem>>, vector<16xi32>,
      %get3A_2283 = vector.shape_cast %get3A_2282 : vector<16xi32> to vector<16xi32>
      %mul3A_2284 = arith.constant 16 : i32
      %mul3A_2285 = vector.broadcast %mul3A_2284 : i32 to vector<16xi32>
      %mul3A_2286 = arith.muli %get3A_2283, %mul3A_2285 : vector<16xi32>
      %add3A_2287 = arith.addi %mul3A_2286, %get3A_2280 : vector<16xi32>
      %swap3A_2288 = arith.constant 1 : i32
      %swap3A_2289 = arith.index_cast %swap3A_2288 : i32 to index
      %swap3A_2290 = arith.constant 32 : index
      %swap3A_2291 = tpu.vector_load %arg9[%swap3A_2289, %swap3A_2290] {strides = array<i32>} : memref<5x64xi32, #tpu.memory_space<vmem>>, vector<1x16xi32>,
      %swap3A_2292 = vector.shape_cast %swap3A_2291 : vector<1x16xi32> to vector<16xi32>
      %swap3A_2293 = vector.shape_cast %add3A_2287 : vector<16xi32> to vector<1x16xi32>
      tpu.vector_store %arg9[%swap3A_2289, %swap3A_2290], %swap3A_2293 {strides = array<i32>} : memref<5x64xi32, #tpu.memory_space<vmem>>, vector<1x16xi32>,
      %get3A_2294 = arith.constant 112 : index
      %get3A_2295 = tpu.vector_load %arg7[%get3A_2294] {strides = array<i32>} : memref<320xi32, #tpu.memory_space<vmem>>, vector<16xi32>,
      %get3A_2296 = vector.shape_cast %get3A_2295 : vector<16xi32> to vector<16xi32>
      %get3A_2297 = arith.constant 112 : index
      %get3A_2298 = tpu.vector_load %arg8[%get3A_2297] {strides = array<i32>} : memref<320xi32, #tpu.memory_space<vmem>>, vector<16xi32>,
      %get3A_2299 = vector.shape_cast %get3A_2298 : vector<16xi32> to vector<16xi32>
      %mul3A_2300 = arith.constant 16 : i32
      %mul3A_2301 = vector.broadcast %mul3A_2300 : i32 to vector<16xi32>
      %mul3A_2302 = arith.muli %get3A_2299, %mul3A_2301 : vector<16xi32>
      %add3A_2303 = arith.addi %mul3A_2302, %get3A_2296 : vector<16xi32>
      %swap3A_2304 = arith.constant 1 : i32
      %swap3A_2305 = arith.index_cast %swap3A_2304 : i32 to index
      %swap3A_2306 = arith.constant 48 : index
      %swap3A_2307 = tpu.vector_load %arg9[%swap3A_2305, %swap3A_2306] {strides = array<i32>} : memref<5x64xi32, #tpu.memory_space<vmem>>, vector<1x16xi32>,
      %swap3A_2308 = vector.shape_cast %swap3A_2307 : vector<1x16xi32> to vector<16xi32>
      %swap3A_2309 = vector.shape_cast %add3A_2303 : vector<16xi32> to vector<1x16xi32>
      tpu.vector_store %arg9[%swap3A_2305, %swap3A_2306], %swap3A_2309 {strides = array<i32>} : memref<5x64xi32, #tpu.memory_space<vmem>>, vector<1x16xi32>,
      %get3A_2310 = arith.constant 128 : index
      %get3A_2311 = tpu.vector_load %arg7[%get3A_2310] {strides = array<i32>} : memref<320xi32, #tpu.memory_space<vmem>>, vector<16xi32>,
      %get3A_2312 = vector.shape_cast %get3A_2311 : vector<16xi32> to vector<16xi32>
      %get3A_2313 = arith.constant 128 : index
      %get3A_2314 = tpu.vector_load %arg8[%get3A_2313] {strides = array<i32>} : memref<320xi32, #tpu.memory_space<vmem>>, vector<16xi32>,
      %get3A_2315 = vector.shape_cast %get3A_2314 : vector<16xi32> to vector<16xi32>
      %mul3A_2316 = arith.constant 16 : i32
      %mul3A_2317 = vector.broadcast %mul3A_2316 : i32 to vector<16xi32>
      %mul3A_2318 = arith.muli %get3A_2315, %mul3A_2317 : vector<16xi32>
      %add3A_2319 = arith.addi %mul3A_2318, %get3A_2312 : vector<16xi32>
      %swap3A_2320 = arith.constant 2 : i32
      %swap3A_2321 = arith.index_cast %swap3A_2320 : i32 to index
      %swap3A_2322 = arith.constant 0 : index
      %swap3A_2323 = tpu.vector_load %arg9[%swap3A_2321, %swap3A_2322] {strides = array<i32>} : memref<5x64xi32, #tpu.memory_space<vmem>>, vector<1x16xi32>,
      %swap3A_2324 = vector.shape_cast %swap3A_2323 : vector<1x16xi32> to vector<16xi32>
      %swap3A_2325 = vector.shape_cast %add3A_2319 : vector<16xi32> to vector<1x16xi32>
      tpu.vector_store %arg9[%swap3A_2321, %swap3A_2322], %swap3A_2325 {strides = array<i32>} : memref<5x64xi32, #tpu.memory_space<vmem>>, vector<1x16xi32>,
      %get3A_2326 = arith.constant 144 : index
      %get3A_2327 = tpu.vector_load %arg7[%get3A_2326] {strides = array<i32>} : memref<320xi32, #tpu.memory_space<vmem>>, vector<16xi32>,
      %get3A_2328 = vector.shape_cast %get3A_2327 : vector<16xi32> to vector<16xi32>
      %get3A_2329 = arith.constant 144 : index
      %get3A_2330 = tpu.vector_load %arg8[%get3A_2329] {strides = array<i32>} : memref<320xi32, #tpu.memory_space<vmem>>, vector<16xi32>,
      %get3A_2331 = vector.shape_cast %get3A_2330 : vector<16xi32> to vector<16xi32>
      %mul3A_2332 = arith.constant 16 : i32
      %mul3A_2333 = vector.broadcast %mul3A_2332 : i32 to vector<16xi32>
      %mul3A_2334 = arith.muli %get3A_2331, %mul3A_2333 : vector<16xi32>
      %add3A_2335 = arith.addi %mul3A_2334, %get3A_2328 : vector<16xi32>
      %swap3A_2336 = arith.constant 2 : i32
      %swap3A_2337 = arith.index_cast %swap3A_2336 : i32 to index
      %swap3A_2338 = arith.constant 16 : index
      %swap3A_2339 = tpu.vector_load %arg9[%swap3A_2337, %swap3A_2338] {strides = array<i32>} : memref<5x64xi32, #tpu.memory_space<vmem>>, vector<1x16xi32>,
      %swap3A_2340 = vector.shape_cast %swap3A_2339 : vector<1x16xi32> to vector<16xi32>
      %swap3A_2341 = vector.shape_cast %add3A_2335 : vector<16xi32> to vector<1x16xi32>
      tpu.vector_store %arg9[%swap3A_2337, %swap3A_2338], %swap3A_2341 {strides = array<i32>} : memref<5x64xi32, #tpu.memory_space<vmem>>, vector<1x16xi32>,
      %get3A_2342 = arith.constant 160 : index
      %get3A_2343 = tpu.vector_load %arg7[%get3A_2342] {strides = array<i32>} : memref<320xi32, #tpu.memory_space<vmem>>, vector<16xi32>,
      %get3A_2344 = vector.shape_cast %get3A_2343 : vector<16xi32> to vector<16xi32>
      %get3A_2345 = arith.constant 160 : index
      %get3A_2346 = tpu.vector_load %arg8[%get3A_2345] {strides = array<i32>} : memref<320xi32, #tpu.memory_space<vmem>>, vector<16xi32>,
      %get3A_2347 = vector.shape_cast %get3A_2346 : vector<16xi32> to vector<16xi32>
      %mul3A_2348 = arith.constant 16 : i32
      %mul3A_2349 = vector.broadcast %mul3A_2348 : i32 to vector<16xi32>
      %mul3A_2350 = arith.muli %get3A_2347, %mul3A_2349 : vector<16xi32>
      %add3A_2351 = arith.addi %mul3A_2350, %get3A_2344 : vector<16xi32>
      %swap3A_2352 = arith.constant 2 : i32
      %swap3A_2353 = arith.index_cast %swap3A_2352 : i32 to index
      %swap3A_2354 = arith.constant 32 : index
      %swap3A_2355 = tpu.vector_load %arg9[%swap3A_2353, %swap3A_2354] {strides = array<i32>} : memref<5x64xi32, #tpu.memory_space<vmem>>, vector<1x16xi32>,
      %swap3A_2356 = vector.shape_cast %swap3A_2355 : vector<1x16xi32> to vector<16xi32>
      %swap3A_2357 = vector.shape_cast %add3A_2351 : vector<16xi32> to vector<1x16xi32>
      tpu.vector_store %arg9[%swap3A_2353, %swap3A_2354], %swap3A_2357 {strides = array<i32>} : memref<5x64xi32, #tpu.memory_space<vmem>>, vector<1x16xi32>,
      %get3A_2358 = arith.constant 176 : index
      %get3A_2359 = tpu.vector_load %arg7[%get3A_2358] {strides = array<i32>} : memref<320xi32, #tpu.memory_space<vmem>>, vector<16xi32>,
      %get3A_2360 = vector.shape_cast %get3A_2359 : vector<16xi32> to vector<16xi32>
      %get3A_2361 = arith.constant 176 : index
      %get3A_2362 = tpu.vector_load %arg8[%get3A_2361] {strides = array<i32>} : memref<320xi32, #tpu.memory_space<vmem>>, vector<16xi32>,
      %get3A_2363 = vector.shape_cast %get3A_2362 : vector<16xi32> to vector<16xi32>
      %mul3A_2364 = arith.constant 16 : i32
      %mul3A_2365 = vector.broadcast %mul3A_2364 : i32 to vector<16xi32>
      %mul3A_2366 = arith.muli %get3A_2363, %mul3A_2365 : vector<16xi32>
      %add3A_2367 = arith.addi %mul3A_2366, %get3A_2360 : vector<16xi32>
      %swap3A_2368 = arith.constant 2 : i32
      %swap3A_2369 = arith.index_cast %swap3A_2368 : i32 to index
      %swap3A_2370 = arith.constant 48 : index
      %swap3A_2371 = tpu.vector_load %arg9[%swap3A_2369, %swap3A_2370] {strides = array<i32>} : memref<5x64xi32, #tpu.memory_space<vmem>>, vector<1x16xi32>,
      %swap3A_2372 = vector.shape_cast %swap3A_2371 : vector<1x16xi32> to vector<16xi32>
      %swap3A_2373 = vector.shape_cast %add3A_2367 : vector<16xi32> to vector<1x16xi32>
      tpu.vector_store %arg9[%swap3A_2369, %swap3A_2370], %swap3A_2373 {strides = array<i32>} : memref<5x64xi32, #tpu.memory_space<vmem>>, vector<1x16xi32>,
      %get3A_2374 = arith.constant 192 : index
      %get3A_2375 = tpu.vector_load %arg7[%get3A_2374] {strides = array<i32>} : memref<320xi32, #tpu.memory_space<vmem>>, vector<16xi32>,
      %get3A_2376 = vector.shape_cast %get3A_2375 : vector<16xi32> to vector<16xi32>
      %get3A_2377 = arith.constant 192 : index
      %get3A_2378 = tpu.vector_load %arg8[%get3A_2377] {strides = array<i32>} : memref<320xi32, #tpu.memory_space<vmem>>, vector<16xi32>,
      %get3A_2379 = vector.shape_cast %get3A_2378 : vector<16xi32> to vector<16xi32>
      %mul3A_2380 = arith.constant 16 : i32
      %mul3A_2381 = vector.broadcast %mul3A_2380 : i32 to vector<16xi32>
      %mul3A_2382 = arith.muli %get3A_2379, %mul3A_2381 : vector<16xi32>
      %add3A_2383 = arith.addi %mul3A_2382, %get3A_2376 : vector<16xi32>
      %swap3A_2384 = arith.constant 3 : i32
      %swap3A_2385 = arith.index_cast %swap3A_2384 : i32 to index
      %swap3A_2386 = arith.constant 0 : index
      %swap3A_2387 = tpu.vector_load %arg9[%swap3A_2385, %swap3A_2386] {strides = array<i32>} : memref<5x64xi32, #tpu.memory_space<vmem>>, vector<1x16xi32>,
      %swap3A_2388 = vector.shape_cast %swap3A_2387 : vector<1x16xi32> to vector<16xi32>
      %swap3A_2389 = vector.shape_cast %add3A_2383 : vector<16xi32> to vector<1x16xi32>
      tpu.vector_store %arg9[%swap3A_2385, %swap3A_2386], %swap3A_2389 {strides = array<i32>} : memref<5x64xi32, #tpu.memory_space<vmem>>, vector<1x16xi32>,
      %get3A_2390 = arith.constant 208 : index
      %get3A_2391 = tpu.vector_load %arg7[%get3A_2390] {strides = array<i32>} : memref<320xi32, #tpu.memory_space<vmem>>, vector<16xi32>,
      %get3A_2392 = vector.shape_cast %get3A_2391 : vector<16xi32> to vector<16xi32>
      %get3A_2393 = arith.constant 208 : index
      %get3A_2394 = tpu.vector_load %arg8[%get3A_2393] {strides = array<i32>} : memref<320xi32, #tpu.memory_space<vmem>>, vector<16xi32>,
      %get3A_2395 = vector.shape_cast %get3A_2394 : vector<16xi32> to vector<16xi32>
      %mul3A_2396 = arith.constant 16 : i32
      %mul3A_2397 = vector.broadcast %mul3A_2396 : i32 to vector<16xi32>
      %mul3A_2398 = arith.muli %get3A_2395, %mul3A_2397 : vector<16xi32>
      %add3A_2399 = arith.addi %mul3A_2398, %get3A_2392 : vector<16xi32>
      %swap3A_2400 = arith.constant 3 : i32
      %swap3A_2401 = arith.index_cast %swap3A_2400 : i32 to index
      %swap3A_2402 = arith.constant 16 : index
      %swap3A_2403 = tpu.vector_load %arg9[%swap3A_2401, %swap3A_2402] {strides = array<i32>} : memref<5x64xi32, #tpu.memory_space<vmem>>, vector<1x16xi32>,
      %swap3A_2404 = vector.shape_cast %swap3A_2403 : vector<1x16xi32> to vector<16xi32>
      %swap3A_2405 = vector.shape_cast %add3A_2399 : vector<16xi32> to vector<1x16xi32>
      tpu.vector_store %arg9[%swap3A_2401, %swap3A_2402], %swap3A_2405 {strides = array<i32>} : memref<5x64xi32, #tpu.memory_space<vmem>>, vector<1x16xi32>,
      %get3A_2406 = arith.constant 224 : index
      %get3A_2407 = tpu.vector_load %arg7[%get3A_2406] {strides = array<i32>} : memref<320xi32, #tpu.memory_space<vmem>>, vector<16xi32>,
      %get3A_2408 = vector.shape_cast %get3A_2407 : vector<16xi32> to vector<16xi32>
      %get3A_2409 = arith.constant 224 : index
      %get3A_2410 = tpu.vector_load %arg8[%get3A_2409] {strides = array<i32>} : memref<320xi32, #tpu.memory_space<vmem>>, vector<16xi32>,
      %get3A_2411 = vector.shape_cast %get3A_2410 : vector<16xi32> to vector<16xi32>
      %mul3A_2412 = arith.constant 16 : i32
      %mul3A_2413 = vector.broadcast %mul3A_2412 : i32 to vector<16xi32>
      %mul3A_2414 = arith.muli %get3A_2411, %mul3A_2413 : vector<16xi32>
      %add3A_2415 = arith.addi %mul3A_2414, %get3A_2408 : vector<16xi32>
      %swap3A_2416 = arith.constant 3 : i32
      %swap3A_2417 = arith.index_cast %swap3A_2416 : i32 to index
      %swap3A_2418 = arith.constant 32 : index
      %swap3A_2419 = tpu.vector_load %arg9[%swap3A_2417, %swap3A_2418] {strides = array<i32>} : memref<5x64xi32, #tpu.memory_space<vmem>>, vector<1x16xi32>,
      %swap3A_2420 = vector.shape_cast %swap3A_2419 : vector<1x16xi32> to vector<16xi32>
      %swap3A_2421 = vector.shape_cast %add3A_2415 : vector<16xi32> to vector<1x16xi32>
      tpu.vector_store %arg9[%swap3A_2417, %swap3A_2418], %swap3A_2421 {strides = array<i32>} : memref<5x64xi32, #tpu.memory_space<vmem>>, vector<1x16xi32>,
      %get3A_2422 = arith.constant 240 : index
      %get3A_2423 = tpu.vector_load %arg7[%get3A_2422] {strides = array<i32>} : memref<320xi32, #tpu.memory_space<vmem>>, vector<16xi32>,
      %get3A_2424 = vector.shape_cast %get3A_2423 : vector<16xi32> to vector<16xi32>
      %get3A_2425 = arith.constant 240 : index
      %get3A_2426 = tpu.vector_load %arg8[%get3A_2425] {strides = array<i32>} : memref<320xi32, #tpu.memory_space<vmem>>, vector<16xi32>,
      %get3A_2427 = vector.shape_cast %get3A_2426 : vector<16xi32> to vector<16xi32>
      %mul3A_2428 = arith.constant 16 : i32
      %mul3A_2429 = vector.broadcast %mul3A_2428 : i32 to vector<16xi32>
      %mul3A_2430 = arith.muli %get3A_2427, %mul3A_2429 : vector<16xi32>
      %add3A_2431 = arith.addi %mul3A_2430, %get3A_2424 : vector<16xi32>
      %swap3A_2432 = arith.constant 3 : i32
      %swap3A_2433 = arith.index_cast %swap3A_2432 : i32 to index
      %swap3A_2434 = arith.constant 48 : index
      %swap3A_2435 = tpu.vector_load %arg9[%swap3A_2433, %swap3A_2434] {strides = array<i32>} : memref<5x64xi32, #tpu.memory_space<vmem>>, vector<1x16xi32>,
      %swap3A_2436 = vector.shape_cast %swap3A_2435 : vector<1x16xi32> to vector<16xi32>
      %swap3A_2437 = vector.shape_cast %add3A_2431 : vector<16xi32> to vector<1x16xi32>
      tpu.vector_store %arg9[%swap3A_2433, %swap3A_2434], %swap3A_2437 {strides = array<i32>} : memref<5x64xi32, #tpu.memory_space<vmem>>, vector<1x16xi32>,
      %get3A_2438 = arith.constant 256 : index
      %get3A_2439 = tpu.vector_load %arg7[%get3A_2438] {strides = array<i32>} : memref<320xi32, #tpu.memory_space<vmem>>, vector<16xi32>,
      %get3A_2440 = vector.shape_cast %get3A_2439 : vector<16xi32> to vector<16xi32>
      %get3A_2441 = arith.constant 256 : index
      %get3A_2442 = tpu.vector_load %arg8[%get3A_2441] {strides = array<i32>} : memref<320xi32, #tpu.memory_space<vmem>>, vector<16xi32>,
      %get3A_2443 = vector.shape_cast %get3A_2442 : vector<16xi32> to vector<16xi32>
      %mul3A_2444 = arith.constant 16 : i32
      %mul3A_2445 = vector.broadcast %mul3A_2444 : i32 to vector<16xi32>
      %mul3A_2446 = arith.muli %get3A_2443, %mul3A_2445 : vector<16xi32>
      %add3A_2447 = arith.addi %mul3A_2446, %get3A_2440 : vector<16xi32>
      %swap3A_2448 = arith.constant 4 : i32
      %swap3A_2449 = arith.index_cast %swap3A_2448 : i32 to index
      %swap3A_2450 = arith.constant 0 : index
      %swap3A_2451 = tpu.vector_load %arg9[%swap3A_2449, %swap3A_2450] {strides = array<i32>} : memref<5x64xi32, #tpu.memory_space<vmem>>, vector<1x16xi32>,
      %swap3A_2452 = vector.shape_cast %swap3A_2451 : vector<1x16xi32> to vector<16xi32>
      %swap3A_2453 = vector.shape_cast %add3A_2447 : vector<16xi32> to vector<1x16xi32>
      tpu.vector_store %arg9[%swap3A_2449, %swap3A_2450], %swap3A_2453 {strides = array<i32>} : memref<5x64xi32, #tpu.memory_space<vmem>>, vector<1x16xi32>,
      %get3A_2454 = arith.constant 272 : index
      %get3A_2455 = tpu.vector_load %arg7[%get3A_2454] {strides = array<i32>} : memref<320xi32, #tpu.memory_space<vmem>>, vector<16xi32>,
      %get3A_2456 = vector.shape_cast %get3A_2455 : vector<16xi32> to vector<16xi32>
      %get3A_2457 = arith.constant 272 : index
      %get3A_2458 = tpu.vector_load %arg8[%get3A_2457] {strides = array<i32>} : memref<320xi32, #tpu.memory_space<vmem>>, vector<16xi32>,
      %get3A_2459 = vector.shape_cast %get3A_2458 : vector<16xi32> to vector<16xi32>
      %mul3A_2460 = arith.constant 16 : i32
      %mul3A_2461 = vector.broadcast %mul3A_2460 : i32 to vector<16xi32>
      %mul3A_2462 = arith.muli %get3A_2459, %mul3A_2461 : vector<16xi32>
      %add3A_2463 = arith.addi %mul3A_2462, %get3A_2456 : vector<16xi32>
      %swap3A_2464 = arith.constant 4 : i32
      %swap3A_2465 = arith.index_cast %swap3A_2464 : i32 to index
      %swap3A_2466 = arith.constant 16 : index
      %swap3A_2467 = tpu.vector_load %arg9[%swap3A_2465, %swap3A_2466] {strides = array<i32>} : memref<5x64xi32, #tpu.memory_space<vmem>>, vector<1x16xi32>,
      %swap3A_2468 = vector.shape_cast %swap3A_2467 : vector<1x16xi32> to vector<16xi32>
      %swap3A_2469 = vector.shape_cast %add3A_2463 : vector<16xi32> to vector<1x16xi32>
      tpu.vector_store %arg9[%swap3A_2465, %swap3A_2466], %swap3A_2469 {strides = array<i32>} : memref<5x64xi32, #tpu.memory_space<vmem>>, vector<1x16xi32>,
      %get3A_2470 = arith.constant 288 : index
      %get3A_2471 = tpu.vector_load %arg7[%get3A_2470] {strides = array<i32>} : memref<320xi32, #tpu.memory_space<vmem>>, vector<16xi32>,
      %get3A_2472 = vector.shape_cast %get3A_2471 : vector<16xi32> to vector<16xi32>
      %get3A_2473 = arith.constant 288 : index
      %get3A_2474 = tpu.vector_load %arg8[%get3A_2473] {strides = array<i32>} : memref<320xi32, #tpu.memory_space<vmem>>, vector<16xi32>,
      %get3A_2475 = vector.shape_cast %get3A_2474 : vector<16xi32> to vector<16xi32>
      %mul3A_2476 = arith.constant 16 : i32
      %mul3A_2477 = vector.broadcast %mul3A_2476 : i32 to vector<16xi32>
      %mul3A_2478 = arith.muli %get3A_2475, %mul3A_2477 : vector<16xi32>
      %add3A_2479 = arith.addi %mul3A_2478, %get3A_2472 : vector<16xi32>
      %swap3A_2480 = arith.constant 4 : i32
      %swap3A_2481 = arith.index_cast %swap3A_2480 : i32 to index
      %swap3A_2482 = arith.constant 32 : index
      %swap3A_2483 = tpu.vector_load %arg9[%swap3A_2481, %swap3A_2482] {strides = array<i32>} : memref<5x64xi32, #tpu.memory_space<vmem>>, vector<1x16xi32>,
      %swap3A_2484 = vector.shape_cast %swap3A_2483 : vector<1x16xi32> to vector<16xi32>
      %swap3A_2485 = vector.shape_cast %add3A_2479 : vector<16xi32> to vector<1x16xi32>
      tpu.vector_store %arg9[%swap3A_2481, %swap3A_2482], %swap3A_2485 {strides = array<i32>} : memref<5x64xi32, #tpu.memory_space<vmem>>, vector<1x16xi32>,
      %get3A_2486 = arith.constant 304 : index
      %get3A_2487 = tpu.vector_load %arg7[%get3A_2486] {strides = array<i32>} : memref<320xi32, #tpu.memory_space<vmem>>, vector<16xi32>,
      %get3A_2488 = vector.shape_cast %get3A_2487 : vector<16xi32> to vector<16xi32>
      %get3A_2489 = arith.constant 304 : index
      %get3A_2490 = tpu.vector_load %arg8[%get3A_2489] {strides = array<i32>} : memref<320xi32, #tpu.memory_space<vmem>>, vector<16xi32>,
      %get3A_2491 = vector.shape_cast %get3A_2490 : vector<16xi32> to vector<16xi32>
      %mul3A_2492 = arith.constant 16 : i32
      %mul3A_2493 = vector.broadcast %mul3A_2492 : i32 to vector<16xi32>
      %mul3A_2494 = arith.muli %get3A_2491, %mul3A_2493 : vector<16xi32>
      %add3A_2495 = arith.addi %mul3A_2494, %get3A_2488 : vector<16xi32>
      %swap3A_2496 = arith.constant 4 : i32
      %swap3A_2497 = arith.index_cast %swap3A_2496 : i32 to index
      %swap3A_2498 = arith.constant 48 : index
      %swap3A_2499 = tpu.vector_load %arg9[%swap3A_2497, %swap3A_2498] {strides = array<i32>} : memref<5x64xi32, #tpu.memory_space<vmem>>, vector<1x16xi32>,
      %swap3A_2500 = vector.shape_cast %swap3A_2499 : vector<1x16xi32> to vector<16xi32>
      %swap3A_2501 = vector.shape_cast %add3A_2495 : vector<16xi32> to vector<1x16xi32>
      tpu.vector_store %arg9[%swap3A_2497, %swap3A_2498], %swap3A_2501 {strides = array<i32>} : memref<5x64xi32, #tpu.memory_space<vmem>>, vector<1x16xi32>,
      %dma_start3A_2502 = arith.constant 0 : i32
      %dma_start3A_2503 = arith.constant 0 : i32
      %dma_start3A_2504 = arith.constant 0 : i32
      %dma_start3A_2505 = tpu.memref_slice %arg12[%dma_start3A_2503, %dma_start3A_2504] : memref<320x128xf32, #tpu.memory_space<vmem>> -> memref<64x128xf32, #tpu.memory_space<vmem>>
      %dma_start3A_2506 = arith.constant 0 : i32
      %dma_start3A_2507 = tpu.memref_slice %arg9[%dma_start3A_2502, %dma_start3A_2506] : memref<5x64xi32, #tpu.memory_space<vmem>> -> memref<1x64xi32, #tpu.memory_space<vmem>>
      %dma_start3A_2508 = tpu.memref_squeeze %dma_start3A_2507 : memref<1x64xi32, #tpu.memory_space<vmem>> -> memref<64xi32, #tpu.memory_space<vmem>>
      %dma_start3A_2509 = arith.constant 0 : i32
      %dma_start3A_2510 = arith.constant 0 : i32
      %dma_start3A_2511 = tpu.memref_slice %arg6[%dma_start3A_2509, %dma_start3A_2510] : memref<48x128xf32, #tpu.memory_space<vmem_shared>> -> memref<48x128xf32, #tpu.memory_space<vmem_shared>>
      tpu.enqueue_indirect_dma source(%dma_start3A_2511 : memref<48x128xf32, #tpu.memory_space<vmem_shared>>) target(%dma_start3A_2505 : memref<64x128xf32, #tpu.memory_space<vmem>>) offsets(%dma_start3A_2508 : memref<64xi32, #tpu.memory_space<vmem>>) semaphore(%arg15 : memref<!tpu.dma_semaphore, #tpu.memory_space<semaphore_mem>>)
      %dma_start3A_2512 = arith.constant 1 : i32
      %dma_start3A_2513 = arith.constant 64 : i32
      %dma_start3A_2514 = arith.constant 0 : i32
      %dma_start3A_2515 = tpu.memref_slice %arg12[%dma_start3A_2513, %dma_start3A_2514] : memref<320x128xf32, #tpu.memory_space<vmem>> -> memref<64x128xf32, #tpu.memory_space<vmem>>
      %dma_start3A_2516 = arith.constant 0 : i32
      %dma_start3A_2517 = tpu.memref_slice %arg9[%dma_start3A_2512, %dma_start3A_2516] : memref<5x64xi32, #tpu.memory_space<vmem>> -> memref<1x64xi32, #tpu.memory_space<vmem>>
      %dma_start3A_2518 = tpu.memref_squeeze %dma_start3A_2517 : memref<1x64xi32, #tpu.memory_space<vmem>> -> memref<64xi32, #tpu.memory_space<vmem>>
      %dma_start3A_2519 = arith.constant 0 : i32
      %dma_start3A_2520 = arith.constant 0 : i32
      %dma_start3A_2521 = tpu.memref_slice %arg6[%dma_start3A_2519, %dma_start3A_2520] : memref<48x128xf32, #tpu.memory_space<vmem_shared>> -> memref<48x128xf32, #tpu.memory_space<vmem_shared>>
      tpu.enqueue_indirect_dma source(%dma_start3A_2521 : memref<48x128xf32, #tpu.memory_space<vmem_shared>>) target(%dma_start3A_2515 : memref<64x128xf32, #tpu.memory_space<vmem>>) offsets(%dma_start3A_2518 : memref<64xi32, #tpu.memory_space<vmem>>) semaphore(%arg15 : memref<!tpu.dma_semaphore, #tpu.memory_space<semaphore_mem>>)
      %dma_start3A_2522 = arith.constant 2 : i32
      %dma_start3A_2523 = arith.constant 128 : i32
      %dma_start3A_2524 = arith.constant 0 : i32
      %dma_start3A_2525 = tpu.memref_slice %arg12[%dma_start3A_2523, %dma_start3A_2524] : memref<320x128xf32, #tpu.memory_space<vmem>> -> memref<64x128xf32, #tpu.memory_space<vmem>>
      %dma_start3A_2526 = arith.constant 0 : i32
      %dma_start3A_2527 = tpu.memref_slice %arg9[%dma_start3A_2522, %dma_start3A_2526] : memref<5x64xi32, #tpu.memory_space<vmem>> -> memref<1x64xi32, #tpu.memory_space<vmem>>
      %dma_start3A_2528 = tpu.memref_squeeze %dma_start3A_2527 : memref<1x64xi32, #tpu.memory_space<vmem>> -> memref<64xi32, #tpu.memory_space<vmem>>
      %dma_start3A_2529 = arith.constant 0 : i32
      %dma_start3A_2530 = arith.constant 0 : i32
      %dma_start3A_2531 = tpu.memref_slice %arg6[%dma_start3A_2529, %dma_start3A_2530] : memref<48x128xf32, #tpu.memory_space<vmem_shared>> -> memref<48x128xf32, #tpu.memory_space<vmem_shared>>
      tpu.enqueue_indirect_dma source(%dma_start3A_2531 : memref<48x128xf32, #tpu.memory_space<vmem_shared>>) target(%dma_start3A_2525 : memref<64x128xf32, #tpu.memory_space<vmem>>) offsets(%dma_start3A_2528 : memref<64xi32, #tpu.memory_space<vmem>>) semaphore(%arg15 : memref<!tpu.dma_semaphore, #tpu.memory_space<semaphore_mem>>)
      %dma_start3A_2532 = arith.constant 3 : i32
      %dma_start3A_2533 = arith.constant 192 : i32
      %dma_start3A_2534 = arith.constant 0 : i32
      %dma_start3A_2535 = tpu.memref_slice %arg12[%dma_start3A_2533, %dma_start3A_2534] : memref<320x128xf32, #tpu.memory_space<vmem>> -> memref<64x128xf32, #tpu.memory_space<vmem>>
      %dma_start3A_2536 = arith.constant 0 : i32
      %dma_start3A_2537 = tpu.memref_slice %arg9[%dma_start3A_2532, %dma_start3A_2536] : memref<5x64xi32, #tpu.memory_space<vmem>> -> memref<1x64xi32, #tpu.memory_space<vmem>>
      %dma_start3A_2538 = tpu.memref_squeeze %dma_start3A_2537 : memref<1x64xi32, #tpu.memory_space<vmem>> -> memref<64xi32, #tpu.memory_space<vmem>>
      %dma_start3A_2539 = arith.constant 0 : i32
      %dma_start3A_2540 = arith.constant 0 : i32
      %dma_start3A_2541 = tpu.memref_slice %arg6[%dma_start3A_2539, %dma_start3A_2540] : memref<48x128xf32, #tpu.memory_space<vmem_shared>> -> memref<48x128xf32, #tpu.memory_space<vmem_shared>>
      tpu.enqueue_indirect_dma source(%dma_start3A_2541 : memref<48x128xf32, #tpu.memory_space<vmem_shared>>) target(%dma_start3A_2535 : memref<64x128xf32, #tpu.memory_space<vmem>>) offsets(%dma_start3A_2538 : memref<64xi32, #tpu.memory_space<vmem>>) semaphore(%arg15 : memref<!tpu.dma_semaphore, #tpu.memory_space<semaphore_mem>>)
      %dma_start3A_2542 = arith.constant 4 : i32
      %dma_start3A_2543 = arith.constant 256 : i32
      %dma_start3A_2544 = arith.constant 0 : i32
      %dma_start3A_2545 = tpu.memref_slice %arg12[%dma_start3A_2543, %dma_start3A_2544] : memref<320x128xf32, #tpu.memory_space<vmem>> -> memref<64x128xf32, #tpu.memory_space<vmem>>
      %dma_start3A_2546 = arith.constant 0 : i32
      %dma_start3A_2547 = tpu.memref_slice %arg9[%dma_start3A_2542, %dma_start3A_2546] : memref<5x64xi32, #tpu.memory_space<vmem>> -> memref<1x64xi32, #tpu.memory_space<vmem>>
      %dma_start3A_2548 = tpu.memref_squeeze %dma_start3A_2547 : memref<1x64xi32, #tpu.memory_space<vmem>> -> memref<64xi32, #tpu.memory_space<vmem>>
      %dma_start3A_2549 = arith.constant 0 : i32
      %dma_start3A_2550 = arith.constant 0 : i32
      %dma_start3A_2551 = tpu.memref_slice %arg6[%dma_start3A_2549, %dma_start3A_2550] : memref<48x128xf32, #tpu.memory_space<vmem_shared>> -> memref<48x128xf32, #tpu.memory_space<vmem_shared>>
      tpu.enqueue_indirect_dma source(%dma_start3A_2551 : memref<48x128xf32, #tpu.memory_space<vmem_shared>>) target(%dma_start3A_2545 : memref<64x128xf32, #tpu.memory_space<vmem>>) offsets(%dma_start3A_2548 : memref<64xi32, #tpu.memory_space<vmem>>) semaphore(%arg15 : memref<!tpu.dma_semaphore, #tpu.memory_space<semaphore_mem>>)
      %dma_wait3A_2552 = arith.constant 0 : i32
      %dma_wait3A_2553 = arith.constant 0 : i32
      %dma_wait3A_2554 = arith.constant 0 : i32
      %dma_wait3A_2555 = tpu.memref_slice %arg14[%dma_wait3A_2553, %dma_wait3A_2554] : memref<320x128xf32, #tpu.memory_space<vmem>> -> memref<64x128xf32, #tpu.memory_space<vmem>>
      %dma_wait3A_2556 = arith.constant 0 : i32
      %dma_wait3A_2557 = tpu.memref_slice %arg11[%dma_wait3A_2552, %dma_wait3A_2556] : memref<5x64xi32, #tpu.memory_space<vmem>> -> memref<1x64xi32, #tpu.memory_space<vmem>>
      %dma_wait3A_2558 = tpu.memref_squeeze %dma_wait3A_2557 : memref<1x64xi32, #tpu.memory_space<vmem>> -> memref<64xi32, #tpu.memory_space<vmem>>
      %dma_wait3A_2559 = arith.constant 0 : i32
      %dma_wait3A_2560 = arith.constant 0 : i32
      %dma_wait3A_2561 = tpu.memref_slice %arg6[%dma_wait3A_2559, %dma_wait3A_2560] : memref<48x128xf32, #tpu.memory_space<vmem_shared>> -> memref<48x128xf32, #tpu.memory_space<vmem_shared>>
      tpu.wait_indirect_dma semaphore(%arg17 : memref<!tpu.dma_semaphore, #tpu.memory_space<semaphore_mem>>) src(%dma_wait3A_2561 : memref<48x128xf32, #tpu.memory_space<vmem_shared>>) dst(%dma_wait3A_2555 : memref<64x128xf32, #tpu.memory_space<vmem>>)
      %dma_wait3A_2562 = arith.constant 1 : i32
      %dma_wait3A_2563 = arith.constant 64 : i32
      %dma_wait3A_2564 = arith.constant 0 : i32
      %dma_wait3A_2565 = tpu.memref_slice %arg14[%dma_wait3A_2563, %dma_wait3A_2564] : memref<320x128xf32, #tpu.memory_space<vmem>> -> memref<64x128xf32, #tpu.memory_space<vmem>>
      %dma_wait3A_2566 = arith.constant 0 : i32
      %dma_wait3A_2567 = tpu.memref_slice %arg11[%dma_wait3A_2562, %dma_wait3A_2566] : memref<5x64xi32, #tpu.memory_space<vmem>> -> memref<1x64xi32, #tpu.memory_space<vmem>>
      %dma_wait3A_2568 = tpu.memref_squeeze %dma_wait3A_2567 : memref<1x64xi32, #tpu.memory_space<vmem>> -> memref<64xi32, #tpu.memory_space<vmem>>
      %dma_wait3A_2569 = arith.constant 0 : i32
      %dma_wait3A_2570 = arith.constant 0 : i32
      %dma_wait3A_2571 = tpu.memref_slice %arg6[%dma_wait3A_2569, %dma_wait3A_2570] : memref<48x128xf32, #tpu.memory_space<vmem_shared>> -> memref<48x128xf32, #tpu.memory_space<vmem_shared>>
      tpu.wait_indirect_dma semaphore(%arg17 : memref<!tpu.dma_semaphore, #tpu.memory_space<semaphore_mem>>) src(%dma_wait3A_2571 : memref<48x128xf32, #tpu.memory_space<vmem_shared>>) dst(%dma_wait3A_2565 : memref<64x128xf32, #tpu.memory_space<vmem>>)
      %dma_wait3A_2572 = arith.constant 2 : i32
      %dma_wait3A_2573 = arith.constant 128 : i32
      %dma_wait3A_2574 = arith.constant 0 : i32
      %dma_wait3A_2575 = tpu.memref_slice %arg14[%dma_wait3A_2573, %dma_wait3A_2574] : memref<320x128xf32, #tpu.memory_space<vmem>> -> memref<64x128xf32, #tpu.memory_space<vmem>>
      %dma_wait3A_2576 = arith.constant 0 : i32
      %dma_wait3A_2577 = tpu.memref_slice %arg11[%dma_wait3A_2572, %dma_wait3A_2576] : memref<5x64xi32, #tpu.memory_space<vmem>> -> memref<1x64xi32, #tpu.memory_space<vmem>>
      %dma_wait3A_2578 = tpu.memref_squeeze %dma_wait3A_2577 : memref<1x64xi32, #tpu.memory_space<vmem>> -> memref<64xi32, #tpu.memory_space<vmem>>
      %dma_wait3A_2579 = arith.constant 0 : i32
      %dma_wait3A_2580 = arith.constant 0 : i32
      %dma_wait3A_2581 = tpu.memref_slice %arg6[%dma_wait3A_2579, %dma_wait3A_2580] : memref<48x128xf32, #tpu.memory_space<vmem_shared>> -> memref<48x128xf32, #tpu.memory_space<vmem_shared>>
      tpu.wait_indirect_dma semaphore(%arg17 : memref<!tpu.dma_semaphore, #tpu.memory_space<semaphore_mem>>) src(%dma_wait3A_2581 : memref<48x128xf32, #tpu.memory_space<vmem_shared>>) dst(%dma_wait3A_2575 : memref<64x128xf32, #tpu.memory_space<vmem>>)
      %dma_wait3A_2582 = arith.constant 3 : i32
      %dma_wait3A_2583 = arith.constant 192 : i32
      %dma_wait3A_2584 = arith.constant 0 : i32
      %dma_wait3A_2585 = tpu.memref_slice %arg14[%dma_wait3A_2583, %dma_wait3A_2584] : memref<320x128xf32, #tpu.memory_space<vmem>> -> memref<64x128xf32, #tpu.memory_space<vmem>>
      %dma_wait3A_2586 = arith.constant 0 : i32
      %dma_wait3A_2587 = tpu.memref_slice %arg11[%dma_wait3A_2582, %dma_wait3A_2586] : memref<5x64xi32, #tpu.memory_space<vmem>> -> memref<1x64xi32, #tpu.memory_space<vmem>>
      %dma_wait3A_2588 = tpu.memref_squeeze %dma_wait3A_2587 : memref<1x64xi32, #tpu.memory_space<vmem>> -> memref<64xi32, #tpu.memory_space<vmem>>
      %dma_wait3A_2589 = arith.constant 0 : i32
      %dma_wait3A_2590 = arith.constant 0 : i32
      %dma_wait3A_2591 = tpu.memref_slice %arg6[%dma_wait3A_2589, %dma_wait3A_2590] : memref<48x128xf32, #tpu.memory_space<vmem_shared>> -> memref<48x128xf32, #tpu.memory_space<vmem_shared>>
      tpu.wait_indirect_dma semaphore(%arg17 : memref<!tpu.dma_semaphore, #tpu.memory_space<semaphore_mem>>) src(%dma_wait3A_2591 : memref<48x128xf32, #tpu.memory_space<vmem_shared>>) dst(%dma_wait3A_2585 : memref<64x128xf32, #tpu.memory_space<vmem>>)
      %dma_wait3A_2592 = arith.constant 4 : i32
      %dma_wait3A_2593 = arith.constant 256 : i32
      %dma_wait3A_2594 = arith.constant 0 : i32
      %dma_wait3A_2595 = tpu.memref_slice %arg14[%dma_wait3A_2593, %dma_wait3A_2594] : memref<320x128xf32, #tpu.memory_space<vmem>> -> memref<64x128xf32, #tpu.memory_space<vmem>>
      %dma_wait3A_2596 = arith.constant 0 : i32
      %dma_wait3A_2597 = tpu.memref_slice %arg11[%dma_wait3A_2592, %dma_wait3A_2596] : memref<5x64xi32, #tpu.memory_space<vmem>> -> memref<1x64xi32, #tpu.memory_space<vmem>>
      %dma_wait3A_2598 = tpu.memref_squeeze %dma_wait3A_2597 : memref<1x64xi32, #tpu.memory_space<vmem>> -> memref<64xi32, #tpu.memory_space<vmem>>
      %dma_wait3A_2599 = arith.constant 0 : i32
      %dma_wait3A_2600 = arith.constant 0 : i32
      %dma_wait3A_2601 = tpu.memref_slice %arg6[%dma_wait3A_2599, %dma_wait3A_2600] : memref<48x128xf32, #tpu.memory_space<vmem_shared>> -> memref<48x128xf32, #tpu.memory_space<vmem_shared>>
      tpu.wait_indirect_dma semaphore(%arg17 : memref<!tpu.dma_semaphore, #tpu.memory_space<semaphore_mem>>) src(%dma_wait3A_2601 : memref<48x128xf32, #tpu.memory_space<vmem_shared>>) dst(%dma_wait3A_2595 : memref<64x128xf32, #tpu.memory_space<vmem>>)
      %mul3A_2602 = arith.constant 320 : i32
      %mul3A_2603 = arith.muli %add3A_2172, %mul3A_2602 : i32
      %add3A_2604 = arith.addi %mul3A_2, %mul3A_2603 : i32
      %dma_start3A_2605 = arith.constant 0 : i32
      %dma_start3A_2606 = tpu.memref_slice %arg5[%add3A_2604, %dma_start3A_2605] : memref<819200x128xf32, #tpu.memory_space<hbm>> -> memref<320x128xf32, #tpu.memory_space<hbm>>
      %dma_start3A_2607 = arith.constant 0 : i32
      %dma_start3A_2608 = tpu.memref_slice %arg5[%add3A_2604, %dma_start3A_2607] : memref<819200x128xf32, #tpu.memory_space<hbm>> -> memref<320x128xf32, #tpu.memory_space<hbm>>
      tpu.enqueue_dma source(%arg14 : memref<320x128xf32, #tpu.memory_space<vmem>>) target(%dma_start3A_2608 : memref<320x128xf32, #tpu.memory_space<hbm>>) target_semaphore(%arg20 : memref<!tpu.dma_semaphore, #tpu.memory_space<semaphore_mem>>)
      %add3A_2609 = arith.constant 1 : i32
      %add3A_2610 = arith.addi %add3A_2170, %add3A_2609 : i32
      %dma_wait3A_2611 = arith.constant 0 : i32
      %dma_wait3A_2612 = tpu.memref_slice %arg5[%mul3A_2, %dma_wait3A_2611] : memref<819200x128xf32, #tpu.memory_space<hbm>> -> memref<320x128xf32, #tpu.memory_space<hbm>>
      %dma_wait3A_2613 = arith.constant 0 : i32
      %dma_wait3A_2614 = tpu.memref_slice %arg5[%mul3A_2, %dma_wait3A_2613] : memref<819200x128xf32, #tpu.memory_space<hbm>> -> memref<320x128xf32, #tpu.memory_space<hbm>>
      tpu.wait_dma2 semaphore(%arg19 : memref<!tpu.dma_semaphore, #tpu.memory_space<semaphore_mem>>) src(%arg13 : memref<320x128xf32, #tpu.memory_space<vmem>>) dst(%dma_wait3A_2614 : memref<320x128xf32, #tpu.memory_space<hbm>>)
      %add3A_2615 = arith.constant 1 : i32
      %add3A_2616 = arith.addi %add3A_2610, %add3A_2615 : i32
      %mul3A_2617 = arith.constant 320 : i32
      %mul3A_2618 = arith.muli %add3A_2616, %mul3A_2617 : i32
      %add3A_2619 = arith.addi %mul3A_2, %mul3A_2618 : i32
      "tpu.region"() ({
        %run_scoped3A = tpu.sem_alloc : memref<!tpu.dma_semaphore, #tpu.memory_space<semaphore_mem>>
        %dma_start3A_3485 = tpu.memref_slice %arg3[%add3A_2619] : memref<819200xi32, #tpu.memory_space<hbm>> -> memref<320xi32, #tpu.memory_space<hbm>>
        %dma_start3A_3486 = tpu.memref_slice %arg3[%add3A_2619] : memref<819200xi32, #tpu.memory_space<hbm>> -> memref<320xi32, #tpu.memory_space<hbm>>
        tpu.enqueue_dma source(%dma_start3A_3486 : memref<320xi32, #tpu.memory_space<hbm>>) target(%arg7 : memref<320xi32, #tpu.memory_space<vmem>>) target_semaphore(%run_scoped3A : memref<!tpu.dma_semaphore, #tpu.memory_space<semaphore_mem>>)
        %dma_wait3A_3487 = tpu.memref_slice %arg3[%add3A_2619] : memref<819200xi32, #tpu.memory_space<hbm>> -> memref<320xi32, #tpu.memory_space<hbm>>
        %dma_wait3A_3488 = tpu.memref_slice %arg3[%add3A_2619] : memref<819200xi32, #tpu.memory_space<hbm>> -> memref<320xi32, #tpu.memory_space<hbm>>
        tpu.wait_dma2 semaphore(%run_scoped3A : memref<!tpu.dma_semaphore, #tpu.memory_space<semaphore_mem>>) src(%dma_wait3A_3488 : memref<320xi32, #tpu.memory_space<hbm>>) dst(%arg7 : memref<320xi32, #tpu.memory_space<vmem>>)
        tpu.yield
      }) : () -> ()
      "tpu.region"() ({
        %run_scoped3A = tpu.sem_alloc : memref<!tpu.dma_semaphore, #tpu.memory_space<semaphore_mem>>
        %dma_start3A_3485 = tpu.memref_slice %arg4[%add3A_2619] : memref<819200xi32, #tpu.memory_space<hbm>> -> memref<320xi32, #tpu.memory_space<hbm>>
        %dma_start3A_3486 = tpu.memref_slice %arg4[%add3A_2619] : memref<819200xi32, #tpu.memory_space<hbm>> -> memref<320xi32, #tpu.memory_space<hbm>>
        tpu.enqueue_dma source(%dma_start3A_3486 : memref<320xi32, #tpu.memory_space<hbm>>) target(%arg8 : memref<320xi32, #tpu.memory_space<vmem>>) target_semaphore(%run_scoped3A : memref<!tpu.dma_semaphore, #tpu.memory_space<semaphore_mem>>)
        %dma_wait3A_3487 = tpu.memref_slice %arg4[%add3A_2619] : memref<819200xi32, #tpu.memory_space<hbm>> -> memref<320xi32, #tpu.memory_space<hbm>>
        %dma_wait3A_3488 = tpu.memref_slice %arg4[%add3A_2619] : memref<819200xi32, #tpu.memory_space<hbm>> -> memref<320xi32, #tpu.memory_space<hbm>>
        tpu.wait_dma2 semaphore(%run_scoped3A : memref<!tpu.dma_semaphore, #tpu.memory_space<semaphore_mem>>) src(%dma_wait3A_3488 : memref<320xi32, #tpu.memory_space<hbm>>) dst(%arg8 : memref<320xi32, #tpu.memory_space<vmem>>)
        tpu.yield
      }) : () -> ()
      %get3A_2620 = arith.constant 0 : index
      %get3A_2621 = tpu.vector_load %arg7[%get3A_2620] {strides = array<i32>} : memref<320xi32, #tpu.memory_space<vmem>>, vector<16xi32>,
      %get3A_2622 = vector.shape_cast %get3A_2621 : vector<16xi32> to vector<16xi32>
      %get3A_2623 = arith.constant 0 : index
      %get3A_2624 = tpu.vector_load %arg8[%get3A_2623] {strides = array<i32>} : memref<320xi32, #tpu.memory_space<vmem>>, vector<16xi32>,
      %get3A_2625 = vector.shape_cast %get3A_2624 : vector<16xi32> to vector<16xi32>
      %mul3A_2626 = arith.constant 16 : i32
      %mul3A_2627 = vector.broadcast %mul3A_2626 : i32 to vector<16xi32>
      %mul3A_2628 = arith.muli %get3A_2625, %mul3A_2627 : vector<16xi32>
      %add3A_2629 = arith.addi %mul3A_2628, %get3A_2622 : vector<16xi32>
      %swap3A_2630 = arith.constant 0 : i32
      %swap3A_2631 = arith.index_cast %swap3A_2630 : i32 to index
      %swap3A_2632 = arith.constant 0 : index
      %swap3A_2633 = tpu.vector_load %arg10[%swap3A_2631, %swap3A_2632] {strides = array<i32>} : memref<5x64xi32, #tpu.memory_space<vmem>>, vector<1x16xi32>,
      %swap3A_2634 = vector.shape_cast %swap3A_2633 : vector<1x16xi32> to vector<16xi32>
      %swap3A_2635 = vector.shape_cast %add3A_2629 : vector<16xi32> to vector<1x16xi32>
      tpu.vector_store %arg10[%swap3A_2631, %swap3A_2632], %swap3A_2635 {strides = array<i32>} : memref<5x64xi32, #tpu.memory_space<vmem>>, vector<1x16xi32>,
      %get3A_2636 = arith.constant 16 : index
      %get3A_2637 = tpu.vector_load %arg7[%get3A_2636] {strides = array<i32>} : memref<320xi32, #tpu.memory_space<vmem>>, vector<16xi32>,
      %get3A_2638 = vector.shape_cast %get3A_2637 : vector<16xi32> to vector<16xi32>
      %get3A_2639 = arith.constant 16 : index
      %get3A_2640 = tpu.vector_load %arg8[%get3A_2639] {strides = array<i32>} : memref<320xi32, #tpu.memory_space<vmem>>, vector<16xi32>,
      %get3A_2641 = vector.shape_cast %get3A_2640 : vector<16xi32> to vector<16xi32>
      %mul3A_2642 = arith.constant 16 : i32
      %mul3A_2643 = vector.broadcast %mul3A_2642 : i32 to vector<16xi32>
      %mul3A_2644 = arith.muli %get3A_2641, %mul3A_2643 : vector<16xi32>
      %add3A_2645 = arith.addi %mul3A_2644, %get3A_2638 : vector<16xi32>
      %swap3A_2646 = arith.constant 0 : i32
      %swap3A_2647 = arith.index_cast %swap3A_2646 : i32 to index
      %swap3A_2648 = arith.constant 16 : index
      %swap3A_2649 = tpu.vector_load %arg10[%swap3A_2647, %swap3A_2648] {strides = array<i32>} : memref<5x64xi32, #tpu.memory_space<vmem>>, vector<1x16xi32>,
      %swap3A_2650 = vector.shape_cast %swap3A_2649 : vector<1x16xi32> to vector<16xi32>
      %swap3A_2651 = vector.shape_cast %add3A_2645 : vector<16xi32> to vector<1x16xi32>
      tpu.vector_store %arg10[%swap3A_2647, %swap3A_2648], %swap3A_2651 {strides = array<i32>} : memref<5x64xi32, #tpu.memory_space<vmem>>, vector<1x16xi32>,
      %get3A_2652 = arith.constant 32 : index
      %get3A_2653 = tpu.vector_load %arg7[%get3A_2652] {strides = array<i32>} : memref<320xi32, #tpu.memory_space<vmem>>, vector<16xi32>,
      %get3A_2654 = vector.shape_cast %get3A_2653 : vector<16xi32> to vector<16xi32>
      %get3A_2655 = arith.constant 32 : index
      %get3A_2656 = tpu.vector_load %arg8[%get3A_2655] {strides = array<i32>} : memref<320xi32, #tpu.memory_space<vmem>>, vector<16xi32>,
      %get3A_2657 = vector.shape_cast %get3A_2656 : vector<16xi32> to vector<16xi32>
      %mul3A_2658 = arith.constant 16 : i32
      %mul3A_2659 = vector.broadcast %mul3A_2658 : i32 to vector<16xi32>
      %mul3A_2660 = arith.muli %get3A_2657, %mul3A_2659 : vector<16xi32>
      %add3A_2661 = arith.addi %mul3A_2660, %get3A_2654 : vector<16xi32>
      %swap3A_2662 = arith.constant 0 : i32
      %swap3A_2663 = arith.index_cast %swap3A_2662 : i32 to index
      %swap3A_2664 = arith.constant 32 : index
      %swap3A_2665 = tpu.vector_load %arg10[%swap3A_2663, %swap3A_2664] {strides = array<i32>} : memref<5x64xi32, #tpu.memory_space<vmem>>, vector<1x16xi32>,
      %swap3A_2666 = vector.shape_cast %swap3A_2665 : vector<1x16xi32> to vector<16xi32>
      %swap3A_2667 = vector.shape_cast %add3A_2661 : vector<16xi32> to vector<1x16xi32>
      tpu.vector_store %arg10[%swap3A_2663, %swap3A_2664], %swap3A_2667 {strides = array<i32>} : memref<5x64xi32, #tpu.memory_space<vmem>>, vector<1x16xi32>,
      %get3A_2668 = arith.constant 48 : index
      %get3A_2669 = tpu.vector_load %arg7[%get3A_2668] {strides = array<i32>} : memref<320xi32, #tpu.memory_space<vmem>>, vector<16xi32>,
      %get3A_2670 = vector.shape_cast %get3A_2669 : vector<16xi32> to vector<16xi32>
      %get3A_2671 = arith.constant 48 : index
      %get3A_2672 = tpu.vector_load %arg8[%get3A_2671] {strides = array<i32>} : memref<320xi32, #tpu.memory_space<vmem>>, vector<16xi32>,
      %get3A_2673 = vector.shape_cast %get3A_2672 : vector<16xi32> to vector<16xi32>
      %mul3A_2674 = arith.constant 16 : i32
      %mul3A_2675 = vector.broadcast %mul3A_2674 : i32 to vector<16xi32>
      %mul3A_2676 = arith.muli %get3A_2673, %mul3A_2675 : vector<16xi32>
      %add3A_2677 = arith.addi %mul3A_2676, %get3A_2670 : vector<16xi32>
      %swap3A_2678 = arith.constant 0 : i32
      %swap3A_2679 = arith.index_cast %swap3A_2678 : i32 to index
      %swap3A_2680 = arith.constant 48 : index
      %swap3A_2681 = tpu.vector_load %arg10[%swap3A_2679, %swap3A_2680] {strides = array<i32>} : memref<5x64xi32, #tpu.memory_space<vmem>>, vector<1x16xi32>,
      %swap3A_2682 = vector.shape_cast %swap3A_2681 : vector<1x16xi32> to vector<16xi32>
      %swap3A_2683 = vector.shape_cast %add3A_2677 : vector<16xi32> to vector<1x16xi32>
      tpu.vector_store %arg10[%swap3A_2679, %swap3A_2680], %swap3A_2683 {strides = array<i32>} : memref<5x64xi32, #tpu.memory_space<vmem>>, vector<1x16xi32>,
      %get3A_2684 = arith.constant 64 : index
      %get3A_2685 = tpu.vector_load %arg7[%get3A_2684] {strides = array<i32>} : memref<320xi32, #tpu.memory_space<vmem>>, vector<16xi32>,
      %get3A_2686 = vector.shape_cast %get3A_2685 : vector<16xi32> to vector<16xi32>
      %get3A_2687 = arith.constant 64 : index
      %get3A_2688 = tpu.vector_load %arg8[%get3A_2687] {strides = array<i32>} : memref<320xi32, #tpu.memory_space<vmem>>, vector<16xi32>,
      %get3A_2689 = vector.shape_cast %get3A_2688 : vector<16xi32> to vector<16xi32>
      %mul3A_2690 = arith.constant 16 : i32
      %mul3A_2691 = vector.broadcast %mul3A_2690 : i32 to vector<16xi32>
      %mul3A_2692 = arith.muli %get3A_2689, %mul3A_2691 : vector<16xi32>
      %add3A_2693 = arith.addi %mul3A_2692, %get3A_2686 : vector<16xi32>
      %swap3A_2694 = arith.constant 1 : i32
      %swap3A_2695 = arith.index_cast %swap3A_2694 : i32 to index
      %swap3A_2696 = arith.constant 0 : index
      %swap3A_2697 = tpu.vector_load %arg10[%swap3A_2695, %swap3A_2696] {strides = array<i32>} : memref<5x64xi32, #tpu.memory_space<vmem>>, vector<1x16xi32>,
      %swap3A_2698 = vector.shape_cast %swap3A_2697 : vector<1x16xi32> to vector<16xi32>
      %swap3A_2699 = vector.shape_cast %add3A_2693 : vector<16xi32> to vector<1x16xi32>
      tpu.vector_store %arg10[%swap3A_2695, %swap3A_2696], %swap3A_2699 {strides = array<i32>} : memref<5x64xi32, #tpu.memory_space<vmem>>, vector<1x16xi32>,
      %get3A_2700 = arith.constant 80 : index
      %get3A_2701 = tpu.vector_load %arg7[%get3A_2700] {strides = array<i32>} : memref<320xi32, #tpu.memory_space<vmem>>, vector<16xi32>,
      %get3A_2702 = vector.shape_cast %get3A_2701 : vector<16xi32> to vector<16xi32>
      %get3A_2703 = arith.constant 80 : index
      %get3A_2704 = tpu.vector_load %arg8[%get3A_2703] {strides = array<i32>} : memref<320xi32, #tpu.memory_space<vmem>>, vector<16xi32>,
      %get3A_2705 = vector.shape_cast %get3A_2704 : vector<16xi32> to vector<16xi32>
      %mul3A_2706 = arith.constant 16 : i32
      %mul3A_2707 = vector.broadcast %mul3A_2706 : i32 to vector<16xi32>
      %mul3A_2708 = arith.muli %get3A_2705, %mul3A_2707 : vector<16xi32>
      %add3A_2709 = arith.addi %mul3A_2708, %get3A_2702 : vector<16xi32>
      %swap3A_2710 = arith.constant 1 : i32
      %swap3A_2711 = arith.index_cast %swap3A_2710 : i32 to index
      %swap3A_2712 = arith.constant 16 : index
      %swap3A_2713 = tpu.vector_load %arg10[%swap3A_2711, %swap3A_2712] {strides = array<i32>} : memref<5x64xi32, #tpu.memory_space<vmem>>, vector<1x16xi32>,
      %swap3A_2714 = vector.shape_cast %swap3A_2713 : vector<1x16xi32> to vector<16xi32>
      %swap3A_2715 = vector.shape_cast %add3A_2709 : vector<16xi32> to vector<1x16xi32>
      tpu.vector_store %arg10[%swap3A_2711, %swap3A_2712], %swap3A_2715 {strides = array<i32>} : memref<5x64xi32, #tpu.memory_space<vmem>>, vector<1x16xi32>,
      %get3A_2716 = arith.constant 96 : index
      %get3A_2717 = tpu.vector_load %arg7[%get3A_2716] {strides = array<i32>} : memref<320xi32, #tpu.memory_space<vmem>>, vector<16xi32>,
      %get3A_2718 = vector.shape_cast %get3A_2717 : vector<16xi32> to vector<16xi32>
      %get3A_2719 = arith.constant 96 : index
      %get3A_2720 = tpu.vector_load %arg8[%get3A_2719] {strides = array<i32>} : memref<320xi32, #tpu.memory_space<vmem>>, vector<16xi32>,
      %get3A_2721 = vector.shape_cast %get3A_2720 : vector<16xi32> to vector<16xi32>
      %mul3A_2722 = arith.constant 16 : i32
      %mul3A_2723 = vector.broadcast %mul3A_2722 : i32 to vector<16xi32>
      %mul3A_2724 = arith.muli %get3A_2721, %mul3A_2723 : vector<16xi32>
      %add3A_2725 = arith.addi %mul3A_2724, %get3A_2718 : vector<16xi32>
      %swap3A_2726 = arith.constant 1 : i32
      %swap3A_2727 = arith.index_cast %swap3A_2726 : i32 to index
      %swap3A_2728 = arith.constant 32 : index
      %swap3A_2729 = tpu.vector_load %arg10[%swap3A_2727, %swap3A_2728] {strides = array<i32>} : memref<5x64xi32, #tpu.memory_space<vmem>>, vector<1x16xi32>,
      %swap3A_2730 = vector.shape_cast %swap3A_2729 : vector<1x16xi32> to vector<16xi32>
      %swap3A_2731 = vector.shape_cast %add3A_2725 : vector<16xi32> to vector<1x16xi32>
      tpu.vector_store %arg10[%swap3A_2727, %swap3A_2728], %swap3A_2731 {strides = array<i32>} : memref<5x64xi32, #tpu.memory_space<vmem>>, vector<1x16xi32>,
      %get3A_2732 = arith.constant 112 : index
      %get3A_2733 = tpu.vector_load %arg7[%get3A_2732] {strides = array<i32>} : memref<320xi32, #tpu.memory_space<vmem>>, vector<16xi32>,
      %get3A_2734 = vector.shape_cast %get3A_2733 : vector<16xi32> to vector<16xi32>
      %get3A_2735 = arith.constant 112 : index
      %get3A_2736 = tpu.vector_load %arg8[%get3A_2735] {strides = array<i32>} : memref<320xi32, #tpu.memory_space<vmem>>, vector<16xi32>,
      %get3A_2737 = vector.shape_cast %get3A_2736 : vector<16xi32> to vector<16xi32>
      %mul3A_2738 = arith.constant 16 : i32
      %mul3A_2739 = vector.broadcast %mul3A_2738 : i32 to vector<16xi32>
      %mul3A_2740 = arith.muli %get3A_2737, %mul3A_2739 : vector<16xi32>
      %add3A_2741 = arith.addi %mul3A_2740, %get3A_2734 : vector<16xi32>
      %swap3A_2742 = arith.constant 1 : i32
      %swap3A_2743 = arith.index_cast %swap3A_2742 : i32 to index
      %swap3A_2744 = arith.constant 48 : index
      %swap3A_2745 = tpu.vector_load %arg10[%swap3A_2743, %swap3A_2744] {strides = array<i32>} : memref<5x64xi32, #tpu.memory_space<vmem>>, vector<1x16xi32>,
      %swap3A_2746 = vector.shape_cast %swap3A_2745 : vector<1x16xi32> to vector<16xi32>
      %swap3A_2747 = vector.shape_cast %add3A_2741 : vector<16xi32> to vector<1x16xi32>
      tpu.vector_store %arg10[%swap3A_2743, %swap3A_2744], %swap3A_2747 {strides = array<i32>} : memref<5x64xi32, #tpu.memory_space<vmem>>, vector<1x16xi32>,
      %get3A_2748 = arith.constant 128 : index
      %get3A_2749 = tpu.vector_load %arg7[%get3A_2748] {strides = array<i32>} : memref<320xi32, #tpu.memory_space<vmem>>, vector<16xi32>,
      %get3A_2750 = vector.shape_cast %get3A_2749 : vector<16xi32> to vector<16xi32>
      %get3A_2751 = arith.constant 128 : index
      %get3A_2752 = tpu.vector_load %arg8[%get3A_2751] {strides = array<i32>} : memref<320xi32, #tpu.memory_space<vmem>>, vector<16xi32>,
      %get3A_2753 = vector.shape_cast %get3A_2752 : vector<16xi32> to vector<16xi32>
      %mul3A_2754 = arith.constant 16 : i32
      %mul3A_2755 = vector.broadcast %mul3A_2754 : i32 to vector<16xi32>
      %mul3A_2756 = arith.muli %get3A_2753, %mul3A_2755 : vector<16xi32>
      %add3A_2757 = arith.addi %mul3A_2756, %get3A_2750 : vector<16xi32>
      %swap3A_2758 = arith.constant 2 : i32
      %swap3A_2759 = arith.index_cast %swap3A_2758 : i32 to index
      %swap3A_2760 = arith.constant 0 : index
      %swap3A_2761 = tpu.vector_load %arg10[%swap3A_2759, %swap3A_2760] {strides = array<i32>} : memref<5x64xi32, #tpu.memory_space<vmem>>, vector<1x16xi32>,
      %swap3A_2762 = vector.shape_cast %swap3A_2761 : vector<1x16xi32> to vector<16xi32>
      %swap3A_2763 = vector.shape_cast %add3A_2757 : vector<16xi32> to vector<1x16xi32>
      tpu.vector_store %arg10[%swap3A_2759, %swap3A_2760], %swap3A_2763 {strides = array<i32>} : memref<5x64xi32, #tpu.memory_space<vmem>>, vector<1x16xi32>,
      %get3A_2764 = arith.constant 144 : index
      %get3A_2765 = tpu.vector_load %arg7[%get3A_2764] {strides = array<i32>} : memref<320xi32, #tpu.memory_space<vmem>>, vector<16xi32>,
      %get3A_2766 = vector.shape_cast %get3A_2765 : vector<16xi32> to vector<16xi32>
      %get3A_2767 = arith.constant 144 : index
      %get3A_2768 = tpu.vector_load %arg8[%get3A_2767] {strides = array<i32>} : memref<320xi32, #tpu.memory_space<vmem>>, vector<16xi32>,
      %get3A_2769 = vector.shape_cast %get3A_2768 : vector<16xi32> to vector<16xi32>
      %mul3A_2770 = arith.constant 16 : i32
      %mul3A_2771 = vector.broadcast %mul3A_2770 : i32 to vector<16xi32>
      %mul3A_2772 = arith.muli %get3A_2769, %mul3A_2771 : vector<16xi32>
      %add3A_2773 = arith.addi %mul3A_2772, %get3A_2766 : vector<16xi32>
      %swap3A_2774 = arith.constant 2 : i32
      %swap3A_2775 = arith.index_cast %swap3A_2774 : i32 to index
      %swap3A_2776 = arith.constant 16 : index
      %swap3A_2777 = tpu.vector_load %arg10[%swap3A_2775, %swap3A_2776] {strides = array<i32>} : memref<5x64xi32, #tpu.memory_space<vmem>>, vector<1x16xi32>,
      %swap3A_2778 = vector.shape_cast %swap3A_2777 : vector<1x16xi32> to vector<16xi32>
      %swap3A_2779 = vector.shape_cast %add3A_2773 : vector<16xi32> to vector<1x16xi32>
      tpu.vector_store %arg10[%swap3A_2775, %swap3A_2776], %swap3A_2779 {strides = array<i32>} : memref<5x64xi32, #tpu.memory_space<vmem>>, vector<1x16xi32>,
      %get3A_2780 = arith.constant 160 : index
      %get3A_2781 = tpu.vector_load %arg7[%get3A_2780] {strides = array<i32>} : memref<320xi32, #tpu.memory_space<vmem>>, vector<16xi32>,
      %get3A_2782 = vector.shape_cast %get3A_2781 : vector<16xi32> to vector<16xi32>
      %get3A_2783 = arith.constant 160 : index
      %get3A_2784 = tpu.vector_load %arg8[%get3A_2783] {strides = array<i32>} : memref<320xi32, #tpu.memory_space<vmem>>, vector<16xi32>,
      %get3A_2785 = vector.shape_cast %get3A_2784 : vector<16xi32> to vector<16xi32>
      %mul3A_2786 = arith.constant 16 : i32
      %mul3A_2787 = vector.broadcast %mul3A_2786 : i32 to vector<16xi32>
      %mul3A_2788 = arith.muli %get3A_2785, %mul3A_2787 : vector<16xi32>
      %add3A_2789 = arith.addi %mul3A_2788, %get3A_2782 : vector<16xi32>
      %swap3A_2790 = arith.constant 2 : i32
      %swap3A_2791 = arith.index_cast %swap3A_2790 : i32 to index
      %swap3A_2792 = arith.constant 32 : index
      %swap3A_2793 = tpu.vector_load %arg10[%swap3A_2791, %swap3A_2792] {strides = array<i32>} : memref<5x64xi32, #tpu.memory_space<vmem>>, vector<1x16xi32>,
      %swap3A_2794 = vector.shape_cast %swap3A_2793 : vector<1x16xi32> to vector<16xi32>
      %swap3A_2795 = vector.shape_cast %add3A_2789 : vector<16xi32> to vector<1x16xi32>
      tpu.vector_store %arg10[%swap3A_2791, %swap3A_2792], %swap3A_2795 {strides = array<i32>} : memref<5x64xi32, #tpu.memory_space<vmem>>, vector<1x16xi32>,
      %get3A_2796 = arith.constant 176 : index
      %get3A_2797 = tpu.vector_load %arg7[%get3A_2796] {strides = array<i32>} : memref<320xi32, #tpu.memory_space<vmem>>, vector<16xi32>,
      %get3A_2798 = vector.shape_cast %get3A_2797 : vector<16xi32> to vector<16xi32>
      %get3A_2799 = arith.constant 176 : index
      %get3A_2800 = tpu.vector_load %arg8[%get3A_2799] {strides = array<i32>} : memref<320xi32, #tpu.memory_space<vmem>>, vector<16xi32>,
      %get3A_2801 = vector.shape_cast %get3A_2800 : vector<16xi32> to vector<16xi32>
      %mul3A_2802 = arith.constant 16 : i32
      %mul3A_2803 = vector.broadcast %mul3A_2802 : i32 to vector<16xi32>
      %mul3A_2804 = arith.muli %get3A_2801, %mul3A_2803 : vector<16xi32>
      %add3A_2805 = arith.addi %mul3A_2804, %get3A_2798 : vector<16xi32>
      %swap3A_2806 = arith.constant 2 : i32
      %swap3A_2807 = arith.index_cast %swap3A_2806 : i32 to index
      %swap3A_2808 = arith.constant 48 : index
      %swap3A_2809 = tpu.vector_load %arg10[%swap3A_2807, %swap3A_2808] {strides = array<i32>} : memref<5x64xi32, #tpu.memory_space<vmem>>, vector<1x16xi32>,
      %swap3A_2810 = vector.shape_cast %swap3A_2809 : vector<1x16xi32> to vector<16xi32>
      %swap3A_2811 = vector.shape_cast %add3A_2805 : vector<16xi32> to vector<1x16xi32>
      tpu.vector_store %arg10[%swap3A_2807, %swap3A_2808], %swap3A_2811 {strides = array<i32>} : memref<5x64xi32, #tpu.memory_space<vmem>>, vector<1x16xi32>,
      %get3A_2812 = arith.constant 192 : index
      %get3A_2813 = tpu.vector_load %arg7[%get3A_2812] {strides = array<i32>} : memref<320xi32, #tpu.memory_space<vmem>>, vector<16xi32>,
      %get3A_2814 = vector.shape_cast %get3A_2813 : vector<16xi32> to vector<16xi32>
      %get3A_2815 = arith.constant 192 : index
      %get3A_2816 = tpu.vector_load %arg8[%get3A_2815] {strides = array<i32>} : memref<320xi32, #tpu.memory_space<vmem>>, vector<16xi32>,
      %get3A_2817 = vector.shape_cast %get3A_2816 : vector<16xi32> to vector<16xi32>
      %mul3A_2818 = arith.constant 16 : i32
      %mul3A_2819 = vector.broadcast %mul3A_2818 : i32 to vector<16xi32>
      %mul3A_2820 = arith.muli %get3A_2817, %mul3A_2819 : vector<16xi32>
      %add3A_2821 = arith.addi %mul3A_2820, %get3A_2814 : vector<16xi32>
      %swap3A_2822 = arith.constant 3 : i32
      %swap3A_2823 = arith.index_cast %swap3A_2822 : i32 to index
      %swap3A_2824 = arith.constant 0 : index
      %swap3A_2825 = tpu.vector_load %arg10[%swap3A_2823, %swap3A_2824] {strides = array<i32>} : memref<5x64xi32, #tpu.memory_space<vmem>>, vector<1x16xi32>,
      %swap3A_2826 = vector.shape_cast %swap3A_2825 : vector<1x16xi32> to vector<16xi32>
      %swap3A_2827 = vector.shape_cast %add3A_2821 : vector<16xi32> to vector<1x16xi32>
      tpu.vector_store %arg10[%swap3A_2823, %swap3A_2824], %swap3A_2827 {strides = array<i32>} : memref<5x64xi32, #tpu.memory_space<vmem>>, vector<1x16xi32>,
      %get3A_2828 = arith.constant 208 : index
      %get3A_2829 = tpu.vector_load %arg7[%get3A_2828] {strides = array<i32>} : memref<320xi32, #tpu.memory_space<vmem>>, vector<16xi32>,
      %get3A_2830 = vector.shape_cast %get3A_2829 : vector<16xi32> to vector<16xi32>
      %get3A_2831 = arith.constant 208 : index
      %get3A_2832 = tpu.vector_load %arg8[%get3A_2831] {strides = array<i32>} : memref<320xi32, #tpu.memory_space<vmem>>, vector<16xi32>,
      %get3A_2833 = vector.shape_cast %get3A_2832 : vector<16xi32> to vector<16xi32>
      %mul3A_2834 = arith.constant 16 : i32
      %mul3A_2835 = vector.broadcast %mul3A_2834 : i32 to vector<16xi32>
      %mul3A_2836 = arith.muli %get3A_2833, %mul3A_2835 : vector<16xi32>
      %add3A_2837 = arith.addi %mul3A_2836, %get3A_2830 : vector<16xi32>
      %swap3A_2838 = arith.constant 3 : i32
      %swap3A_2839 = arith.index_cast %swap3A_2838 : i32 to index
      %swap3A_2840 = arith.constant 16 : index
      %swap3A_2841 = tpu.vector_load %arg10[%swap3A_2839, %swap3A_2840] {strides = array<i32>} : memref<5x64xi32, #tpu.memory_space<vmem>>, vector<1x16xi32>,
      %swap3A_2842 = vector.shape_cast %swap3A_2841 : vector<1x16xi32> to vector<16xi32>
      %swap3A_2843 = vector.shape_cast %add3A_2837 : vector<16xi32> to vector<1x16xi32>
      tpu.vector_store %arg10[%swap3A_2839, %swap3A_2840], %swap3A_2843 {strides = array<i32>} : memref<5x64xi32, #tpu.memory_space<vmem>>, vector<1x16xi32>,
      %get3A_2844 = arith.constant 224 : index
      %get3A_2845 = tpu.vector_load %arg7[%get3A_2844] {strides = array<i32>} : memref<320xi32, #tpu.memory_space<vmem>>, vector<16xi32>,
      %get3A_2846 = vector.shape_cast %get3A_2845 : vector<16xi32> to vector<16xi32>
      %get3A_2847 = arith.constant 224 : index
      %get3A_2848 = tpu.vector_load %arg8[%get3A_2847] {strides = array<i32>} : memref<320xi32, #tpu.memory_space<vmem>>, vector<16xi32>,
      %get3A_2849 = vector.shape_cast %get3A_2848 : vector<16xi32> to vector<16xi32>
      %mul3A_2850 = arith.constant 16 : i32
      %mul3A_2851 = vector.broadcast %mul3A_2850 : i32 to vector<16xi32>
      %mul3A_2852 = arith.muli %get3A_2849, %mul3A_2851 : vector<16xi32>
      %add3A_2853 = arith.addi %mul3A_2852, %get3A_2846 : vector<16xi32>
      %swap3A_2854 = arith.constant 3 : i32
      %swap3A_2855 = arith.index_cast %swap3A_2854 : i32 to index
      %swap3A_2856 = arith.constant 32 : index
      %swap3A_2857 = tpu.vector_load %arg10[%swap3A_2855, %swap3A_2856] {strides = array<i32>} : memref<5x64xi32, #tpu.memory_space<vmem>>, vector<1x16xi32>,
      %swap3A_2858 = vector.shape_cast %swap3A_2857 : vector<1x16xi32> to vector<16xi32>
      %swap3A_2859 = vector.shape_cast %add3A_2853 : vector<16xi32> to vector<1x16xi32>
      tpu.vector_store %arg10[%swap3A_2855, %swap3A_2856], %swap3A_2859 {strides = array<i32>} : memref<5x64xi32, #tpu.memory_space<vmem>>, vector<1x16xi32>,
      %get3A_2860 = arith.constant 240 : index
      %get3A_2861 = tpu.vector_load %arg7[%get3A_2860] {strides = array<i32>} : memref<320xi32, #tpu.memory_space<vmem>>, vector<16xi32>,
      %get3A_2862 = vector.shape_cast %get3A_2861 : vector<16xi32> to vector<16xi32>
      %get3A_2863 = arith.constant 240 : index
      %get3A_2864 = tpu.vector_load %arg8[%get3A_2863] {strides = array<i32>} : memref<320xi32, #tpu.memory_space<vmem>>, vector<16xi32>,
      %get3A_2865 = vector.shape_cast %get3A_2864 : vector<16xi32> to vector<16xi32>
      %mul3A_2866 = arith.constant 16 : i32
      %mul3A_2867 = vector.broadcast %mul3A_2866 : i32 to vector<16xi32>
      %mul3A_2868 = arith.muli %get3A_2865, %mul3A_2867 : vector<16xi32>
      %add3A_2869 = arith.addi %mul3A_2868, %get3A_2862 : vector<16xi32>
      %swap3A_2870 = arith.constant 3 : i32
      %swap3A_2871 = arith.index_cast %swap3A_2870 : i32 to index
      %swap3A_2872 = arith.constant 48 : index
      %swap3A_2873 = tpu.vector_load %arg10[%swap3A_2871, %swap3A_2872] {strides = array<i32>} : memref<5x64xi32, #tpu.memory_space<vmem>>, vector<1x16xi32>,
      %swap3A_2874 = vector.shape_cast %swap3A_2873 : vector<1x16xi32> to vector<16xi32>
      %swap3A_2875 = vector.shape_cast %add3A_2869 : vector<16xi32> to vector<1x16xi32>
      tpu.vector_store %arg10[%swap3A_2871, %swap3A_2872], %swap3A_2875 {strides = array<i32>} : memref<5x64xi32, #tpu.memory_space<vmem>>, vector<1x16xi32>,
      %get3A_2876 = arith.constant 256 : index
      %get3A_2877 = tpu.vector_load %arg7[%get3A_2876] {strides = array<i32>} : memref<320xi32, #tpu.memory_space<vmem>>, vector<16xi32>,
      %get3A_2878 = vector.shape_cast %get3A_2877 : vector<16xi32> to vector<16xi32>
      %get3A_2879 = arith.constant 256 : index
      %get3A_2880 = tpu.vector_load %arg8[%get3A_2879] {strides = array<i32>} : memref<320xi32, #tpu.memory_space<vmem>>, vector<16xi32>,
      %get3A_2881 = vector.shape_cast %get3A_2880 : vector<16xi32> to vector<16xi32>
      %mul3A_2882 = arith.constant 16 : i32
      %mul3A_2883 = vector.broadcast %mul3A_2882 : i32 to vector<16xi32>
      %mul3A_2884 = arith.muli %get3A_2881, %mul3A_2883 : vector<16xi32>
      %add3A_2885 = arith.addi %mul3A_2884, %get3A_2878 : vector<16xi32>
      %swap3A_2886 = arith.constant 4 : i32
      %swap3A_2887 = arith.index_cast %swap3A_2886 : i32 to index
      %swap3A_2888 = arith.constant 0 : index
      %swap3A_2889 = tpu.vector_load %arg10[%swap3A_2887, %swap3A_2888] {strides = array<i32>} : memref<5x64xi32, #tpu.memory_space<vmem>>, vector<1x16xi32>,
      %swap3A_2890 = vector.shape_cast %swap3A_2889 : vector<1x16xi32> to vector<16xi32>
      %swap3A_2891 = vector.shape_cast %add3A_2885 : vector<16xi32> to vector<1x16xi32>
      tpu.vector_store %arg10[%swap3A_2887, %swap3A_2888], %swap3A_2891 {strides = array<i32>} : memref<5x64xi32, #tpu.memory_space<vmem>>, vector<1x16xi32>,
      %get3A_2892 = arith.constant 272 : index
      %get3A_2893 = tpu.vector_load %arg7[%get3A_2892] {strides = array<i32>} : memref<320xi32, #tpu.memory_space<vmem>>, vector<16xi32>,
      %get3A_2894 = vector.shape_cast %get3A_2893 : vector<16xi32> to vector<16xi32>
      %get3A_2895 = arith.constant 272 : index
      %get3A_2896 = tpu.vector_load %arg8[%get3A_2895] {strides = array<i32>} : memref<320xi32, #tpu.memory_space<vmem>>, vector<16xi32>,
      %get3A_2897 = vector.shape_cast %get3A_2896 : vector<16xi32> to vector<16xi32>
      %mul3A_2898 = arith.constant 16 : i32
      %mul3A_2899 = vector.broadcast %mul3A_2898 : i32 to vector<16xi32>
      %mul3A_2900 = arith.muli %get3A_2897, %mul3A_2899 : vector<16xi32>
      %add3A_2901 = arith.addi %mul3A_2900, %get3A_2894 : vector<16xi32>
      %swap3A_2902 = arith.constant 4 : i32
      %swap3A_2903 = arith.index_cast %swap3A_2902 : i32 to index
      %swap3A_2904 = arith.constant 16 : index
      %swap3A_2905 = tpu.vector_load %arg10[%swap3A_2903, %swap3A_2904] {strides = array<i32>} : memref<5x64xi32, #tpu.memory_space<vmem>>, vector<1x16xi32>,
      %swap3A_2906 = vector.shape_cast %swap3A_2905 : vector<1x16xi32> to vector<16xi32>
      %swap3A_2907 = vector.shape_cast %add3A_2901 : vector<16xi32> to vector<1x16xi32>
      tpu.vector_store %arg10[%swap3A_2903, %swap3A_2904], %swap3A_2907 {strides = array<i32>} : memref<5x64xi32, #tpu.memory_space<vmem>>, vector<1x16xi32>,
      %get3A_2908 = arith.constant 288 : index
      %get3A_2909 = tpu.vector_load %arg7[%get3A_2908] {strides = array<i32>} : memref<320xi32, #tpu.memory_space<vmem>>, vector<16xi32>,
      %get3A_2910 = vector.shape_cast %get3A_2909 : vector<16xi32> to vector<16xi32>
      %get3A_2911 = arith.constant 288 : index
      %get3A_2912 = tpu.vector_load %arg8[%get3A_2911] {strides = array<i32>} : memref<320xi32, #tpu.memory_space<vmem>>, vector<16xi32>,
      %get3A_2913 = vector.shape_cast %get3A_2912 : vector<16xi32> to vector<16xi32>
      %mul3A_2914 = arith.constant 16 : i32
      %mul3A_2915 = vector.broadcast %mul3A_2914 : i32 to vector<16xi32>
      %mul3A_2916 = arith.muli %get3A_2913, %mul3A_2915 : vector<16xi32>
      %add3A_2917 = arith.addi %mul3A_2916, %get3A_2910 : vector<16xi32>
      %swap3A_2918 = arith.constant 4 : i32
      %swap3A_2919 = arith.index_cast %swap3A_2918 : i32 to index
      %swap3A_2920 = arith.constant 32 : index
      %swap3A_2921 = tpu.vector_load %arg10[%swap3A_2919, %swap3A_2920] {strides = array<i32>} : memref<5x64xi32, #tpu.memory_space<vmem>>, vector<1x16xi32>,
      %swap3A_2922 = vector.shape_cast %swap3A_2921 : vector<1x16xi32> to vector<16xi32>
      %swap3A_2923 = vector.shape_cast %add3A_2917 : vector<16xi32> to vector<1x16xi32>
      tpu.vector_store %arg10[%swap3A_2919, %swap3A_2920], %swap3A_2923 {strides = array<i32>} : memref<5x64xi32, #tpu.memory_space<vmem>>, vector<1x16xi32>,
      %get3A_2924 = arith.constant 304 : index
      %get3A_2925 = tpu.vector_load %arg7[%get3A_2924] {strides = array<i32>} : memref<320xi32, #tpu.memory_space<vmem>>, vector<16xi32>,
      %get3A_2926 = vector.shape_cast %get3A_2925 : vector<16xi32> to vector<16xi32>
      %get3A_2927 = arith.constant 304 : index
      %get3A_2928 = tpu.vector_load %arg8[%get3A_2927] {strides = array<i32>} : memref<320xi32, #tpu.memory_space<vmem>>, vector<16xi32>,
      %get3A_2929 = vector.shape_cast %get3A_2928 : vector<16xi32> to vector<16xi32>
      %mul3A_2930 = arith.constant 16 : i32
      %mul3A_2931 = vector.broadcast %mul3A_2930 : i32 to vector<16xi32>
      %mul3A_2932 = arith.muli %get3A_2929, %mul3A_2931 : vector<16xi32>
      %add3A_2933 = arith.addi %mul3A_2932, %get3A_2926 : vector<16xi32>
      %swap3A_2934 = arith.constant 4 : i32
      %swap3A_2935 = arith.index_cast %swap3A_2934 : i32 to index
      %swap3A_2936 = arith.constant 48 : index
      %swap3A_2937 = tpu.vector_load %arg10[%swap3A_2935, %swap3A_2936] {strides = array<i32>} : memref<5x64xi32, #tpu.memory_space<vmem>>, vector<1x16xi32>,
      %swap3A_2938 = vector.shape_cast %swap3A_2937 : vector<1x16xi32> to vector<16xi32>
      %swap3A_2939 = vector.shape_cast %add3A_2933 : vector<16xi32> to vector<1x16xi32>
      tpu.vector_store %arg10[%swap3A_2935, %swap3A_2936], %swap3A_2939 {strides = array<i32>} : memref<5x64xi32, #tpu.memory_space<vmem>>, vector<1x16xi32>,
      %dma_start3A_2940 = arith.constant 0 : i32
      %dma_start3A_2941 = arith.constant 0 : i32
      %dma_start3A_2942 = arith.constant 0 : i32
      %dma_start3A_2943 = tpu.memref_slice %arg13[%dma_start3A_2941, %dma_start3A_2942] : memref<320x128xf32, #tpu.memory_space<vmem>> -> memref<64x128xf32, #tpu.memory_space<vmem>>
      %dma_start3A_2944 = arith.constant 0 : i32
      %dma_start3A_2945 = tpu.memref_slice %arg10[%dma_start3A_2940, %dma_start3A_2944] : memref<5x64xi32, #tpu.memory_space<vmem>> -> memref<1x64xi32, #tpu.memory_space<vmem>>
      %dma_start3A_2946 = tpu.memref_squeeze %dma_start3A_2945 : memref<1x64xi32, #tpu.memory_space<vmem>> -> memref<64xi32, #tpu.memory_space<vmem>>
      %dma_start3A_2947 = arith.constant 0 : i32
      %dma_start3A_2948 = arith.constant 0 : i32
      %dma_start3A_2949 = tpu.memref_slice %arg6[%dma_start3A_2947, %dma_start3A_2948] : memref<48x128xf32, #tpu.memory_space<vmem_shared>> -> memref<48x128xf32, #tpu.memory_space<vmem_shared>>
      tpu.enqueue_indirect_dma source(%dma_start3A_2949 : memref<48x128xf32, #tpu.memory_space<vmem_shared>>) target(%dma_start3A_2943 : memref<64x128xf32, #tpu.memory_space<vmem>>) offsets(%dma_start3A_2946 : memref<64xi32, #tpu.memory_space<vmem>>) semaphore(%arg16 : memref<!tpu.dma_semaphore, #tpu.memory_space<semaphore_mem>>)
      %dma_start3A_2950 = arith.constant 1 : i32
      %dma_start3A_2951 = arith.constant 64 : i32
      %dma_start3A_2952 = arith.constant 0 : i32
      %dma_start3A_2953 = tpu.memref_slice %arg13[%dma_start3A_2951, %dma_start3A_2952] : memref<320x128xf32, #tpu.memory_space<vmem>> -> memref<64x128xf32, #tpu.memory_space<vmem>>
      %dma_start3A_2954 = arith.constant 0 : i32
      %dma_start3A_2955 = tpu.memref_slice %arg10[%dma_start3A_2950, %dma_start3A_2954] : memref<5x64xi32, #tpu.memory_space<vmem>> -> memref<1x64xi32, #tpu.memory_space<vmem>>
      %dma_start3A_2956 = tpu.memref_squeeze %dma_start3A_2955 : memref<1x64xi32, #tpu.memory_space<vmem>> -> memref<64xi32, #tpu.memory_space<vmem>>
      %dma_start3A_2957 = arith.constant 0 : i32
      %dma_start3A_2958 = arith.constant 0 : i32
      %dma_start3A_2959 = tpu.memref_slice %arg6[%dma_start3A_2957, %dma_start3A_2958] : memref<48x128xf32, #tpu.memory_space<vmem_shared>> -> memref<48x128xf32, #tpu.memory_space<vmem_shared>>
      tpu.enqueue_indirect_dma source(%dma_start3A_2959 : memref<48x128xf32, #tpu.memory_space<vmem_shared>>) target(%dma_start3A_2953 : memref<64x128xf32, #tpu.memory_space<vmem>>) offsets(%dma_start3A_2956 : memref<64xi32, #tpu.memory_space<vmem>>) semaphore(%arg16 : memref<!tpu.dma_semaphore, #tpu.memory_space<semaphore_mem>>)
      %dma_start3A_2960 = arith.constant 2 : i32
      %dma_start3A_2961 = arith.constant 128 : i32
      %dma_start3A_2962 = arith.constant 0 : i32
      %dma_start3A_2963 = tpu.memref_slice %arg13[%dma_start3A_2961, %dma_start3A_2962] : memref<320x128xf32, #tpu.memory_space<vmem>> -> memref<64x128xf32, #tpu.memory_space<vmem>>
      %dma_start3A_2964 = arith.constant 0 : i32
      %dma_start3A_2965 = tpu.memref_slice %arg10[%dma_start3A_2960, %dma_start3A_2964] : memref<5x64xi32, #tpu.memory_space<vmem>> -> memref<1x64xi32, #tpu.memory_space<vmem>>
      %dma_start3A_2966 = tpu.memref_squeeze %dma_start3A_2965 : memref<1x64xi32, #tpu.memory_space<vmem>> -> memref<64xi32, #tpu.memory_space<vmem>>
      %dma_start3A_2967 = arith.constant 0 : i32
      %dma_start3A_2968 = arith.constant 0 : i32
      %dma_start3A_2969 = tpu.memref_slice %arg6[%dma_start3A_2967, %dma_start3A_2968] : memref<48x128xf32, #tpu.memory_space<vmem_shared>> -> memref<48x128xf32, #tpu.memory_space<vmem_shared>>
      tpu.enqueue_indirect_dma source(%dma_start3A_2969 : memref<48x128xf32, #tpu.memory_space<vmem_shared>>) target(%dma_start3A_2963 : memref<64x128xf32, #tpu.memory_space<vmem>>) offsets(%dma_start3A_2966 : memref<64xi32, #tpu.memory_space<vmem>>) semaphore(%arg16 : memref<!tpu.dma_semaphore, #tpu.memory_space<semaphore_mem>>)
      %dma_start3A_2970 = arith.constant 3 : i32
      %dma_start3A_2971 = arith.constant 192 : i32
      %dma_start3A_2972 = arith.constant 0 : i32
      %dma_start3A_2973 = tpu.memref_slice %arg13[%dma_start3A_2971, %dma_start3A_2972] : memref<320x128xf32, #tpu.memory_space<vmem>> -> memref<64x128xf32, #tpu.memory_space<vmem>>
      %dma_start3A_2974 = arith.constant 0 : i32
      %dma_start3A_2975 = tpu.memref_slice %arg10[%dma_start3A_2970, %dma_start3A_2974] : memref<5x64xi32, #tpu.memory_space<vmem>> -> memref<1x64xi32, #tpu.memory_space<vmem>>
      %dma_start3A_2976 = tpu.memref_squeeze %dma_start3A_2975 : memref<1x64xi32, #tpu.memory_space<vmem>> -> memref<64xi32, #tpu.memory_space<vmem>>
      %dma_start3A_2977 = arith.constant 0 : i32
      %dma_start3A_2978 = arith.constant 0 : i32
      %dma_start3A_2979 = tpu.memref_slice %arg6[%dma_start3A_2977, %dma_start3A_2978] : memref<48x128xf32, #tpu.memory_space<vmem_shared>> -> memref<48x128xf32, #tpu.memory_space<vmem_shared>>
      tpu.enqueue_indirect_dma source(%dma_start3A_2979 : memref<48x128xf32, #tpu.memory_space<vmem_shared>>) target(%dma_start3A_2973 : memref<64x128xf32, #tpu.memory_space<vmem>>) offsets(%dma_start3A_2976 : memref<64xi32, #tpu.memory_space<vmem>>) semaphore(%arg16 : memref<!tpu.dma_semaphore, #tpu.memory_space<semaphore_mem>>)
      %dma_start3A_2980 = arith.constant 4 : i32
      %dma_start3A_2981 = arith.constant 256 : i32
      %dma_start3A_2982 = arith.constant 0 : i32
      %dma_start3A_2983 = tpu.memref_slice %arg13[%dma_start3A_2981, %dma_start3A_2982] : memref<320x128xf32, #tpu.memory_space<vmem>> -> memref<64x128xf32, #tpu.memory_space<vmem>>
      %dma_start3A_2984 = arith.constant 0 : i32
      %dma_start3A_2985 = tpu.memref_slice %arg10[%dma_start3A_2980, %dma_start3A_2984] : memref<5x64xi32, #tpu.memory_space<vmem>> -> memref<1x64xi32, #tpu.memory_space<vmem>>
      %dma_start3A_2986 = tpu.memref_squeeze %dma_start3A_2985 : memref<1x64xi32, #tpu.memory_space<vmem>> -> memref<64xi32, #tpu.memory_space<vmem>>
      %dma_start3A_2987 = arith.constant 0 : i32
      %dma_start3A_2988 = arith.constant 0 : i32
      %dma_start3A_2989 = tpu.memref_slice %arg6[%dma_start3A_2987, %dma_start3A_2988] : memref<48x128xf32, #tpu.memory_space<vmem_shared>> -> memref<48x128xf32, #tpu.memory_space<vmem_shared>>
      tpu.enqueue_indirect_dma source(%dma_start3A_2989 : memref<48x128xf32, #tpu.memory_space<vmem_shared>>) target(%dma_start3A_2983 : memref<64x128xf32, #tpu.memory_space<vmem>>) offsets(%dma_start3A_2986 : memref<64xi32, #tpu.memory_space<vmem>>) semaphore(%arg16 : memref<!tpu.dma_semaphore, #tpu.memory_space<semaphore_mem>>)
      %dma_wait3A_2990 = arith.constant 0 : i32
      %dma_wait3A_2991 = arith.constant 0 : i32
      %dma_wait3A_2992 = arith.constant 0 : i32
      %dma_wait3A_2993 = tpu.memref_slice %arg12[%dma_wait3A_2991, %dma_wait3A_2992] : memref<320x128xf32, #tpu.memory_space<vmem>> -> memref<64x128xf32, #tpu.memory_space<vmem>>
      %dma_wait3A_2994 = arith.constant 0 : i32
      %dma_wait3A_2995 = tpu.memref_slice %arg9[%dma_wait3A_2990, %dma_wait3A_2994] : memref<5x64xi32, #tpu.memory_space<vmem>> -> memref<1x64xi32, #tpu.memory_space<vmem>>
      %dma_wait3A_2996 = tpu.memref_squeeze %dma_wait3A_2995 : memref<1x64xi32, #tpu.memory_space<vmem>> -> memref<64xi32, #tpu.memory_space<vmem>>
      %dma_wait3A_2997 = arith.constant 0 : i32
      %dma_wait3A_2998 = arith.constant 0 : i32
      %dma_wait3A_2999 = tpu.memref_slice %arg6[%dma_wait3A_2997, %dma_wait3A_2998] : memref<48x128xf32, #tpu.memory_space<vmem_shared>> -> memref<48x128xf32, #tpu.memory_space<vmem_shared>>
      tpu.wait_indirect_dma semaphore(%arg15 : memref<!tpu.dma_semaphore, #tpu.memory_space<semaphore_mem>>) src(%dma_wait3A_2999 : memref<48x128xf32, #tpu.memory_space<vmem_shared>>) dst(%dma_wait3A_2993 : memref<64x128xf32, #tpu.memory_space<vmem>>)
      %dma_wait3A_3000 = arith.constant 1 : i32
      %dma_wait3A_3001 = arith.constant 64 : i32
      %dma_wait3A_3002 = arith.constant 0 : i32
      %dma_wait3A_3003 = tpu.memref_slice %arg12[%dma_wait3A_3001, %dma_wait3A_3002] : memref<320x128xf32, #tpu.memory_space<vmem>> -> memref<64x128xf32, #tpu.memory_space<vmem>>
      %dma_wait3A_3004 = arith.constant 0 : i32
      %dma_wait3A_3005 = tpu.memref_slice %arg9[%dma_wait3A_3000, %dma_wait3A_3004] : memref<5x64xi32, #tpu.memory_space<vmem>> -> memref<1x64xi32, #tpu.memory_space<vmem>>
      %dma_wait3A_3006 = tpu.memref_squeeze %dma_wait3A_3005 : memref<1x64xi32, #tpu.memory_space<vmem>> -> memref<64xi32, #tpu.memory_space<vmem>>
      %dma_wait3A_3007 = arith.constant 0 : i32
      %dma_wait3A_3008 = arith.constant 0 : i32
      %dma_wait3A_3009 = tpu.memref_slice %arg6[%dma_wait3A_3007, %dma_wait3A_3008] : memref<48x128xf32, #tpu.memory_space<vmem_shared>> -> memref<48x128xf32, #tpu.memory_space<vmem_shared>>
      tpu.wait_indirect_dma semaphore(%arg15 : memref<!tpu.dma_semaphore, #tpu.memory_space<semaphore_mem>>) src(%dma_wait3A_3009 : memref<48x128xf32, #tpu.memory_space<vmem_shared>>) dst(%dma_wait3A_3003 : memref<64x128xf32, #tpu.memory_space<vmem>>)
      %dma_wait3A_3010 = arith.constant 2 : i32
      %dma_wait3A_3011 = arith.constant 128 : i32
      %dma_wait3A_3012 = arith.constant 0 : i32
      %dma_wait3A_3013 = tpu.memref_slice %arg12[%dma_wait3A_3011, %dma_wait3A_3012] : memref<320x128xf32, #tpu.memory_space<vmem>> -> memref<64x128xf32, #tpu.memory_space<vmem>>
      %dma_wait3A_3014 = arith.constant 0 : i32
      %dma_wait3A_3015 = tpu.memref_slice %arg9[%dma_wait3A_3010, %dma_wait3A_3014] : memref<5x64xi32, #tpu.memory_space<vmem>> -> memref<1x64xi32, #tpu.memory_space<vmem>>
      %dma_wait3A_3016 = tpu.memref_squeeze %dma_wait3A_3015 : memref<1x64xi32, #tpu.memory_space<vmem>> -> memref<64xi32, #tpu.memory_space<vmem>>
      %dma_wait3A_3017 = arith.constant 0 : i32
      %dma_wait3A_3018 = arith.constant 0 : i32
      %dma_wait3A_3019 = tpu.memref_slice %arg6[%dma_wait3A_3017, %dma_wait3A_3018] : memref<48x128xf32, #tpu.memory_space<vmem_shared>> -> memref<48x128xf32, #tpu.memory_space<vmem_shared>>
      tpu.wait_indirect_dma semaphore(%arg15 : memref<!tpu.dma_semaphore, #tpu.memory_space<semaphore_mem>>) src(%dma_wait3A_3019 : memref<48x128xf32, #tpu.memory_space<vmem_shared>>) dst(%dma_wait3A_3013 : memref<64x128xf32, #tpu.memory_space<vmem>>)
      %dma_wait3A_3020 = arith.constant 3 : i32
      %dma_wait3A_3021 = arith.constant 192 : i32
      %dma_wait3A_3022 = arith.constant 0 : i32
      %dma_wait3A_3023 = tpu.memref_slice %arg12[%dma_wait3A_3021, %dma_wait3A_3022] : memref<320x128xf32, #tpu.memory_space<vmem>> -> memref<64x128xf32, #tpu.memory_space<vmem>>
      %dma_wait3A_3024 = arith.constant 0 : i32
      %dma_wait3A_3025 = tpu.memref_slice %arg9[%dma_wait3A_3020, %dma_wait3A_3024] : memref<5x64xi32, #tpu.memory_space<vmem>> -> memref<1x64xi32, #tpu.memory_space<vmem>>
      %dma_wait3A_3026 = tpu.memref_squeeze %dma_wait3A_3025 : memref<1x64xi32, #tpu.memory_space<vmem>> -> memref<64xi32, #tpu.memory_space<vmem>>
      %dma_wait3A_3027 = arith.constant 0 : i32
      %dma_wait3A_3028 = arith.constant 0 : i32
      %dma_wait3A_3029 = tpu.memref_slice %arg6[%dma_wait3A_3027, %dma_wait3A_3028] : memref<48x128xf32, #tpu.memory_space<vmem_shared>> -> memref<48x128xf32, #tpu.memory_space<vmem_shared>>
      tpu.wait_indirect_dma semaphore(%arg15 : memref<!tpu.dma_semaphore, #tpu.memory_space<semaphore_mem>>) src(%dma_wait3A_3029 : memref<48x128xf32, #tpu.memory_space<vmem_shared>>) dst(%dma_wait3A_3023 : memref<64x128xf32, #tpu.memory_space<vmem>>)
      %dma_wait3A_3030 = arith.constant 4 : i32
      %dma_wait3A_3031 = arith.constant 256 : i32
      %dma_wait3A_3032 = arith.constant 0 : i32
      %dma_wait3A_3033 = tpu.memref_slice %arg12[%dma_wait3A_3031, %dma_wait3A_3032] : memref<320x128xf32, #tpu.memory_space<vmem>> -> memref<64x128xf32, #tpu.memory_space<vmem>>
      %dma_wait3A_3034 = arith.constant 0 : i32
      %dma_wait3A_3035 = tpu.memref_slice %arg9[%dma_wait3A_3030, %dma_wait3A_3034] : memref<5x64xi32, #tpu.memory_space<vmem>> -> memref<1x64xi32, #tpu.memory_space<vmem>>
      %dma_wait3A_3036 = tpu.memref_squeeze %dma_wait3A_3035 : memref<1x64xi32, #tpu.memory_space<vmem>> -> memref<64xi32, #tpu.memory_space<vmem>>
      %dma_wait3A_3037 = arith.constant 0 : i32
      %dma_wait3A_3038 = arith.constant 0 : i32
      %dma_wait3A_3039 = tpu.memref_slice %arg6[%dma_wait3A_3037, %dma_wait3A_3038] : memref<48x128xf32, #tpu.memory_space<vmem_shared>> -> memref<48x128xf32, #tpu.memory_space<vmem_shared>>
      tpu.wait_indirect_dma semaphore(%arg15 : memref<!tpu.dma_semaphore, #tpu.memory_space<semaphore_mem>>) src(%dma_wait3A_3039 : memref<48x128xf32, #tpu.memory_space<vmem_shared>>) dst(%dma_wait3A_3033 : memref<64x128xf32, #tpu.memory_space<vmem>>)
      %mul3A_3040 = arith.constant 320 : i32
      %mul3A_3041 = arith.muli %add3A_2610, %mul3A_3040 : i32
      %add3A_3042 = arith.addi %mul3A_2, %mul3A_3041 : i32
      %dma_start3A_3043 = arith.constant 0 : i32
      %dma_start3A_3044 = tpu.memref_slice %arg5[%add3A_3042, %dma_start3A_3043] : memref<819200x128xf32, #tpu.memory_space<hbm>> -> memref<320x128xf32, #tpu.memory_space<hbm>>
      %dma_start3A_3045 = arith.constant 0 : i32
      %dma_start3A_3046 = tpu.memref_slice %arg5[%add3A_3042, %dma_start3A_3045] : memref<819200x128xf32, #tpu.memory_space<hbm>> -> memref<320x128xf32, #tpu.memory_space<hbm>>
      tpu.enqueue_dma source(%arg12 : memref<320x128xf32, #tpu.memory_space<vmem>>) target(%dma_start3A_3046 : memref<320x128xf32, #tpu.memory_space<hbm>>) target_semaphore(%arg18 : memref<!tpu.dma_semaphore, #tpu.memory_space<semaphore_mem>>)
      %add3A_3047 = arith.constant 2 : i32
      %add3A_3048 = arith.addi %add3A_2170, %add3A_3047 : i32
      %dma_wait3A_3049 = arith.constant 0 : i32
      %dma_wait3A_3050 = tpu.memref_slice %arg5[%mul3A_2, %dma_wait3A_3049] : memref<819200x128xf32, #tpu.memory_space<hbm>> -> memref<320x128xf32, #tpu.memory_space<hbm>>
      %dma_wait3A_3051 = arith.constant 0 : i32
      %dma_wait3A_3052 = tpu.memref_slice %arg5[%mul3A_2, %dma_wait3A_3051] : memref<819200x128xf32, #tpu.memory_space<hbm>> -> memref<320x128xf32, #tpu.memory_space<hbm>>
      tpu.wait_dma2 semaphore(%arg20 : memref<!tpu.dma_semaphore, #tpu.memory_space<semaphore_mem>>) src(%arg14 : memref<320x128xf32, #tpu.memory_space<vmem>>) dst(%dma_wait3A_3052 : memref<320x128xf32, #tpu.memory_space<hbm>>)
      %add3A_3053 = arith.constant 1 : i32
      %add3A_3054 = arith.addi %add3A_3048, %add3A_3053 : i32
      %mul3A_3055 = arith.constant 320 : i32
      %mul3A_3056 = arith.muli %add3A_3054, %mul3A_3055 : i32
      %add3A_3057 = arith.addi %mul3A_2, %mul3A_3056 : i32
      "tpu.region"() ({
        %run_scoped3A = tpu.sem_alloc : memref<!tpu.dma_semaphore, #tpu.memory_space<semaphore_mem>>
        %dma_start3A_3485 = tpu.memref_slice %arg3[%add3A_3057] : memref<819200xi32, #tpu.memory_space<hbm>> -> memref<320xi32, #tpu.memory_space<hbm>>
        %dma_start3A_3486 = tpu.memref_slice %arg3[%add3A_3057] : memref<819200xi32, #tpu.memory_space<hbm>> -> memref<320xi32, #tpu.memory_space<hbm>>
        tpu.enqueue_dma source(%dma_start3A_3486 : memref<320xi32, #tpu.memory_space<hbm>>) target(%arg7 : memref<320xi32, #tpu.memory_space<vmem>>) target_semaphore(%run_scoped3A : memref<!tpu.dma_semaphore, #tpu.memory_space<semaphore_mem>>)
        %dma_wait3A_3487 = tpu.memref_slice %arg3[%add3A_3057] : memref<819200xi32, #tpu.memory_space<hbm>> -> memref<320xi32, #tpu.memory_space<hbm>>
        %dma_wait3A_3488 = tpu.memref_slice %arg3[%add3A_3057] : memref<819200xi32, #tpu.memory_space<hbm>> -> memref<320xi32, #tpu.memory_space<hbm>>
        tpu.wait_dma2 semaphore(%run_scoped3A : memref<!tpu.dma_semaphore, #tpu.memory_space<semaphore_mem>>) src(%dma_wait3A_3488 : memref<320xi32, #tpu.memory_space<hbm>>) dst(%arg7 : memref<320xi32, #tpu.memory_space<vmem>>)
        tpu.yield
      }) : () -> ()
      "tpu.region"() ({
        %run_scoped3A = tpu.sem_alloc : memref<!tpu.dma_semaphore, #tpu.memory_space<semaphore_mem>>
        %dma_start3A_3485 = tpu.memref_slice %arg4[%add3A_3057] : memref<819200xi32, #tpu.memory_space<hbm>> -> memref<320xi32, #tpu.memory_space<hbm>>
        %dma_start3A_3486 = tpu.memref_slice %arg4[%add3A_3057] : memref<819200xi32, #tpu.memory_space<hbm>> -> memref<320xi32, #tpu.memory_space<hbm>>
        tpu.enqueue_dma source(%dma_start3A_3486 : memref<320xi32, #tpu.memory_space<hbm>>) target(%arg8 : memref<320xi32, #tpu.memory_space<vmem>>) target_semaphore(%run_scoped3A : memref<!tpu.dma_semaphore, #tpu.memory_space<semaphore_mem>>)
        %dma_wait3A_3487 = tpu.memref_slice %arg4[%add3A_3057] : memref<819200xi32, #tpu.memory_space<hbm>> -> memref<320xi32, #tpu.memory_space<hbm>>
        %dma_wait3A_3488 = tpu.memref_slice %arg4[%add3A_3057] : memref<819200xi32, #tpu.memory_space<hbm>> -> memref<320xi32, #tpu.memory_space<hbm>>
        tpu.wait_dma2 semaphore(%run_scoped3A : memref<!tpu.dma_semaphore, #tpu.memory_space<semaphore_mem>>) src(%dma_wait3A_3488 : memref<320xi32, #tpu.memory_space<hbm>>) dst(%arg8 : memref<320xi32, #tpu.memory_space<vmem>>)
        tpu.yield
      }) : () -> ()
      %get3A_3058 = arith.constant 0 : index
      %get3A_3059 = tpu.vector_load %arg7[%get3A_3058] {strides = array<i32>} : memref<320xi32, #tpu.memory_space<vmem>>, vector<16xi32>,
      %get3A_3060 = vector.shape_cast %get3A_3059 : vector<16xi32> to vector<16xi32>
      %get3A_3061 = arith.constant 0 : index
      %get3A_3062 = tpu.vector_load %arg8[%get3A_3061] {strides = array<i32>} : memref<320xi32, #tpu.memory_space<vmem>>, vector<16xi32>,
      %get3A_3063 = vector.shape_cast %get3A_3062 : vector<16xi32> to vector<16xi32>
      %mul3A_3064 = arith.constant 16 : i32
      %mul3A_3065 = vector.broadcast %mul3A_3064 : i32 to vector<16xi32>
      %mul3A_3066 = arith.muli %get3A_3063, %mul3A_3065 : vector<16xi32>
      %add3A_3067 = arith.addi %mul3A_3066, %get3A_3060 : vector<16xi32>
      %swap3A_3068 = arith.constant 0 : i32
      %swap3A_3069 = arith.index_cast %swap3A_3068 : i32 to index
      %swap3A_3070 = arith.constant 0 : index
      %swap3A_3071 = tpu.vector_load %arg11[%swap3A_3069, %swap3A_3070] {strides = array<i32>} : memref<5x64xi32, #tpu.memory_space<vmem>>, vector<1x16xi32>,
      %swap3A_3072 = vector.shape_cast %swap3A_3071 : vector<1x16xi32> to vector<16xi32>
      %swap3A_3073 = vector.shape_cast %add3A_3067 : vector<16xi32> to vector<1x16xi32>
      tpu.vector_store %arg11[%swap3A_3069, %swap3A_3070], %swap3A_3073 {strides = array<i32>} : memref<5x64xi32, #tpu.memory_space<vmem>>, vector<1x16xi32>,
      %get3A_3074 = arith.constant 16 : index
      %get3A_3075 = tpu.vector_load %arg7[%get3A_3074] {strides = array<i32>} : memref<320xi32, #tpu.memory_space<vmem>>, vector<16xi32>,
      %get3A_3076 = vector.shape_cast %get3A_3075 : vector<16xi32> to vector<16xi32>
      %get3A_3077 = arith.constant 16 : index
      %get3A_3078 = tpu.vector_load %arg8[%get3A_3077] {strides = array<i32>} : memref<320xi32, #tpu.memory_space<vmem>>, vector<16xi32>,
      %get3A_3079 = vector.shape_cast %get3A_3078 : vector<16xi32> to vector<16xi32>
      %mul3A_3080 = arith.constant 16 : i32
      %mul3A_3081 = vector.broadcast %mul3A_3080 : i32 to vector<16xi32>
      %mul3A_3082 = arith.muli %get3A_3079, %mul3A_3081 : vector<16xi32>
      %add3A_3083 = arith.addi %mul3A_3082, %get3A_3076 : vector<16xi32>
      %swap3A_3084 = arith.constant 0 : i32
      %swap3A_3085 = arith.index_cast %swap3A_3084 : i32 to index
      %swap3A_3086 = arith.constant 16 : index
      %swap3A_3087 = tpu.vector_load %arg11[%swap3A_3085, %swap3A_3086] {strides = array<i32>} : memref<5x64xi32, #tpu.memory_space<vmem>>, vector<1x16xi32>,
      %swap3A_3088 = vector.shape_cast %swap3A_3087 : vector<1x16xi32> to vector<16xi32>
      %swap3A_3089 = vector.shape_cast %add3A_3083 : vector<16xi32> to vector<1x16xi32>
      tpu.vector_store %arg11[%swap3A_3085, %swap3A_3086], %swap3A_3089 {strides = array<i32>} : memref<5x64xi32, #tpu.memory_space<vmem>>, vector<1x16xi32>,
      %get3A_3090 = arith.constant 32 : index
      %get3A_3091 = tpu.vector_load %arg7[%get3A_3090] {strides = array<i32>} : memref<320xi32, #tpu.memory_space<vmem>>, vector<16xi32>,
      %get3A_3092 = vector.shape_cast %get3A_3091 : vector<16xi32> to vector<16xi32>
      %get3A_3093 = arith.constant 32 : index
      %get3A_3094 = tpu.vector_load %arg8[%get3A_3093] {strides = array<i32>} : memref<320xi32, #tpu.memory_space<vmem>>, vector<16xi32>,
      %get3A_3095 = vector.shape_cast %get3A_3094 : vector<16xi32> to vector<16xi32>
      %mul3A_3096 = arith.constant 16 : i32
      %mul3A_3097 = vector.broadcast %mul3A_3096 : i32 to vector<16xi32>
      %mul3A_3098 = arith.muli %get3A_3095, %mul3A_3097 : vector<16xi32>
      %add3A_3099 = arith.addi %mul3A_3098, %get3A_3092 : vector<16xi32>
      %swap3A_3100 = arith.constant 0 : i32
      %swap3A_3101 = arith.index_cast %swap3A_3100 : i32 to index
      %swap3A_3102 = arith.constant 32 : index
      %swap3A_3103 = tpu.vector_load %arg11[%swap3A_3101, %swap3A_3102] {strides = array<i32>} : memref<5x64xi32, #tpu.memory_space<vmem>>, vector<1x16xi32>,
      %swap3A_3104 = vector.shape_cast %swap3A_3103 : vector<1x16xi32> to vector<16xi32>
      %swap3A_3105 = vector.shape_cast %add3A_3099 : vector<16xi32> to vector<1x16xi32>
      tpu.vector_store %arg11[%swap3A_3101, %swap3A_3102], %swap3A_3105 {strides = array<i32>} : memref<5x64xi32, #tpu.memory_space<vmem>>, vector<1x16xi32>,
      %get3A_3106 = arith.constant 48 : index
      %get3A_3107 = tpu.vector_load %arg7[%get3A_3106] {strides = array<i32>} : memref<320xi32, #tpu.memory_space<vmem>>, vector<16xi32>,
      %get3A_3108 = vector.shape_cast %get3A_3107 : vector<16xi32> to vector<16xi32>
      %get3A_3109 = arith.constant 48 : index
      %get3A_3110 = tpu.vector_load %arg8[%get3A_3109] {strides = array<i32>} : memref<320xi32, #tpu.memory_space<vmem>>, vector<16xi32>,
      %get3A_3111 = vector.shape_cast %get3A_3110 : vector<16xi32> to vector<16xi32>
      %mul3A_3112 = arith.constant 16 : i32
      %mul3A_3113 = vector.broadcast %mul3A_3112 : i32 to vector<16xi32>
      %mul3A_3114 = arith.muli %get3A_3111, %mul3A_3113 : vector<16xi32>
      %add3A_3115 = arith.addi %mul3A_3114, %get3A_3108 : vector<16xi32>
      %swap3A_3116 = arith.constant 0 : i32
      %swap3A_3117 = arith.index_cast %swap3A_3116 : i32 to index
      %swap3A_3118 = arith.constant 48 : index
      %swap3A_3119 = tpu.vector_load %arg11[%swap3A_3117, %swap3A_3118] {strides = array<i32>} : memref<5x64xi32, #tpu.memory_space<vmem>>, vector<1x16xi32>,
      %swap3A_3120 = vector.shape_cast %swap3A_3119 : vector<1x16xi32> to vector<16xi32>
      %swap3A_3121 = vector.shape_cast %add3A_3115 : vector<16xi32> to vector<1x16xi32>
      tpu.vector_store %arg11[%swap3A_3117, %swap3A_3118], %swap3A_3121 {strides = array<i32>} : memref<5x64xi32, #tpu.memory_space<vmem>>, vector<1x16xi32>,
      %get3A_3122 = arith.constant 64 : index
      %get3A_3123 = tpu.vector_load %arg7[%get3A_3122] {strides = array<i32>} : memref<320xi32, #tpu.memory_space<vmem>>, vector<16xi32>,
      %get3A_3124 = vector.shape_cast %get3A_3123 : vector<16xi32> to vector<16xi32>
      %get3A_3125 = arith.constant 64 : index
      %get3A_3126 = tpu.vector_load %arg8[%get3A_3125] {strides = array<i32>} : memref<320xi32, #tpu.memory_space<vmem>>, vector<16xi32>,
      %get3A_3127 = vector.shape_cast %get3A_3126 : vector<16xi32> to vector<16xi32>
      %mul3A_3128 = arith.constant 16 : i32
      %mul3A_3129 = vector.broadcast %mul3A_3128 : i32 to vector<16xi32>
      %mul3A_3130 = arith.muli %get3A_3127, %mul3A_3129 : vector<16xi32>
      %add3A_3131 = arith.addi %mul3A_3130, %get3A_3124 : vector<16xi32>
      %swap3A_3132 = arith.constant 1 : i32
      %swap3A_3133 = arith.index_cast %swap3A_3132 : i32 to index
      %swap3A_3134 = arith.constant 0 : index
      %swap3A_3135 = tpu.vector_load %arg11[%swap3A_3133, %swap3A_3134] {strides = array<i32>} : memref<5x64xi32, #tpu.memory_space<vmem>>, vector<1x16xi32>,
      %swap3A_3136 = vector.shape_cast %swap3A_3135 : vector<1x16xi32> to vector<16xi32>
      %swap3A_3137 = vector.shape_cast %add3A_3131 : vector<16xi32> to vector<1x16xi32>
      tpu.vector_store %arg11[%swap3A_3133, %swap3A_3134], %swap3A_3137 {strides = array<i32>} : memref<5x64xi32, #tpu.memory_space<vmem>>, vector<1x16xi32>,
      %get3A_3138 = arith.constant 80 : index
      %get3A_3139 = tpu.vector_load %arg7[%get3A_3138] {strides = array<i32>} : memref<320xi32, #tpu.memory_space<vmem>>, vector<16xi32>,
      %get3A_3140 = vector.shape_cast %get3A_3139 : vector<16xi32> to vector<16xi32>
      %get3A_3141 = arith.constant 80 : index
      %get3A_3142 = tpu.vector_load %arg8[%get3A_3141] {strides = array<i32>} : memref<320xi32, #tpu.memory_space<vmem>>, vector<16xi32>,
      %get3A_3143 = vector.shape_cast %get3A_3142 : vector<16xi32> to vector<16xi32>
      %mul3A_3144 = arith.constant 16 : i32
      %mul3A_3145 = vector.broadcast %mul3A_3144 : i32 to vector<16xi32>
      %mul3A_3146 = arith.muli %get3A_3143, %mul3A_3145 : vector<16xi32>
      %add3A_3147 = arith.addi %mul3A_3146, %get3A_3140 : vector<16xi32>
      %swap3A_3148 = arith.constant 1 : i32
      %swap3A_3149 = arith.index_cast %swap3A_3148 : i32 to index
      %swap3A_3150 = arith.constant 16 : index
      %swap3A_3151 = tpu.vector_load %arg11[%swap3A_3149, %swap3A_3150] {strides = array<i32>} : memref<5x64xi32, #tpu.memory_space<vmem>>, vector<1x16xi32>,
      %swap3A_3152 = vector.shape_cast %swap3A_3151 : vector<1x16xi32> to vector<16xi32>
      %swap3A_3153 = vector.shape_cast %add3A_3147 : vector<16xi32> to vector<1x16xi32>
      tpu.vector_store %arg11[%swap3A_3149, %swap3A_3150], %swap3A_3153 {strides = array<i32>} : memref<5x64xi32, #tpu.memory_space<vmem>>, vector<1x16xi32>,
      %get3A_3154 = arith.constant 96 : index
      %get3A_3155 = tpu.vector_load %arg7[%get3A_3154] {strides = array<i32>} : memref<320xi32, #tpu.memory_space<vmem>>, vector<16xi32>,
      %get3A_3156 = vector.shape_cast %get3A_3155 : vector<16xi32> to vector<16xi32>
      %get3A_3157 = arith.constant 96 : index
      %get3A_3158 = tpu.vector_load %arg8[%get3A_3157] {strides = array<i32>} : memref<320xi32, #tpu.memory_space<vmem>>, vector<16xi32>,
      %get3A_3159 = vector.shape_cast %get3A_3158 : vector<16xi32> to vector<16xi32>
      %mul3A_3160 = arith.constant 16 : i32
      %mul3A_3161 = vector.broadcast %mul3A_3160 : i32 to vector<16xi32>
      %mul3A_3162 = arith.muli %get3A_3159, %mul3A_3161 : vector<16xi32>
      %add3A_3163 = arith.addi %mul3A_3162, %get3A_3156 : vector<16xi32>
      %swap3A_3164 = arith.constant 1 : i32
      %swap3A_3165 = arith.index_cast %swap3A_3164 : i32 to index
      %swap3A_3166 = arith.constant 32 : index
      %swap3A_3167 = tpu.vector_load %arg11[%swap3A_3165, %swap3A_3166] {strides = array<i32>} : memref<5x64xi32, #tpu.memory_space<vmem>>, vector<1x16xi32>,
      %swap3A_3168 = vector.shape_cast %swap3A_3167 : vector<1x16xi32> to vector<16xi32>
      %swap3A_3169 = vector.shape_cast %add3A_3163 : vector<16xi32> to vector<1x16xi32>
      tpu.vector_store %arg11[%swap3A_3165, %swap3A_3166], %swap3A_3169 {strides = array<i32>} : memref<5x64xi32, #tpu.memory_space<vmem>>, vector<1x16xi32>,
      %get3A_3170 = arith.constant 112 : index
      %get3A_3171 = tpu.vector_load %arg7[%get3A_3170] {strides = array<i32>} : memref<320xi32, #tpu.memory_space<vmem>>, vector<16xi32>,
      %get3A_3172 = vector.shape_cast %get3A_3171 : vector<16xi32> to vector<16xi32>
      %get3A_3173 = arith.constant 112 : index
      %get3A_3174 = tpu.vector_load %arg8[%get3A_3173] {strides = array<i32>} : memref<320xi32, #tpu.memory_space<vmem>>, vector<16xi32>,
      %get3A_3175 = vector.shape_cast %get3A_3174 : vector<16xi32> to vector<16xi32>
      %mul3A_3176 = arith.constant 16 : i32
      %mul3A_3177 = vector.broadcast %mul3A_3176 : i32 to vector<16xi32>
      %mul3A_3178 = arith.muli %get3A_3175, %mul3A_3177 : vector<16xi32>
      %add3A_3179 = arith.addi %mul3A_3178, %get3A_3172 : vector<16xi32>
      %swap3A_3180 = arith.constant 1 : i32
      %swap3A_3181 = arith.index_cast %swap3A_3180 : i32 to index
      %swap3A_3182 = arith.constant 48 : index
      %swap3A_3183 = tpu.vector_load %arg11[%swap3A_3181, %swap3A_3182] {strides = array<i32>} : memref<5x64xi32, #tpu.memory_space<vmem>>, vector<1x16xi32>,
      %swap3A_3184 = vector.shape_cast %swap3A_3183 : vector<1x16xi32> to vector<16xi32>
      %swap3A_3185 = vector.shape_cast %add3A_3179 : vector<16xi32> to vector<1x16xi32>
      tpu.vector_store %arg11[%swap3A_3181, %swap3A_3182], %swap3A_3185 {strides = array<i32>} : memref<5x64xi32, #tpu.memory_space<vmem>>, vector<1x16xi32>,
      %get3A_3186 = arith.constant 128 : index
      %get3A_3187 = tpu.vector_load %arg7[%get3A_3186] {strides = array<i32>} : memref<320xi32, #tpu.memory_space<vmem>>, vector<16xi32>,
      %get3A_3188 = vector.shape_cast %get3A_3187 : vector<16xi32> to vector<16xi32>
      %get3A_3189 = arith.constant 128 : index
      %get3A_3190 = tpu.vector_load %arg8[%get3A_3189] {strides = array<i32>} : memref<320xi32, #tpu.memory_space<vmem>>, vector<16xi32>,
      %get3A_3191 = vector.shape_cast %get3A_3190 : vector<16xi32> to vector<16xi32>
      %mul3A_3192 = arith.constant 16 : i32
      %mul3A_3193 = vector.broadcast %mul3A_3192 : i32 to vector<16xi32>
      %mul3A_3194 = arith.muli %get3A_3191, %mul3A_3193 : vector<16xi32>
      %add3A_3195 = arith.addi %mul3A_3194, %get3A_3188 : vector<16xi32>
      %swap3A_3196 = arith.constant 2 : i32
      %swap3A_3197 = arith.index_cast %swap3A_3196 : i32 to index
      %swap3A_3198 = arith.constant 0 : index
      %swap3A_3199 = tpu.vector_load %arg11[%swap3A_3197, %swap3A_3198] {strides = array<i32>} : memref<5x64xi32, #tpu.memory_space<vmem>>, vector<1x16xi32>,
      %swap3A_3200 = vector.shape_cast %swap3A_3199 : vector<1x16xi32> to vector<16xi32>
      %swap3A_3201 = vector.shape_cast %add3A_3195 : vector<16xi32> to vector<1x16xi32>
      tpu.vector_store %arg11[%swap3A_3197, %swap3A_3198], %swap3A_3201 {strides = array<i32>} : memref<5x64xi32, #tpu.memory_space<vmem>>, vector<1x16xi32>,
      %get3A_3202 = arith.constant 144 : index
      %get3A_3203 = tpu.vector_load %arg7[%get3A_3202] {strides = array<i32>} : memref<320xi32, #tpu.memory_space<vmem>>, vector<16xi32>,
      %get3A_3204 = vector.shape_cast %get3A_3203 : vector<16xi32> to vector<16xi32>
      %get3A_3205 = arith.constant 144 : index
      %get3A_3206 = tpu.vector_load %arg8[%get3A_3205] {strides = array<i32>} : memref<320xi32, #tpu.memory_space<vmem>>, vector<16xi32>,
      %get3A_3207 = vector.shape_cast %get3A_3206 : vector<16xi32> to vector<16xi32>
      %mul3A_3208 = arith.constant 16 : i32
      %mul3A_3209 = vector.broadcast %mul3A_3208 : i32 to vector<16xi32>
      %mul3A_3210 = arith.muli %get3A_3207, %mul3A_3209 : vector<16xi32>
      %add3A_3211 = arith.addi %mul3A_3210, %get3A_3204 : vector<16xi32>
      %swap3A_3212 = arith.constant 2 : i32
      %swap3A_3213 = arith.index_cast %swap3A_3212 : i32 to index
      %swap3A_3214 = arith.constant 16 : index
      %swap3A_3215 = tpu.vector_load %arg11[%swap3A_3213, %swap3A_3214] {strides = array<i32>} : memref<5x64xi32, #tpu.memory_space<vmem>>, vector<1x16xi32>,
      %swap3A_3216 = vector.shape_cast %swap3A_3215 : vector<1x16xi32> to vector<16xi32>
      %swap3A_3217 = vector.shape_cast %add3A_3211 : vector<16xi32> to vector<1x16xi32>
      tpu.vector_store %arg11[%swap3A_3213, %swap3A_3214], %swap3A_3217 {strides = array<i32>} : memref<5x64xi32, #tpu.memory_space<vmem>>, vector<1x16xi32>,
      %get3A_3218 = arith.constant 160 : index
      %get3A_3219 = tpu.vector_load %arg7[%get3A_3218] {strides = array<i32>} : memref<320xi32, #tpu.memory_space<vmem>>, vector<16xi32>,
      %get3A_3220 = vector.shape_cast %get3A_3219 : vector<16xi32> to vector<16xi32>
      %get3A_3221 = arith.constant 160 : index
      %get3A_3222 = tpu.vector_load %arg8[%get3A_3221] {strides = array<i32>} : memref<320xi32, #tpu.memory_space<vmem>>, vector<16xi32>,
      %get3A_3223 = vector.shape_cast %get3A_3222 : vector<16xi32> to vector<16xi32>
      %mul3A_3224 = arith.constant 16 : i32
      %mul3A_3225 = vector.broadcast %mul3A_3224 : i32 to vector<16xi32>
      %mul3A_3226 = arith.muli %get3A_3223, %mul3A_3225 : vector<16xi32>
      %add3A_3227 = arith.addi %mul3A_3226, %get3A_3220 : vector<16xi32>
      %swap3A_3228 = arith.constant 2 : i32
      %swap3A_3229 = arith.index_cast %swap3A_3228 : i32 to index
      %swap3A_3230 = arith.constant 32 : index
      %swap3A_3231 = tpu.vector_load %arg11[%swap3A_3229, %swap3A_3230] {strides = array<i32>} : memref<5x64xi32, #tpu.memory_space<vmem>>, vector<1x16xi32>,
      %swap3A_3232 = vector.shape_cast %swap3A_3231 : vector<1x16xi32> to vector<16xi32>
      %swap3A_3233 = vector.shape_cast %add3A_3227 : vector<16xi32> to vector<1x16xi32>
      tpu.vector_store %arg11[%swap3A_3229, %swap3A_3230], %swap3A_3233 {strides = array<i32>} : memref<5x64xi32, #tpu.memory_space<vmem>>, vector<1x16xi32>,
      %get3A_3234 = arith.constant 176 : index
      %get3A_3235 = tpu.vector_load %arg7[%get3A_3234] {strides = array<i32>} : memref<320xi32, #tpu.memory_space<vmem>>, vector<16xi32>,
      %get3A_3236 = vector.shape_cast %get3A_3235 : vector<16xi32> to vector<16xi32>
      %get3A_3237 = arith.constant 176 : index
      %get3A_3238 = tpu.vector_load %arg8[%get3A_3237] {strides = array<i32>} : memref<320xi32, #tpu.memory_space<vmem>>, vector<16xi32>,
      %get3A_3239 = vector.shape_cast %get3A_3238 : vector<16xi32> to vector<16xi32>
      %mul3A_3240 = arith.constant 16 : i32
      %mul3A_3241 = vector.broadcast %mul3A_3240 : i32 to vector<16xi32>
      %mul3A_3242 = arith.muli %get3A_3239, %mul3A_3241 : vector<16xi32>
      %add3A_3243 = arith.addi %mul3A_3242, %get3A_3236 : vector<16xi32>
      %swap3A_3244 = arith.constant 2 : i32
      %swap3A_3245 = arith.index_cast %swap3A_3244 : i32 to index
      %swap3A_3246 = arith.constant 48 : index
      %swap3A_3247 = tpu.vector_load %arg11[%swap3A_3245, %swap3A_3246] {strides = array<i32>} : memref<5x64xi32, #tpu.memory_space<vmem>>, vector<1x16xi32>,
      %swap3A_3248 = vector.shape_cast %swap3A_3247 : vector<1x16xi32> to vector<16xi32>
      %swap3A_3249 = vector.shape_cast %add3A_3243 : vector<16xi32> to vector<1x16xi32>
      tpu.vector_store %arg11[%swap3A_3245, %swap3A_3246], %swap3A_3249 {strides = array<i32>} : memref<5x64xi32, #tpu.memory_space<vmem>>, vector<1x16xi32>,
      %get3A_3250 = arith.constant 192 : index
      %get3A_3251 = tpu.vector_load %arg7[%get3A_3250] {strides = array<i32>} : memref<320xi32, #tpu.memory_space<vmem>>, vector<16xi32>,
      %get3A_3252 = vector.shape_cast %get3A_3251 : vector<16xi32> to vector<16xi32>
      %get3A_3253 = arith.constant 192 : index
      %get3A_3254 = tpu.vector_load %arg8[%get3A_3253] {strides = array<i32>} : memref<320xi32, #tpu.memory_space<vmem>>, vector<16xi32>,
      %get3A_3255 = vector.shape_cast %get3A_3254 : vector<16xi32> to vector<16xi32>
      %mul3A_3256 = arith.constant 16 : i32
      %mul3A_3257 = vector.broadcast %mul3A_3256 : i32 to vector<16xi32>
      %mul3A_3258 = arith.muli %get3A_3255, %mul3A_3257 : vector<16xi32>
      %add3A_3259 = arith.addi %mul3A_3258, %get3A_3252 : vector<16xi32>
      %swap3A_3260 = arith.constant 3 : i32
      %swap3A_3261 = arith.index_cast %swap3A_3260 : i32 to index
      %swap3A_3262 = arith.constant 0 : index
      %swap3A_3263 = tpu.vector_load %arg11[%swap3A_3261, %swap3A_3262] {strides = array<i32>} : memref<5x64xi32, #tpu.memory_space<vmem>>, vector<1x16xi32>,
      %swap3A_3264 = vector.shape_cast %swap3A_3263 : vector<1x16xi32> to vector<16xi32>
      %swap3A_3265 = vector.shape_cast %add3A_3259 : vector<16xi32> to vector<1x16xi32>
      tpu.vector_store %arg11[%swap3A_3261, %swap3A_3262], %swap3A_3265 {strides = array<i32>} : memref<5x64xi32, #tpu.memory_space<vmem>>, vector<1x16xi32>,
      %get3A_3266 = arith.constant 208 : index
      %get3A_3267 = tpu.vector_load %arg7[%get3A_3266] {strides = array<i32>} : memref<320xi32, #tpu.memory_space<vmem>>, vector<16xi32>,
      %get3A_3268 = vector.shape_cast %get3A_3267 : vector<16xi32> to vector<16xi32>
      %get3A_3269 = arith.constant 208 : index
      %get3A_3270 = tpu.vector_load %arg8[%get3A_3269] {strides = array<i32>} : memref<320xi32, #tpu.memory_space<vmem>>, vector<16xi32>,
      %get3A_3271 = vector.shape_cast %get3A_3270 : vector<16xi32> to vector<16xi32>
      %mul3A_3272 = arith.constant 16 : i32
      %mul3A_3273 = vector.broadcast %mul3A_3272 : i32 to vector<16xi32>
      %mul3A_3274 = arith.muli %get3A_3271, %mul3A_3273 : vector<16xi32>
      %add3A_3275 = arith.addi %mul3A_3274, %get3A_3268 : vector<16xi32>
      %swap3A_3276 = arith.constant 3 : i32
      %swap3A_3277 = arith.index_cast %swap3A_3276 : i32 to index
      %swap3A_3278 = arith.constant 16 : index
      %swap3A_3279 = tpu.vector_load %arg11[%swap3A_3277, %swap3A_3278] {strides = array<i32>} : memref<5x64xi32, #tpu.memory_space<vmem>>, vector<1x16xi32>,
      %swap3A_3280 = vector.shape_cast %swap3A_3279 : vector<1x16xi32> to vector<16xi32>
      %swap3A_3281 = vector.shape_cast %add3A_3275 : vector<16xi32> to vector<1x16xi32>
      tpu.vector_store %arg11[%swap3A_3277, %swap3A_3278], %swap3A_3281 {strides = array<i32>} : memref<5x64xi32, #tpu.memory_space<vmem>>, vector<1x16xi32>,
      %get3A_3282 = arith.constant 224 : index
      %get3A_3283 = tpu.vector_load %arg7[%get3A_3282] {strides = array<i32>} : memref<320xi32, #tpu.memory_space<vmem>>, vector<16xi32>,
      %get3A_3284 = vector.shape_cast %get3A_3283 : vector<16xi32> to vector<16xi32>
      %get3A_3285 = arith.constant 224 : index
      %get3A_3286 = tpu.vector_load %arg8[%get3A_3285] {strides = array<i32>} : memref<320xi32, #tpu.memory_space<vmem>>, vector<16xi32>,
      %get3A_3287 = vector.shape_cast %get3A_3286 : vector<16xi32> to vector<16xi32>
      %mul3A_3288 = arith.constant 16 : i32
      %mul3A_3289 = vector.broadcast %mul3A_3288 : i32 to vector<16xi32>
      %mul3A_3290 = arith.muli %get3A_3287, %mul3A_3289 : vector<16xi32>
      %add3A_3291 = arith.addi %mul3A_3290, %get3A_3284 : vector<16xi32>
      %swap3A_3292 = arith.constant 3 : i32
      %swap3A_3293 = arith.index_cast %swap3A_3292 : i32 to index
      %swap3A_3294 = arith.constant 32 : index
      %swap3A_3295 = tpu.vector_load %arg11[%swap3A_3293, %swap3A_3294] {strides = array<i32>} : memref<5x64xi32, #tpu.memory_space<vmem>>, vector<1x16xi32>,
      %swap3A_3296 = vector.shape_cast %swap3A_3295 : vector<1x16xi32> to vector<16xi32>
      %swap3A_3297 = vector.shape_cast %add3A_3291 : vector<16xi32> to vector<1x16xi32>
      tpu.vector_store %arg11[%swap3A_3293, %swap3A_3294], %swap3A_3297 {strides = array<i32>} : memref<5x64xi32, #tpu.memory_space<vmem>>, vector<1x16xi32>,
      %get3A_3298 = arith.constant 240 : index
      %get3A_3299 = tpu.vector_load %arg7[%get3A_3298] {strides = array<i32>} : memref<320xi32, #tpu.memory_space<vmem>>, vector<16xi32>,
      %get3A_3300 = vector.shape_cast %get3A_3299 : vector<16xi32> to vector<16xi32>
      %get3A_3301 = arith.constant 240 : index
      %get3A_3302 = tpu.vector_load %arg8[%get3A_3301] {strides = array<i32>} : memref<320xi32, #tpu.memory_space<vmem>>, vector<16xi32>,
      %get3A_3303 = vector.shape_cast %get3A_3302 : vector<16xi32> to vector<16xi32>
      %mul3A_3304 = arith.constant 16 : i32
      %mul3A_3305 = vector.broadcast %mul3A_3304 : i32 to vector<16xi32>
      %mul3A_3306 = arith.muli %get3A_3303, %mul3A_3305 : vector<16xi32>
      %add3A_3307 = arith.addi %mul3A_3306, %get3A_3300 : vector<16xi32>
      %swap3A_3308 = arith.constant 3 : i32
      %swap3A_3309 = arith.index_cast %swap3A_3308 : i32 to index
      %swap3A_3310 = arith.constant 48 : index
      %swap3A_3311 = tpu.vector_load %arg11[%swap3A_3309, %swap3A_3310] {strides = array<i32>} : memref<5x64xi32, #tpu.memory_space<vmem>>, vector<1x16xi32>,
      %swap3A_3312 = vector.shape_cast %swap3A_3311 : vector<1x16xi32> to vector<16xi32>
      %swap3A_3313 = vector.shape_cast %add3A_3307 : vector<16xi32> to vector<1x16xi32>
      tpu.vector_store %arg11[%swap3A_3309, %swap3A_3310], %swap3A_3313 {strides = array<i32>} : memref<5x64xi32, #tpu.memory_space<vmem>>, vector<1x16xi32>,
      %get3A_3314 = arith.constant 256 : index
      %get3A_3315 = tpu.vector_load %arg7[%get3A_3314] {strides = array<i32>} : memref<320xi32, #tpu.memory_space<vmem>>, vector<16xi32>,
      %get3A_3316 = vector.shape_cast %get3A_3315 : vector<16xi32> to vector<16xi32>
      %get3A_3317 = arith.constant 256 : index
      %get3A_3318 = tpu.vector_load %arg8[%get3A_3317] {strides = array<i32>} : memref<320xi32, #tpu.memory_space<vmem>>, vector<16xi32>,
      %get3A_3319 = vector.shape_cast %get3A_3318 : vector<16xi32> to vector<16xi32>
      %mul3A_3320 = arith.constant 16 : i32
      %mul3A_3321 = vector.broadcast %mul3A_3320 : i32 to vector<16xi32>
      %mul3A_3322 = arith.muli %get3A_3319, %mul3A_3321 : vector<16xi32>
      %add3A_3323 = arith.addi %mul3A_3322, %get3A_3316 : vector<16xi32>
      %swap3A_3324 = arith.constant 4 : i32
      %swap3A_3325 = arith.index_cast %swap3A_3324 : i32 to index
      %swap3A_3326 = arith.constant 0 : index
      %swap3A_3327 = tpu.vector_load %arg11[%swap3A_3325, %swap3A_3326] {strides = array<i32>} : memref<5x64xi32, #tpu.memory_space<vmem>>, vector<1x16xi32>,
      %swap3A_3328 = vector.shape_cast %swap3A_3327 : vector<1x16xi32> to vector<16xi32>
      %swap3A_3329 = vector.shape_cast %add3A_3323 : vector<16xi32> to vector<1x16xi32>
      tpu.vector_store %arg11[%swap3A_3325, %swap3A_3326], %swap3A_3329 {strides = array<i32>} : memref<5x64xi32, #tpu.memory_space<vmem>>, vector<1x16xi32>,
      %get3A_3330 = arith.constant 272 : index
      %get3A_3331 = tpu.vector_load %arg7[%get3A_3330] {strides = array<i32>} : memref<320xi32, #tpu.memory_space<vmem>>, vector<16xi32>,
      %get3A_3332 = vector.shape_cast %get3A_3331 : vector<16xi32> to vector<16xi32>
      %get3A_3333 = arith.constant 272 : index
      %get3A_3334 = tpu.vector_load %arg8[%get3A_3333] {strides = array<i32>} : memref<320xi32, #tpu.memory_space<vmem>>, vector<16xi32>,
      %get3A_3335 = vector.shape_cast %get3A_3334 : vector<16xi32> to vector<16xi32>
      %mul3A_3336 = arith.constant 16 : i32
      %mul3A_3337 = vector.broadcast %mul3A_3336 : i32 to vector<16xi32>
      %mul3A_3338 = arith.muli %get3A_3335, %mul3A_3337 : vector<16xi32>
      %add3A_3339 = arith.addi %mul3A_3338, %get3A_3332 : vector<16xi32>
      %swap3A_3340 = arith.constant 4 : i32
      %swap3A_3341 = arith.index_cast %swap3A_3340 : i32 to index
      %swap3A_3342 = arith.constant 16 : index
      %swap3A_3343 = tpu.vector_load %arg11[%swap3A_3341, %swap3A_3342] {strides = array<i32>} : memref<5x64xi32, #tpu.memory_space<vmem>>, vector<1x16xi32>,
      %swap3A_3344 = vector.shape_cast %swap3A_3343 : vector<1x16xi32> to vector<16xi32>
      %swap3A_3345 = vector.shape_cast %add3A_3339 : vector<16xi32> to vector<1x16xi32>
      tpu.vector_store %arg11[%swap3A_3341, %swap3A_3342], %swap3A_3345 {strides = array<i32>} : memref<5x64xi32, #tpu.memory_space<vmem>>, vector<1x16xi32>,
      %get3A_3346 = arith.constant 288 : index
      %get3A_3347 = tpu.vector_load %arg7[%get3A_3346] {strides = array<i32>} : memref<320xi32, #tpu.memory_space<vmem>>, vector<16xi32>,
      %get3A_3348 = vector.shape_cast %get3A_3347 : vector<16xi32> to vector<16xi32>
      %get3A_3349 = arith.constant 288 : index
      %get3A_3350 = tpu.vector_load %arg8[%get3A_3349] {strides = array<i32>} : memref<320xi32, #tpu.memory_space<vmem>>, vector<16xi32>,
      %get3A_3351 = vector.shape_cast %get3A_3350 : vector<16xi32> to vector<16xi32>
      %mul3A_3352 = arith.constant 16 : i32
      %mul3A_3353 = vector.broadcast %mul3A_3352 : i32 to vector<16xi32>
      %mul3A_3354 = arith.muli %get3A_3351, %mul3A_3353 : vector<16xi32>
      %add3A_3355 = arith.addi %mul3A_3354, %get3A_3348 : vector<16xi32>
      %swap3A_3356 = arith.constant 4 : i32
      %swap3A_3357 = arith.index_cast %swap3A_3356 : i32 to index
      %swap3A_3358 = arith.constant 32 : index
      %swap3A_3359 = tpu.vector_load %arg11[%swap3A_3357, %swap3A_3358] {strides = array<i32>} : memref<5x64xi32, #tpu.memory_space<vmem>>, vector<1x16xi32>,
      %swap3A_3360 = vector.shape_cast %swap3A_3359 : vector<1x16xi32> to vector<16xi32>
      %swap3A_3361 = vector.shape_cast %add3A_3355 : vector<16xi32> to vector<1x16xi32>
      tpu.vector_store %arg11[%swap3A_3357, %swap3A_3358], %swap3A_3361 {strides = array<i32>} : memref<5x64xi32, #tpu.memory_space<vmem>>, vector<1x16xi32>,
      %get3A_3362 = arith.constant 304 : index
      %get3A_3363 = tpu.vector_load %arg7[%get3A_3362] {strides = array<i32>} : memref<320xi32, #tpu.memory_space<vmem>>, vector<16xi32>,
      %get3A_3364 = vector.shape_cast %get3A_3363 : vector<16xi32> to vector<16xi32>
      %get3A_3365 = arith.constant 304 : index
      %get3A_3366 = tpu.vector_load %arg8[%get3A_3365] {strides = array<i32>} : memref<320xi32, #tpu.memory_space<vmem>>, vector<16xi32>,
      %get3A_3367 = vector.shape_cast %get3A_3366 : vector<16xi32> to vector<16xi32>
      %mul3A_3368 = arith.constant 16 : i32
      %mul3A_3369 = vector.broadcast %mul3A_3368 : i32 to vector<16xi32>
      %mul3A_3370 = arith.muli %get3A_3367, %mul3A_3369 : vector<16xi32>
      %add3A_3371 = arith.addi %mul3A_3370, %get3A_3364 : vector<16xi32>
      %swap3A_3372 = arith.constant 4 : i32
      %swap3A_3373 = arith.index_cast %swap3A_3372 : i32 to index
      %swap3A_3374 = arith.constant 48 : index
      %swap3A_3375 = tpu.vector_load %arg11[%swap3A_3373, %swap3A_3374] {strides = array<i32>} : memref<5x64xi32, #tpu.memory_space<vmem>>, vector<1x16xi32>,
      %swap3A_3376 = vector.shape_cast %swap3A_3375 : vector<1x16xi32> to vector<16xi32>
      %swap3A_3377 = vector.shape_cast %add3A_3371 : vector<16xi32> to vector<1x16xi32>
      tpu.vector_store %arg11[%swap3A_3373, %swap3A_3374], %swap3A_3377 {strides = array<i32>} : memref<5x64xi32, #tpu.memory_space<vmem>>, vector<1x16xi32>,
      %dma_start3A_3378 = arith.constant 0 : i32
      %dma_start3A_3379 = arith.constant 0 : i32
      %dma_start3A_3380 = arith.constant 0 : i32
      %dma_start3A_3381 = tpu.memref_slice %arg14[%dma_start3A_3379, %dma_start3A_3380] : memref<320x128xf32, #tpu.memory_space<vmem>> -> memref<64x128xf32, #tpu.memory_space<vmem>>
      %dma_start3A_3382 = arith.constant 0 : i32
      %dma_start3A_3383 = tpu.memref_slice %arg11[%dma_start3A_3378, %dma_start3A_3382] : memref<5x64xi32, #tpu.memory_space<vmem>> -> memref<1x64xi32, #tpu.memory_space<vmem>>
      %dma_start3A_3384 = tpu.memref_squeeze %dma_start3A_3383 : memref<1x64xi32, #tpu.memory_space<vmem>> -> memref<64xi32, #tpu.memory_space<vmem>>
      %dma_start3A_3385 = arith.constant 0 : i32
      %dma_start3A_3386 = arith.constant 0 : i32
      %dma_start3A_3387 = tpu.memref_slice %arg6[%dma_start3A_3385, %dma_start3A_3386] : memref<48x128xf32, #tpu.memory_space<vmem_shared>> -> memref<48x128xf32, #tpu.memory_space<vmem_shared>>
      tpu.enqueue_indirect_dma source(%dma_start3A_3387 : memref<48x128xf32, #tpu.memory_space<vmem_shared>>) target(%dma_start3A_3381 : memref<64x128xf32, #tpu.memory_space<vmem>>) offsets(%dma_start3A_3384 : memref<64xi32, #tpu.memory_space<vmem>>) semaphore(%arg17 : memref<!tpu.dma_semaphore, #tpu.memory_space<semaphore_mem>>)
      %dma_start3A_3388 = arith.constant 1 : i32
      %dma_start3A_3389 = arith.constant 64 : i32
      %dma_start3A_3390 = arith.constant 0 : i32
      %dma_start3A_3391 = tpu.memref_slice %arg14[%dma_start3A_3389, %dma_start3A_3390] : memref<320x128xf32, #tpu.memory_space<vmem>> -> memref<64x128xf32, #tpu.memory_space<vmem>>
      %dma_start3A_3392 = arith.constant 0 : i32
      %dma_start3A_3393 = tpu.memref_slice %arg11[%dma_start3A_3388, %dma_start3A_3392] : memref<5x64xi32, #tpu.memory_space<vmem>> -> memref<1x64xi32, #tpu.memory_space<vmem>>
      %dma_start3A_3394 = tpu.memref_squeeze %dma_start3A_3393 : memref<1x64xi32, #tpu.memory_space<vmem>> -> memref<64xi32, #tpu.memory_space<vmem>>
      %dma_start3A_3395 = arith.constant 0 : i32
      %dma_start3A_3396 = arith.constant 0 : i32
      %dma_start3A_3397 = tpu.memref_slice %arg6[%dma_start3A_3395, %dma_start3A_3396] : memref<48x128xf32, #tpu.memory_space<vmem_shared>> -> memref<48x128xf32, #tpu.memory_space<vmem_shared>>
      tpu.enqueue_indirect_dma source(%dma_start3A_3397 : memref<48x128xf32, #tpu.memory_space<vmem_shared>>) target(%dma_start3A_3391 : memref<64x128xf32, #tpu.memory_space<vmem>>) offsets(%dma_start3A_3394 : memref<64xi32, #tpu.memory_space<vmem>>) semaphore(%arg17 : memref<!tpu.dma_semaphore, #tpu.memory_space<semaphore_mem>>)
      %dma_start3A_3398 = arith.constant 2 : i32
      %dma_start3A_3399 = arith.constant 128 : i32
      %dma_start3A_3400 = arith.constant 0 : i32
      %dma_start3A_3401 = tpu.memref_slice %arg14[%dma_start3A_3399, %dma_start3A_3400] : memref<320x128xf32, #tpu.memory_space<vmem>> -> memref<64x128xf32, #tpu.memory_space<vmem>>
      %dma_start3A_3402 = arith.constant 0 : i32
      %dma_start3A_3403 = tpu.memref_slice %arg11[%dma_start3A_3398, %dma_start3A_3402] : memref<5x64xi32, #tpu.memory_space<vmem>> -> memref<1x64xi32, #tpu.memory_space<vmem>>
      %dma_start3A_3404 = tpu.memref_squeeze %dma_start3A_3403 : memref<1x64xi32, #tpu.memory_space<vmem>> -> memref<64xi32, #tpu.memory_space<vmem>>
      %dma_start3A_3405 = arith.constant 0 : i32
      %dma_start3A_3406 = arith.constant 0 : i32
      %dma_start3A_3407 = tpu.memref_slice %arg6[%dma_start3A_3405, %dma_start3A_3406] : memref<48x128xf32, #tpu.memory_space<vmem_shared>> -> memref<48x128xf32, #tpu.memory_space<vmem_shared>>
      tpu.enqueue_indirect_dma source(%dma_start3A_3407 : memref<48x128xf32, #tpu.memory_space<vmem_shared>>) target(%dma_start3A_3401 : memref<64x128xf32, #tpu.memory_space<vmem>>) offsets(%dma_start3A_3404 : memref<64xi32, #tpu.memory_space<vmem>>) semaphore(%arg17 : memref<!tpu.dma_semaphore, #tpu.memory_space<semaphore_mem>>)
      %dma_start3A_3408 = arith.constant 3 : i32
      %dma_start3A_3409 = arith.constant 192 : i32
      %dma_start3A_3410 = arith.constant 0 : i32
      %dma_start3A_3411 = tpu.memref_slice %arg14[%dma_start3A_3409, %dma_start3A_3410] : memref<320x128xf32, #tpu.memory_space<vmem>> -> memref<64x128xf32, #tpu.memory_space<vmem>>
      %dma_start3A_3412 = arith.constant 0 : i32
      %dma_start3A_3413 = tpu.memref_slice %arg11[%dma_start3A_3408, %dma_start3A_3412] : memref<5x64xi32, #tpu.memory_space<vmem>> -> memref<1x64xi32, #tpu.memory_space<vmem>>
      %dma_start3A_3414 = tpu.memref_squeeze %dma_start3A_3413 : memref<1x64xi32, #tpu.memory_space<vmem>> -> memref<64xi32, #tpu.memory_space<vmem>>
      %dma_start3A_3415 = arith.constant 0 : i32
      %dma_start3A_3416 = arith.constant 0 : i32
      %dma_start3A_3417 = tpu.memref_slice %arg6[%dma_start3A_3415, %dma_start3A_3416] : memref<48x128xf32, #tpu.memory_space<vmem_shared>> -> memref<48x128xf32, #tpu.memory_space<vmem_shared>>
      tpu.enqueue_indirect_dma source(%dma_start3A_3417 : memref<48x128xf32, #tpu.memory_space<vmem_shared>>) target(%dma_start3A_3411 : memref<64x128xf32, #tpu.memory_space<vmem>>) offsets(%dma_start3A_3414 : memref<64xi32, #tpu.memory_space<vmem>>) semaphore(%arg17 : memref<!tpu.dma_semaphore, #tpu.memory_space<semaphore_mem>>)
      %dma_start3A_3418 = arith.constant 4 : i32
      %dma_start3A_3419 = arith.constant 256 : i32
      %dma_start3A_3420 = arith.constant 0 : i32
      %dma_start3A_3421 = tpu.memref_slice %arg14[%dma_start3A_3419, %dma_start3A_3420] : memref<320x128xf32, #tpu.memory_space<vmem>> -> memref<64x128xf32, #tpu.memory_space<vmem>>
      %dma_start3A_3422 = arith.constant 0 : i32
      %dma_start3A_3423 = tpu.memref_slice %arg11[%dma_start3A_3418, %dma_start3A_3422] : memref<5x64xi32, #tpu.memory_space<vmem>> -> memref<1x64xi32, #tpu.memory_space<vmem>>
      %dma_start3A_3424 = tpu.memref_squeeze %dma_start3A_3423 : memref<1x64xi32, #tpu.memory_space<vmem>> -> memref<64xi32, #tpu.memory_space<vmem>>
      %dma_start3A_3425 = arith.constant 0 : i32
      %dma_start3A_3426 = arith.constant 0 : i32
      %dma_start3A_3427 = tpu.memref_slice %arg6[%dma_start3A_3425, %dma_start3A_3426] : memref<48x128xf32, #tpu.memory_space<vmem_shared>> -> memref<48x128xf32, #tpu.memory_space<vmem_shared>>
      tpu.enqueue_indirect_dma source(%dma_start3A_3427 : memref<48x128xf32, #tpu.memory_space<vmem_shared>>) target(%dma_start3A_3421 : memref<64x128xf32, #tpu.memory_space<vmem>>) offsets(%dma_start3A_3424 : memref<64xi32, #tpu.memory_space<vmem>>) semaphore(%arg17 : memref<!tpu.dma_semaphore, #tpu.memory_space<semaphore_mem>>)
      %dma_wait3A_3428 = arith.constant 0 : i32
      %dma_wait3A_3429 = arith.constant 0 : i32
      %dma_wait3A_3430 = arith.constant 0 : i32
      %dma_wait3A_3431 = tpu.memref_slice %arg13[%dma_wait3A_3429, %dma_wait3A_3430] : memref<320x128xf32, #tpu.memory_space<vmem>> -> memref<64x128xf32, #tpu.memory_space<vmem>>
      %dma_wait3A_3432 = arith.constant 0 : i32
      %dma_wait3A_3433 = tpu.memref_slice %arg10[%dma_wait3A_3428, %dma_wait3A_3432] : memref<5x64xi32, #tpu.memory_space<vmem>> -> memref<1x64xi32, #tpu.memory_space<vmem>>
      %dma_wait3A_3434 = tpu.memref_squeeze %dma_wait3A_3433 : memref<1x64xi32, #tpu.memory_space<vmem>> -> memref<64xi32, #tpu.memory_space<vmem>>
      %dma_wait3A_3435 = arith.constant 0 : i32
      %dma_wait3A_3436 = arith.constant 0 : i32
      %dma_wait3A_3437 = tpu.memref_slice %arg6[%dma_wait3A_3435, %dma_wait3A_3436] : memref<48x128xf32, #tpu.memory_space<vmem_shared>> -> memref<48x128xf32, #tpu.memory_space<vmem_shared>>
      tpu.wait_indirect_dma semaphore(%arg16 : memref<!tpu.dma_semaphore, #tpu.memory_space<semaphore_mem>>) src(%dma_wait3A_3437 : memref<48x128xf32, #tpu.memory_space<vmem_shared>>) dst(%dma_wait3A_3431 : memref<64x128xf32, #tpu.memory_space<vmem>>)
      %dma_wait3A_3438 = arith.constant 1 : i32
      %dma_wait3A_3439 = arith.constant 64 : i32
      %dma_wait3A_3440 = arith.constant 0 : i32
      %dma_wait3A_3441 = tpu.memref_slice %arg13[%dma_wait3A_3439, %dma_wait3A_3440] : memref<320x128xf32, #tpu.memory_space<vmem>> -> memref<64x128xf32, #tpu.memory_space<vmem>>
      %dma_wait3A_3442 = arith.constant 0 : i32
      %dma_wait3A_3443 = tpu.memref_slice %arg10[%dma_wait3A_3438, %dma_wait3A_3442] : memref<5x64xi32, #tpu.memory_space<vmem>> -> memref<1x64xi32, #tpu.memory_space<vmem>>
      %dma_wait3A_3444 = tpu.memref_squeeze %dma_wait3A_3443 : memref<1x64xi32, #tpu.memory_space<vmem>> -> memref<64xi32, #tpu.memory_space<vmem>>
      %dma_wait3A_3445 = arith.constant 0 : i32
      %dma_wait3A_3446 = arith.constant 0 : i32
      %dma_wait3A_3447 = tpu.memref_slice %arg6[%dma_wait3A_3445, %dma_wait3A_3446] : memref<48x128xf32, #tpu.memory_space<vmem_shared>> -> memref<48x128xf32, #tpu.memory_space<vmem_shared>>
      tpu.wait_indirect_dma semaphore(%arg16 : memref<!tpu.dma_semaphore, #tpu.memory_space<semaphore_mem>>) src(%dma_wait3A_3447 : memref<48x128xf32, #tpu.memory_space<vmem_shared>>) dst(%dma_wait3A_3441 : memref<64x128xf32, #tpu.memory_space<vmem>>)
      %dma_wait3A_3448 = arith.constant 2 : i32
      %dma_wait3A_3449 = arith.constant 128 : i32
      %dma_wait3A_3450 = arith.constant 0 : i32
      %dma_wait3A_3451 = tpu.memref_slice %arg13[%dma_wait3A_3449, %dma_wait3A_3450] : memref<320x128xf32, #tpu.memory_space<vmem>> -> memref<64x128xf32, #tpu.memory_space<vmem>>
      %dma_wait3A_3452 = arith.constant 0 : i32
      %dma_wait3A_3453 = tpu.memref_slice %arg10[%dma_wait3A_3448, %dma_wait3A_3452] : memref<5x64xi32, #tpu.memory_space<vmem>> -> memref<1x64xi32, #tpu.memory_space<vmem>>
      %dma_wait3A_3454 = tpu.memref_squeeze %dma_wait3A_3453 : memref<1x64xi32, #tpu.memory_space<vmem>> -> memref<64xi32, #tpu.memory_space<vmem>>
      %dma_wait3A_3455 = arith.constant 0 : i32
      %dma_wait3A_3456 = arith.constant 0 : i32
      %dma_wait3A_3457 = tpu.memref_slice %arg6[%dma_wait3A_3455, %dma_wait3A_3456] : memref<48x128xf32, #tpu.memory_space<vmem_shared>> -> memref<48x128xf32, #tpu.memory_space<vmem_shared>>
      tpu.wait_indirect_dma semaphore(%arg16 : memref<!tpu.dma_semaphore, #tpu.memory_space<semaphore_mem>>) src(%dma_wait3A_3457 : memref<48x128xf32, #tpu.memory_space<vmem_shared>>) dst(%dma_wait3A_3451 : memref<64x128xf32, #tpu.memory_space<vmem>>)
      %dma_wait3A_3458 = arith.constant 3 : i32
      %dma_wait3A_3459 = arith.constant 192 : i32
      %dma_wait3A_3460 = arith.constant 0 : i32
      %dma_wait3A_3461 = tpu.memref_slice %arg13[%dma_wait3A_3459, %dma_wait3A_3460] : memref<320x128xf32, #tpu.memory_space<vmem>> -> memref<64x128xf32, #tpu.memory_space<vmem>>
      %dma_wait3A_3462 = arith.constant 0 : i32
      %dma_wait3A_3463 = tpu.memref_slice %arg10[%dma_wait3A_3458, %dma_wait3A_3462] : memref<5x64xi32, #tpu.memory_space<vmem>> -> memref<1x64xi32, #tpu.memory_space<vmem>>
      %dma_wait3A_3464 = tpu.memref_squeeze %dma_wait3A_3463 : memref<1x64xi32, #tpu.memory_space<vmem>> -> memref<64xi32, #tpu.memory_space<vmem>>
      %dma_wait3A_3465 = arith.constant 0 : i32
      %dma_wait3A_3466 = arith.constant 0 : i32
      %dma_wait3A_3467 = tpu.memref_slice %arg6[%dma_wait3A_3465, %dma_wait3A_3466] : memref<48x128xf32, #tpu.memory_space<vmem_shared>> -> memref<48x128xf32, #tpu.memory_space<vmem_shared>>
      tpu.wait_indirect_dma semaphore(%arg16 : memref<!tpu.dma_semaphore, #tpu.memory_space<semaphore_mem>>) src(%dma_wait3A_3467 : memref<48x128xf32, #tpu.memory_space<vmem_shared>>) dst(%dma_wait3A_3461 : memref<64x128xf32, #tpu.memory_space<vmem>>)
      %dma_wait3A_3468 = arith.constant 4 : i32
      %dma_wait3A_3469 = arith.constant 256 : i32
      %dma_wait3A_3470 = arith.constant 0 : i32
      %dma_wait3A_3471 = tpu.memref_slice %arg13[%dma_wait3A_3469, %dma_wait3A_3470] : memref<320x128xf32, #tpu.memory_space<vmem>> -> memref<64x128xf32, #tpu.memory_space<vmem>>
      %dma_wait3A_3472 = arith.constant 0 : i32
      %dma_wait3A_3473 = tpu.memref_slice %arg10[%dma_wait3A_3468, %dma_wait3A_3472] : memref<5x64xi32, #tpu.memory_space<vmem>> -> memref<1x64xi32, #tpu.memory_space<vmem>>
      %dma_wait3A_3474 = tpu.memref_squeeze %dma_wait3A_3473 : memref<1x64xi32, #tpu.memory_space<vmem>> -> memref<64xi32, #tpu.memory_space<vmem>>
      %dma_wait3A_3475 = arith.constant 0 : i32
      %dma_wait3A_3476 = arith.constant 0 : i32
      %dma_wait3A_3477 = tpu.memref_slice %arg6[%dma_wait3A_3475, %dma_wait3A_3476] : memref<48x128xf32, #tpu.memory_space<vmem_shared>> -> memref<48x128xf32, #tpu.memory_space<vmem_shared>>
      tpu.wait_indirect_dma semaphore(%arg16 : memref<!tpu.dma_semaphore, #tpu.memory_space<semaphore_mem>>) src(%dma_wait3A_3477 : memref<48x128xf32, #tpu.memory_space<vmem_shared>>) dst(%dma_wait3A_3471 : memref<64x128xf32, #tpu.memory_space<vmem>>)
      %mul3A_3478 = arith.constant 320 : i32
      %mul3A_3479 = arith.muli %add3A_3048, %mul3A_3478 : i32
      %add3A_3480 = arith.addi %mul3A_2, %mul3A_3479 : i32
      %dma_start3A_3481 = arith.constant 0 : i32
      %dma_start3A_3482 = tpu.memref_slice %arg5[%add3A_3480, %dma_start3A_3481] : memref<819200x128xf32, #tpu.memory_space<hbm>> -> memref<320x128xf32, #tpu.memory_space<hbm>>
      %dma_start3A_3483 = arith.constant 0 : i32
      %dma_start3A_3484 = tpu.memref_slice %arg5[%add3A_3480, %dma_start3A_3483] : memref<819200x128xf32, #tpu.memory_space<hbm>> -> memref<320x128xf32, #tpu.memory_space<hbm>>
      tpu.enqueue_dma source(%arg13 : memref<320x128xf32, #tpu.memory_space<vmem>>) target(%dma_start3A_3484 : memref<320x128xf32, #tpu.memory_space<hbm>>) target_semaphore(%arg19 : memref<!tpu.dma_semaphore, #tpu.memory_space<semaphore_mem>>)
    }
    %scan3A_1233 = arith.constant 25 : i32
    %dma_wait3A_1234 = arith.constant 0 : i32
    %dma_wait3A_1235 = tpu.memref_slice %arg5[%mul3A_2, %dma_wait3A_1234] : memref<819200x128xf32, #tpu.memory_space<hbm>> -> memref<320x128xf32, #tpu.memory_space<hbm>>
    %dma_wait3A_1236 = arith.constant 0 : i32
    %dma_wait3A_1237 = tpu.memref_slice %arg5[%mul3A_2, %dma_wait3A_1236] : memref<819200x128xf32, #tpu.memory_space<hbm>> -> memref<320x128xf32, #tpu.memory_space<hbm>>
    tpu.wait_dma2 semaphore(%arg18 : memref<!tpu.dma_semaphore, #tpu.memory_space<semaphore_mem>>) src(%arg12 : memref<320x128xf32, #tpu.memory_space<vmem>>) dst(%dma_wait3A_1237 : memref<320x128xf32, #tpu.memory_space<hbm>>)
    %add3A_1238 = arith.constant 24960 : i32
    %add3A_1239 = arith.addi %mul3A_2, %add3A_1238 : i32
    "tpu.region"() ({
      %run_scoped3A = tpu.sem_alloc : memref<!tpu.dma_semaphore, #tpu.memory_space<semaphore_mem>>
      %dma_start3A_2166 = tpu.memref_slice %arg3[%add3A_1239] : memref<819200xi32, #tpu.memory_space<hbm>> -> memref<320xi32, #tpu.memory_space<hbm>>
      %dma_start3A_2167 = tpu.memref_slice %arg3[%add3A_1239] : memref<819200xi32, #tpu.memory_space<hbm>> -> memref<320xi32, #tpu.memory_space<hbm>>
      tpu.enqueue_dma source(%dma_start3A_2167 : memref<320xi32, #tpu.memory_space<hbm>>) target(%arg7 : memref<320xi32, #tpu.memory_space<vmem>>) target_semaphore(%run_scoped3A : memref<!tpu.dma_semaphore, #tpu.memory_space<semaphore_mem>>)
      %dma_wait3A_2168 = tpu.memref_slice %arg3[%add3A_1239] : memref<819200xi32, #tpu.memory_space<hbm>> -> memref<320xi32, #tpu.memory_space<hbm>>
      %dma_wait3A_2169 = tpu.memref_slice %arg3[%add3A_1239] : memref<819200xi32, #tpu.memory_space<hbm>> -> memref<320xi32, #tpu.memory_space<hbm>>
      tpu.wait_dma2 semaphore(%run_scoped3A : memref<!tpu.dma_semaphore, #tpu.memory_space<semaphore_mem>>) src(%dma_wait3A_2169 : memref<320xi32, #tpu.memory_space<hbm>>) dst(%arg7 : memref<320xi32, #tpu.memory_space<vmem>>)
      tpu.yield
    }) : () -> ()
    "tpu.region"() ({
      %run_scoped3A = tpu.sem_alloc : memref<!tpu.dma_semaphore, #tpu.memory_space<semaphore_mem>>
      %dma_start3A_2166 = tpu.memref_slice %arg4[%add3A_1239] : memref<819200xi32, #tpu.memory_space<hbm>> -> memref<320xi32, #tpu.memory_space<hbm>>
      %dma_start3A_2167 = tpu.memref_slice %arg4[%add3A_1239] : memref<819200xi32, #tpu.memory_space<hbm>> -> memref<320xi32, #tpu.memory_space<hbm>>
      tpu.enqueue_dma source(%dma_start3A_2167 : memref<320xi32, #tpu.memory_space<hbm>>) target(%arg8 : memref<320xi32, #tpu.memory_space<vmem>>) target_semaphore(%run_scoped3A : memref<!tpu.dma_semaphore, #tpu.memory_space<semaphore_mem>>)
      %dma_wait3A_2168 = tpu.memref_slice %arg4[%add3A_1239] : memref<819200xi32, #tpu.memory_space<hbm>> -> memref<320xi32, #tpu.memory_space<hbm>>
      %dma_wait3A_2169 = tpu.memref_slice %arg4[%add3A_1239] : memref<819200xi32, #tpu.memory_space<hbm>> -> memref<320xi32, #tpu.memory_space<hbm>>
      tpu.wait_dma2 semaphore(%run_scoped3A : memref<!tpu.dma_semaphore, #tpu.memory_space<semaphore_mem>>) src(%dma_wait3A_2169 : memref<320xi32, #tpu.memory_space<hbm>>) dst(%arg8 : memref<320xi32, #tpu.memory_space<vmem>>)
      tpu.yield
    }) : () -> ()
    %get3A_1240 = arith.constant 0 : index
    %get3A_1241 = tpu.vector_load %arg7[%get3A_1240] {strides = array<i32>} : memref<320xi32, #tpu.memory_space<vmem>>, vector<16xi32>,
    %get3A_1242 = vector.shape_cast %get3A_1241 : vector<16xi32> to vector<16xi32>
    %get3A_1243 = arith.constant 0 : index
    %get3A_1244 = tpu.vector_load %arg8[%get3A_1243] {strides = array<i32>} : memref<320xi32, #tpu.memory_space<vmem>>, vector<16xi32>,
    %get3A_1245 = vector.shape_cast %get3A_1244 : vector<16xi32> to vector<16xi32>
    %mul3A_1246 = arith.constant 16 : i32
    %mul3A_1247 = vector.broadcast %mul3A_1246 : i32 to vector<16xi32>
    %mul3A_1248 = arith.muli %get3A_1245, %mul3A_1247 : vector<16xi32>
    %add3A_1249 = arith.addi %mul3A_1248, %get3A_1242 : vector<16xi32>
    %swap3A_1250 = arith.constant 0 : i32
    %swap3A_1251 = arith.index_cast %swap3A_1250 : i32 to index
    %swap3A_1252 = arith.constant 0 : index
    %swap3A_1253 = tpu.vector_load %arg9[%swap3A_1251, %swap3A_1252] {strides = array<i32>} : memref<5x64xi32, #tpu.memory_space<vmem>>, vector<1x16xi32>,
    %swap3A_1254 = vector.shape_cast %swap3A_1253 : vector<1x16xi32> to vector<16xi32>
    %swap3A_1255 = vector.shape_cast %add3A_1249 : vector<16xi32> to vector<1x16xi32>
    tpu.vector_store %arg9[%swap3A_1251, %swap3A_1252], %swap3A_1255 {strides = array<i32>} : memref<5x64xi32, #tpu.memory_space<vmem>>, vector<1x16xi32>,
    %get3A_1256 = arith.constant 16 : index
    %get3A_1257 = tpu.vector_load %arg7[%get3A_1256] {strides = array<i32>} : memref<320xi32, #tpu.memory_space<vmem>>, vector<16xi32>,
    %get3A_1258 = vector.shape_cast %get3A_1257 : vector<16xi32> to vector<16xi32>
    %get3A_1259 = arith.constant 16 : index
    %get3A_1260 = tpu.vector_load %arg8[%get3A_1259] {strides = array<i32>} : memref<320xi32, #tpu.memory_space<vmem>>, vector<16xi32>,
    %get3A_1261 = vector.shape_cast %get3A_1260 : vector<16xi32> to vector<16xi32>
    %mul3A_1262 = arith.constant 16 : i32
    %mul3A_1263 = vector.broadcast %mul3A_1262 : i32 to vector<16xi32>
    %mul3A_1264 = arith.muli %get3A_1261, %mul3A_1263 : vector<16xi32>
    %add3A_1265 = arith.addi %mul3A_1264, %get3A_1258 : vector<16xi32>
    %swap3A_1266 = arith.constant 0 : i32
    %swap3A_1267 = arith.index_cast %swap3A_1266 : i32 to index
    %swap3A_1268 = arith.constant 16 : index
    %swap3A_1269 = tpu.vector_load %arg9[%swap3A_1267, %swap3A_1268] {strides = array<i32>} : memref<5x64xi32, #tpu.memory_space<vmem>>, vector<1x16xi32>,
    %swap3A_1270 = vector.shape_cast %swap3A_1269 : vector<1x16xi32> to vector<16xi32>
    %swap3A_1271 = vector.shape_cast %add3A_1265 : vector<16xi32> to vector<1x16xi32>
    tpu.vector_store %arg9[%swap3A_1267, %swap3A_1268], %swap3A_1271 {strides = array<i32>} : memref<5x64xi32, #tpu.memory_space<vmem>>, vector<1x16xi32>,
    %get3A_1272 = arith.constant 32 : index
    %get3A_1273 = tpu.vector_load %arg7[%get3A_1272] {strides = array<i32>} : memref<320xi32, #tpu.memory_space<vmem>>, vector<16xi32>,
    %get3A_1274 = vector.shape_cast %get3A_1273 : vector<16xi32> to vector<16xi32>
    %get3A_1275 = arith.constant 32 : index
    %get3A_1276 = tpu.vector_load %arg8[%get3A_1275] {strides = array<i32>} : memref<320xi32, #tpu.memory_space<vmem>>, vector<16xi32>,
    %get3A_1277 = vector.shape_cast %get3A_1276 : vector<16xi32> to vector<16xi32>
    %mul3A_1278 = arith.constant 16 : i32
    %mul3A_1279 = vector.broadcast %mul3A_1278 : i32 to vector<16xi32>
    %mul3A_1280 = arith.muli %get3A_1277, %mul3A_1279 : vector<16xi32>
    %add3A_1281 = arith.addi %mul3A_1280, %get3A_1274 : vector<16xi32>
    %swap3A_1282 = arith.constant 0 : i32
    %swap3A_1283 = arith.index_cast %swap3A_1282 : i32 to index
    %swap3A_1284 = arith.constant 32 : index
    %swap3A_1285 = tpu.vector_load %arg9[%swap3A_1283, %swap3A_1284] {strides = array<i32>} : memref<5x64xi32, #tpu.memory_space<vmem>>, vector<1x16xi32>,
    %swap3A_1286 = vector.shape_cast %swap3A_1285 : vector<1x16xi32> to vector<16xi32>
    %swap3A_1287 = vector.shape_cast %add3A_1281 : vector<16xi32> to vector<1x16xi32>
    tpu.vector_store %arg9[%swap3A_1283, %swap3A_1284], %swap3A_1287 {strides = array<i32>} : memref<5x64xi32, #tpu.memory_space<vmem>>, vector<1x16xi32>,
    %get3A_1288 = arith.constant 48 : index
    %get3A_1289 = tpu.vector_load %arg7[%get3A_1288] {strides = array<i32>} : memref<320xi32, #tpu.memory_space<vmem>>, vector<16xi32>,
    %get3A_1290 = vector.shape_cast %get3A_1289 : vector<16xi32> to vector<16xi32>
    %get3A_1291 = arith.constant 48 : index
    %get3A_1292 = tpu.vector_load %arg8[%get3A_1291] {strides = array<i32>} : memref<320xi32, #tpu.memory_space<vmem>>, vector<16xi32>,
    %get3A_1293 = vector.shape_cast %get3A_1292 : vector<16xi32> to vector<16xi32>
    %mul3A_1294 = arith.constant 16 : i32
    %mul3A_1295 = vector.broadcast %mul3A_1294 : i32 to vector<16xi32>
    %mul3A_1296 = arith.muli %get3A_1293, %mul3A_1295 : vector<16xi32>
    %add3A_1297 = arith.addi %mul3A_1296, %get3A_1290 : vector<16xi32>
    %swap3A_1298 = arith.constant 0 : i32
    %swap3A_1299 = arith.index_cast %swap3A_1298 : i32 to index
    %swap3A_1300 = arith.constant 48 : index
    %swap3A_1301 = tpu.vector_load %arg9[%swap3A_1299, %swap3A_1300] {strides = array<i32>} : memref<5x64xi32, #tpu.memory_space<vmem>>, vector<1x16xi32>,
    %swap3A_1302 = vector.shape_cast %swap3A_1301 : vector<1x16xi32> to vector<16xi32>
    %swap3A_1303 = vector.shape_cast %add3A_1297 : vector<16xi32> to vector<1x16xi32>
    tpu.vector_store %arg9[%swap3A_1299, %swap3A_1300], %swap3A_1303 {strides = array<i32>} : memref<5x64xi32, #tpu.memory_space<vmem>>, vector<1x16xi32>,
    %get3A_1304 = arith.constant 64 : index
    %get3A_1305 = tpu.vector_load %arg7[%get3A_1304] {strides = array<i32>} : memref<320xi32, #tpu.memory_space<vmem>>, vector<16xi32>,
    %get3A_1306 = vector.shape_cast %get3A_1305 : vector<16xi32> to vector<16xi32>
    %get3A_1307 = arith.constant 64 : index
    %get3A_1308 = tpu.vector_load %arg8[%get3A_1307] {strides = array<i32>} : memref<320xi32, #tpu.memory_space<vmem>>, vector<16xi32>,
    %get3A_1309 = vector.shape_cast %get3A_1308 : vector<16xi32> to vector<16xi32>
    %mul3A_1310 = arith.constant 16 : i32
    %mul3A_1311 = vector.broadcast %mul3A_1310 : i32 to vector<16xi32>
    %mul3A_1312 = arith.muli %get3A_1309, %mul3A_1311 : vector<16xi32>
    %add3A_1313 = arith.addi %mul3A_1312, %get3A_1306 : vector<16xi32>
    %swap3A_1314 = arith.constant 1 : i32
    %swap3A_1315 = arith.index_cast %swap3A_1314 : i32 to index
    %swap3A_1316 = arith.constant 0 : index
    %swap3A_1317 = tpu.vector_load %arg9[%swap3A_1315, %swap3A_1316] {strides = array<i32>} : memref<5x64xi32, #tpu.memory_space<vmem>>, vector<1x16xi32>,
    %swap3A_1318 = vector.shape_cast %swap3A_1317 : vector<1x16xi32> to vector<16xi32>
    %swap3A_1319 = vector.shape_cast %add3A_1313 : vector<16xi32> to vector<1x16xi32>
    tpu.vector_store %arg9[%swap3A_1315, %swap3A_1316], %swap3A_1319 {strides = array<i32>} : memref<5x64xi32, #tpu.memory_space<vmem>>, vector<1x16xi32>,
    %get3A_1320 = arith.constant 80 : index
    %get3A_1321 = tpu.vector_load %arg7[%get3A_1320] {strides = array<i32>} : memref<320xi32, #tpu.memory_space<vmem>>, vector<16xi32>,
    %get3A_1322 = vector.shape_cast %get3A_1321 : vector<16xi32> to vector<16xi32>
    %get3A_1323 = arith.constant 80 : index
    %get3A_1324 = tpu.vector_load %arg8[%get3A_1323] {strides = array<i32>} : memref<320xi32, #tpu.memory_space<vmem>>, vector<16xi32>,
    %get3A_1325 = vector.shape_cast %get3A_1324 : vector<16xi32> to vector<16xi32>
    %mul3A_1326 = arith.constant 16 : i32
    %mul3A_1327 = vector.broadcast %mul3A_1326 : i32 to vector<16xi32>
    %mul3A_1328 = arith.muli %get3A_1325, %mul3A_1327 : vector<16xi32>
    %add3A_1329 = arith.addi %mul3A_1328, %get3A_1322 : vector<16xi32>
    %swap3A_1330 = arith.constant 1 : i32
    %swap3A_1331 = arith.index_cast %swap3A_1330 : i32 to index
    %swap3A_1332 = arith.constant 16 : index
    %swap3A_1333 = tpu.vector_load %arg9[%swap3A_1331, %swap3A_1332] {strides = array<i32>} : memref<5x64xi32, #tpu.memory_space<vmem>>, vector<1x16xi32>,
    %swap3A_1334 = vector.shape_cast %swap3A_1333 : vector<1x16xi32> to vector<16xi32>
    %swap3A_1335 = vector.shape_cast %add3A_1329 : vector<16xi32> to vector<1x16xi32>
    tpu.vector_store %arg9[%swap3A_1331, %swap3A_1332], %swap3A_1335 {strides = array<i32>} : memref<5x64xi32, #tpu.memory_space<vmem>>, vector<1x16xi32>,
    %get3A_1336 = arith.constant 96 : index
    %get3A_1337 = tpu.vector_load %arg7[%get3A_1336] {strides = array<i32>} : memref<320xi32, #tpu.memory_space<vmem>>, vector<16xi32>,
    %get3A_1338 = vector.shape_cast %get3A_1337 : vector<16xi32> to vector<16xi32>
    %get3A_1339 = arith.constant 96 : index
    %get3A_1340 = tpu.vector_load %arg8[%get3A_1339] {strides = array<i32>} : memref<320xi32, #tpu.memory_space<vmem>>, vector<16xi32>,
    %get3A_1341 = vector.shape_cast %get3A_1340 : vector<16xi32> to vector<16xi32>
    %mul3A_1342 = arith.constant 16 : i32
    %mul3A_1343 = vector.broadcast %mul3A_1342 : i32 to vector<16xi32>
    %mul3A_1344 = arith.muli %get3A_1341, %mul3A_1343 : vector<16xi32>
    %add3A_1345 = arith.addi %mul3A_1344, %get3A_1338 : vector<16xi32>
    %swap3A_1346 = arith.constant 1 : i32
    %swap3A_1347 = arith.index_cast %swap3A_1346 : i32 to index
    %swap3A_1348 = arith.constant 32 : index
    %swap3A_1349 = tpu.vector_load %arg9[%swap3A_1347, %swap3A_1348] {strides = array<i32>} : memref<5x64xi32, #tpu.memory_space<vmem>>, vector<1x16xi32>,
    %swap3A_1350 = vector.shape_cast %swap3A_1349 : vector<1x16xi32> to vector<16xi32>
    %swap3A_1351 = vector.shape_cast %add3A_1345 : vector<16xi32> to vector<1x16xi32>
    tpu.vector_store %arg9[%swap3A_1347, %swap3A_1348], %swap3A_1351 {strides = array<i32>} : memref<5x64xi32, #tpu.memory_space<vmem>>, vector<1x16xi32>,
    %get3A_1352 = arith.constant 112 : index
    %get3A_1353 = tpu.vector_load %arg7[%get3A_1352] {strides = array<i32>} : memref<320xi32, #tpu.memory_space<vmem>>, vector<16xi32>,
    %get3A_1354 = vector.shape_cast %get3A_1353 : vector<16xi32> to vector<16xi32>
    %get3A_1355 = arith.constant 112 : index
    %get3A_1356 = tpu.vector_load %arg8[%get3A_1355] {strides = array<i32>} : memref<320xi32, #tpu.memory_space<vmem>>, vector<16xi32>,
    %get3A_1357 = vector.shape_cast %get3A_1356 : vector<16xi32> to vector<16xi32>
    %mul3A_1358 = arith.constant 16 : i32
    %mul3A_1359 = vector.broadcast %mul3A_1358 : i32 to vector<16xi32>
    %mul3A_1360 = arith.muli %get3A_1357, %mul3A_1359 : vector<16xi32>
    %add3A_1361 = arith.addi %mul3A_1360, %get3A_1354 : vector<16xi32>
    %swap3A_1362 = arith.constant 1 : i32
    %swap3A_1363 = arith.index_cast %swap3A_1362 : i32 to index
    %swap3A_1364 = arith.constant 48 : index
    %swap3A_1365 = tpu.vector_load %arg9[%swap3A_1363, %swap3A_1364] {strides = array<i32>} : memref<5x64xi32, #tpu.memory_space<vmem>>, vector<1x16xi32>,
    %swap3A_1366 = vector.shape_cast %swap3A_1365 : vector<1x16xi32> to vector<16xi32>
    %swap3A_1367 = vector.shape_cast %add3A_1361 : vector<16xi32> to vector<1x16xi32>
    tpu.vector_store %arg9[%swap3A_1363, %swap3A_1364], %swap3A_1367 {strides = array<i32>} : memref<5x64xi32, #tpu.memory_space<vmem>>, vector<1x16xi32>,
    %get3A_1368 = arith.constant 128 : index
    %get3A_1369 = tpu.vector_load %arg7[%get3A_1368] {strides = array<i32>} : memref<320xi32, #tpu.memory_space<vmem>>, vector<16xi32>,
    %get3A_1370 = vector.shape_cast %get3A_1369 : vector<16xi32> to vector<16xi32>
    %get3A_1371 = arith.constant 128 : index
    %get3A_1372 = tpu.vector_load %arg8[%get3A_1371] {strides = array<i32>} : memref<320xi32, #tpu.memory_space<vmem>>, vector<16xi32>,
    %get3A_1373 = vector.shape_cast %get3A_1372 : vector<16xi32> to vector<16xi32>
    %mul3A_1374 = arith.constant 16 : i32
    %mul3A_1375 = vector.broadcast %mul3A_1374 : i32 to vector<16xi32>
    %mul3A_1376 = arith.muli %get3A_1373, %mul3A_1375 : vector<16xi32>
    %add3A_1377 = arith.addi %mul3A_1376, %get3A_1370 : vector<16xi32>
    %swap3A_1378 = arith.constant 2 : i32
    %swap3A_1379 = arith.index_cast %swap3A_1378 : i32 to index
    %swap3A_1380 = arith.constant 0 : index
    %swap3A_1381 = tpu.vector_load %arg9[%swap3A_1379, %swap3A_1380] {strides = array<i32>} : memref<5x64xi32, #tpu.memory_space<vmem>>, vector<1x16xi32>,
    %swap3A_1382 = vector.shape_cast %swap3A_1381 : vector<1x16xi32> to vector<16xi32>
    %swap3A_1383 = vector.shape_cast %add3A_1377 : vector<16xi32> to vector<1x16xi32>
    tpu.vector_store %arg9[%swap3A_1379, %swap3A_1380], %swap3A_1383 {strides = array<i32>} : memref<5x64xi32, #tpu.memory_space<vmem>>, vector<1x16xi32>,
    %get3A_1384 = arith.constant 144 : index
    %get3A_1385 = tpu.vector_load %arg7[%get3A_1384] {strides = array<i32>} : memref<320xi32, #tpu.memory_space<vmem>>, vector<16xi32>,
    %get3A_1386 = vector.shape_cast %get3A_1385 : vector<16xi32> to vector<16xi32>
    %get3A_1387 = arith.constant 144 : index
    %get3A_1388 = tpu.vector_load %arg8[%get3A_1387] {strides = array<i32>} : memref<320xi32, #tpu.memory_space<vmem>>, vector<16xi32>,
    %get3A_1389 = vector.shape_cast %get3A_1388 : vector<16xi32> to vector<16xi32>
    %mul3A_1390 = arith.constant 16 : i32
    %mul3A_1391 = vector.broadcast %mul3A_1390 : i32 to vector<16xi32>
    %mul3A_1392 = arith.muli %get3A_1389, %mul3A_1391 : vector<16xi32>
    %add3A_1393 = arith.addi %mul3A_1392, %get3A_1386 : vector<16xi32>
    %swap3A_1394 = arith.constant 2 : i32
    %swap3A_1395 = arith.index_cast %swap3A_1394 : i32 to index
    %swap3A_1396 = arith.constant 16 : index
    %swap3A_1397 = tpu.vector_load %arg9[%swap3A_1395, %swap3A_1396] {strides = array<i32>} : memref<5x64xi32, #tpu.memory_space<vmem>>, vector<1x16xi32>,
    %swap3A_1398 = vector.shape_cast %swap3A_1397 : vector<1x16xi32> to vector<16xi32>
    %swap3A_1399 = vector.shape_cast %add3A_1393 : vector<16xi32> to vector<1x16xi32>
    tpu.vector_store %arg9[%swap3A_1395, %swap3A_1396], %swap3A_1399 {strides = array<i32>} : memref<5x64xi32, #tpu.memory_space<vmem>>, vector<1x16xi32>,
    %get3A_1400 = arith.constant 160 : index
    %get3A_1401 = tpu.vector_load %arg7[%get3A_1400] {strides = array<i32>} : memref<320xi32, #tpu.memory_space<vmem>>, vector<16xi32>,
    %get3A_1402 = vector.shape_cast %get3A_1401 : vector<16xi32> to vector<16xi32>
    %get3A_1403 = arith.constant 160 : index
    %get3A_1404 = tpu.vector_load %arg8[%get3A_1403] {strides = array<i32>} : memref<320xi32, #tpu.memory_space<vmem>>, vector<16xi32>,
    %get3A_1405 = vector.shape_cast %get3A_1404 : vector<16xi32> to vector<16xi32>
    %mul3A_1406 = arith.constant 16 : i32
    %mul3A_1407 = vector.broadcast %mul3A_1406 : i32 to vector<16xi32>
    %mul3A_1408 = arith.muli %get3A_1405, %mul3A_1407 : vector<16xi32>
    %add3A_1409 = arith.addi %mul3A_1408, %get3A_1402 : vector<16xi32>
    %swap3A_1410 = arith.constant 2 : i32
    %swap3A_1411 = arith.index_cast %swap3A_1410 : i32 to index
    %swap3A_1412 = arith.constant 32 : index
    %swap3A_1413 = tpu.vector_load %arg9[%swap3A_1411, %swap3A_1412] {strides = array<i32>} : memref<5x64xi32, #tpu.memory_space<vmem>>, vector<1x16xi32>,
    %swap3A_1414 = vector.shape_cast %swap3A_1413 : vector<1x16xi32> to vector<16xi32>
    %swap3A_1415 = vector.shape_cast %add3A_1409 : vector<16xi32> to vector<1x16xi32>
    tpu.vector_store %arg9[%swap3A_1411, %swap3A_1412], %swap3A_1415 {strides = array<i32>} : memref<5x64xi32, #tpu.memory_space<vmem>>, vector<1x16xi32>,
    %get3A_1416 = arith.constant 176 : index
    %get3A_1417 = tpu.vector_load %arg7[%get3A_1416] {strides = array<i32>} : memref<320xi32, #tpu.memory_space<vmem>>, vector<16xi32>,
    %get3A_1418 = vector.shape_cast %get3A_1417 : vector<16xi32> to vector<16xi32>
    %get3A_1419 = arith.constant 176 : index
    %get3A_1420 = tpu.vector_load %arg8[%get3A_1419] {strides = array<i32>} : memref<320xi32, #tpu.memory_space<vmem>>, vector<16xi32>,
    %get3A_1421 = vector.shape_cast %get3A_1420 : vector<16xi32> to vector<16xi32>
    %mul3A_1422 = arith.constant 16 : i32
    %mul3A_1423 = vector.broadcast %mul3A_1422 : i32 to vector<16xi32>
    %mul3A_1424 = arith.muli %get3A_1421, %mul3A_1423 : vector<16xi32>
    %add3A_1425 = arith.addi %mul3A_1424, %get3A_1418 : vector<16xi32>
    %swap3A_1426 = arith.constant 2 : i32
    %swap3A_1427 = arith.index_cast %swap3A_1426 : i32 to index
    %swap3A_1428 = arith.constant 48 : index
    %swap3A_1429 = tpu.vector_load %arg9[%swap3A_1427, %swap3A_1428] {strides = array<i32>} : memref<5x64xi32, #tpu.memory_space<vmem>>, vector<1x16xi32>,
    %swap3A_1430 = vector.shape_cast %swap3A_1429 : vector<1x16xi32> to vector<16xi32>
    %swap3A_1431 = vector.shape_cast %add3A_1425 : vector<16xi32> to vector<1x16xi32>
    tpu.vector_store %arg9[%swap3A_1427, %swap3A_1428], %swap3A_1431 {strides = array<i32>} : memref<5x64xi32, #tpu.memory_space<vmem>>, vector<1x16xi32>,
    %get3A_1432 = arith.constant 192 : index
    %get3A_1433 = tpu.vector_load %arg7[%get3A_1432] {strides = array<i32>} : memref<320xi32, #tpu.memory_space<vmem>>, vector<16xi32>,
    %get3A_1434 = vector.shape_cast %get3A_1433 : vector<16xi32> to vector<16xi32>
    %get3A_1435 = arith.constant 192 : index
    %get3A_1436 = tpu.vector_load %arg8[%get3A_1435] {strides = array<i32>} : memref<320xi32, #tpu.memory_space<vmem>>, vector<16xi32>,
    %get3A_1437 = vector.shape_cast %get3A_1436 : vector<16xi32> to vector<16xi32>
    %mul3A_1438 = arith.constant 16 : i32
    %mul3A_1439 = vector.broadcast %mul3A_1438 : i32 to vector<16xi32>
    %mul3A_1440 = arith.muli %get3A_1437, %mul3A_1439 : vector<16xi32>
    %add3A_1441 = arith.addi %mul3A_1440, %get3A_1434 : vector<16xi32>
    %swap3A_1442 = arith.constant 3 : i32
    %swap3A_1443 = arith.index_cast %swap3A_1442 : i32 to index
    %swap3A_1444 = arith.constant 0 : index
    %swap3A_1445 = tpu.vector_load %arg9[%swap3A_1443, %swap3A_1444] {strides = array<i32>} : memref<5x64xi32, #tpu.memory_space<vmem>>, vector<1x16xi32>,
    %swap3A_1446 = vector.shape_cast %swap3A_1445 : vector<1x16xi32> to vector<16xi32>
    %swap3A_1447 = vector.shape_cast %add3A_1441 : vector<16xi32> to vector<1x16xi32>
    tpu.vector_store %arg9[%swap3A_1443, %swap3A_1444], %swap3A_1447 {strides = array<i32>} : memref<5x64xi32, #tpu.memory_space<vmem>>, vector<1x16xi32>,
    %get3A_1448 = arith.constant 208 : index
    %get3A_1449 = tpu.vector_load %arg7[%get3A_1448] {strides = array<i32>} : memref<320xi32, #tpu.memory_space<vmem>>, vector<16xi32>,
    %get3A_1450 = vector.shape_cast %get3A_1449 : vector<16xi32> to vector<16xi32>
    %get3A_1451 = arith.constant 208 : index
    %get3A_1452 = tpu.vector_load %arg8[%get3A_1451] {strides = array<i32>} : memref<320xi32, #tpu.memory_space<vmem>>, vector<16xi32>,
    %get3A_1453 = vector.shape_cast %get3A_1452 : vector<16xi32> to vector<16xi32>
    %mul3A_1454 = arith.constant 16 : i32
    %mul3A_1455 = vector.broadcast %mul3A_1454 : i32 to vector<16xi32>
    %mul3A_1456 = arith.muli %get3A_1453, %mul3A_1455 : vector<16xi32>
    %add3A_1457 = arith.addi %mul3A_1456, %get3A_1450 : vector<16xi32>
    %swap3A_1458 = arith.constant 3 : i32
    %swap3A_1459 = arith.index_cast %swap3A_1458 : i32 to index
    %swap3A_1460 = arith.constant 16 : index
    %swap3A_1461 = tpu.vector_load %arg9[%swap3A_1459, %swap3A_1460] {strides = array<i32>} : memref<5x64xi32, #tpu.memory_space<vmem>>, vector<1x16xi32>,
    %swap3A_1462 = vector.shape_cast %swap3A_1461 : vector<1x16xi32> to vector<16xi32>
    %swap3A_1463 = vector.shape_cast %add3A_1457 : vector<16xi32> to vector<1x16xi32>
    tpu.vector_store %arg9[%swap3A_1459, %swap3A_1460], %swap3A_1463 {strides = array<i32>} : memref<5x64xi32, #tpu.memory_space<vmem>>, vector<1x16xi32>,
    %get3A_1464 = arith.constant 224 : index
    %get3A_1465 = tpu.vector_load %arg7[%get3A_1464] {strides = array<i32>} : memref<320xi32, #tpu.memory_space<vmem>>, vector<16xi32>,
    %get3A_1466 = vector.shape_cast %get3A_1465 : vector<16xi32> to vector<16xi32>
    %get3A_1467 = arith.constant 224 : index
    %get3A_1468 = tpu.vector_load %arg8[%get3A_1467] {strides = array<i32>} : memref<320xi32, #tpu.memory_space<vmem>>, vector<16xi32>,
    %get3A_1469 = vector.shape_cast %get3A_1468 : vector<16xi32> to vector<16xi32>
    %mul3A_1470 = arith.constant 16 : i32
    %mul3A_1471 = vector.broadcast %mul3A_1470 : i32 to vector<16xi32>
    %mul3A_1472 = arith.muli %get3A_1469, %mul3A_1471 : vector<16xi32>
    %add3A_1473 = arith.addi %mul3A_1472, %get3A_1466 : vector<16xi32>
    %swap3A_1474 = arith.constant 3 : i32
    %swap3A_1475 = arith.index_cast %swap3A_1474 : i32 to index
    %swap3A_1476 = arith.constant 32 : index
    %swap3A_1477 = tpu.vector_load %arg9[%swap3A_1475, %swap3A_1476] {strides = array<i32>} : memref<5x64xi32, #tpu.memory_space<vmem>>, vector<1x16xi32>,
    %swap3A_1478 = vector.shape_cast %swap3A_1477 : vector<1x16xi32> to vector<16xi32>
    %swap3A_1479 = vector.shape_cast %add3A_1473 : vector<16xi32> to vector<1x16xi32>
    tpu.vector_store %arg9[%swap3A_1475, %swap3A_1476], %swap3A_1479 {strides = array<i32>} : memref<5x64xi32, #tpu.memory_space<vmem>>, vector<1x16xi32>,
    %get3A_1480 = arith.constant 240 : index
    %get3A_1481 = tpu.vector_load %arg7[%get3A_1480] {strides = array<i32>} : memref<320xi32, #tpu.memory_space<vmem>>, vector<16xi32>,
    %get3A_1482 = vector.shape_cast %get3A_1481 : vector<16xi32> to vector<16xi32>
    %get3A_1483 = arith.constant 240 : index
    %get3A_1484 = tpu.vector_load %arg8[%get3A_1483] {strides = array<i32>} : memref<320xi32, #tpu.memory_space<vmem>>, vector<16xi32>,
    %get3A_1485 = vector.shape_cast %get3A_1484 : vector<16xi32> to vector<16xi32>
    %mul3A_1486 = arith.constant 16 : i32
    %mul3A_1487 = vector.broadcast %mul3A_1486 : i32 to vector<16xi32>
    %mul3A_1488 = arith.muli %get3A_1485, %mul3A_1487 : vector<16xi32>
    %add3A_1489 = arith.addi %mul3A_1488, %get3A_1482 : vector<16xi32>
    %swap3A_1490 = arith.constant 3 : i32
    %swap3A_1491 = arith.index_cast %swap3A_1490 : i32 to index
    %swap3A_1492 = arith.constant 48 : index
    %swap3A_1493 = tpu.vector_load %arg9[%swap3A_1491, %swap3A_1492] {strides = array<i32>} : memref<5x64xi32, #tpu.memory_space<vmem>>, vector<1x16xi32>,
    %swap3A_1494 = vector.shape_cast %swap3A_1493 : vector<1x16xi32> to vector<16xi32>
    %swap3A_1495 = vector.shape_cast %add3A_1489 : vector<16xi32> to vector<1x16xi32>
    tpu.vector_store %arg9[%swap3A_1491, %swap3A_1492], %swap3A_1495 {strides = array<i32>} : memref<5x64xi32, #tpu.memory_space<vmem>>, vector<1x16xi32>,
    %get3A_1496 = arith.constant 256 : index
    %get3A_1497 = tpu.vector_load %arg7[%get3A_1496] {strides = array<i32>} : memref<320xi32, #tpu.memory_space<vmem>>, vector<16xi32>,
    %get3A_1498 = vector.shape_cast %get3A_1497 : vector<16xi32> to vector<16xi32>
    %get3A_1499 = arith.constant 256 : index
    %get3A_1500 = tpu.vector_load %arg8[%get3A_1499] {strides = array<i32>} : memref<320xi32, #tpu.memory_space<vmem>>, vector<16xi32>,
    %get3A_1501 = vector.shape_cast %get3A_1500 : vector<16xi32> to vector<16xi32>
    %mul3A_1502 = arith.constant 16 : i32
    %mul3A_1503 = vector.broadcast %mul3A_1502 : i32 to vector<16xi32>
    %mul3A_1504 = arith.muli %get3A_1501, %mul3A_1503 : vector<16xi32>
    %add3A_1505 = arith.addi %mul3A_1504, %get3A_1498 : vector<16xi32>
    %swap3A_1506 = arith.constant 4 : i32
    %swap3A_1507 = arith.index_cast %swap3A_1506 : i32 to index
    %swap3A_1508 = arith.constant 0 : index
    %swap3A_1509 = tpu.vector_load %arg9[%swap3A_1507, %swap3A_1508] {strides = array<i32>} : memref<5x64xi32, #tpu.memory_space<vmem>>, vector<1x16xi32>,
    %swap3A_1510 = vector.shape_cast %swap3A_1509 : vector<1x16xi32> to vector<16xi32>
    %swap3A_1511 = vector.shape_cast %add3A_1505 : vector<16xi32> to vector<1x16xi32>
    tpu.vector_store %arg9[%swap3A_1507, %swap3A_1508], %swap3A_1511 {strides = array<i32>} : memref<5x64xi32, #tpu.memory_space<vmem>>, vector<1x16xi32>,
    %get3A_1512 = arith.constant 272 : index
    %get3A_1513 = tpu.vector_load %arg7[%get3A_1512] {strides = array<i32>} : memref<320xi32, #tpu.memory_space<vmem>>, vector<16xi32>,
    %get3A_1514 = vector.shape_cast %get3A_1513 : vector<16xi32> to vector<16xi32>
    %get3A_1515 = arith.constant 272 : index
    %get3A_1516 = tpu.vector_load %arg8[%get3A_1515] {strides = array<i32>} : memref<320xi32, #tpu.memory_space<vmem>>, vector<16xi32>,
    %get3A_1517 = vector.shape_cast %get3A_1516 : vector<16xi32> to vector<16xi32>
    %mul3A_1518 = arith.constant 16 : i32
    %mul3A_1519 = vector.broadcast %mul3A_1518 : i32 to vector<16xi32>
    %mul3A_1520 = arith.muli %get3A_1517, %mul3A_1519 : vector<16xi32>
    %add3A_1521 = arith.addi %mul3A_1520, %get3A_1514 : vector<16xi32>
    %swap3A_1522 = arith.constant 4 : i32
    %swap3A_1523 = arith.index_cast %swap3A_1522 : i32 to index
    %swap3A_1524 = arith.constant 16 : index
    %swap3A_1525 = tpu.vector_load %arg9[%swap3A_1523, %swap3A_1524] {strides = array<i32>} : memref<5x64xi32, #tpu.memory_space<vmem>>, vector<1x16xi32>,
    %swap3A_1526 = vector.shape_cast %swap3A_1525 : vector<1x16xi32> to vector<16xi32>
    %swap3A_1527 = vector.shape_cast %add3A_1521 : vector<16xi32> to vector<1x16xi32>
    tpu.vector_store %arg9[%swap3A_1523, %swap3A_1524], %swap3A_1527 {strides = array<i32>} : memref<5x64xi32, #tpu.memory_space<vmem>>, vector<1x16xi32>,
    %get3A_1528 = arith.constant 288 : index
    %get3A_1529 = tpu.vector_load %arg7[%get3A_1528] {strides = array<i32>} : memref<320xi32, #tpu.memory_space<vmem>>, vector<16xi32>,
    %get3A_1530 = vector.shape_cast %get3A_1529 : vector<16xi32> to vector<16xi32>
    %get3A_1531 = arith.constant 288 : index
    %get3A_1532 = tpu.vector_load %arg8[%get3A_1531] {strides = array<i32>} : memref<320xi32, #tpu.memory_space<vmem>>, vector<16xi32>,
    %get3A_1533 = vector.shape_cast %get3A_1532 : vector<16xi32> to vector<16xi32>
    %mul3A_1534 = arith.constant 16 : i32
    %mul3A_1535 = vector.broadcast %mul3A_1534 : i32 to vector<16xi32>
    %mul3A_1536 = arith.muli %get3A_1533, %mul3A_1535 : vector<16xi32>
    %add3A_1537 = arith.addi %mul3A_1536, %get3A_1530 : vector<16xi32>
    %swap3A_1538 = arith.constant 4 : i32
    %swap3A_1539 = arith.index_cast %swap3A_1538 : i32 to index
    %swap3A_1540 = arith.constant 32 : index
    %swap3A_1541 = tpu.vector_load %arg9[%swap3A_1539, %swap3A_1540] {strides = array<i32>} : memref<5x64xi32, #tpu.memory_space<vmem>>, vector<1x16xi32>,
    %swap3A_1542 = vector.shape_cast %swap3A_1541 : vector<1x16xi32> to vector<16xi32>
    %swap3A_1543 = vector.shape_cast %add3A_1537 : vector<16xi32> to vector<1x16xi32>
    tpu.vector_store %arg9[%swap3A_1539, %swap3A_1540], %swap3A_1543 {strides = array<i32>} : memref<5x64xi32, #tpu.memory_space<vmem>>, vector<1x16xi32>,
    %get3A_1544 = arith.constant 304 : index
    %get3A_1545 = tpu.vector_load %arg7[%get3A_1544] {strides = array<i32>} : memref<320xi32, #tpu.memory_space<vmem>>, vector<16xi32>,
    %get3A_1546 = vector.shape_cast %get3A_1545 : vector<16xi32> to vector<16xi32>
    %get3A_1547 = arith.constant 304 : index
    %get3A_1548 = tpu.vector_load %arg8[%get3A_1547] {strides = array<i32>} : memref<320xi32, #tpu.memory_space<vmem>>, vector<16xi32>,
    %get3A_1549 = vector.shape_cast %get3A_1548 : vector<16xi32> to vector<16xi32>
    %mul3A_1550 = arith.constant 16 : i32
    %mul3A_1551 = vector.broadcast %mul3A_1550 : i32 to vector<16xi32>
    %mul3A_1552 = arith.muli %get3A_1549, %mul3A_1551 : vector<16xi32>
    %add3A_1553 = arith.addi %mul3A_1552, %get3A_1546 : vector<16xi32>
    %swap3A_1554 = arith.constant 4 : i32
    %swap3A_1555 = arith.index_cast %swap3A_1554 : i32 to index
    %swap3A_1556 = arith.constant 48 : index
    %swap3A_1557 = tpu.vector_load %arg9[%swap3A_1555, %swap3A_1556] {strides = array<i32>} : memref<5x64xi32, #tpu.memory_space<vmem>>, vector<1x16xi32>,
    %swap3A_1558 = vector.shape_cast %swap3A_1557 : vector<1x16xi32> to vector<16xi32>
    %swap3A_1559 = vector.shape_cast %add3A_1553 : vector<16xi32> to vector<1x16xi32>
    tpu.vector_store %arg9[%swap3A_1555, %swap3A_1556], %swap3A_1559 {strides = array<i32>} : memref<5x64xi32, #tpu.memory_space<vmem>>, vector<1x16xi32>,
    %dma_start3A_1560 = arith.constant 0 : i32
    %dma_start3A_1561 = arith.constant 0 : i32
    %dma_start3A_1562 = arith.constant 0 : i32
    %dma_start3A_1563 = tpu.memref_slice %arg12[%dma_start3A_1561, %dma_start3A_1562] : memref<320x128xf32, #tpu.memory_space<vmem>> -> memref<64x128xf32, #tpu.memory_space<vmem>>
    %dma_start3A_1564 = arith.constant 0 : i32
    %dma_start3A_1565 = tpu.memref_slice %arg9[%dma_start3A_1560, %dma_start3A_1564] : memref<5x64xi32, #tpu.memory_space<vmem>> -> memref<1x64xi32, #tpu.memory_space<vmem>>
    %dma_start3A_1566 = tpu.memref_squeeze %dma_start3A_1565 : memref<1x64xi32, #tpu.memory_space<vmem>> -> memref<64xi32, #tpu.memory_space<vmem>>
    %dma_start3A_1567 = arith.constant 0 : i32
    %dma_start3A_1568 = arith.constant 0 : i32
    %dma_start3A_1569 = tpu.memref_slice %arg6[%dma_start3A_1567, %dma_start3A_1568] : memref<48x128xf32, #tpu.memory_space<vmem_shared>> -> memref<48x128xf32, #tpu.memory_space<vmem_shared>>
    tpu.enqueue_indirect_dma source(%dma_start3A_1569 : memref<48x128xf32, #tpu.memory_space<vmem_shared>>) target(%dma_start3A_1563 : memref<64x128xf32, #tpu.memory_space<vmem>>) offsets(%dma_start3A_1566 : memref<64xi32, #tpu.memory_space<vmem>>) semaphore(%arg15 : memref<!tpu.dma_semaphore, #tpu.memory_space<semaphore_mem>>)
    %dma_start3A_1570 = arith.constant 1 : i32
    %dma_start3A_1571 = arith.constant 64 : i32
    %dma_start3A_1572 = arith.constant 0 : i32
    %dma_start3A_1573 = tpu.memref_slice %arg12[%dma_start3A_1571, %dma_start3A_1572] : memref<320x128xf32, #tpu.memory_space<vmem>> -> memref<64x128xf32, #tpu.memory_space<vmem>>
    %dma_start3A_1574 = arith.constant 0 : i32
    %dma_start3A_1575 = tpu.memref_slice %arg9[%dma_start3A_1570, %dma_start3A_1574] : memref<5x64xi32, #tpu.memory_space<vmem>> -> memref<1x64xi32, #tpu.memory_space<vmem>>
    %dma_start3A_1576 = tpu.memref_squeeze %dma_start3A_1575 : memref<1x64xi32, #tpu.memory_space<vmem>> -> memref<64xi32, #tpu.memory_space<vmem>>
    %dma_start3A_1577 = arith.constant 0 : i32
    %dma_start3A_1578 = arith.constant 0 : i32
    %dma_start3A_1579 = tpu.memref_slice %arg6[%dma_start3A_1577, %dma_start3A_1578] : memref<48x128xf32, #tpu.memory_space<vmem_shared>> -> memref<48x128xf32, #tpu.memory_space<vmem_shared>>
    tpu.enqueue_indirect_dma source(%dma_start3A_1579 : memref<48x128xf32, #tpu.memory_space<vmem_shared>>) target(%dma_start3A_1573 : memref<64x128xf32, #tpu.memory_space<vmem>>) offsets(%dma_start3A_1576 : memref<64xi32, #tpu.memory_space<vmem>>) semaphore(%arg15 : memref<!tpu.dma_semaphore, #tpu.memory_space<semaphore_mem>>)
    %dma_start3A_1580 = arith.constant 2 : i32
    %dma_start3A_1581 = arith.constant 128 : i32
    %dma_start3A_1582 = arith.constant 0 : i32
    %dma_start3A_1583 = tpu.memref_slice %arg12[%dma_start3A_1581, %dma_start3A_1582] : memref<320x128xf32, #tpu.memory_space<vmem>> -> memref<64x128xf32, #tpu.memory_space<vmem>>
    %dma_start3A_1584 = arith.constant 0 : i32
    %dma_start3A_1585 = tpu.memref_slice %arg9[%dma_start3A_1580, %dma_start3A_1584] : memref<5x64xi32, #tpu.memory_space<vmem>> -> memref<1x64xi32, #tpu.memory_space<vmem>>
    %dma_start3A_1586 = tpu.memref_squeeze %dma_start3A_1585 : memref<1x64xi32, #tpu.memory_space<vmem>> -> memref<64xi32, #tpu.memory_space<vmem>>
    %dma_start3A_1587 = arith.constant 0 : i32
    %dma_start3A_1588 = arith.constant 0 : i32
    %dma_start3A_1589 = tpu.memref_slice %arg6[%dma_start3A_1587, %dma_start3A_1588] : memref<48x128xf32, #tpu.memory_space<vmem_shared>> -> memref<48x128xf32, #tpu.memory_space<vmem_shared>>
    tpu.enqueue_indirect_dma source(%dma_start3A_1589 : memref<48x128xf32, #tpu.memory_space<vmem_shared>>) target(%dma_start3A_1583 : memref<64x128xf32, #tpu.memory_space<vmem>>) offsets(%dma_start3A_1586 : memref<64xi32, #tpu.memory_space<vmem>>) semaphore(%arg15 : memref<!tpu.dma_semaphore, #tpu.memory_space<semaphore_mem>>)
    %dma_start3A_1590 = arith.constant 3 : i32
    %dma_start3A_1591 = arith.constant 192 : i32
    %dma_start3A_1592 = arith.constant 0 : i32
    %dma_start3A_1593 = tpu.memref_slice %arg12[%dma_start3A_1591, %dma_start3A_1592] : memref<320x128xf32, #tpu.memory_space<vmem>> -> memref<64x128xf32, #tpu.memory_space<vmem>>
    %dma_start3A_1594 = arith.constant 0 : i32
    %dma_start3A_1595 = tpu.memref_slice %arg9[%dma_start3A_1590, %dma_start3A_1594] : memref<5x64xi32, #tpu.memory_space<vmem>> -> memref<1x64xi32, #tpu.memory_space<vmem>>
    %dma_start3A_1596 = tpu.memref_squeeze %dma_start3A_1595 : memref<1x64xi32, #tpu.memory_space<vmem>> -> memref<64xi32, #tpu.memory_space<vmem>>
    %dma_start3A_1597 = arith.constant 0 : i32
    %dma_start3A_1598 = arith.constant 0 : i32
    %dma_start3A_1599 = tpu.memref_slice %arg6[%dma_start3A_1597, %dma_start3A_1598] : memref<48x128xf32, #tpu.memory_space<vmem_shared>> -> memref<48x128xf32, #tpu.memory_space<vmem_shared>>
    tpu.enqueue_indirect_dma source(%dma_start3A_1599 : memref<48x128xf32, #tpu.memory_space<vmem_shared>>) target(%dma_start3A_1593 : memref<64x128xf32, #tpu.memory_space<vmem>>) offsets(%dma_start3A_1596 : memref<64xi32, #tpu.memory_space<vmem>>) semaphore(%arg15 : memref<!tpu.dma_semaphore, #tpu.memory_space<semaphore_mem>>)
    %dma_start3A_1600 = arith.constant 4 : i32
    %dma_start3A_1601 = arith.constant 256 : i32
    %dma_start3A_1602 = arith.constant 0 : i32
    %dma_start3A_1603 = tpu.memref_slice %arg12[%dma_start3A_1601, %dma_start3A_1602] : memref<320x128xf32, #tpu.memory_space<vmem>> -> memref<64x128xf32, #tpu.memory_space<vmem>>
    %dma_start3A_1604 = arith.constant 0 : i32
    %dma_start3A_1605 = tpu.memref_slice %arg9[%dma_start3A_1600, %dma_start3A_1604] : memref<5x64xi32, #tpu.memory_space<vmem>> -> memref<1x64xi32, #tpu.memory_space<vmem>>
    %dma_start3A_1606 = tpu.memref_squeeze %dma_start3A_1605 : memref<1x64xi32, #tpu.memory_space<vmem>> -> memref<64xi32, #tpu.memory_space<vmem>>
    %dma_start3A_1607 = arith.constant 0 : i32
    %dma_start3A_1608 = arith.constant 0 : i32
    %dma_start3A_1609 = tpu.memref_slice %arg6[%dma_start3A_1607, %dma_start3A_1608] : memref<48x128xf32, #tpu.memory_space<vmem_shared>> -> memref<48x128xf32, #tpu.memory_space<vmem_shared>>
    tpu.enqueue_indirect_dma source(%dma_start3A_1609 : memref<48x128xf32, #tpu.memory_space<vmem_shared>>) target(%dma_start3A_1603 : memref<64x128xf32, #tpu.memory_space<vmem>>) offsets(%dma_start3A_1606 : memref<64xi32, #tpu.memory_space<vmem>>) semaphore(%arg15 : memref<!tpu.dma_semaphore, #tpu.memory_space<semaphore_mem>>)
    %dma_wait3A_1610 = arith.constant 0 : i32
    %dma_wait3A_1611 = arith.constant 0 : i32
    %dma_wait3A_1612 = arith.constant 0 : i32
    %dma_wait3A_1613 = tpu.memref_slice %arg14[%dma_wait3A_1611, %dma_wait3A_1612] : memref<320x128xf32, #tpu.memory_space<vmem>> -> memref<64x128xf32, #tpu.memory_space<vmem>>
    %dma_wait3A_1614 = arith.constant 0 : i32
    %dma_wait3A_1615 = tpu.memref_slice %arg11[%dma_wait3A_1610, %dma_wait3A_1614] : memref<5x64xi32, #tpu.memory_space<vmem>> -> memref<1x64xi32, #tpu.memory_space<vmem>>
    %dma_wait3A_1616 = tpu.memref_squeeze %dma_wait3A_1615 : memref<1x64xi32, #tpu.memory_space<vmem>> -> memref<64xi32, #tpu.memory_space<vmem>>
    %dma_wait3A_1617 = arith.constant 0 : i32
    %dma_wait3A_1618 = arith.constant 0 : i32
    %dma_wait3A_1619 = tpu.memref_slice %arg6[%dma_wait3A_1617, %dma_wait3A_1618] : memref<48x128xf32, #tpu.memory_space<vmem_shared>> -> memref<48x128xf32, #tpu.memory_space<vmem_shared>>
    tpu.wait_indirect_dma semaphore(%arg17 : memref<!tpu.dma_semaphore, #tpu.memory_space<semaphore_mem>>) src(%dma_wait3A_1619 : memref<48x128xf32, #tpu.memory_space<vmem_shared>>) dst(%dma_wait3A_1613 : memref<64x128xf32, #tpu.memory_space<vmem>>)
    %dma_wait3A_1620 = arith.constant 1 : i32
    %dma_wait3A_1621 = arith.constant 64 : i32
    %dma_wait3A_1622 = arith.constant 0 : i32
    %dma_wait3A_1623 = tpu.memref_slice %arg14[%dma_wait3A_1621, %dma_wait3A_1622] : memref<320x128xf32, #tpu.memory_space<vmem>> -> memref<64x128xf32, #tpu.memory_space<vmem>>
    %dma_wait3A_1624 = arith.constant 0 : i32
    %dma_wait3A_1625 = tpu.memref_slice %arg11[%dma_wait3A_1620, %dma_wait3A_1624] : memref<5x64xi32, #tpu.memory_space<vmem>> -> memref<1x64xi32, #tpu.memory_space<vmem>>
    %dma_wait3A_1626 = tpu.memref_squeeze %dma_wait3A_1625 : memref<1x64xi32, #tpu.memory_space<vmem>> -> memref<64xi32, #tpu.memory_space<vmem>>
    %dma_wait3A_1627 = arith.constant 0 : i32
    %dma_wait3A_1628 = arith.constant 0 : i32
    %dma_wait3A_1629 = tpu.memref_slice %arg6[%dma_wait3A_1627, %dma_wait3A_1628] : memref<48x128xf32, #tpu.memory_space<vmem_shared>> -> memref<48x128xf32, #tpu.memory_space<vmem_shared>>
    tpu.wait_indirect_dma semaphore(%arg17 : memref<!tpu.dma_semaphore, #tpu.memory_space<semaphore_mem>>) src(%dma_wait3A_1629 : memref<48x128xf32, #tpu.memory_space<vmem_shared>>) dst(%dma_wait3A_1623 : memref<64x128xf32, #tpu.memory_space<vmem>>)
    %dma_wait3A_1630 = arith.constant 2 : i32
    %dma_wait3A_1631 = arith.constant 128 : i32
    %dma_wait3A_1632 = arith.constant 0 : i32
    %dma_wait3A_1633 = tpu.memref_slice %arg14[%dma_wait3A_1631, %dma_wait3A_1632] : memref<320x128xf32, #tpu.memory_space<vmem>> -> memref<64x128xf32, #tpu.memory_space<vmem>>
    %dma_wait3A_1634 = arith.constant 0 : i32
    %dma_wait3A_1635 = tpu.memref_slice %arg11[%dma_wait3A_1630, %dma_wait3A_1634] : memref<5x64xi32, #tpu.memory_space<vmem>> -> memref<1x64xi32, #tpu.memory_space<vmem>>
    %dma_wait3A_1636 = tpu.memref_squeeze %dma_wait3A_1635 : memref<1x64xi32, #tpu.memory_space<vmem>> -> memref<64xi32, #tpu.memory_space<vmem>>
    %dma_wait3A_1637 = arith.constant 0 : i32
    %dma_wait3A_1638 = arith.constant 0 : i32
    %dma_wait3A_1639 = tpu.memref_slice %arg6[%dma_wait3A_1637, %dma_wait3A_1638] : memref<48x128xf32, #tpu.memory_space<vmem_shared>> -> memref<48x128xf32, #tpu.memory_space<vmem_shared>>
    tpu.wait_indirect_dma semaphore(%arg17 : memref<!tpu.dma_semaphore, #tpu.memory_space<semaphore_mem>>) src(%dma_wait3A_1639 : memref<48x128xf32, #tpu.memory_space<vmem_shared>>) dst(%dma_wait3A_1633 : memref<64x128xf32, #tpu.memory_space<vmem>>)
    %dma_wait3A_1640 = arith.constant 3 : i32
    %dma_wait3A_1641 = arith.constant 192 : i32
    %dma_wait3A_1642 = arith.constant 0 : i32
    %dma_wait3A_1643 = tpu.memref_slice %arg14[%dma_wait3A_1641, %dma_wait3A_1642] : memref<320x128xf32, #tpu.memory_space<vmem>> -> memref<64x128xf32, #tpu.memory_space<vmem>>
    %dma_wait3A_1644 = arith.constant 0 : i32
    %dma_wait3A_1645 = tpu.memref_slice %arg11[%dma_wait3A_1640, %dma_wait3A_1644] : memref<5x64xi32, #tpu.memory_space<vmem>> -> memref<1x64xi32, #tpu.memory_space<vmem>>
    %dma_wait3A_1646 = tpu.memref_squeeze %dma_wait3A_1645 : memref<1x64xi32, #tpu.memory_space<vmem>> -> memref<64xi32, #tpu.memory_space<vmem>>
    %dma_wait3A_1647 = arith.constant 0 : i32
    %dma_wait3A_1648 = arith.constant 0 : i32
    %dma_wait3A_1649 = tpu.memref_slice %arg6[%dma_wait3A_1647, %dma_wait3A_1648] : memref<48x128xf32, #tpu.memory_space<vmem_shared>> -> memref<48x128xf32, #tpu.memory_space<vmem_shared>>
    tpu.wait_indirect_dma semaphore(%arg17 : memref<!tpu.dma_semaphore, #tpu.memory_space<semaphore_mem>>) src(%dma_wait3A_1649 : memref<48x128xf32, #tpu.memory_space<vmem_shared>>) dst(%dma_wait3A_1643 : memref<64x128xf32, #tpu.memory_space<vmem>>)
    %dma_wait3A_1650 = arith.constant 4 : i32
    %dma_wait3A_1651 = arith.constant 256 : i32
    %dma_wait3A_1652 = arith.constant 0 : i32
    %dma_wait3A_1653 = tpu.memref_slice %arg14[%dma_wait3A_1651, %dma_wait3A_1652] : memref<320x128xf32, #tpu.memory_space<vmem>> -> memref<64x128xf32, #tpu.memory_space<vmem>>
    %dma_wait3A_1654 = arith.constant 0 : i32
    %dma_wait3A_1655 = tpu.memref_slice %arg11[%dma_wait3A_1650, %dma_wait3A_1654] : memref<5x64xi32, #tpu.memory_space<vmem>> -> memref<1x64xi32, #tpu.memory_space<vmem>>
    %dma_wait3A_1656 = tpu.memref_squeeze %dma_wait3A_1655 : memref<1x64xi32, #tpu.memory_space<vmem>> -> memref<64xi32, #tpu.memory_space<vmem>>
    %dma_wait3A_1657 = arith.constant 0 : i32
    %dma_wait3A_1658 = arith.constant 0 : i32
    %dma_wait3A_1659 = tpu.memref_slice %arg6[%dma_wait3A_1657, %dma_wait3A_1658] : memref<48x128xf32, #tpu.memory_space<vmem_shared>> -> memref<48x128xf32, #tpu.memory_space<vmem_shared>>
    tpu.wait_indirect_dma semaphore(%arg17 : memref<!tpu.dma_semaphore, #tpu.memory_space<semaphore_mem>>) src(%dma_wait3A_1659 : memref<48x128xf32, #tpu.memory_space<vmem_shared>>) dst(%dma_wait3A_1653 : memref<64x128xf32, #tpu.memory_space<vmem>>)
    %add3A_1660 = arith.constant 24640 : i32
    %add3A_1661 = arith.addi %mul3A_2, %add3A_1660 : i32
    %dma_start3A_1662 = arith.constant 0 : i32
    %dma_start3A_1663 = tpu.memref_slice %arg5[%add3A_1661, %dma_start3A_1662] : memref<819200x128xf32, #tpu.memory_space<hbm>> -> memref<320x128xf32, #tpu.memory_space<hbm>>
    %dma_start3A_1664 = arith.constant 0 : i32
    %dma_start3A_1665 = tpu.memref_slice %arg5[%add3A_1661, %dma_start3A_1664] : memref<819200x128xf32, #tpu.memory_space<hbm>> -> memref<320x128xf32, #tpu.memory_space<hbm>>
    tpu.enqueue_dma source(%arg14 : memref<320x128xf32, #tpu.memory_space<vmem>>) target(%dma_start3A_1665 : memref<320x128xf32, #tpu.memory_space<hbm>>) target_semaphore(%arg20 : memref<!tpu.dma_semaphore, #tpu.memory_space<semaphore_mem>>)
    %dma_wait3A_1666 = arith.constant 0 : i32
    %dma_wait3A_1667 = tpu.memref_slice %arg5[%mul3A_2, %dma_wait3A_1666] : memref<819200x128xf32, #tpu.memory_space<hbm>> -> memref<320x128xf32, #tpu.memory_space<hbm>>
    %dma_wait3A_1668 = arith.constant 0 : i32
    %dma_wait3A_1669 = tpu.memref_slice %arg5[%mul3A_2, %dma_wait3A_1668] : memref<819200x128xf32, #tpu.memory_space<hbm>> -> memref<320x128xf32, #tpu.memory_space<hbm>>
    tpu.wait_dma2 semaphore(%arg19 : memref<!tpu.dma_semaphore, #tpu.memory_space<semaphore_mem>>) src(%arg13 : memref<320x128xf32, #tpu.memory_space<vmem>>) dst(%dma_wait3A_1669 : memref<320x128xf32, #tpu.memory_space<hbm>>)
    %add3A_1670 = arith.constant 25280 : i32
    %add3A_1671 = arith.addi %mul3A_2, %add3A_1670 : i32
    "tpu.region"() ({
      %run_scoped3A = tpu.sem_alloc : memref<!tpu.dma_semaphore, #tpu.memory_space<semaphore_mem>>
      %dma_start3A_2166 = tpu.memref_slice %arg3[%add3A_1671] : memref<819200xi32, #tpu.memory_space<hbm>> -> memref<320xi32, #tpu.memory_space<hbm>>
      %dma_start3A_2167 = tpu.memref_slice %arg3[%add3A_1671] : memref<819200xi32, #tpu.memory_space<hbm>> -> memref<320xi32, #tpu.memory_space<hbm>>
      tpu.enqueue_dma source(%dma_start3A_2167 : memref<320xi32, #tpu.memory_space<hbm>>) target(%arg7 : memref<320xi32, #tpu.memory_space<vmem>>) target_semaphore(%run_scoped3A : memref<!tpu.dma_semaphore, #tpu.memory_space<semaphore_mem>>)
      %dma_wait3A_2168 = tpu.memref_slice %arg3[%add3A_1671] : memref<819200xi32, #tpu.memory_space<hbm>> -> memref<320xi32, #tpu.memory_space<hbm>>
      %dma_wait3A_2169 = tpu.memref_slice %arg3[%add3A_1671] : memref<819200xi32, #tpu.memory_space<hbm>> -> memref<320xi32, #tpu.memory_space<hbm>>
      tpu.wait_dma2 semaphore(%run_scoped3A : memref<!tpu.dma_semaphore, #tpu.memory_space<semaphore_mem>>) src(%dma_wait3A_2169 : memref<320xi32, #tpu.memory_space<hbm>>) dst(%arg7 : memref<320xi32, #tpu.memory_space<vmem>>)
      tpu.yield
    }) : () -> ()
    "tpu.region"() ({
      %run_scoped3A = tpu.sem_alloc : memref<!tpu.dma_semaphore, #tpu.memory_space<semaphore_mem>>
      %dma_start3A_2166 = tpu.memref_slice %arg4[%add3A_1671] : memref<819200xi32, #tpu.memory_space<hbm>> -> memref<320xi32, #tpu.memory_space<hbm>>
      %dma_start3A_2167 = tpu.memref_slice %arg4[%add3A_1671] : memref<819200xi32, #tpu.memory_space<hbm>> -> memref<320xi32, #tpu.memory_space<hbm>>
      tpu.enqueue_dma source(%dma_start3A_2167 : memref<320xi32, #tpu.memory_space<hbm>>) target(%arg8 : memref<320xi32, #tpu.memory_space<vmem>>) target_semaphore(%run_scoped3A : memref<!tpu.dma_semaphore, #tpu.memory_space<semaphore_mem>>)
      %dma_wait3A_2168 = tpu.memref_slice %arg4[%add3A_1671] : memref<819200xi32, #tpu.memory_space<hbm>> -> memref<320xi32, #tpu.memory_space<hbm>>
      %dma_wait3A_2169 = tpu.memref_slice %arg4[%add3A_1671] : memref<819200xi32, #tpu.memory_space<hbm>> -> memref<320xi32, #tpu.memory_space<hbm>>
      tpu.wait_dma2 semaphore(%run_scoped3A : memref<!tpu.dma_semaphore, #tpu.memory_space<semaphore_mem>>) src(%dma_wait3A_2169 : memref<320xi32, #tpu.memory_space<hbm>>) dst(%arg8 : memref<320xi32, #tpu.memory_space<vmem>>)
      tpu.yield
    }) : () -> ()
    %get3A_1672 = arith.constant 0 : index
    %get3A_1673 = tpu.vector_load %arg7[%get3A_1672] {strides = array<i32>} : memref<320xi32, #tpu.memory_space<vmem>>, vector<16xi32>,
    %get3A_1674 = vector.shape_cast %get3A_1673 : vector<16xi32> to vector<16xi32>
    %get3A_1675 = arith.constant 0 : index
    %get3A_1676 = tpu.vector_load %arg8[%get3A_1675] {strides = array<i32>} : memref<320xi32, #tpu.memory_space<vmem>>, vector<16xi32>,
    %get3A_1677 = vector.shape_cast %get3A_1676 : vector<16xi32> to vector<16xi32>
    %mul3A_1678 = arith.constant 16 : i32
    %mul3A_1679 = vector.broadcast %mul3A_1678 : i32 to vector<16xi32>
    %mul3A_1680 = arith.muli %get3A_1677, %mul3A_1679 : vector<16xi32>
    %add3A_1681 = arith.addi %mul3A_1680, %get3A_1674 : vector<16xi32>
    %swap3A_1682 = arith.constant 0 : i32
    %swap3A_1683 = arith.index_cast %swap3A_1682 : i32 to index
    %swap3A_1684 = arith.constant 0 : index
    %swap3A_1685 = tpu.vector_load %arg10[%swap3A_1683, %swap3A_1684] {strides = array<i32>} : memref<5x64xi32, #tpu.memory_space<vmem>>, vector<1x16xi32>,
    %swap3A_1686 = vector.shape_cast %swap3A_1685 : vector<1x16xi32> to vector<16xi32>
    %swap3A_1687 = vector.shape_cast %add3A_1681 : vector<16xi32> to vector<1x16xi32>
    tpu.vector_store %arg10[%swap3A_1683, %swap3A_1684], %swap3A_1687 {strides = array<i32>} : memref<5x64xi32, #tpu.memory_space<vmem>>, vector<1x16xi32>,
    %get3A_1688 = arith.constant 16 : index
    %get3A_1689 = tpu.vector_load %arg7[%get3A_1688] {strides = array<i32>} : memref<320xi32, #tpu.memory_space<vmem>>, vector<16xi32>,
    %get3A_1690 = vector.shape_cast %get3A_1689 : vector<16xi32> to vector<16xi32>
    %get3A_1691 = arith.constant 16 : index
    %get3A_1692 = tpu.vector_load %arg8[%get3A_1691] {strides = array<i32>} : memref<320xi32, #tpu.memory_space<vmem>>, vector<16xi32>,
    %get3A_1693 = vector.shape_cast %get3A_1692 : vector<16xi32> to vector<16xi32>
    %mul3A_1694 = arith.constant 16 : i32
    %mul3A_1695 = vector.broadcast %mul3A_1694 : i32 to vector<16xi32>
    %mul3A_1696 = arith.muli %get3A_1693, %mul3A_1695 : vector<16xi32>
    %add3A_1697 = arith.addi %mul3A_1696, %get3A_1690 : vector<16xi32>
    %swap3A_1698 = arith.constant 0 : i32
    %swap3A_1699 = arith.index_cast %swap3A_1698 : i32 to index
    %swap3A_1700 = arith.constant 16 : index
    %swap3A_1701 = tpu.vector_load %arg10[%swap3A_1699, %swap3A_1700] {strides = array<i32>} : memref<5x64xi32, #tpu.memory_space<vmem>>, vector<1x16xi32>,
    %swap3A_1702 = vector.shape_cast %swap3A_1701 : vector<1x16xi32> to vector<16xi32>
    %swap3A_1703 = vector.shape_cast %add3A_1697 : vector<16xi32> to vector<1x16xi32>
    tpu.vector_store %arg10[%swap3A_1699, %swap3A_1700], %swap3A_1703 {strides = array<i32>} : memref<5x64xi32, #tpu.memory_space<vmem>>, vector<1x16xi32>,
    %get3A_1704 = arith.constant 32 : index
    %get3A_1705 = tpu.vector_load %arg7[%get3A_1704] {strides = array<i32>} : memref<320xi32, #tpu.memory_space<vmem>>, vector<16xi32>,
    %get3A_1706 = vector.shape_cast %get3A_1705 : vector<16xi32> to vector<16xi32>
    %get3A_1707 = arith.constant 32 : index
    %get3A_1708 = tpu.vector_load %arg8[%get3A_1707] {strides = array<i32>} : memref<320xi32, #tpu.memory_space<vmem>>, vector<16xi32>,
    %get3A_1709 = vector.shape_cast %get3A_1708 : vector<16xi32> to vector<16xi32>
    %mul3A_1710 = arith.constant 16 : i32
    %mul3A_1711 = vector.broadcast %mul3A_1710 : i32 to vector<16xi32>
    %mul3A_1712 = arith.muli %get3A_1709, %mul3A_1711 : vector<16xi32>
    %add3A_1713 = arith.addi %mul3A_1712, %get3A_1706 : vector<16xi32>
    %swap3A_1714 = arith.constant 0 : i32
    %swap3A_1715 = arith.index_cast %swap3A_1714 : i32 to index
    %swap3A_1716 = arith.constant 32 : index
    %swap3A_1717 = tpu.vector_load %arg10[%swap3A_1715, %swap3A_1716] {strides = array<i32>} : memref<5x64xi32, #tpu.memory_space<vmem>>, vector<1x16xi32>,
    %swap3A_1718 = vector.shape_cast %swap3A_1717 : vector<1x16xi32> to vector<16xi32>
    %swap3A_1719 = vector.shape_cast %add3A_1713 : vector<16xi32> to vector<1x16xi32>
    tpu.vector_store %arg10[%swap3A_1715, %swap3A_1716], %swap3A_1719 {strides = array<i32>} : memref<5x64xi32, #tpu.memory_space<vmem>>, vector<1x16xi32>,
    %get3A_1720 = arith.constant 48 : index
    %get3A_1721 = tpu.vector_load %arg7[%get3A_1720] {strides = array<i32>} : memref<320xi32, #tpu.memory_space<vmem>>, vector<16xi32>,
    %get3A_1722 = vector.shape_cast %get3A_1721 : vector<16xi32> to vector<16xi32>
    %get3A_1723 = arith.constant 48 : index
    %get3A_1724 = tpu.vector_load %arg8[%get3A_1723] {strides = array<i32>} : memref<320xi32, #tpu.memory_space<vmem>>, vector<16xi32>,
    %get3A_1725 = vector.shape_cast %get3A_1724 : vector<16xi32> to vector<16xi32>
    %mul3A_1726 = arith.constant 16 : i32
    %mul3A_1727 = vector.broadcast %mul3A_1726 : i32 to vector<16xi32>
    %mul3A_1728 = arith.muli %get3A_1725, %mul3A_1727 : vector<16xi32>
    %add3A_1729 = arith.addi %mul3A_1728, %get3A_1722 : vector<16xi32>
    %swap3A_1730 = arith.constant 0 : i32
    %swap3A_1731 = arith.index_cast %swap3A_1730 : i32 to index
    %swap3A_1732 = arith.constant 48 : index
    %swap3A_1733 = tpu.vector_load %arg10[%swap3A_1731, %swap3A_1732] {strides = array<i32>} : memref<5x64xi32, #tpu.memory_space<vmem>>, vector<1x16xi32>,
    %swap3A_1734 = vector.shape_cast %swap3A_1733 : vector<1x16xi32> to vector<16xi32>
    %swap3A_1735 = vector.shape_cast %add3A_1729 : vector<16xi32> to vector<1x16xi32>
    tpu.vector_store %arg10[%swap3A_1731, %swap3A_1732], %swap3A_1735 {strides = array<i32>} : memref<5x64xi32, #tpu.memory_space<vmem>>, vector<1x16xi32>,
    %get3A_1736 = arith.constant 64 : index
    %get3A_1737 = tpu.vector_load %arg7[%get3A_1736] {strides = array<i32>} : memref<320xi32, #tpu.memory_space<vmem>>, vector<16xi32>,
    %get3A_1738 = vector.shape_cast %get3A_1737 : vector<16xi32> to vector<16xi32>
    %get3A_1739 = arith.constant 64 : index
    %get3A_1740 = tpu.vector_load %arg8[%get3A_1739] {strides = array<i32>} : memref<320xi32, #tpu.memory_space<vmem>>, vector<16xi32>,
    %get3A_1741 = vector.shape_cast %get3A_1740 : vector<16xi32> to vector<16xi32>
    %mul3A_1742 = arith.constant 16 : i32
    %mul3A_1743 = vector.broadcast %mul3A_1742 : i32 to vector<16xi32>
    %mul3A_1744 = arith.muli %get3A_1741, %mul3A_1743 : vector<16xi32>
    %add3A_1745 = arith.addi %mul3A_1744, %get3A_1738 : vector<16xi32>
    %swap3A_1746 = arith.constant 1 : i32
    %swap3A_1747 = arith.index_cast %swap3A_1746 : i32 to index
    %swap3A_1748 = arith.constant 0 : index
    %swap3A_1749 = tpu.vector_load %arg10[%swap3A_1747, %swap3A_1748] {strides = array<i32>} : memref<5x64xi32, #tpu.memory_space<vmem>>, vector<1x16xi32>,
    %swap3A_1750 = vector.shape_cast %swap3A_1749 : vector<1x16xi32> to vector<16xi32>
    %swap3A_1751 = vector.shape_cast %add3A_1745 : vector<16xi32> to vector<1x16xi32>
    tpu.vector_store %arg10[%swap3A_1747, %swap3A_1748], %swap3A_1751 {strides = array<i32>} : memref<5x64xi32, #tpu.memory_space<vmem>>, vector<1x16xi32>,
    %get3A_1752 = arith.constant 80 : index
    %get3A_1753 = tpu.vector_load %arg7[%get3A_1752] {strides = array<i32>} : memref<320xi32, #tpu.memory_space<vmem>>, vector<16xi32>,
    %get3A_1754 = vector.shape_cast %get3A_1753 : vector<16xi32> to vector<16xi32>
    %get3A_1755 = arith.constant 80 : index
    %get3A_1756 = tpu.vector_load %arg8[%get3A_1755] {strides = array<i32>} : memref<320xi32, #tpu.memory_space<vmem>>, vector<16xi32>,
    %get3A_1757 = vector.shape_cast %get3A_1756 : vector<16xi32> to vector<16xi32>
    %mul3A_1758 = arith.constant 16 : i32
    %mul3A_1759 = vector.broadcast %mul3A_1758 : i32 to vector<16xi32>
    %mul3A_1760 = arith.muli %get3A_1757, %mul3A_1759 : vector<16xi32>
    %add3A_1761 = arith.addi %mul3A_1760, %get3A_1754 : vector<16xi32>
    %swap3A_1762 = arith.constant 1 : i32
    %swap3A_1763 = arith.index_cast %swap3A_1762 : i32 to index
    %swap3A_1764 = arith.constant 16 : index
    %swap3A_1765 = tpu.vector_load %arg10[%swap3A_1763, %swap3A_1764] {strides = array<i32>} : memref<5x64xi32, #tpu.memory_space<vmem>>, vector<1x16xi32>,
    %swap3A_1766 = vector.shape_cast %swap3A_1765 : vector<1x16xi32> to vector<16xi32>
    %swap3A_1767 = vector.shape_cast %add3A_1761 : vector<16xi32> to vector<1x16xi32>
    tpu.vector_store %arg10[%swap3A_1763, %swap3A_1764], %swap3A_1767 {strides = array<i32>} : memref<5x64xi32, #tpu.memory_space<vmem>>, vector<1x16xi32>,
    %get3A_1768 = arith.constant 96 : index
    %get3A_1769 = tpu.vector_load %arg7[%get3A_1768] {strides = array<i32>} : memref<320xi32, #tpu.memory_space<vmem>>, vector<16xi32>,
    %get3A_1770 = vector.shape_cast %get3A_1769 : vector<16xi32> to vector<16xi32>
    %get3A_1771 = arith.constant 96 : index
    %get3A_1772 = tpu.vector_load %arg8[%get3A_1771] {strides = array<i32>} : memref<320xi32, #tpu.memory_space<vmem>>, vector<16xi32>,
    %get3A_1773 = vector.shape_cast %get3A_1772 : vector<16xi32> to vector<16xi32>
    %mul3A_1774 = arith.constant 16 : i32
    %mul3A_1775 = vector.broadcast %mul3A_1774 : i32 to vector<16xi32>
    %mul3A_1776 = arith.muli %get3A_1773, %mul3A_1775 : vector<16xi32>
    %add3A_1777 = arith.addi %mul3A_1776, %get3A_1770 : vector<16xi32>
    %swap3A_1778 = arith.constant 1 : i32
    %swap3A_1779 = arith.index_cast %swap3A_1778 : i32 to index
    %swap3A_1780 = arith.constant 32 : index
    %swap3A_1781 = tpu.vector_load %arg10[%swap3A_1779, %swap3A_1780] {strides = array<i32>} : memref<5x64xi32, #tpu.memory_space<vmem>>, vector<1x16xi32>,
    %swap3A_1782 = vector.shape_cast %swap3A_1781 : vector<1x16xi32> to vector<16xi32>
    %swap3A_1783 = vector.shape_cast %add3A_1777 : vector<16xi32> to vector<1x16xi32>
    tpu.vector_store %arg10[%swap3A_1779, %swap3A_1780], %swap3A_1783 {strides = array<i32>} : memref<5x64xi32, #tpu.memory_space<vmem>>, vector<1x16xi32>,
    %get3A_1784 = arith.constant 112 : index
    %get3A_1785 = tpu.vector_load %arg7[%get3A_1784] {strides = array<i32>} : memref<320xi32, #tpu.memory_space<vmem>>, vector<16xi32>,
    %get3A_1786 = vector.shape_cast %get3A_1785 : vector<16xi32> to vector<16xi32>
    %get3A_1787 = arith.constant 112 : index
    %get3A_1788 = tpu.vector_load %arg8[%get3A_1787] {strides = array<i32>} : memref<320xi32, #tpu.memory_space<vmem>>, vector<16xi32>,
    %get3A_1789 = vector.shape_cast %get3A_1788 : vector<16xi32> to vector<16xi32>
    %mul3A_1790 = arith.constant 16 : i32
    %mul3A_1791 = vector.broadcast %mul3A_1790 : i32 to vector<16xi32>
    %mul3A_1792 = arith.muli %get3A_1789, %mul3A_1791 : vector<16xi32>
    %add3A_1793 = arith.addi %mul3A_1792, %get3A_1786 : vector<16xi32>
    %swap3A_1794 = arith.constant 1 : i32
    %swap3A_1795 = arith.index_cast %swap3A_1794 : i32 to index
    %swap3A_1796 = arith.constant 48 : index
    %swap3A_1797 = tpu.vector_load %arg10[%swap3A_1795, %swap3A_1796] {strides = array<i32>} : memref<5x64xi32, #tpu.memory_space<vmem>>, vector<1x16xi32>,
    %swap3A_1798 = vector.shape_cast %swap3A_1797 : vector<1x16xi32> to vector<16xi32>
    %swap3A_1799 = vector.shape_cast %add3A_1793 : vector<16xi32> to vector<1x16xi32>
    tpu.vector_store %arg10[%swap3A_1795, %swap3A_1796], %swap3A_1799 {strides = array<i32>} : memref<5x64xi32, #tpu.memory_space<vmem>>, vector<1x16xi32>,
    %get3A_1800 = arith.constant 128 : index
    %get3A_1801 = tpu.vector_load %arg7[%get3A_1800] {strides = array<i32>} : memref<320xi32, #tpu.memory_space<vmem>>, vector<16xi32>,
    %get3A_1802 = vector.shape_cast %get3A_1801 : vector<16xi32> to vector<16xi32>
    %get3A_1803 = arith.constant 128 : index
    %get3A_1804 = tpu.vector_load %arg8[%get3A_1803] {strides = array<i32>} : memref<320xi32, #tpu.memory_space<vmem>>, vector<16xi32>,
    %get3A_1805 = vector.shape_cast %get3A_1804 : vector<16xi32> to vector<16xi32>
    %mul3A_1806 = arith.constant 16 : i32
    %mul3A_1807 = vector.broadcast %mul3A_1806 : i32 to vector<16xi32>
    %mul3A_1808 = arith.muli %get3A_1805, %mul3A_1807 : vector<16xi32>
    %add3A_1809 = arith.addi %mul3A_1808, %get3A_1802 : vector<16xi32>
    %swap3A_1810 = arith.constant 2 : i32
    %swap3A_1811 = arith.index_cast %swap3A_1810 : i32 to index
    %swap3A_1812 = arith.constant 0 : index
    %swap3A_1813 = tpu.vector_load %arg10[%swap3A_1811, %swap3A_1812] {strides = array<i32>} : memref<5x64xi32, #tpu.memory_space<vmem>>, vector<1x16xi32>,
    %swap3A_1814 = vector.shape_cast %swap3A_1813 : vector<1x16xi32> to vector<16xi32>
    %swap3A_1815 = vector.shape_cast %add3A_1809 : vector<16xi32> to vector<1x16xi32>
    tpu.vector_store %arg10[%swap3A_1811, %swap3A_1812], %swap3A_1815 {strides = array<i32>} : memref<5x64xi32, #tpu.memory_space<vmem>>, vector<1x16xi32>,
    %get3A_1816 = arith.constant 144 : index
    %get3A_1817 = tpu.vector_load %arg7[%get3A_1816] {strides = array<i32>} : memref<320xi32, #tpu.memory_space<vmem>>, vector<16xi32>,
    %get3A_1818 = vector.shape_cast %get3A_1817 : vector<16xi32> to vector<16xi32>
    %get3A_1819 = arith.constant 144 : index
    %get3A_1820 = tpu.vector_load %arg8[%get3A_1819] {strides = array<i32>} : memref<320xi32, #tpu.memory_space<vmem>>, vector<16xi32>,
    %get3A_1821 = vector.shape_cast %get3A_1820 : vector<16xi32> to vector<16xi32>
    %mul3A_1822 = arith.constant 16 : i32
    %mul3A_1823 = vector.broadcast %mul3A_1822 : i32 to vector<16xi32>
    %mul3A_1824 = arith.muli %get3A_1821, %mul3A_1823 : vector<16xi32>
    %add3A_1825 = arith.addi %mul3A_1824, %get3A_1818 : vector<16xi32>
    %swap3A_1826 = arith.constant 2 : i32
    %swap3A_1827 = arith.index_cast %swap3A_1826 : i32 to index
    %swap3A_1828 = arith.constant 16 : index
    %swap3A_1829 = tpu.vector_load %arg10[%swap3A_1827, %swap3A_1828] {strides = array<i32>} : memref<5x64xi32, #tpu.memory_space<vmem>>, vector<1x16xi32>,
    %swap3A_1830 = vector.shape_cast %swap3A_1829 : vector<1x16xi32> to vector<16xi32>
    %swap3A_1831 = vector.shape_cast %add3A_1825 : vector<16xi32> to vector<1x16xi32>
    tpu.vector_store %arg10[%swap3A_1827, %swap3A_1828], %swap3A_1831 {strides = array<i32>} : memref<5x64xi32, #tpu.memory_space<vmem>>, vector<1x16xi32>,
    %get3A_1832 = arith.constant 160 : index
    %get3A_1833 = tpu.vector_load %arg7[%get3A_1832] {strides = array<i32>} : memref<320xi32, #tpu.memory_space<vmem>>, vector<16xi32>,
    %get3A_1834 = vector.shape_cast %get3A_1833 : vector<16xi32> to vector<16xi32>
    %get3A_1835 = arith.constant 160 : index
    %get3A_1836 = tpu.vector_load %arg8[%get3A_1835] {strides = array<i32>} : memref<320xi32, #tpu.memory_space<vmem>>, vector<16xi32>,
    %get3A_1837 = vector.shape_cast %get3A_1836 : vector<16xi32> to vector<16xi32>
    %mul3A_1838 = arith.constant 16 : i32
    %mul3A_1839 = vector.broadcast %mul3A_1838 : i32 to vector<16xi32>
    %mul3A_1840 = arith.muli %get3A_1837, %mul3A_1839 : vector<16xi32>
    %add3A_1841 = arith.addi %mul3A_1840, %get3A_1834 : vector<16xi32>
    %swap3A_1842 = arith.constant 2 : i32
    %swap3A_1843 = arith.index_cast %swap3A_1842 : i32 to index
    %swap3A_1844 = arith.constant 32 : index
    %swap3A_1845 = tpu.vector_load %arg10[%swap3A_1843, %swap3A_1844] {strides = array<i32>} : memref<5x64xi32, #tpu.memory_space<vmem>>, vector<1x16xi32>,
    %swap3A_1846 = vector.shape_cast %swap3A_1845 : vector<1x16xi32> to vector<16xi32>
    %swap3A_1847 = vector.shape_cast %add3A_1841 : vector<16xi32> to vector<1x16xi32>
    tpu.vector_store %arg10[%swap3A_1843, %swap3A_1844], %swap3A_1847 {strides = array<i32>} : memref<5x64xi32, #tpu.memory_space<vmem>>, vector<1x16xi32>,
    %get3A_1848 = arith.constant 176 : index
    %get3A_1849 = tpu.vector_load %arg7[%get3A_1848] {strides = array<i32>} : memref<320xi32, #tpu.memory_space<vmem>>, vector<16xi32>,
    %get3A_1850 = vector.shape_cast %get3A_1849 : vector<16xi32> to vector<16xi32>
    %get3A_1851 = arith.constant 176 : index
    %get3A_1852 = tpu.vector_load %arg8[%get3A_1851] {strides = array<i32>} : memref<320xi32, #tpu.memory_space<vmem>>, vector<16xi32>,
    %get3A_1853 = vector.shape_cast %get3A_1852 : vector<16xi32> to vector<16xi32>
    %mul3A_1854 = arith.constant 16 : i32
    %mul3A_1855 = vector.broadcast %mul3A_1854 : i32 to vector<16xi32>
    %mul3A_1856 = arith.muli %get3A_1853, %mul3A_1855 : vector<16xi32>
    %add3A_1857 = arith.addi %mul3A_1856, %get3A_1850 : vector<16xi32>
    %swap3A_1858 = arith.constant 2 : i32
    %swap3A_1859 = arith.index_cast %swap3A_1858 : i32 to index
    %swap3A_1860 = arith.constant 48 : index
    %swap3A_1861 = tpu.vector_load %arg10[%swap3A_1859, %swap3A_1860] {strides = array<i32>} : memref<5x64xi32, #tpu.memory_space<vmem>>, vector<1x16xi32>,
    %swap3A_1862 = vector.shape_cast %swap3A_1861 : vector<1x16xi32> to vector<16xi32>
    %swap3A_1863 = vector.shape_cast %add3A_1857 : vector<16xi32> to vector<1x16xi32>
    tpu.vector_store %arg10[%swap3A_1859, %swap3A_1860], %swap3A_1863 {strides = array<i32>} : memref<5x64xi32, #tpu.memory_space<vmem>>, vector<1x16xi32>,
    %get3A_1864 = arith.constant 192 : index
    %get3A_1865 = tpu.vector_load %arg7[%get3A_1864] {strides = array<i32>} : memref<320xi32, #tpu.memory_space<vmem>>, vector<16xi32>,
    %get3A_1866 = vector.shape_cast %get3A_1865 : vector<16xi32> to vector<16xi32>
    %get3A_1867 = arith.constant 192 : index
    %get3A_1868 = tpu.vector_load %arg8[%get3A_1867] {strides = array<i32>} : memref<320xi32, #tpu.memory_space<vmem>>, vector<16xi32>,
    %get3A_1869 = vector.shape_cast %get3A_1868 : vector<16xi32> to vector<16xi32>
    %mul3A_1870 = arith.constant 16 : i32
    %mul3A_1871 = vector.broadcast %mul3A_1870 : i32 to vector<16xi32>
    %mul3A_1872 = arith.muli %get3A_1869, %mul3A_1871 : vector<16xi32>
    %add3A_1873 = arith.addi %mul3A_1872, %get3A_1866 : vector<16xi32>
    %swap3A_1874 = arith.constant 3 : i32
    %swap3A_1875 = arith.index_cast %swap3A_1874 : i32 to index
    %swap3A_1876 = arith.constant 0 : index
    %swap3A_1877 = tpu.vector_load %arg10[%swap3A_1875, %swap3A_1876] {strides = array<i32>} : memref<5x64xi32, #tpu.memory_space<vmem>>, vector<1x16xi32>,
    %swap3A_1878 = vector.shape_cast %swap3A_1877 : vector<1x16xi32> to vector<16xi32>
    %swap3A_1879 = vector.shape_cast %add3A_1873 : vector<16xi32> to vector<1x16xi32>
    tpu.vector_store %arg10[%swap3A_1875, %swap3A_1876], %swap3A_1879 {strides = array<i32>} : memref<5x64xi32, #tpu.memory_space<vmem>>, vector<1x16xi32>,
    %get3A_1880 = arith.constant 208 : index
    %get3A_1881 = tpu.vector_load %arg7[%get3A_1880] {strides = array<i32>} : memref<320xi32, #tpu.memory_space<vmem>>, vector<16xi32>,
    %get3A_1882 = vector.shape_cast %get3A_1881 : vector<16xi32> to vector<16xi32>
    %get3A_1883 = arith.constant 208 : index
    %get3A_1884 = tpu.vector_load %arg8[%get3A_1883] {strides = array<i32>} : memref<320xi32, #tpu.memory_space<vmem>>, vector<16xi32>,
    %get3A_1885 = vector.shape_cast %get3A_1884 : vector<16xi32> to vector<16xi32>
    %mul3A_1886 = arith.constant 16 : i32
    %mul3A_1887 = vector.broadcast %mul3A_1886 : i32 to vector<16xi32>
    %mul3A_1888 = arith.muli %get3A_1885, %mul3A_1887 : vector<16xi32>
    %add3A_1889 = arith.addi %mul3A_1888, %get3A_1882 : vector<16xi32>
    %swap3A_1890 = arith.constant 3 : i32
    %swap3A_1891 = arith.index_cast %swap3A_1890 : i32 to index
    %swap3A_1892 = arith.constant 16 : index
    %swap3A_1893 = tpu.vector_load %arg10[%swap3A_1891, %swap3A_1892] {strides = array<i32>} : memref<5x64xi32, #tpu.memory_space<vmem>>, vector<1x16xi32>,
    %swap3A_1894 = vector.shape_cast %swap3A_1893 : vector<1x16xi32> to vector<16xi32>
    %swap3A_1895 = vector.shape_cast %add3A_1889 : vector<16xi32> to vector<1x16xi32>
    tpu.vector_store %arg10[%swap3A_1891, %swap3A_1892], %swap3A_1895 {strides = array<i32>} : memref<5x64xi32, #tpu.memory_space<vmem>>, vector<1x16xi32>,
    %get3A_1896 = arith.constant 224 : index
    %get3A_1897 = tpu.vector_load %arg7[%get3A_1896] {strides = array<i32>} : memref<320xi32, #tpu.memory_space<vmem>>, vector<16xi32>,
    %get3A_1898 = vector.shape_cast %get3A_1897 : vector<16xi32> to vector<16xi32>
    %get3A_1899 = arith.constant 224 : index
    %get3A_1900 = tpu.vector_load %arg8[%get3A_1899] {strides = array<i32>} : memref<320xi32, #tpu.memory_space<vmem>>, vector<16xi32>,
    %get3A_1901 = vector.shape_cast %get3A_1900 : vector<16xi32> to vector<16xi32>
    %mul3A_1902 = arith.constant 16 : i32
    %mul3A_1903 = vector.broadcast %mul3A_1902 : i32 to vector<16xi32>
    %mul3A_1904 = arith.muli %get3A_1901, %mul3A_1903 : vector<16xi32>
    %add3A_1905 = arith.addi %mul3A_1904, %get3A_1898 : vector<16xi32>
    %swap3A_1906 = arith.constant 3 : i32
    %swap3A_1907 = arith.index_cast %swap3A_1906 : i32 to index
    %swap3A_1908 = arith.constant 32 : index
    %swap3A_1909 = tpu.vector_load %arg10[%swap3A_1907, %swap3A_1908] {strides = array<i32>} : memref<5x64xi32, #tpu.memory_space<vmem>>, vector<1x16xi32>,
    %swap3A_1910 = vector.shape_cast %swap3A_1909 : vector<1x16xi32> to vector<16xi32>
    %swap3A_1911 = vector.shape_cast %add3A_1905 : vector<16xi32> to vector<1x16xi32>
    tpu.vector_store %arg10[%swap3A_1907, %swap3A_1908], %swap3A_1911 {strides = array<i32>} : memref<5x64xi32, #tpu.memory_space<vmem>>, vector<1x16xi32>,
    %get3A_1912 = arith.constant 240 : index
    %get3A_1913 = tpu.vector_load %arg7[%get3A_1912] {strides = array<i32>} : memref<320xi32, #tpu.memory_space<vmem>>, vector<16xi32>,
    %get3A_1914 = vector.shape_cast %get3A_1913 : vector<16xi32> to vector<16xi32>
    %get3A_1915 = arith.constant 240 : index
    %get3A_1916 = tpu.vector_load %arg8[%get3A_1915] {strides = array<i32>} : memref<320xi32, #tpu.memory_space<vmem>>, vector<16xi32>,
    %get3A_1917 = vector.shape_cast %get3A_1916 : vector<16xi32> to vector<16xi32>
    %mul3A_1918 = arith.constant 16 : i32
    %mul3A_1919 = vector.broadcast %mul3A_1918 : i32 to vector<16xi32>
    %mul3A_1920 = arith.muli %get3A_1917, %mul3A_1919 : vector<16xi32>
    %add3A_1921 = arith.addi %mul3A_1920, %get3A_1914 : vector<16xi32>
    %swap3A_1922 = arith.constant 3 : i32
    %swap3A_1923 = arith.index_cast %swap3A_1922 : i32 to index
    %swap3A_1924 = arith.constant 48 : index
    %swap3A_1925 = tpu.vector_load %arg10[%swap3A_1923, %swap3A_1924] {strides = array<i32>} : memref<5x64xi32, #tpu.memory_space<vmem>>, vector<1x16xi32>,
    %swap3A_1926 = vector.shape_cast %swap3A_1925 : vector<1x16xi32> to vector<16xi32>
    %swap3A_1927 = vector.shape_cast %add3A_1921 : vector<16xi32> to vector<1x16xi32>
    tpu.vector_store %arg10[%swap3A_1923, %swap3A_1924], %swap3A_1927 {strides = array<i32>} : memref<5x64xi32, #tpu.memory_space<vmem>>, vector<1x16xi32>,
    %get3A_1928 = arith.constant 256 : index
    %get3A_1929 = tpu.vector_load %arg7[%get3A_1928] {strides = array<i32>} : memref<320xi32, #tpu.memory_space<vmem>>, vector<16xi32>,
    %get3A_1930 = vector.shape_cast %get3A_1929 : vector<16xi32> to vector<16xi32>
    %get3A_1931 = arith.constant 256 : index
    %get3A_1932 = tpu.vector_load %arg8[%get3A_1931] {strides = array<i32>} : memref<320xi32, #tpu.memory_space<vmem>>, vector<16xi32>,
    %get3A_1933 = vector.shape_cast %get3A_1932 : vector<16xi32> to vector<16xi32>
    %mul3A_1934 = arith.constant 16 : i32
    %mul3A_1935 = vector.broadcast %mul3A_1934 : i32 to vector<16xi32>
    %mul3A_1936 = arith.muli %get3A_1933, %mul3A_1935 : vector<16xi32>
    %add3A_1937 = arith.addi %mul3A_1936, %get3A_1930 : vector<16xi32>
    %swap3A_1938 = arith.constant 4 : i32
    %swap3A_1939 = arith.index_cast %swap3A_1938 : i32 to index
    %swap3A_1940 = arith.constant 0 : index
    %swap3A_1941 = tpu.vector_load %arg10[%swap3A_1939, %swap3A_1940] {strides = array<i32>} : memref<5x64xi32, #tpu.memory_space<vmem>>, vector<1x16xi32>,
    %swap3A_1942 = vector.shape_cast %swap3A_1941 : vector<1x16xi32> to vector<16xi32>
    %swap3A_1943 = vector.shape_cast %add3A_1937 : vector<16xi32> to vector<1x16xi32>
    tpu.vector_store %arg10[%swap3A_1939, %swap3A_1940], %swap3A_1943 {strides = array<i32>} : memref<5x64xi32, #tpu.memory_space<vmem>>, vector<1x16xi32>,
    %get3A_1944 = arith.constant 272 : index
    %get3A_1945 = tpu.vector_load %arg7[%get3A_1944] {strides = array<i32>} : memref<320xi32, #tpu.memory_space<vmem>>, vector<16xi32>,
    %get3A_1946 = vector.shape_cast %get3A_1945 : vector<16xi32> to vector<16xi32>
    %get3A_1947 = arith.constant 272 : index
    %get3A_1948 = tpu.vector_load %arg8[%get3A_1947] {strides = array<i32>} : memref<320xi32, #tpu.memory_space<vmem>>, vector<16xi32>,
    %get3A_1949 = vector.shape_cast %get3A_1948 : vector<16xi32> to vector<16xi32>
    %mul3A_1950 = arith.constant 16 : i32
    %mul3A_1951 = vector.broadcast %mul3A_1950 : i32 to vector<16xi32>
    %mul3A_1952 = arith.muli %get3A_1949, %mul3A_1951 : vector<16xi32>
    %add3A_1953 = arith.addi %mul3A_1952, %get3A_1946 : vector<16xi32>
    %swap3A_1954 = arith.constant 4 : i32
    %swap3A_1955 = arith.index_cast %swap3A_1954 : i32 to index
    %swap3A_1956 = arith.constant 16 : index
    %swap3A_1957 = tpu.vector_load %arg10[%swap3A_1955, %swap3A_1956] {strides = array<i32>} : memref<5x64xi32, #tpu.memory_space<vmem>>, vector<1x16xi32>,
    %swap3A_1958 = vector.shape_cast %swap3A_1957 : vector<1x16xi32> to vector<16xi32>
    %swap3A_1959 = vector.shape_cast %add3A_1953 : vector<16xi32> to vector<1x16xi32>
    tpu.vector_store %arg10[%swap3A_1955, %swap3A_1956], %swap3A_1959 {strides = array<i32>} : memref<5x64xi32, #tpu.memory_space<vmem>>, vector<1x16xi32>,
    %get3A_1960 = arith.constant 288 : index
    %get3A_1961 = tpu.vector_load %arg7[%get3A_1960] {strides = array<i32>} : memref<320xi32, #tpu.memory_space<vmem>>, vector<16xi32>,
    %get3A_1962 = vector.shape_cast %get3A_1961 : vector<16xi32> to vector<16xi32>
    %get3A_1963 = arith.constant 288 : index
    %get3A_1964 = tpu.vector_load %arg8[%get3A_1963] {strides = array<i32>} : memref<320xi32, #tpu.memory_space<vmem>>, vector<16xi32>,
    %get3A_1965 = vector.shape_cast %get3A_1964 : vector<16xi32> to vector<16xi32>
    %mul3A_1966 = arith.constant 16 : i32
    %mul3A_1967 = vector.broadcast %mul3A_1966 : i32 to vector<16xi32>
    %mul3A_1968 = arith.muli %get3A_1965, %mul3A_1967 : vector<16xi32>
    %add3A_1969 = arith.addi %mul3A_1968, %get3A_1962 : vector<16xi32>
    %swap3A_1970 = arith.constant 4 : i32
    %swap3A_1971 = arith.index_cast %swap3A_1970 : i32 to index
    %swap3A_1972 = arith.constant 32 : index
    %swap3A_1973 = tpu.vector_load %arg10[%swap3A_1971, %swap3A_1972] {strides = array<i32>} : memref<5x64xi32, #tpu.memory_space<vmem>>, vector<1x16xi32>,
    %swap3A_1974 = vector.shape_cast %swap3A_1973 : vector<1x16xi32> to vector<16xi32>
    %swap3A_1975 = vector.shape_cast %add3A_1969 : vector<16xi32> to vector<1x16xi32>
    tpu.vector_store %arg10[%swap3A_1971, %swap3A_1972], %swap3A_1975 {strides = array<i32>} : memref<5x64xi32, #tpu.memory_space<vmem>>, vector<1x16xi32>,
    %get3A_1976 = arith.constant 304 : index
    %get3A_1977 = tpu.vector_load %arg7[%get3A_1976] {strides = array<i32>} : memref<320xi32, #tpu.memory_space<vmem>>, vector<16xi32>,
    %get3A_1978 = vector.shape_cast %get3A_1977 : vector<16xi32> to vector<16xi32>
    %get3A_1979 = arith.constant 304 : index
    %get3A_1980 = tpu.vector_load %arg8[%get3A_1979] {strides = array<i32>} : memref<320xi32, #tpu.memory_space<vmem>>, vector<16xi32>,
    %get3A_1981 = vector.shape_cast %get3A_1980 : vector<16xi32> to vector<16xi32>
    %mul3A_1982 = arith.constant 16 : i32
    %mul3A_1983 = vector.broadcast %mul3A_1982 : i32 to vector<16xi32>
    %mul3A_1984 = arith.muli %get3A_1981, %mul3A_1983 : vector<16xi32>
    %add3A_1985 = arith.addi %mul3A_1984, %get3A_1978 : vector<16xi32>
    %swap3A_1986 = arith.constant 4 : i32
    %swap3A_1987 = arith.index_cast %swap3A_1986 : i32 to index
    %swap3A_1988 = arith.constant 48 : index
    %swap3A_1989 = tpu.vector_load %arg10[%swap3A_1987, %swap3A_1988] {strides = array<i32>} : memref<5x64xi32, #tpu.memory_space<vmem>>, vector<1x16xi32>,
    %swap3A_1990 = vector.shape_cast %swap3A_1989 : vector<1x16xi32> to vector<16xi32>
    %swap3A_1991 = vector.shape_cast %add3A_1985 : vector<16xi32> to vector<1x16xi32>
    tpu.vector_store %arg10[%swap3A_1987, %swap3A_1988], %swap3A_1991 {strides = array<i32>} : memref<5x64xi32, #tpu.memory_space<vmem>>, vector<1x16xi32>,
    %dma_start3A_1992 = arith.constant 0 : i32
    %dma_start3A_1993 = arith.constant 0 : i32
    %dma_start3A_1994 = arith.constant 0 : i32
    %dma_start3A_1995 = tpu.memref_slice %arg13[%dma_start3A_1993, %dma_start3A_1994] : memref<320x128xf32, #tpu.memory_space<vmem>> -> memref<64x128xf32, #tpu.memory_space<vmem>>
    %dma_start3A_1996 = arith.constant 0 : i32
    %dma_start3A_1997 = tpu.memref_slice %arg10[%dma_start3A_1992, %dma_start3A_1996] : memref<5x64xi32, #tpu.memory_space<vmem>> -> memref<1x64xi32, #tpu.memory_space<vmem>>
    %dma_start3A_1998 = tpu.memref_squeeze %dma_start3A_1997 : memref<1x64xi32, #tpu.memory_space<vmem>> -> memref<64xi32, #tpu.memory_space<vmem>>
    %dma_start3A_1999 = arith.constant 0 : i32
    %dma_start3A_2000 = arith.constant 0 : i32
    %dma_start3A_2001 = tpu.memref_slice %arg6[%dma_start3A_1999, %dma_start3A_2000] : memref<48x128xf32, #tpu.memory_space<vmem_shared>> -> memref<48x128xf32, #tpu.memory_space<vmem_shared>>
    tpu.enqueue_indirect_dma source(%dma_start3A_2001 : memref<48x128xf32, #tpu.memory_space<vmem_shared>>) target(%dma_start3A_1995 : memref<64x128xf32, #tpu.memory_space<vmem>>) offsets(%dma_start3A_1998 : memref<64xi32, #tpu.memory_space<vmem>>) semaphore(%arg16 : memref<!tpu.dma_semaphore, #tpu.memory_space<semaphore_mem>>)
    %dma_start3A_2002 = arith.constant 1 : i32
    %dma_start3A_2003 = arith.constant 64 : i32
    %dma_start3A_2004 = arith.constant 0 : i32
    %dma_start3A_2005 = tpu.memref_slice %arg13[%dma_start3A_2003, %dma_start3A_2004] : memref<320x128xf32, #tpu.memory_space<vmem>> -> memref<64x128xf32, #tpu.memory_space<vmem>>
    %dma_start3A_2006 = arith.constant 0 : i32
    %dma_start3A_2007 = tpu.memref_slice %arg10[%dma_start3A_2002, %dma_start3A_2006] : memref<5x64xi32, #tpu.memory_space<vmem>> -> memref<1x64xi32, #tpu.memory_space<vmem>>
    %dma_start3A_2008 = tpu.memref_squeeze %dma_start3A_2007 : memref<1x64xi32, #tpu.memory_space<vmem>> -> memref<64xi32, #tpu.memory_space<vmem>>
    %dma_start3A_2009 = arith.constant 0 : i32
    %dma_start3A_2010 = arith.constant 0 : i32
    %dma_start3A_2011 = tpu.memref_slice %arg6[%dma_start3A_2009, %dma_start3A_2010] : memref<48x128xf32, #tpu.memory_space<vmem_shared>> -> memref<48x128xf32, #tpu.memory_space<vmem_shared>>
    tpu.enqueue_indirect_dma source(%dma_start3A_2011 : memref<48x128xf32, #tpu.memory_space<vmem_shared>>) target(%dma_start3A_2005 : memref<64x128xf32, #tpu.memory_space<vmem>>) offsets(%dma_start3A_2008 : memref<64xi32, #tpu.memory_space<vmem>>) semaphore(%arg16 : memref<!tpu.dma_semaphore, #tpu.memory_space<semaphore_mem>>)
    %dma_start3A_2012 = arith.constant 2 : i32
    %dma_start3A_2013 = arith.constant 128 : i32
    %dma_start3A_2014 = arith.constant 0 : i32
    %dma_start3A_2015 = tpu.memref_slice %arg13[%dma_start3A_2013, %dma_start3A_2014] : memref<320x128xf32, #tpu.memory_space<vmem>> -> memref<64x128xf32, #tpu.memory_space<vmem>>
    %dma_start3A_2016 = arith.constant 0 : i32
    %dma_start3A_2017 = tpu.memref_slice %arg10[%dma_start3A_2012, %dma_start3A_2016] : memref<5x64xi32, #tpu.memory_space<vmem>> -> memref<1x64xi32, #tpu.memory_space<vmem>>
    %dma_start3A_2018 = tpu.memref_squeeze %dma_start3A_2017 : memref<1x64xi32, #tpu.memory_space<vmem>> -> memref<64xi32, #tpu.memory_space<vmem>>
    %dma_start3A_2019 = arith.constant 0 : i32
    %dma_start3A_2020 = arith.constant 0 : i32
    %dma_start3A_2021 = tpu.memref_slice %arg6[%dma_start3A_2019, %dma_start3A_2020] : memref<48x128xf32, #tpu.memory_space<vmem_shared>> -> memref<48x128xf32, #tpu.memory_space<vmem_shared>>
    tpu.enqueue_indirect_dma source(%dma_start3A_2021 : memref<48x128xf32, #tpu.memory_space<vmem_shared>>) target(%dma_start3A_2015 : memref<64x128xf32, #tpu.memory_space<vmem>>) offsets(%dma_start3A_2018 : memref<64xi32, #tpu.memory_space<vmem>>) semaphore(%arg16 : memref<!tpu.dma_semaphore, #tpu.memory_space<semaphore_mem>>)
    %dma_start3A_2022 = arith.constant 3 : i32
    %dma_start3A_2023 = arith.constant 192 : i32
    %dma_start3A_2024 = arith.constant 0 : i32
    %dma_start3A_2025 = tpu.memref_slice %arg13[%dma_start3A_2023, %dma_start3A_2024] : memref<320x128xf32, #tpu.memory_space<vmem>> -> memref<64x128xf32, #tpu.memory_space<vmem>>
    %dma_start3A_2026 = arith.constant 0 : i32
    %dma_start3A_2027 = tpu.memref_slice %arg10[%dma_start3A_2022, %dma_start3A_2026] : memref<5x64xi32, #tpu.memory_space<vmem>> -> memref<1x64xi32, #tpu.memory_space<vmem>>
    %dma_start3A_2028 = tpu.memref_squeeze %dma_start3A_2027 : memref<1x64xi32, #tpu.memory_space<vmem>> -> memref<64xi32, #tpu.memory_space<vmem>>
    %dma_start3A_2029 = arith.constant 0 : i32
    %dma_start3A_2030 = arith.constant 0 : i32
    %dma_start3A_2031 = tpu.memref_slice %arg6[%dma_start3A_2029, %dma_start3A_2030] : memref<48x128xf32, #tpu.memory_space<vmem_shared>> -> memref<48x128xf32, #tpu.memory_space<vmem_shared>>
    tpu.enqueue_indirect_dma source(%dma_start3A_2031 : memref<48x128xf32, #tpu.memory_space<vmem_shared>>) target(%dma_start3A_2025 : memref<64x128xf32, #tpu.memory_space<vmem>>) offsets(%dma_start3A_2028 : memref<64xi32, #tpu.memory_space<vmem>>) semaphore(%arg16 : memref<!tpu.dma_semaphore, #tpu.memory_space<semaphore_mem>>)
    %dma_start3A_2032 = arith.constant 4 : i32
    %dma_start3A_2033 = arith.constant 256 : i32
    %dma_start3A_2034 = arith.constant 0 : i32
    %dma_start3A_2035 = tpu.memref_slice %arg13[%dma_start3A_2033, %dma_start3A_2034] : memref<320x128xf32, #tpu.memory_space<vmem>> -> memref<64x128xf32, #tpu.memory_space<vmem>>
    %dma_start3A_2036 = arith.constant 0 : i32
    %dma_start3A_2037 = tpu.memref_slice %arg10[%dma_start3A_2032, %dma_start3A_2036] : memref<5x64xi32, #tpu.memory_space<vmem>> -> memref<1x64xi32, #tpu.memory_space<vmem>>
    %dma_start3A_2038 = tpu.memref_squeeze %dma_start3A_2037 : memref<1x64xi32, #tpu.memory_space<vmem>> -> memref<64xi32, #tpu.memory_space<vmem>>
    %dma_start3A_2039 = arith.constant 0 : i32
    %dma_start3A_2040 = arith.constant 0 : i32
    %dma_start3A_2041 = tpu.memref_slice %arg6[%dma_start3A_2039, %dma_start3A_2040] : memref<48x128xf32, #tpu.memory_space<vmem_shared>> -> memref<48x128xf32, #tpu.memory_space<vmem_shared>>
    tpu.enqueue_indirect_dma source(%dma_start3A_2041 : memref<48x128xf32, #tpu.memory_space<vmem_shared>>) target(%dma_start3A_2035 : memref<64x128xf32, #tpu.memory_space<vmem>>) offsets(%dma_start3A_2038 : memref<64xi32, #tpu.memory_space<vmem>>) semaphore(%arg16 : memref<!tpu.dma_semaphore, #tpu.memory_space<semaphore_mem>>)
    %dma_wait3A_2042 = arith.constant 0 : i32
    %dma_wait3A_2043 = arith.constant 0 : i32
    %dma_wait3A_2044 = arith.constant 0 : i32
    %dma_wait3A_2045 = tpu.memref_slice %arg12[%dma_wait3A_2043, %dma_wait3A_2044] : memref<320x128xf32, #tpu.memory_space<vmem>> -> memref<64x128xf32, #tpu.memory_space<vmem>>
    %dma_wait3A_2046 = arith.constant 0 : i32
    %dma_wait3A_2047 = tpu.memref_slice %arg9[%dma_wait3A_2042, %dma_wait3A_2046] : memref<5x64xi32, #tpu.memory_space<vmem>> -> memref<1x64xi32, #tpu.memory_space<vmem>>
    %dma_wait3A_2048 = tpu.memref_squeeze %dma_wait3A_2047 : memref<1x64xi32, #tpu.memory_space<vmem>> -> memref<64xi32, #tpu.memory_space<vmem>>
    %dma_wait3A_2049 = arith.constant 0 : i32
    %dma_wait3A_2050 = arith.constant 0 : i32
    %dma_wait3A_2051 = tpu.memref_slice %arg6[%dma_wait3A_2049, %dma_wait3A_2050] : memref<48x128xf32, #tpu.memory_space<vmem_shared>> -> memref<48x128xf32, #tpu.memory_space<vmem_shared>>
    tpu.wait_indirect_dma semaphore(%arg15 : memref<!tpu.dma_semaphore, #tpu.memory_space<semaphore_mem>>) src(%dma_wait3A_2051 : memref<48x128xf32, #tpu.memory_space<vmem_shared>>) dst(%dma_wait3A_2045 : memref<64x128xf32, #tpu.memory_space<vmem>>)
    %dma_wait3A_2052 = arith.constant 1 : i32
    %dma_wait3A_2053 = arith.constant 64 : i32
    %dma_wait3A_2054 = arith.constant 0 : i32
    %dma_wait3A_2055 = tpu.memref_slice %arg12[%dma_wait3A_2053, %dma_wait3A_2054] : memref<320x128xf32, #tpu.memory_space<vmem>> -> memref<64x128xf32, #tpu.memory_space<vmem>>
    %dma_wait3A_2056 = arith.constant 0 : i32
    %dma_wait3A_2057 = tpu.memref_slice %arg9[%dma_wait3A_2052, %dma_wait3A_2056] : memref<5x64xi32, #tpu.memory_space<vmem>> -> memref<1x64xi32, #tpu.memory_space<vmem>>
    %dma_wait3A_2058 = tpu.memref_squeeze %dma_wait3A_2057 : memref<1x64xi32, #tpu.memory_space<vmem>> -> memref<64xi32, #tpu.memory_space<vmem>>
    %dma_wait3A_2059 = arith.constant 0 : i32
    %dma_wait3A_2060 = arith.constant 0 : i32
    %dma_wait3A_2061 = tpu.memref_slice %arg6[%dma_wait3A_2059, %dma_wait3A_2060] : memref<48x128xf32, #tpu.memory_space<vmem_shared>> -> memref<48x128xf32, #tpu.memory_space<vmem_shared>>
    tpu.wait_indirect_dma semaphore(%arg15 : memref<!tpu.dma_semaphore, #tpu.memory_space<semaphore_mem>>) src(%dma_wait3A_2061 : memref<48x128xf32, #tpu.memory_space<vmem_shared>>) dst(%dma_wait3A_2055 : memref<64x128xf32, #tpu.memory_space<vmem>>)
    %dma_wait3A_2062 = arith.constant 2 : i32
    %dma_wait3A_2063 = arith.constant 128 : i32
    %dma_wait3A_2064 = arith.constant 0 : i32
    %dma_wait3A_2065 = tpu.memref_slice %arg12[%dma_wait3A_2063, %dma_wait3A_2064] : memref<320x128xf32, #tpu.memory_space<vmem>> -> memref<64x128xf32, #tpu.memory_space<vmem>>
    %dma_wait3A_2066 = arith.constant 0 : i32
    %dma_wait3A_2067 = tpu.memref_slice %arg9[%dma_wait3A_2062, %dma_wait3A_2066] : memref<5x64xi32, #tpu.memory_space<vmem>> -> memref<1x64xi32, #tpu.memory_space<vmem>>
    %dma_wait3A_2068 = tpu.memref_squeeze %dma_wait3A_2067 : memref<1x64xi32, #tpu.memory_space<vmem>> -> memref<64xi32, #tpu.memory_space<vmem>>
    %dma_wait3A_2069 = arith.constant 0 : i32
    %dma_wait3A_2070 = arith.constant 0 : i32
    %dma_wait3A_2071 = tpu.memref_slice %arg6[%dma_wait3A_2069, %dma_wait3A_2070] : memref<48x128xf32, #tpu.memory_space<vmem_shared>> -> memref<48x128xf32, #tpu.memory_space<vmem_shared>>
    tpu.wait_indirect_dma semaphore(%arg15 : memref<!tpu.dma_semaphore, #tpu.memory_space<semaphore_mem>>) src(%dma_wait3A_2071 : memref<48x128xf32, #tpu.memory_space<vmem_shared>>) dst(%dma_wait3A_2065 : memref<64x128xf32, #tpu.memory_space<vmem>>)
    %dma_wait3A_2072 = arith.constant 3 : i32
    %dma_wait3A_2073 = arith.constant 192 : i32
    %dma_wait3A_2074 = arith.constant 0 : i32
    %dma_wait3A_2075 = tpu.memref_slice %arg12[%dma_wait3A_2073, %dma_wait3A_2074] : memref<320x128xf32, #tpu.memory_space<vmem>> -> memref<64x128xf32, #tpu.memory_space<vmem>>
    %dma_wait3A_2076 = arith.constant 0 : i32
    %dma_wait3A_2077 = tpu.memref_slice %arg9[%dma_wait3A_2072, %dma_wait3A_2076] : memref<5x64xi32, #tpu.memory_space<vmem>> -> memref<1x64xi32, #tpu.memory_space<vmem>>
    %dma_wait3A_2078 = tpu.memref_squeeze %dma_wait3A_2077 : memref<1x64xi32, #tpu.memory_space<vmem>> -> memref<64xi32, #tpu.memory_space<vmem>>
    %dma_wait3A_2079 = arith.constant 0 : i32
    %dma_wait3A_2080 = arith.constant 0 : i32
    %dma_wait3A_2081 = tpu.memref_slice %arg6[%dma_wait3A_2079, %dma_wait3A_2080] : memref<48x128xf32, #tpu.memory_space<vmem_shared>> -> memref<48x128xf32, #tpu.memory_space<vmem_shared>>
    tpu.wait_indirect_dma semaphore(%arg15 : memref<!tpu.dma_semaphore, #tpu.memory_space<semaphore_mem>>) src(%dma_wait3A_2081 : memref<48x128xf32, #tpu.memory_space<vmem_shared>>) dst(%dma_wait3A_2075 : memref<64x128xf32, #tpu.memory_space<vmem>>)
    %dma_wait3A_2082 = arith.constant 4 : i32
    %dma_wait3A_2083 = arith.constant 256 : i32
    %dma_wait3A_2084 = arith.constant 0 : i32
    %dma_wait3A_2085 = tpu.memref_slice %arg12[%dma_wait3A_2083, %dma_wait3A_2084] : memref<320x128xf32, #tpu.memory_space<vmem>> -> memref<64x128xf32, #tpu.memory_space<vmem>>
    %dma_wait3A_2086 = arith.constant 0 : i32
    %dma_wait3A_2087 = tpu.memref_slice %arg9[%dma_wait3A_2082, %dma_wait3A_2086] : memref<5x64xi32, #tpu.memory_space<vmem>> -> memref<1x64xi32, #tpu.memory_space<vmem>>
    %dma_wait3A_2088 = tpu.memref_squeeze %dma_wait3A_2087 : memref<1x64xi32, #tpu.memory_space<vmem>> -> memref<64xi32, #tpu.memory_space<vmem>>
    %dma_wait3A_2089 = arith.constant 0 : i32
    %dma_wait3A_2090 = arith.constant 0 : i32
    %dma_wait3A_2091 = tpu.memref_slice %arg6[%dma_wait3A_2089, %dma_wait3A_2090] : memref<48x128xf32, #tpu.memory_space<vmem_shared>> -> memref<48x128xf32, #tpu.memory_space<vmem_shared>>
    tpu.wait_indirect_dma semaphore(%arg15 : memref<!tpu.dma_semaphore, #tpu.memory_space<semaphore_mem>>) src(%dma_wait3A_2091 : memref<48x128xf32, #tpu.memory_space<vmem_shared>>) dst(%dma_wait3A_2085 : memref<64x128xf32, #tpu.memory_space<vmem>>)
    %add3A_2092 = arith.constant 24960 : i32
    %add3A_2093 = arith.addi %mul3A_2, %add3A_2092 : i32
    %dma_start3A_2094 = arith.constant 0 : i32
    %dma_start3A_2095 = tpu.memref_slice %arg5[%add3A_2093, %dma_start3A_2094] : memref<819200x128xf32, #tpu.memory_space<hbm>> -> memref<320x128xf32, #tpu.memory_space<hbm>>
    %dma_start3A_2096 = arith.constant 0 : i32
    %dma_start3A_2097 = tpu.memref_slice %arg5[%add3A_2093, %dma_start3A_2096] : memref<819200x128xf32, #tpu.memory_space<hbm>> -> memref<320x128xf32, #tpu.memory_space<hbm>>
    tpu.enqueue_dma source(%arg12 : memref<320x128xf32, #tpu.memory_space<vmem>>) target(%dma_start3A_2097 : memref<320x128xf32, #tpu.memory_space<hbm>>) target_semaphore(%arg18 : memref<!tpu.dma_semaphore, #tpu.memory_space<semaphore_mem>>)
    %dma_wait3A_2098 = arith.constant 0 : i32
    %dma_wait3A_2099 = tpu.memref_slice %arg5[%mul3A_2, %dma_wait3A_2098] : memref<819200x128xf32, #tpu.memory_space<hbm>> -> memref<320x128xf32, #tpu.memory_space<hbm>>
    %dma_wait3A_2100 = arith.constant 0 : i32
    %dma_wait3A_2101 = tpu.memref_slice %arg5[%mul3A_2, %dma_wait3A_2100] : memref<819200x128xf32, #tpu.memory_space<hbm>> -> memref<320x128xf32, #tpu.memory_space<hbm>>
    tpu.wait_dma2 semaphore(%arg20 : memref<!tpu.dma_semaphore, #tpu.memory_space<semaphore_mem>>) src(%arg14 : memref<320x128xf32, #tpu.memory_space<vmem>>) dst(%dma_wait3A_2101 : memref<320x128xf32, #tpu.memory_space<hbm>>)
    %dma_wait3A_2102 = arith.constant 0 : i32
    %dma_wait3A_2103 = arith.constant 0 : i32
    %dma_wait3A_2104 = arith.constant 0 : i32
    %dma_wait3A_2105 = tpu.memref_slice %arg13[%dma_wait3A_2103, %dma_wait3A_2104] : memref<320x128xf32, #tpu.memory_space<vmem>> -> memref<64x128xf32, #tpu.memory_space<vmem>>
    %dma_wait3A_2106 = arith.constant 0 : i32
    %dma_wait3A_2107 = tpu.memref_slice %arg10[%dma_wait3A_2102, %dma_wait3A_2106] : memref<5x64xi32, #tpu.memory_space<vmem>> -> memref<1x64xi32, #tpu.memory_space<vmem>>
    %dma_wait3A_2108 = tpu.memref_squeeze %dma_wait3A_2107 : memref<1x64xi32, #tpu.memory_space<vmem>> -> memref<64xi32, #tpu.memory_space<vmem>>
    %dma_wait3A_2109 = arith.constant 0 : i32
    %dma_wait3A_2110 = arith.constant 0 : i32
    %dma_wait3A_2111 = tpu.memref_slice %arg6[%dma_wait3A_2109, %dma_wait3A_2110] : memref<48x128xf32, #tpu.memory_space<vmem_shared>> -> memref<48x128xf32, #tpu.memory_space<vmem_shared>>
    tpu.wait_indirect_dma semaphore(%arg16 : memref<!tpu.dma_semaphore, #tpu.memory_space<semaphore_mem>>) src(%dma_wait3A_2111 : memref<48x128xf32, #tpu.memory_space<vmem_shared>>) dst(%dma_wait3A_2105 : memref<64x128xf32, #tpu.memory_space<vmem>>)
    %dma_wait3A_2112 = arith.constant 1 : i32
    %dma_wait3A_2113 = arith.constant 64 : i32
    %dma_wait3A_2114 = arith.constant 0 : i32
    %dma_wait3A_2115 = tpu.memref_slice %arg13[%dma_wait3A_2113, %dma_wait3A_2114] : memref<320x128xf32, #tpu.memory_space<vmem>> -> memref<64x128xf32, #tpu.memory_space<vmem>>
    %dma_wait3A_2116 = arith.constant 0 : i32
    %dma_wait3A_2117 = tpu.memref_slice %arg10[%dma_wait3A_2112, %dma_wait3A_2116] : memref<5x64xi32, #tpu.memory_space<vmem>> -> memref<1x64xi32, #tpu.memory_space<vmem>>
    %dma_wait3A_2118 = tpu.memref_squeeze %dma_wait3A_2117 : memref<1x64xi32, #tpu.memory_space<vmem>> -> memref<64xi32, #tpu.memory_space<vmem>>
    %dma_wait3A_2119 = arith.constant 0 : i32
    %dma_wait3A_2120 = arith.constant 0 : i32
    %dma_wait3A_2121 = tpu.memref_slice %arg6[%dma_wait3A_2119, %dma_wait3A_2120] : memref<48x128xf32, #tpu.memory_space<vmem_shared>> -> memref<48x128xf32, #tpu.memory_space<vmem_shared>>
    tpu.wait_indirect_dma semaphore(%arg16 : memref<!tpu.dma_semaphore, #tpu.memory_space<semaphore_mem>>) src(%dma_wait3A_2121 : memref<48x128xf32, #tpu.memory_space<vmem_shared>>) dst(%dma_wait3A_2115 : memref<64x128xf32, #tpu.memory_space<vmem>>)
    %dma_wait3A_2122 = arith.constant 2 : i32
    %dma_wait3A_2123 = arith.constant 128 : i32
    %dma_wait3A_2124 = arith.constant 0 : i32
    %dma_wait3A_2125 = tpu.memref_slice %arg13[%dma_wait3A_2123, %dma_wait3A_2124] : memref<320x128xf32, #tpu.memory_space<vmem>> -> memref<64x128xf32, #tpu.memory_space<vmem>>
    %dma_wait3A_2126 = arith.constant 0 : i32
    %dma_wait3A_2127 = tpu.memref_slice %arg10[%dma_wait3A_2122, %dma_wait3A_2126] : memref<5x64xi32, #tpu.memory_space<vmem>> -> memref<1x64xi32, #tpu.memory_space<vmem>>
    %dma_wait3A_2128 = tpu.memref_squeeze %dma_wait3A_2127 : memref<1x64xi32, #tpu.memory_space<vmem>> -> memref<64xi32, #tpu.memory_space<vmem>>
    %dma_wait3A_2129 = arith.constant 0 : i32
    %dma_wait3A_2130 = arith.constant 0 : i32
    %dma_wait3A_2131 = tpu.memref_slice %arg6[%dma_wait3A_2129, %dma_wait3A_2130] : memref<48x128xf32, #tpu.memory_space<vmem_shared>> -> memref<48x128xf32, #tpu.memory_space<vmem_shared>>
    tpu.wait_indirect_dma semaphore(%arg16 : memref<!tpu.dma_semaphore, #tpu.memory_space<semaphore_mem>>) src(%dma_wait3A_2131 : memref<48x128xf32, #tpu.memory_space<vmem_shared>>) dst(%dma_wait3A_2125 : memref<64x128xf32, #tpu.memory_space<vmem>>)
    %dma_wait3A_2132 = arith.constant 3 : i32
    %dma_wait3A_2133 = arith.constant 192 : i32
    %dma_wait3A_2134 = arith.constant 0 : i32
    %dma_wait3A_2135 = tpu.memref_slice %arg13[%dma_wait3A_2133, %dma_wait3A_2134] : memref<320x128xf32, #tpu.memory_space<vmem>> -> memref<64x128xf32, #tpu.memory_space<vmem>>
    %dma_wait3A_2136 = arith.constant 0 : i32
    %dma_wait3A_2137 = tpu.memref_slice %arg10[%dma_wait3A_2132, %dma_wait3A_2136] : memref<5x64xi32, #tpu.memory_space<vmem>> -> memref<1x64xi32, #tpu.memory_space<vmem>>
    %dma_wait3A_2138 = tpu.memref_squeeze %dma_wait3A_2137 : memref<1x64xi32, #tpu.memory_space<vmem>> -> memref<64xi32, #tpu.memory_space<vmem>>
    %dma_wait3A_2139 = arith.constant 0 : i32
    %dma_wait3A_2140 = arith.constant 0 : i32
    %dma_wait3A_2141 = tpu.memref_slice %arg6[%dma_wait3A_2139, %dma_wait3A_2140] : memref<48x128xf32, #tpu.memory_space<vmem_shared>> -> memref<48x128xf32, #tpu.memory_space<vmem_shared>>
    tpu.wait_indirect_dma semaphore(%arg16 : memref<!tpu.dma_semaphore, #tpu.memory_space<semaphore_mem>>) src(%dma_wait3A_2141 : memref<48x128xf32, #tpu.memory_space<vmem_shared>>) dst(%dma_wait3A_2135 : memref<64x128xf32, #tpu.memory_space<vmem>>)
    %dma_wait3A_2142 = arith.constant 4 : i32
    %dma_wait3A_2143 = arith.constant 256 : i32
    %dma_wait3A_2144 = arith.constant 0 : i32
    %dma_wait3A_2145 = tpu.memref_slice %arg13[%dma_wait3A_2143, %dma_wait3A_2144] : memref<320x128xf32, #tpu.memory_space<vmem>> -> memref<64x128xf32, #tpu.memory_space<vmem>>
    %dma_wait3A_2146 = arith.constant 0 : i32
    %dma_wait3A_2147 = tpu.memref_slice %arg10[%dma_wait3A_2142, %dma_wait3A_2146] : memref<5x64xi32, #tpu.memory_space<vmem>> -> memref<1x64xi32, #tpu.memory_space<vmem>>
    %dma_wait3A_2148 = tpu.memref_squeeze %dma_wait3A_2147 : memref<1x64xi32, #tpu.memory_space<vmem>> -> memref<64xi32, #tpu.memory_space<vmem>>
    %dma_wait3A_2149 = arith.constant 0 : i32
    %dma_wait3A_2150 = arith.constant 0 : i32
    %dma_wait3A_2151 = tpu.memref_slice %arg6[%dma_wait3A_2149, %dma_wait3A_2150] : memref<48x128xf32, #tpu.memory_space<vmem_shared>> -> memref<48x128xf32, #tpu.memory_space<vmem_shared>>
    tpu.wait_indirect_dma semaphore(%arg16 : memref<!tpu.dma_semaphore, #tpu.memory_space<semaphore_mem>>) src(%dma_wait3A_2151 : memref<48x128xf32, #tpu.memory_space<vmem_shared>>) dst(%dma_wait3A_2145 : memref<64x128xf32, #tpu.memory_space<vmem>>)
    %add3A_2152 = arith.constant 25280 : i32
    %add3A_2153 = arith.addi %mul3A_2, %add3A_2152 : i32
    %dma_start3A_2154 = arith.constant 0 : i32
    %dma_start3A_2155 = tpu.memref_slice %arg5[%add3A_2153, %dma_start3A_2154] : memref<819200x128xf32, #tpu.memory_space<hbm>> -> memref<320x128xf32, #tpu.memory_space<hbm>>
    %dma_start3A_2156 = arith.constant 0 : i32
    %dma_start3A_2157 = tpu.memref_slice %arg5[%add3A_2153, %dma_start3A_2156] : memref<819200x128xf32, #tpu.memory_space<hbm>> -> memref<320x128xf32, #tpu.memory_space<hbm>>
    tpu.enqueue_dma source(%arg13 : memref<320x128xf32, #tpu.memory_space<vmem>>) target(%dma_start3A_2157 : memref<320x128xf32, #tpu.memory_space<hbm>>) target_semaphore(%arg19 : memref<!tpu.dma_semaphore, #tpu.memory_space<semaphore_mem>>)
    %dma_wait3A_2158 = arith.constant 0 : i32
    %dma_wait3A_2159 = tpu.memref_slice %arg5[%mul3A_2, %dma_wait3A_2158] : memref<819200x128xf32, #tpu.memory_space<hbm>> -> memref<320x128xf32, #tpu.memory_space<hbm>>
    %dma_wait3A_2160 = arith.constant 0 : i32
    %dma_wait3A_2161 = tpu.memref_slice %arg5[%mul3A_2, %dma_wait3A_2160] : memref<819200x128xf32, #tpu.memory_space<hbm>> -> memref<320x128xf32, #tpu.memory_space<hbm>>
    tpu.wait_dma2 semaphore(%arg19 : memref<!tpu.dma_semaphore, #tpu.memory_space<semaphore_mem>>) src(%arg13 : memref<320x128xf32, #tpu.memory_space<vmem>>) dst(%dma_wait3A_2161 : memref<320x128xf32, #tpu.memory_space<hbm>>)
    %dma_wait3A_2162 = arith.constant 0 : i32
    %dma_wait3A_2163 = tpu.memref_slice %arg5[%mul3A_2, %dma_wait3A_2162] : memref<819200x128xf32, #tpu.memory_space<hbm>> -> memref<320x128xf32, #tpu.memory_space<hbm>>
    %dma_wait3A_2164 = arith.constant 0 : i32
    %dma_wait3A_2165 = tpu.memref_slice %arg5[%mul3A_2, %dma_wait3A_2164] : memref<819200x128xf32, #tpu.memory_space<hbm>> -> memref<320x128xf32, #tpu.memory_space<hbm>>
    tpu.wait_dma2 semaphore(%arg18 : memref<!tpu.dma_semaphore, #tpu.memory_space<semaphore_mem>>) src(%arg12 : memref<320x128xf32, #tpu.memory_space<vmem>>) dst(%dma_wait3A_2165 : memref<320x128xf32, #tpu.memory_space<hbm>>)
    return
  }
}

module attributes {stable_mosaic.version = 14 : i64} {
  func.func @body(%arg0: memref<16x127xf32, #tpu.memory_space<vmem>>, %arg1: memref<48x128xf32, #tpu.memory_space<vmem>>) attributes {dimension_semantics = [], scalar_prefetch = 0 : i64, scratch_operands = 0 : i64, tpu.core_type = #tpu.core_type<tc>} {
    %get3A = arith.constant 0 : index
    %get3A_0 = arith.constant 0 : index
    %get3A_1 = vector.load %arg0[%get3A, %get3A_0] : memref<16x127xf32, #tpu.memory_space<vmem>>, vector<16x127xf32>
    %broadcast_in_dim3A = vector.shape_cast %get3A_1 : vector<16x127xf32> to vector<1x16x127xf32>
    %broadcast_in_dim3A_2 = vector.shape_cast %broadcast_in_dim3A : vector<1x16x127xf32> to vector<1x16x127xf32>
    %broadcast_in_dim3A_3 = vector.broadcast %broadcast_in_dim3A_2 : vector<1x16x127xf32> to vector<3x16x127xf32>
    %iota3A = tpu.iota {dimensions = array<i32: 0>} : vector<3x16x1xi32>
    %convert_element_type3A = arith.sitofp %iota3A : vector<3x16x1xi32> to vector<3x16x1xf32>
    %concatenate3A = tpu.concatenate %broadcast_in_dim3A_3, %convert_element_type3A in 2 : vector<3x16x127xf32>, vector<3x16x1xf32> -> vector<3x16x128xf32>
    %reshape3A = vector.shape_cast %concatenate3A : vector<3x16x128xf32> to vector<48x128xf32>
    %swap3A = arith.constant 0 : index
    %swap3A_4 = arith.constant 0 : index
    %swap3A_5 = vector.load %arg1[%swap3A, %swap3A_4] : memref<48x128xf32, #tpu.memory_space<vmem>>, vector<48x128xf32>
    tpu.vector_store %arg1[%swap3A, %swap3A_4], %reshape3A {strides = array<i32>} : memref<48x128xf32, #tpu.memory_space<vmem>>, vector<48x128xf32>,
    return
  }
}

</mosaic_0001>

<sc_bundles>
// kernel: kernel.4.cloned.1.call-start
scs
__scs_entry_jumppad:
0x0: {  	(pc) =	sbr.rel $0x88, $3  }
0x1: {  	(tag) =	ssettag $0x0;
	lr =	simm.s32 $0x1  }
0x2: {  	[smem:$0x3F9E] =	sst lr;
	_ =	strace $0xD0000000  }
0x3: {  	_ = 	snop  }
0x4: {  	_ = 	snop  }
0x5: {  	_ = 	snop  }
0x6: {  	_ = 	snop  }
0x7: {  	_ = 	snop  }
__scs_overlays_trampoline_lowered:
0x8: {  	[smem:$0x3FAD] =	sst s0  }
0x9: {  	[smem:$0x3FAE] =	sst s1  }
0xa: {  	[smem:$0x3FAF] =	sst s2  }
0xb: {  	[smem:$0x3FB0] =	sst s3  }
0xc: {  	[smem:$0x3FB1] =	sst s4  }
0xd: {  	[smem:$0x3FB2] =	sst s5  }
0xe: {  	[smem:$0x3FB3] =	sst s6  }
0xf: {  	[smem:$0x3FB4] =	sst s7  }
0x10: {  	[smem:$0x3FB5] =	sst s8  }
0x11: {  	[smem:$0x3FB6] =	sst s9;
	s0 =	simm.s32 @!p0 $0x0  }
0x12: {  	s1 =	sld [smem:$0x3F9C];
	s0 =	simm.s32 @p0 $0x1  }
0x13: {  	[smem:$0x3FB7] =	sst s0;
	s0 =	simm.s32 @!p1 $0x0  }
0x14: {  	s2 =	sld [smem:$0x3F9B];
	s0 =	simm.s32 @p1 $0x1  }
0x15: {  	[smem:$0x3FB8] =	sst s0;
	s0 =	simm.s32 @!p2 $0x0  }
0x16: {  	s3 =	sld [smem:$0x3FDB];
	s0 =	simm.s32 @p2 $0x1  }
0x17: {  	s4 =	simm.s32 $0x1BF5;
	[smem:$0x3FBA] =	sst s0  }
0x18: {  	s0 =	sld [smem:$0x3F9D];
	_ =	swait.ge [sflag:s4], $0x0  }
0x19: {  	s7 =	sld [smem:$0x3F9E]  }
0x1a: {  	s8 =	sadd.s32 $0xFFFFE003, lr  }
0x1b: {  	s9 =	sadd.s32 $0xFFFFFEF7, lr;
	s5 =	simm.s32 $0xFFFFFFFF;
	p2 =	slt.u32 s8, $0xFFFFF086  }
0x1c: {  	p1 =	slt.u32 s9, $0xF7A;
	s5 =	simm.s32 @!p2 $0x0  }
0x1d: {  	s5 =	simm.s32 @p1 $0x1;
	p0 =	seq.s32 s7, s2  }
0x1e: {  	s7 =	smul.u32 @!p0 $0xF7A, s2;
	p2 =	seq.s32 @!p0 s5, $0x0  }
0x1f: {  	s9 =	smul.u32 $0xF7A, s1;
	s8 =	simm.s32 @!p0 $0x1BF5;
	p2 =	por !p2, p0  }
0x20: {  	[sflag:s8] =	ssyncset.s32 @!p0 $0xFFFFF086;
	s6 =	sadd.s32 @!p0 s3, s7;
	s7 =	simm.s32 @!p0 $0x108  }
0x21: {  	s3 =	sadd.s32 s3, s9;
	s6 =	sadd.s32 @!p0 $0x88, s6;
	s7 =	simm.s32 @p2 $0x1082  }
0x22: {  	[simem:s7], [sflag:s8] =	dma.local @!p0 [hbm:s6], $0xF7A  }
0x23: {  	s9 =	sor.u32 $0xD0000000, s2;
	s6 =	simm.s32 $0x108;
	_ =	swait.ge @!p0 [sflag:s8], $0x0  }
0x24: {  	s3 =	sadd.s32 $0x88, s3;
	s6 =	simm.s32 @!p1 $0x1082;
	[sflag:s4] =	ssyncset.s32 $0xFFFFF086  }
0x25: {  	[simem:s6], [sflag:s4] =	dma.local [hbm:s3], $0xF7A  }
0x26: {  	[smem:$0x3F9E] =	sst s1;
	(tag) =	ssettag s2;
	_ =	strace s9  }
0x27: {  	s1 =	sld [smem:$0x3FAE]  }
0x28: {  	s2 =	sld [smem:$0x3FAF]  }
0x29: {  	s4 =	sld [smem:$0x3FB1]  }
0x2a: {  	p0 =	seq.s32 s5, $0x0;
	s5 =	sld [smem:$0x3FB2]  }
0x2b: {  	s6 =	sld [smem:$0x3FB3]  }
0x2c: {  	s7 =	sld [smem:$0x3FB4]  }
0x2d: {  	s3 =	simm.s32 $0x108;
	s8 =	sld [smem:$0x3FB5]  }
0x2e: {  	s3 =	simm.s32 @!p0 $0x1082;
	s9 =	sld [smem:$0x3FB6]  }
0x2f: {  	lr =	sadd.s32 s0, s3;
	s0 =	sld [smem:$0x3FAD]  }
0x30: {  	s3 =	sld [smem:$0x3FB0]  }
0x31: {  	[smem:$0x3FB9] =	sst s10  }
0x32: {  	s10 =	sld [smem:$0x3FB7];
	_ =	sdelay $0x3  }
0x33: {  	p0 =	seq.s32 s10, $0x1;
	s10 =	sld [smem:$0x3FB9];
	_ =	sdelay $0x3  }
0x34: {  	[smem:$0x3FB9] =	sst s10  }
0x35: {  	s10 =	sld [smem:$0x3FB8];
	_ =	sdelay $0x3  }
0x36: {  	p1 =	seq.s32 s10, $0x1;
	s10 =	sld [smem:$0x3FB9];
	_ =	sdelay $0x3  }
0x37: {  	[smem:$0x3FB9] =	sst s10  }
0x38: {  	s10 =	sld [smem:$0x3FBA]  }
0x39: {  	_ = 	snop;
	(pc) =	sbr.ind lr, $3  }
0x3a: {  	_ = 	snop  }
0x3b: {  	_ = 	snop  }
0x3c: {  	p2 =	seq.s32 s10, $0x1;
	s10 =	sld [smem:$0x3FB9]  }
0x3d: {  	_ =	shalt  }
0x3e: {  	_ =	shalt  }
0x3f: {  	_ =	shalt  }
0x40: {  	_ =	shalt  }
0x41: {  	_ =	shalt  }
0x42: {  	_ =	shalt  }
0x43: {  	_ =	shalt  }
0x44: {  	_ =	shalt  }
0x45: {  	_ =	shalt  }
0x46: {  	_ =	shalt  }
0x47: {  	_ =	shalt  }
0x48: {  	_ =	shalt  }
0x49: {  	_ =	shalt  }
0x4a: {  	_ =	shalt  }
0x4b: {  	_ =	shalt  }
0x4c: {  	_ =	shalt  }
0x4d: {  	_ =	shalt  }
0x4e: {  	_ =	shalt  }
0x4f: {  	_ =	shalt  }
0x50: {  	_ =	shalt  }
0x51: {  	_ =	shalt  }
0x52: {  	_ =	shalt  }
0x53: {  	_ =	shalt  }
0x54: {  	_ =	shalt  }
0x55: {  	_ =	shalt  }
0x56: {  	_ =	shalt  }
0x57: {  	_ =	shalt  }
0x58: {  	_ =	shalt  }
0x59: {  	_ =	shalt  }
0x5a: {  	_ =	shalt  }
0x5b: {  	_ =	shalt  }
0x5c: {  	_ =	shalt  }
0x5d: {  	_ =	shalt  }
0x5e: {  	_ =	shalt  }
0x5f: {  	_ =	shalt  }
0x60: {  	_ =	shalt  }
0x61: {  	_ =	shalt  }
0x62: {  	_ =	shalt  }
0x63: {  	_ =	shalt  }
0x64: {  	_ =	shalt  }
0x65: {  	_ =	shalt  }
0x66: {  	_ =	shalt  }
0x67: {  	_ =	shalt  }
0x68: {  	_ =	shalt  }
0x69: {  	_ =	shalt  }
0x6a: {  	_ =	shalt  }
0x6b: {  	_ =	shalt  }
0x6c: {  	_ =	shalt  }
0x6d: {  	_ =	shalt  }
0x6e: {  	_ =	shalt  }
0x6f: {  	_ =	shalt  }
0x70: {  	_ =	shalt  }
0x71: {  	_ =	shalt  }
0x72: {  	_ =	shalt  }
0x73: {  	_ =	shalt  }
0x74: {  	_ =	shalt  }
0x75: {  	_ =	shalt  }
0x76: {  	_ =	shalt  }
0x77: {  	_ =	shalt  }
0x78: {  	_ =	shalt  }
0x79: {  	_ =	shalt  }
0x7a: {  	_ =	shalt  }
0x7b: {  	_ =	shalt  }
0x7c: {  	_ =	shalt  }
0x7d: {  	_ =	shalt  }
0x7e: {  	_ =	shalt  }
0x7f: {  	_ =	shalt  }
0x80: {  	_ =	shalt  }
0x81: {  	_ =	shalt  }
0x82: {  	_ =	shalt  }
0x83: {  	_ =	shalt  }
0x84: {  	_ =	shalt  }
0x85: {  	_ =	shalt  }
0x86: {  	_ =	shalt  }
0x87: {  	_ =	shalt  }
.Lfunc_end0:
.L_simem_size_0:
called_computation_lowered:
.L_overlay_start_0:
0x88: {  	s2 =	sld [smem:$0x3FD9]  }
0x89: {  	s3 =	sld [smem:$0x3FFE];
	_ =	sdelay $0x1  }
0x8a: {  	s1 =	srdreg.scid  }
0x8b: {  	s0 =	sand.u32 $0x1, s1  }
0x8c: {  	s17 =	sshll.u32 s0, $0xA;
	s2 =	sadd.s32 s3, s2  }
0x8d: {  	s2 =	sadd.s32 s2, s17  }
0x8e: {  	[smem:$0x3FC5] =	sst s2  }
0x8f: {  	_ = 	snop  }
0x90: {  	s2 =	sld [smem:$0x3FC9]  }
0x91: {  	s18 =	sld [smem:$0x3FC8]  }
0x92: {  	s4 =	sld [smem:$0x3FD0];
	(tm) =	ssettm $0x1  }
0x93: {  	s5 =	sld [smem:$0x3FFB];
	_ =	sdelay $0x3  }
0x94: {  	_ =	strace s5  }
0x95: {  	s5 =	sld [smem:$0x3FFC];
	_ =	sdelay $0x3  }
0x96: {  	_ =	strace s5  }
0x97: {  	s5 =	sld [smem:$0x3FFD];
	_ =	sdelay $0x3  }
0x98: {  	_ =	strace s5  }
0x99: {  	_ =	strace $0x8FFFFFFF  }
0x9a: {  	s19 =	sld [smem:$0x3FDB];
	_ =	sdelay $0x1  }
0x9b: {  	s6 =	simm.s32 $_scs_section_size  }
0x9c: {  	s7 =	simm.s32 $_size__tile_overlayer_lowered;
	s8 =	simm.s32 $_tile_overlayer_lowered  }
0x9d: {  	s22 =	simm.s32 $0x1BFF;
	s21 =	sshll.u32 s8, $0x1;
	s5 =	sadd.s32 s6, s19  }
0x9e: {  	s9 =	simm.s32 $0x0;
	s20 =	sshll.u32 s7, $0x1;
	s7 =	sadd.s32 s21, s5  }
0x9f: {  	[timem:s9], [sflag:s22] =	dma.local [hbm:s7], s20  }
0xa0: {  	_ =	swait.ge [sflag:s22], s20  }
0xa1: {  	s6 =	ssub.s32 $0x0, s20;
	[sflag:s22] =	ssyncset.done $0x0  }
0xa2: {  	[sflag:s22] =	ssyncadd.s32 s6;
	_ =	sdelay $0x1  }
0xa3: {  	s23 =	simm.s32 $0x1B8B  }
0xa4: {  	_ =	swait.ge [sflag:s23], $0x1  }
0xa5: {  	[sflag:s23] =	ssyncset.done $0x0  }
0xa6: {  	s25 =	simm.s32 $0x1B8E;
	s24 =	sld [smem:$0x3FFE];
	[sflag:s23] =	ssyncadd.s32 $0xFFFFFFFF  }
0xa7: {  	s26 =	simm.s32 $execute0_lowered;
	[smem:$0x3FD2] =	sst s25  }
0xa8: {  	s7 =	sshll.u32 s26, $0x1;
	_ =	strace $0x80000046;
	[dreg:$0x1] =	wrdreg $0xFFFFFFFF  }
0xa9: {  	s28 =	simm.s32 $_size_execute0_lowered;
	s5 =	sadd.s32 s5, s7;
	[dreg:$0x0] =	wrdreg $0x0  }
0xaa: {  	s7 =	sshll.u32 s28, $0x1;
	[dreg:$0x2] =	wrdreg s5  }
0xab: {  	[dreg:$0x3] =	wrdreg s7  }
0xac: {  	[dreg:$0x4] =	wrdreg $0xC0  }
0xad: {  	_ =	task [dreg:s9], $0x5FFFF  }
0xae: {  	[dreg:$0x1] =	wrdreg $0xFFFFFFFF  }
0xaf: {  	[dreg:$0x0] =	wrdreg $0x60  }
0xb0: {  	[dreg:$0x2] =	wrdreg s24  }
0xb1: {  	[dreg:$0x3] =	wrdreg s2  }
0xb2: {  	[dreg:$0x4] =	wrdreg s18  }
0xb3: {  	[dreg:$0x5] =	wrdreg s4  }
0xb4: {  	[dreg:$0x6] =	wrdreg $0x0  }
0xb5: {  	[dreg:$0x7] =	wrdreg $0x9  }
0xb6: {  	_ =	task.clear_ibuf [dreg:s9], $0x8FFFF;
	_ =	strace $0x90000046  }
0xb7: {  	s29 =	simm.s32 $0x9;
	_ =	strace $0x80000048  }
0xb8: {  	_ =	swait.ge [sflag:s29], $0x1  }
0xb9: {  	[sflag:s29] =	ssyncadd.s32 $0xFFFFFFFF  }
0xba: {  	_ =	strace $0x90000048  }
0xbb: {  	_ =	sfence  }
0xbc: {  	s30 =	sld [smem:$0x0];
	_ =	sdelay $0x2  }
0xbd: {  	s31 =	sshll.u32 s1, $0xD;
	s1 =	sshrl.u32 s1, $0x2  }
0xbe: {  	s3 =	sand.u32 $0x4000, s31;
	s1 =	sadd.s32 s1, s30  }
0xbf: {  	s0 =	sor.u32 s3, s0;
	s1 =	sshll.u32 s1, $0x11  }
0xc0: {  	s0 =	sor.u32 s1, s0  }
0xc1: {  	s0 =	sadd.s32 $0x8F2B, s0  }
0xc2: {  	[sflag:s0] =	ssyncadd.remote.s32 $0x1  }
0xc3: {  	_ =	sfence.sel $0xFFFF  }
0xc4: {  	[dreg:$0x0] =	wrdreg $0xFFFFFFFF;
	(pc) =	sbr.abs _section_cstart, $3  }
0xc5: {  	[dreg:$0x1] =	wrdreg $0xFFFFFFFF  }
0xc6: {  	_ =	task.clear_ibuf [dreg:s9], $0x2FFFF;
	_ =	strace $0x9FFFFFFF  }
0xc7: {  	(tm) =	ssettm $0x7FFFFFFF  }
tec
execute0_lowered:
.L_overlay_start_1:
0x0: {  	(tag) =	ssettag $0x1  }
0x1: {  	s5 =	rddreg [dreg:$0x0]  }
0x2: {  	s0 =	rddreg [dreg:$0x1]  }
0x3: {  	s4 =	rddreg [dreg:$0x2]  }
0x4: {  	s6 =	rddreg [dreg:$0x3]  }
0x5: {  	s1 =	rddreg [dreg:$0x4];
	s3 =	stileid.u32  }
0x6: {  	s2 =	srdreg.scid;
	s14 =	smul.u32 $0xC800, s3  }
0x7: {  	s28 =	simm.s32 $0x6;
	s7 =	sand.u32 $0x1, s2;
	s17 =	smul.u32 $0xC8000, s3  }
0x8: {  	s8 =	sshll.u32 s3, $0x1;
	s2 =	simm.s32 $0x0;
	s25 =	smul.u32 $0x6400, s7  }
0x9: {  	s9 =	ssub.s32 $0x2, s7;
	s8 =	sor.u32 s7, s8;
	s7 =	smul.u32 $0x64000, s7  }
0xa: {  	s5 =	sadd.s32 $0x800, s5;
	p0 =	sne.s32 s3, $0x0;
	s11 =	smul.u32 $0x6400, s8  }
0xb: {  	[smem:$0x7FF] =	sst s2;
	s10 =	sshrl.u32 s9, $0x1;
	s12 =	smul.u32 $0x64000, s8  }
0xc: {  	_ =	strace $0x80000047;
	[dreg:$0xc] =	wrdreg s5;
	s8 =	smul.u32 $0x320000, s8  }
0xd: {  	s5 =	ssub.s32 s9, s10;
	s26 =	sadd.s32 s25, s14;
	s21 =	sshrl.u32 s11, $0x3  }
0xe: {  	s22 =	sor.u32 $0x140, s11;
	s12 =	sadd.s32 s6, s12;
	s30 =	sadd.s32 $0x640, s26  }
0xf: {  	s31 =	sadd.s32 $0x6180, s11;
	s8 =	sshrl.u32 s8, $0x3;
	s11 =	sadd.s32 $0x62C0, s11  }
0x10: {  	s18 =	sadd.s32 $0x500, s26;
	s25 =	sor.u32 $0x3C0, s26;
	s13 =	sadd.s32 s0, s21  }
0x11: {  	s23 =	sshrl.u32 s22, $0x3;
	s15 =	sadd.s32 s4, s21;
	[dreg:$0x11] =	wrdreg s12  }
0x12: {  	s9 =	sor.u32 $0x50, s21;
	s10 =	sshll.u32 s22, $0x4;
	s8 =	sadd.s32 s6, s8  }
0x13: {  	s19 =	sshll.u32 s11, $0x4;
	s21 =	sshrl.u32 s31, $0x3;
	s26 =	sshrl.u32 s25, $0x3  }
0x14: {  	s25 =	simm.s32 $0x5;
	s12 =	simm.s32 $0x1D080;
	[dreg:$0xd] =	wrdreg s13  }
0x15: {  	[dreg:$0xe] =	wrdreg s15;
	s24 =	sadd.s32 s0, s23;
	s13 =	sadd.s32 s4, s23  }
0x16: {  	s29 =	sadd.s32 s0, s9;
	s10 =	sadd.s32 s6, s10;
	[dreg:$0xf] =	wrdreg s24  }
0x17: {  	s15 =	sshll.u32 s31, $0x4;
	s9 =	sadd.s32 s4, s9;
	[dreg:$0x10] =	wrdreg s13  }
0x18: {  	s22 =	sadd.s32 s0, s21;
	s8 =	sadd.s32 $0x60400, s8;
	[dreg:$0x12] =	wrdreg s29  }
0x19: {  	s23 =	sshrl.u32 s11, $0x3;
	s11 =	simm.s32 $0xE80;
	[dreg:$0x13] =	wrdreg s10  }
0x1a: {  	s10 =	sshrl.u32 s30, $0x3;
	s14 =	sadd.s32 s6, s15;
	[dreg:$0x16] =	wrdreg s9  }
0x1b: {  	s15 =	sshrl.u32 s18, $0x3;
	[dreg:$0x17] =	wrdreg s22;
	s9 =	sadd.s32 s4, s21  }
0x1c: {  	[dreg:$0x19] =	wrdreg s8;
	s29 =	sadd.s32 s0, s23;
	s8 =	sadd.s32 s4, s23  }
0x1d: {  	s30 =	smax.u32 s5, $0x1;
	s21 =	simm.s32 $0x180;
	[dreg:$0x14] =	wrdreg s14  }
0x1e: {  	s22 =	simm.s32 $0x7;
	s23 =	simm.s32 $0x300;
	[dreg:$0x18] =	wrdreg s9  }
0x1f: {  	s13 =	simm.s32 $0x11080;
	s18 =	simm.s32 $0x15080;
	[dreg:$0x1a] =	wrdreg s29  }
0x20: {  	s5 =	simm.s32 $0x17080;
	s16 =	sadd.s32 s10, s4;
	[dreg:$0x1b] =	wrdreg s8  }
0x21: {  	s10 =	sadd.s32 s10, s0;
	s20 =	sadd.s32 s15, s4;
	[dreg:$0x1c] =	wrdreg s30  }
0x22: {  	s24 =	sadd.s32 s15, s0;
	s4 =	sadd.s32 s26, s4;
	[dreg:$0x6] =	wrdreg s16  }
0x23: {  	s0 =	sadd.s32 s26, s0;
	s26 =	simm.s32 $0x1080;
	[dreg:$0x7] =	wrdreg s10  }
0x24: {  	s14 =	simm.s32 $0xA80;
	s15 =	simm.s32 $0x13080;
	[dreg:$0x8] =	wrdreg s20  }
0x25: {  	s8 =	simm.s32 $0x19080;
	s9 =	simm.s32 $0xE00;
	[dreg:$0x9] =	wrdreg s24  }
0x26: {  	s10 =	sadd.s32 s6, s19;
	s6 =	sadd.s32 s17, s6;
	[dreg:$0xa] =	wrdreg s4  }
0x27: {  	[dreg:$0xb] =	wrdreg s0;
	s24 =	simm.s32 $0x40;
	s16 =	simm.s32 $0x1  }
0x28: {  	s17 =	simm.s32 $0x2;
	s19 =	simm.s32 $0x4;
	s20 =	simm.s32 $0x3  }
0x29: {  	s0 =	simm.s32 $0x0;
	s4 =	simm.s32 $0xD00;
	s6 =	sadd.s32 s7, s6  }
0x2a: {  	[dreg:$0x15] =	wrdreg s10;
	s7 =	simm.s32 $0xB080;
	s31 =	sadd.s32 $0x5000, s6  }
0x2b: {  	s10 =	simm.s32 $0x1B080;
	s6 =	simm.s32 $0xD80;
	[dreg:$0x1d] =	wrdreg s31  }
.LBB2_1:
0x2c: {  	[dreg:$0x1e] =	wrdreg s0  }
0x2d: {  	s29 =	sshrl.u32 @!p0 s1, $0x3;
	s30 =	simm.s32 @!p0 $0x1C07;
	s31 =	rddreg [dreg:$0xc]  }
0x2e: {  	[spmem:s29], [sflag:s30] =	dma.local @!p0 [hbm:s31], $0x300  }
0x2f: {  	s29 =	simm.s32 @!p0 $0x7  }
0x30: {  	_ =	swait.ge @!p0 [sflag:s29], $0x300  }
0x31: {  	[sflag:s29] =	ssyncset.done @!p0 $0x0  }
0x32: {  	[sflag:s29] =	ssyncadd.s32 @!p0 $0xFFFFFD00  }
0x33: {  	[bflag:$0x0] =	sbarrier.arrive $0xFFFF  }
0x34: {  	s29 =	rddreg [dreg:$0xd]  }
0x35: {  	[tilespmem:s21], [sflag:$0x7] =	stream.linear.gather [hbm4b:s29+s2], $0x140, $0x38;
	[tilespmem:$0x1F080] =	vst v63  }
0x36: {  	_ =	swait.ge [sflag:s22], $0x140  }
0x37: {  	[sflag:s22] =	ssyncset.done $0x0  }
0x38: {  	s29 =	rddreg [dreg:$0xe];
	[sflag:s22] =	ssyncadd.s32 $0xFFFFFEC0  }
0x39: {  	[tilespmem:s23], [sflag:$0x7] =	stream.linear.gather [hbm4b:s29+s2], $0x140, $0x38;
	[tilespmem:$0x1F080] =	vst v63  }
0x3a: {  	_ =	swait.ge [sflag:s22], $0x140  }
0x3b: {  	[sflag:s22] =	ssyncset.done $0x0  }
0x3c: {  	[sflag:s22] =	ssyncadd.s32 $0xFFFFFEC0  }
0x3d: {  	v0 =	vld [tilespmem:$0x180]  }
0x3e: {  	v1 =	vld [tilespmem:$0x300]  }
0x3f: {  	v2 =	vld [tilespmem:$0x190]  }
0x40: {  	v3 =	vld [tilespmem:$0x310]  }
0x41: {  	v4 =	vld [tilespmem:$0x1A0]  }
0x42: {  	v5 =	vld [tilespmem:$0x320]  }
0x43: {  	v6 =	vld [tilespmem:$0x1B0]  }
0x44: {  	v7 =	vld [tilespmem:$0x330]  }
0x45: {  	v8 =	vld [tilespmem:$0x1C0]  }
0x46: {  	v9 =	vld [tilespmem:$0x340]  }
0x47: {  	v10 =	vld [tilespmem:$0x1D0]  }
0x48: {  	v11 =	vld [tilespmem:$0x350]  }
0x49: {  	v12 =	vld [tilespmem:$0x1E0]  }
0x4a: {  	v13 =	vld [tilespmem:$0x360]  }
0x4b: {  	v14 =	vld [tilespmem:$0x1F0]  }
0x4c: {  	v15 =	vld [tilespmem:$0x370]  }
0x4d: {  	v16 =	vld [tilespmem:$0x200]  }
0x4e: {  	v17 =	vld [tilespmem:$0x380]  }
0x4f: {  	v18 =	vld [tilespmem:$0x210]  }
0x50: {  	v19 =	vld [tilespmem:$0x390]  }
0x51: {  	v20 =	vld [tilespmem:$0x220]  }
0x52: {  	v21 =	vld [tilespmem:$0x3A0]  }
0x53: {  	v22 =	vld [tilespmem:$0x230]  }
0x54: {  	v23 =	vld [tilespmem:$0x3B0]  }
0x55: {  	v24 =	vld [tilespmem:$0x240];
	v1 =	vshll.u32 v1, $0x4  }
0x56: {  	v45 =	vld [tilespmem:$0x3C0];
	v44 =	vshll.u32 v3, $0x4;
	v0 =	vadd.s32 v0, v1  }
0x57: {  	v48 =	vld [tilespmem:$0x250];
	v47 =	vshll.u32 v5, $0x4;
	v46 =	vadd.s32 v2, v44;
	[tilespmem:$0x480] =	vst v0  }
0x58: {  	v51 =	vld [tilespmem:$0x3D0];
	v50 =	vshll.u32 v7, $0x4;
	v49 =	vadd.s32 v4, v47;
	[tilespmem:$0x490] =	vst v46  }
0x59: {  	v54 =	vld [tilespmem:$0x260];
	v53 =	vshll.u32 v9, $0x4;
	v52 =	vadd.s32 v6, v50;
	[tilespmem:$0x4A0] =	vst v49  }
0x5a: {  	v57 =	vld [tilespmem:$0x3E0];
	v56 =	vshll.u32 v11, $0x4;
	v55 =	vadd.s32 v8, v53;
	[tilespmem:$0x4B0] =	vst v52  }
0x5b: {  	v60 =	vld [tilespmem:$0x270];
	v59 =	vshll.u32 v13, $0x4;
	v58 =	vadd.s32 v10, v56;
	[tilespmem:$0x500] =	vst v55  }
0x5c: {  	v63 =	vld [tilespmem:$0x3F0];
	v62 =	vshll.u32 v15, $0x4;
	v61 =	vadd.s32 v12, v59;
	[tilespmem:$0x510] =	vst v58  }
0x5d: {  	v27 =	vld [tilespmem:$0x280];
	v26 =	vshll.u32 v17, $0x4;
	v25 =	vadd.s32 v14, v62;
	[tilespmem:$0x520] =	vst v61  }
0x5e: {  	v30 =	vld [tilespmem:$0x400];
	v29 =	vshll.u32 v19, $0x4;
	v28 =	vadd.s32 v16, v26;
	[tilespmem:$0x530] =	vst v25  }
0x5f: {  	v33 =	vld [tilespmem:$0x290];
	v32 =	vshll.u32 v21, $0x4;
	v31 =	vadd.s32 v18, v29;
	[tilespmem:$0x580] =	vst v28  }
0x60: {  	v36 =	vld [tilespmem:$0x410];
	v35 =	vshll.u32 v23, $0x4;
	v34 =	vadd.s32 v20, v32;
	[tilespmem:$0x590] =	vst v31  }
0x61: {  	v39 =	vld [tilespmem:$0x2A0];
	v38 =	vshll.u32 v45, $0x4;
	v37 =	vadd.s32 v22, v35;
	[tilespmem:$0x5A0] =	vst v34  }
0x62: {  	v42 =	vld [tilespmem:$0x420];
	v41 =	vshll.u32 v51, $0x4;
	v40 =	vadd.s32 v24, v38;
	[tilespmem:$0x5B0] =	vst v37  }
0x63: {  	v45 =	vld [tilespmem:$0x430];
	v43 =	vadd.s32 v48, v41;
	v44 =	vshll.u32 v57, $0x4;
	[tilespmem:$0x600] =	vst v40  }
0x64: {  	v47 =	vshll.u32 v63, $0x4;
	v48 =	vld [tilespmem:$0x2B0];
	[tilespmem:$0x610] =	vst v43;
	v46 =	vadd.s32 v54, v44  }
0x65: {  	v50 =	vshll.u32 v30, $0x4;
	v49 =	vadd.s32 v60, v47;
	[tilespmem:$0x620] =	vst v46  }
0x66: {  	v51 =	vadd.s32 v27, v50;
	v52 =	vshll.u32 v36, $0x4;
	[tilespmem:$0x630] =	vst v49  }
0x67: {  	v54 =	vshll.u32 v42, $0x4;
	[tilespmem:$0x680] =	vst v51;
	v53 =	vadd.s32 v33, v52  }
0x68: {  	v55 =	vadd.s32 v39, v54;
	[tilespmem:$0x690] =	vst v53;
	v56 =	vshll.u32 v45, $0x4  }
0x69: {  	[tilespmem:$0x6A0] =	vst v55;
	v57 =	vadd.s32 v48, v56  }
0x6a: {  	s29 =	simm.s32 $0x480;
	[tilespmem:$0x6B0] =	vst v57  }
0x6b: {  	[tilespmem:s26], [sflag:$0x1] =	stream.indirect.gather [spmem:s1], $0x80, s29, s24, $0xb8;
	[tilespmem:$0x1F080] =	vst v63  }
0x6c: {  	s30 =	simm.s32 $0x3080;
	s29 =	simm.s32 $0x500  }
0x6d: {  	[tilespmem:s30], [sflag:$0x1] =	stream.indirect.gather [spmem:s1], $0x80, s29, s24, $0xb8;
	[tilespmem:$0x1F080] =	vst v63  }
0x6e: {  	s3 =	simm.s32 $0x580;
	s29 =	simm.s32 $0x5080  }
0x6f: {  	[tilespmem:s29], [sflag:$0x1] =	stream.indirect.gather [spmem:s1], $0x80, s3, s24, $0xb8;
	[tilespmem:$0x1F080] =	vst v63  }
0x70: {  	s31 =	simm.s32 $0x600;
	s3 =	simm.s32 $0x7080  }
0x71: {  	[tilespmem:s3], [sflag:$0x1] =	stream.indirect.gather [spmem:s1], $0x80, s31, s24, $0xb8;
	[tilespmem:$0x1F080] =	vst v63  }
0x72: {  	s3 =	simm.s32 $0x680;
	s31 =	simm.s32 $0x9080  }
0x73: {  	[tilespmem:s31], [sflag:$0x1] =	stream.indirect.gather [spmem:s1], $0x80, s3, s24, $0xb8;
	[tilespmem:$0x1F080] =	vst v63  }
0x74: {  	s29 =	rddreg [dreg:$0xf]  }
0x75: {  	[tilespmem:s21], [sflag:$0x7] =	stream.linear.gather [hbm4b:s29+s2], $0x140, $0x38;
	[tilespmem:$0x1F080] =	vst v63  }
0x76: {  	_ =	swait.ge [sflag:s22], $0x140  }
0x77: {  	[sflag:s22] =	ssyncset.done $0x0  }
0x78: {  	s29 =	rddreg [dreg:$0x10];
	[sflag:s22] =	ssyncadd.s32 $0xFFFFFEC0  }
0x79: {  	[tilespmem:s23], [sflag:$0x7] =	stream.linear.gather [hbm4b:s29+s2], $0x140, $0x38;
	[tilespmem:$0x1F080] =	vst v63  }
0x7a: {  	_ =	swait.ge [sflag:s22], $0x140  }
0x7b: {  	[sflag:s22] =	ssyncset.done $0x0  }
0x7c: {  	[sflag:s22] =	ssyncadd.s32 $0xFFFFFEC0  }
0x7d: {  	v58 =	vld [tilespmem:$0x180]  }
0x7e: {  	v59 =	vld [tilespmem:$0x300]  }
0x7f: {  	v60 =	vld [tilespmem:$0x190]  }
0x80: {  	v61 =	vld [tilespmem:$0x310]  }
0x81: {  	v62 =	vld [tilespmem:$0x1A0]  }
0x82: {  	v63 =	vld [tilespmem:$0x320]  }
0x83: {  	v28 =	vld [tilespmem:$0x1B0]  }
0x84: {  	v29 =	vld [tilespmem:$0x330]  }
0x85: {  	v30 =	vld [tilespmem:$0x1C0]  }
0x86: {  	v31 =	vld [tilespmem:$0x340]  }
0x87: {  	v32 =	vld [tilespmem:$0x1D0]  }
0x88: {  	v33 =	vld [tilespmem:$0x350]  }
0x89: {  	v34 =	vld [tilespmem:$0x1E0]  }
0x8a: {  	v35 =	vld [tilespmem:$0x360]  }
0x8b: {  	v36 =	vld [tilespmem:$0x1F0]  }
0x8c: {  	v37 =	vld [tilespmem:$0x370]  }
0x8d: {  	v38 =	vld [tilespmem:$0x200]  }
0x8e: {  	v39 =	vld [tilespmem:$0x380]  }
0x8f: {  	v40 =	vld [tilespmem:$0x210]  }
0x90: {  	v41 =	vld [tilespmem:$0x390]  }
0x91: {  	v42 =	vld [tilespmem:$0x220]  }
0x92: {  	v43 =	vld [tilespmem:$0x3A0]  }
0x93: {  	v44 =	vld [tilespmem:$0x230]  }
0x94: {  	v45 =	vld [tilespmem:$0x3B0]  }
0x95: {  	v46 =	vld [tilespmem:$0x240];
	v1 =	vshll.u32 v59, $0x4  }
0x96: {  	v48 =	vld [tilespmem:$0x3C0];
	v47 =	vshll.u32 v61, $0x4;
	v0 =	vadd.s32 v58, v1  }
0x97: {  	v51 =	vld [tilespmem:$0x250];
	v50 =	vshll.u32 v63, $0x4;
	v49 =	vadd.s32 v60, v47;
	[tilespmem:$0x880] =	vst v0  }
0x98: {  	v54 =	vld [tilespmem:$0x3D0];
	v53 =	vshll.u32 v29, $0x4;
	v52 =	vadd.s32 v62, v50;
	[tilespmem:$0x890] =	vst v49  }
0x99: {  	v57 =	vld [tilespmem:$0x260];
	v56 =	vshll.u32 v31, $0x4;
	v55 =	vadd.s32 v28, v53;
	[tilespmem:$0x8A0] =	vst v52  }
0x9a: {  	v27 =	vld [tilespmem:$0x3F0];
	v59 =	vshll.u32 v33, $0x4;
	v58 =	vadd.s32 v30, v56;
	[tilespmem:$0x8B0] =	vst v55  }
0x9b: {  	v63 =	vld [tilespmem:$0x270];
	v26 =	vshll.u32 v37, $0x4;
	v61 =	vadd.s32 v32, v59;
	[tilespmem:$0x900] =	vst v58  }
0x9c: {  	v29 =	vshll.u32 v39, $0x4;
	v33 =	vld [tilespmem:$0x400];
	v28 =	vadd.s32 v36, v26;
	[tilespmem:$0x910] =	vst v61  }
0x9d: {  	v39 =	vld [tilespmem:$0x410];
	v62 =	vshll.u32 v35, $0x4;
	v31 =	vadd.s32 v38, v29;
	[tilespmem:$0x930] =	vst v28  }
0x9e: {  	v60 =	vld [tilespmem:$0x3E0];
	v32 =	vshll.u32 v41, $0x4;
	v25 =	vadd.s32 v34, v62;
	[tilespmem:$0x980] =	vst v31  }
0x9f: {  	v30 =	vld [tilespmem:$0x280];
	v35 =	vshll.u32 v43, $0x4;
	v34 =	vadd.s32 v40, v32;
	[tilespmem:$0x920] =	vst v25  }
0xa0: {  	v36 =	vld [tilespmem:$0x290];
	v38 =	vshll.u32 v45, $0x4;
	v37 =	vadd.s32 v42, v35;
	[tilespmem:$0x990] =	vst v34  }
0xa1: {  	v41 =	vshll.u32 v48, $0x4;
	v45 =	vld [tilespmem:$0x420];
	v40 =	vadd.s32 v44, v38;
	[tilespmem:$0x9A0] =	vst v37  }
0xa2: {  	v48 =	vld [tilespmem:$0x430];
	v43 =	vadd.s32 v46, v41;
	v44 =	vshll.u32 v54, $0x4;
	[tilespmem:$0x9B0] =	vst v40  }
0xa3: {  	v50 =	vshll.u32 v27, $0x4;
	v42 =	vld [tilespmem:$0x2A0];
	[tilespmem:$0xA00] =	vst v43;
	v46 =	vadd.s32 v51, v44  }
0xa4: {  	v51 =	vld [tilespmem:$0x2B0];
	[tilespmem:$0xA10] =	vst v46;
	v52 =	vadd.s32 v63, v50;
	v53 =	vshll.u32 v33, $0x4  }
0xa5: {  	v55 =	vshll.u32 v39, $0x4;
	[tilespmem:$0xA30] =	vst v52;
	v54 =	vadd.s32 v30, v53  }
0xa6: {  	v47 =	vshll.u32 v60, $0x4;
	v56 =	vadd.s32 v36, v55;
	[tilespmem:$0xA80] =	vst v54  }
0xa7: {  	v49 =	vadd.s32 v57, v47;
	v57 =	vshll.u32 v45, $0x4;
	[tilespmem:$0xA90] =	vst v56  }
0xa8: {  	v59 =	vshll.u32 v48, $0x4;
	[tilespmem:$0xA20] =	vst v49;
	v58 =	vadd.s32 v42, v57  }
0xa9: {  	v60 =	vadd.s32 v51, v59;
	[tilespmem:$0xAA0] =	vst v58  }
0xaa: {  	s31 =	simm.s32 $0x880;
	[tilespmem:$0xAB0] =	vst v60  }
0xab: {  	[tilespmem:s7], [sflag:$0x2] =	stream.indirect.gather [spmem:s1], $0x80, s31, s24, $0xb8;
	[tilespmem:$0x1F080] =	vst v63  }
0xac: {  	s3 =	simm.s32 $0x900;
	s31 =	simm.s32 $0xD080  }
0xad: {  	[tilespmem:s31], [sflag:$0x2] =	stream.indirect.gather [spmem:s1], $0x80, s3, s24, $0xb8;
	[tilespmem:$0x1F080] =	vst v63  }
0xae: {  	s3 =	simm.s32 $0x980;
	s31 =	simm.s32 $0xF080  }
0xaf: {  	[tilespmem:s31], [sflag:$0x2] =	stream.indirect.gather [spmem:s1], $0x80, s3, s24, $0xb8;
	[tilespmem:$0x1F080] =	vst v63  }
0xb0: {  	s31 =	simm.s32 $0xA00  }
0xb1: {  	[tilespmem:s13], [sflag:$0x2] =	stream.indirect.gather [spmem:s1], $0x80, s31, s24, $0xb8;
	[tilespmem:$0x1F080] =	vst v63  }
0xb2: {  	_ = 	snop  }
0xb3: {  	[tilespmem:s15], [sflag:$0x2] =	stream.indirect.gather [spmem:s1], $0x80, s14, s24, $0xb8;
	[tilespmem:$0x1F080] =	vst v63  }
0xb4: {  	_ =	swait.ge [sflag:s16], $0x2000  }
0xb5: {  	[sflag:s16] =	ssyncset.done $0x0  }
0xb6: {  	[sflag:s16] =	ssyncadd.s32 $0xFFFFE000  }
0xb7: {  	_ =	swait.ge [sflag:s16], $0x2000  }
0xb8: {  	[sflag:s16] =	ssyncset.done $0x0  }
0xb9: {  	[sflag:s16] =	ssyncadd.s32 $0xFFFFE000  }
0xba: {  	_ =	swait.ge [sflag:s16], $0x2000  }
0xbb: {  	[sflag:s16] =	ssyncset.done $0x0  }
0xbc: {  	[sflag:s16] =	ssyncadd.s32 $0xFFFFE000  }
0xbd: {  	_ =	swait.ge [sflag:s16], $0x2000  }
0xbe: {  	[sflag:s16] =	ssyncset.done $0x0  }
0xbf: {  	[sflag:s16] =	ssyncadd.s32 $0xFFFFE000  }
0xc0: {  	_ =	swait.ge [sflag:s16], $0x2000  }
0xc1: {  	[sflag:s16] =	ssyncset.done $0x0  }
0xc2: {  	s29 =	rddreg [dreg:$0x11];
	[sflag:s16] =	ssyncadd.s32 $0xFFFFE000  }
0xc3: {  	[hbm4b:s29+s2] =	stream.linear.scatter [tilespmem:s26], [sflag:$0x4], $0xA000, $0x38;
	[tilespmem:$0x1F080] =	vst v63  }
0xc4: {  	s29 =	rddreg [dreg:$0x12]  }
0xc5: {  	[tilespmem:s21], [sflag:$0x7] =	stream.linear.gather [hbm4b:s29+s2], $0x140, $0x38;
	[tilespmem:$0x1F080] =	vst v63  }
0xc6: {  	_ =	swait.ge [sflag:s22], $0x140  }
0xc7: {  	[sflag:s22] =	ssyncset.done $0x0  }
0xc8: {  	s29 =	rddreg [dreg:$0x16];
	[sflag:s22] =	ssyncadd.s32 $0xFFFFFEC0  }
0xc9: {  	[tilespmem:s23], [sflag:$0x7] =	stream.linear.gather [hbm4b:s29+s2], $0x140, $0x38;
	[tilespmem:$0x1F080] =	vst v63  }
0xca: {  	_ =	swait.ge [sflag:s22], $0x140  }
0xcb: {  	[sflag:s22] =	ssyncset.done $0x0  }
0xcc: {  	[sflag:s22] =	ssyncadd.s32 $0xFFFFFEC0  }
0xcd: {  	v61 =	vld [tilespmem:$0x180]  }
0xce: {  	v62 =	vld [tilespmem:$0x300]  }
0xcf: {  	v63 =	vld [tilespmem:$0x190]  }
0xd0: {  	v28 =	vld [tilespmem:$0x310]  }
0xd1: {  	v29 =	vld [tilespmem:$0x1A0]  }
0xd2: {  	v30 =	vld [tilespmem:$0x320]  }
0xd3: {  	v31 =	vld [tilespmem:$0x1B0]  }
0xd4: {  	v32 =	vld [tilespmem:$0x330]  }
0xd5: {  	v33 =	vld [tilespmem:$0x1C0]  }
0xd6: {  	v34 =	vld [tilespmem:$0x340]  }
0xd7: {  	v35 =	vld [tilespmem:$0x1D0]  }
0xd8: {  	v36 =	vld [tilespmem:$0x350]  }
0xd9: {  	v37 =	vld [tilespmem:$0x1E0]  }
0xda: {  	v38 =	vld [tilespmem:$0x360]  }
0xdb: {  	v39 =	vld [tilespmem:$0x1F0]  }
0xdc: {  	v40 =	vld [tilespmem:$0x370]  }
0xdd: {  	v41 =	vld [tilespmem:$0x200]  }
0xde: {  	v42 =	vld [tilespmem:$0x380]  }
0xdf: {  	v43 =	vld [tilespmem:$0x210]  }
0xe0: {  	v44 =	vld [tilespmem:$0x390]  }
0xe1: {  	v45 =	vld [tilespmem:$0x220]  }
0xe2: {  	v46 =	vld [tilespmem:$0x3A0]  }
0xe3: {  	v47 =	vld [tilespmem:$0x230]  }
0xe4: {  	v48 =	vld [tilespmem:$0x3B0]  }
0xe5: {  	v49 =	vld [tilespmem:$0x240];
	v1 =	vshll.u32 v62, $0x4  }
0xe6: {  	v51 =	vld [tilespmem:$0x3C0];
	v50 =	vshll.u32 v28, $0x4;
	v0 =	vadd.s32 v61, v1  }
0xe7: {  	v54 =	vld [tilespmem:$0x250];
	v53 =	vshll.u32 v30, $0x4;
	v52 =	vadd.s32 v63, v50;
	[tilespmem:$0xC80] =	vst v0  }
0xe8: {  	v57 =	vld [tilespmem:$0x3D0];
	v56 =	vshll.u32 v32, $0x4;
	v55 =	vadd.s32 v29, v53;
	[tilespmem:$0xC90] =	vst v52  }
0xe9: {  	v60 =	vld [tilespmem:$0x260];
	v59 =	vshll.u32 v34, $0x4;
	v58 =	vadd.s32 v31, v56;
	[tilespmem:$0xCA0] =	vst v55  }
0xea: {  	v27 =	vld [tilespmem:$0x270];
	v62 =	vshll.u32 v36, $0x4;
	v61 =	vadd.s32 v33, v59;
	[tilespmem:$0xCB0] =	vst v58  }
0xeb: {  	v26 =	vshll.u32 v38, $0x4;
	v30 =	vld [tilespmem:$0x3F0];
	v25 =	vadd.s32 v35, v62;
	[tilespmem:$0xD00] =	vst v61  }
0xec: {  	v32 =	vshll.u32 v42, $0x4;
	v36 =	vld [tilespmem:$0x400];
	v28 =	vadd.s32 v37, v26;
	[tilespmem:$0xD10] =	vst v25  }
0xed: {  	v38 =	vshll.u32 v46, $0x4;
	v42 =	vld [tilespmem:$0x410];
	v34 =	vadd.s32 v41, v32;
	[tilespmem:$0xD20] =	vst v28  }
0xee: {  	v63 =	vld [tilespmem:$0x3E0];
	v29 =	vshll.u32 v40, $0x4;
	v40 =	vadd.s32 v45, v38;
	[tilespmem:$0xD80] =	vst v34  }
0xef: {  	v33 =	vld [tilespmem:$0x280];
	v35 =	vshll.u32 v44, $0x4;
	v31 =	vadd.s32 v39, v29;
	[tilespmem:$0xDA0] =	vst v40  }
0xf0: {  	v41 =	vshll.u32 v48, $0x4;
	v45 =	vld [tilespmem:$0x2A0];
	v37 =	vadd.s32 v43, v35;
	[tilespmem:$0xD30] =	vst v31  }
0xf1: {  	v44 =	vshll.u32 v51, $0x4;
	v48 =	vld [tilespmem:$0x420];
	v43 =	vadd.s32 v47, v41;
	[tilespmem:$0xD90] =	vst v37  }
0xf2: {  	v39 =	vld [tilespmem:$0x290];
	v46 =	vadd.s32 v49, v44;
	v47 =	vshll.u32 v57, $0x4;
	[tilespmem:$0xDB0] =	vst v43  }
0xf3: {  	v51 =	vld [tilespmem:$0x430];
	[tilespmem:$0xE00] =	vst v46;
	v49 =	vadd.s32 v54, v47;
	v53 =	vshll.u32 v30, $0x4  }
0xf4: {  	v54 =	vld [tilespmem:$0x2B0];
	[tilespmem:$0xE10] =	vst v49;
	v56 =	vshll.u32 v36, $0x4;
	v55 =	vadd.s32 v27, v53  }
0xf5: {  	v50 =	vshll.u32 v63, $0x4;
	v57 =	vadd.s32 v33, v56;
	[tilespmem:$0xE30] =	vst v55  }
0xf6: {  	v58 =	vshll.u32 v42, $0x4;
	v52 =	vadd.s32 v60, v50;
	[tilespmem:$0xE80] =	vst v57  }
0xf7: {  	v59 =	vadd.s32 v39, v58;
	v60 =	vshll.u32 v48, $0x4;
	[tilespmem:$0xE20] =	vst v52  }
0xf8: {  	v62 =	vshll.u32 v51, $0x4;
	[tilespmem:$0xE90] =	vst v59;
	v61 =	vadd.s32 v45, v60  }
0xf9: {  	v63 =	vadd.s32 v54, v62;
	[tilespmem:$0xEA0] =	vst v61  }
0xfa: {  	s3 =	simm.s32 $0xC80;
	[tilespmem:$0xEB0] =	vst v63  }
0xfb: {  	[tilespmem:s18], [sflag:$0x3] =	stream.indirect.gather [spmem:s1], $0x80, s3, s24, $0xb8;
	[tilespmem:$0x1F080] =	vst v63  }
0xfc: {  	_ = 	snop  }
0xfd: {  	[tilespmem:s5], [sflag:$0x3] =	stream.indirect.gather [spmem:s1], $0x80, s4, s24, $0xb8;
	[tilespmem:$0x1F080] =	vst v63  }
0xfe: {  	_ = 	snop  }
0xff: {  	[tilespmem:s8], [sflag:$0x3] =	stream.indirect.gather [spmem:s1], $0x80, s6, s24, $0xb8;
	[tilespmem:$0x1F080] =	vst v63  }
0x100: {  	_ = 	snop  }
0x101: {  	[tilespmem:s10], [sflag:$0x3] =	stream.indirect.gather [spmem:s1], $0x80, s9, s24, $0xb8;
	[tilespmem:$0x1F080] =	vst v63  }
0x102: {  	_ = 	snop  }
0x103: {  	[tilespmem:s12], [sflag:$0x3] =	stream.indirect.gather [spmem:s1], $0x80, s11, s24, $0xb8;
	[tilespmem:$0x1F080] =	vst v63  }
0x104: {  	_ =	swait.ge [sflag:s17], $0x2000  }
0x105: {  	[sflag:s17] =	ssyncset.done $0x0  }
0x106: {  	[sflag:s17] =	ssyncadd.s32 $0xFFFFE000  }
0x107: {  	_ =	swait.ge [sflag:s17], $0x2000  }
0x108: {  	[sflag:s17] =	ssyncset.done $0x0  }
0x109: {  	[sflag:s17] =	ssyncadd.s32 $0xFFFFE000  }
0x10a: {  	_ =	swait.ge [sflag:s17], $0x2000  }
0x10b: {  	[sflag:s17] =	ssyncset.done $0x0  }
0x10c: {  	[sflag:s17] =	ssyncadd.s32 $0xFFFFE000  }
0x10d: {  	_ =	swait.ge [sflag:s17], $0x2000  }
0x10e: {  	[sflag:s17] =	ssyncset.done $0x0  }
0x10f: {  	[sflag:s17] =	ssyncadd.s32 $0xFFFFE000  }
0x110: {  	_ =	swait.ge [sflag:s17], $0x2000  }
0x111: {  	[sflag:s17] =	ssyncset.done $0x0  }
0x112: {  	s29 =	rddreg [dreg:$0x13];
	[sflag:s17] =	ssyncadd.s32 $0xFFFFE000  }
0x113: {  	[hbm4b:s29+s2] =	stream.linear.scatter [tilespmem:s7], [sflag:$0x5], $0xA000, $0x38;
	[tilespmem:$0x1F080] =	vst v63  }
0x114: {  	s30 =	simm.s32 $0x0;
	s29 =	rddreg [dreg:$0x1d]  }
.LBB2_2:
0x115: {  	_ =	swait.ge [sflag:s19], $0xA000  }
0x116: {  	s31 =	rddreg [dreg:$0xb];
	[sflag:s19] =	ssyncset.done $0x0  }
0x117: {  	[sflag:s19] =	ssyncadd.s32 $0xFFFF6000;
	s31 =	sadd.s32 s30, s31  }
0x118: {  	[tilespmem:s21], [sflag:$0x7] =	stream.linear.gather [hbm4b:s31+s2], $0x140, $0x38;
	[tilespmem:$0x1F080] =	vst v63  }
0x119: {  	_ =	swait.ge [sflag:s22], $0x140  }
0x11a: {  	s0 =	rddreg [dreg:$0xa];
	[sflag:s22] =	ssyncset.done $0x0  }
0x11b: {  	[sflag:s22] =	ssyncadd.s32 $0xFFFFFEC0;
	s31 =	sadd.s32 s30, s0  }
0x11c: {  	[tilespmem:s23], [sflag:$0x7] =	stream.linear.gather [hbm4b:s31+s2], $0x140, $0x38;
	[tilespmem:$0x1F080] =	vst v63  }
0x11d: {  	_ =	swait.ge [sflag:s22], $0x140  }
0x11e: {  	[sflag:s22] =	ssyncset.done $0x0  }
0x11f: {  	[sflag:s22] =	ssyncadd.s32 $0xFFFFFEC0  }
0x120: {  	v0 =	vld [tilespmem:$0x180]  }
0x121: {  	v1 =	vld [tilespmem:$0x300]  }
0x122: {  	v2 =	vld [tilespmem:$0x190]  }
0x123: {  	v3 =	vld [tilespmem:$0x310]  }
0x124: {  	v4 =	vld [tilespmem:$0x1A0]  }
0x125: {  	v5 =	vld [tilespmem:$0x320]  }
0x126: {  	v6 =	vld [tilespmem:$0x1B0]  }
0x127: {  	v7 =	vld [tilespmem:$0x330]  }
0x128: {  	v8 =	vld [tilespmem:$0x1C0]  }
0x129: {  	v9 =	vld [tilespmem:$0x340]  }
0x12a: {  	v10 =	vld [tilespmem:$0x1D0]  }
0x12b: {  	v11 =	vld [tilespmem:$0x350]  }
0x12c: {  	v12 =	vld [tilespmem:$0x1E0]  }
0x12d: {  	v13 =	vld [tilespmem:$0x360]  }
0x12e: {  	v14 =	vld [tilespmem:$0x1F0]  }
0x12f: {  	v15 =	vld [tilespmem:$0x370]  }
0x130: {  	v16 =	vld [tilespmem:$0x200]  }
0x131: {  	v17 =	vld [tilespmem:$0x380]  }
0x132: {  	v18 =	vld [tilespmem:$0x210]  }
0x133: {  	v19 =	vld [tilespmem:$0x390]  }
0x134: {  	v20 =	vld [tilespmem:$0x220]  }
0x135: {  	v21 =	vld [tilespmem:$0x3A0]  }
0x136: {  	v22 =	vld [tilespmem:$0x230]  }
0x137: {  	v23 =	vld [tilespmem:$0x3B0]  }
0x138: {  	v24 =	vld [tilespmem:$0x240];
	v1 =	vshll.u32 v1, $0x4  }
0x139: {  	v45 =	vld [tilespmem:$0x3C0];
	v44 =	vshll.u32 v3, $0x4;
	v0 =	vadd.s32 v0, v1  }
0x13a: {  	v48 =	vld [tilespmem:$0x250];
	v47 =	vshll.u32 v5, $0x4;
	v46 =	vadd.s32 v2, v44;
	[tilespmem:$0x480] =	vst v0  }
0x13b: {  	v51 =	vld [tilespmem:$0x3D0];
	v50 =	vshll.u32 v7, $0x4;
	v49 =	vadd.s32 v4, v47;
	[tilespmem:$0x490] =	vst v46  }
0x13c: {  	v54 =	vld [tilespmem:$0x260];
	v53 =	vshll.u32 v9, $0x4;
	v52 =	vadd.s32 v6, v50;
	[tilespmem:$0x4A0] =	vst v49  }
0x13d: {  	v57 =	vld [tilespmem:$0x3E0];
	v56 =	vshll.u32 v11, $0x4;
	v55 =	vadd.s32 v8, v53;
	[tilespmem:$0x4B0] =	vst v52  }
0x13e: {  	v60 =	vld [tilespmem:$0x270];
	v59 =	vshll.u32 v13, $0x4;
	v58 =	vadd.s32 v10, v56;
	[tilespmem:$0x500] =	vst v55  }
0x13f: {  	v63 =	vld [tilespmem:$0x3F0];
	v62 =	vshll.u32 v15, $0x4;
	v61 =	vadd.s32 v12, v59;
	[tilespmem:$0x510] =	vst v58  }
0x140: {  	v27 =	vld [tilespmem:$0x280];
	v26 =	vshll.u32 v17, $0x4;
	v25 =	vadd.s32 v14, v62;
	[tilespmem:$0x520] =	vst v61  }
0x141: {  	v30 =	vld [tilespmem:$0x400];
	v29 =	vshll.u32 v19, $0x4;
	v28 =	vadd.s32 v16, v26;
	[tilespmem:$0x530] =	vst v25  }
0x142: {  	v33 =	vld [tilespmem:$0x290];
	v32 =	vshll.u32 v21, $0x4;
	v31 =	vadd.s32 v18, v29;
	[tilespmem:$0x580] =	vst v28  }
0x143: {  	v36 =	vld [tilespmem:$0x410];
	v35 =	vshll.u32 v23, $0x4;
	v34 =	vadd.s32 v20, v32;
	[tilespmem:$0x590] =	vst v31  }
0x144: {  	v39 =	vld [tilespmem:$0x2A0];
	v38 =	vshll.u32 v45, $0x4;
	v37 =	vadd.s32 v22, v35;
	[tilespmem:$0x5A0] =	vst v34  }
0x145: {  	v42 =	vld [tilespmem:$0x420];
	v41 =	vshll.u32 v51, $0x4;
	v40 =	vadd.s32 v24, v38;
	[tilespmem:$0x5B0] =	vst v37  }
0x146: {  	v45 =	vld [tilespmem:$0x430];
	v43 =	vadd.s32 v48, v41;
	v44 =	vshll.u32 v57, $0x4;
	[tilespmem:$0x600] =	vst v40  }
0x147: {  	v47 =	vshll.u32 v63, $0x4;
	v48 =	vld [tilespmem:$0x2B0];
	[tilespmem:$0x610] =	vst v43;
	v46 =	vadd.s32 v54, v44  }
0x148: {  	v50 =	vshll.u32 v30, $0x4;
	v49 =	vadd.s32 v60, v47;
	[tilespmem:$0x620] =	vst v46  }
0x149: {  	v51 =	vadd.s32 v27, v50;
	v52 =	vshll.u32 v36, $0x4;
	[tilespmem:$0x630] =	vst v49  }
0x14a: {  	v54 =	vshll.u32 v42, $0x4;
	[tilespmem:$0x680] =	vst v51;
	v53 =	vadd.s32 v33, v52  }
0x14b: {  	v55 =	vadd.s32 v39, v54;
	[tilespmem:$0x690] =	vst v53;
	v56 =	vshll.u32 v45, $0x4  }
0x14c: {  	[tilespmem:$0x6A0] =	vst v55;
	v57 =	vadd.s32 v48, v56  }
0x14d: {  	s0 =	simm.s32 $0x480;
	[tilespmem:$0x6B0] =	vst v57  }
0x14e: {  	[tilespmem:s26], [sflag:$0x1] =	stream.indirect.gather [spmem:s1], $0x80, s0, s24, $0xb8;
	[tilespmem:$0x1F080] =	vst v63  }
0x14f: {  	s31 =	simm.s32 $0x500;
	s0 =	simm.s32 $0x3080  }
0x150: {  	[tilespmem:s0], [sflag:$0x1] =	stream.indirect.gather [spmem:s1], $0x80, s31, s24, $0xb8;
	[tilespmem:$0x1F080] =	vst v63  }
0x151: {  	s0 =	simm.s32 $0x580;
	s31 =	simm.s32 $0x5080  }
0x152: {  	[tilespmem:s31], [sflag:$0x1] =	stream.indirect.gather [spmem:s1], $0x80, s0, s24, $0xb8;
	[tilespmem:$0x1F080] =	vst v63  }
0x153: {  	s0 =	simm.s32 $0x600;
	s31 =	simm.s32 $0x7080  }
0x154: {  	[tilespmem:s31], [sflag:$0x1] =	stream.indirect.gather [spmem:s1], $0x80, s0, s24, $0xb8;
	[tilespmem:$0x1F080] =	vst v63  }
0x155: {  	s0 =	simm.s32 $0x680;
	s31 =	simm.s32 $0x9080  }
0x156: {  	[tilespmem:s31], [sflag:$0x1] =	stream.indirect.gather [spmem:s1], $0x80, s0, s24, $0xb8;
	[tilespmem:$0x1F080] =	vst v63  }
0x157: {  	_ =	swait.ge [sflag:s20], $0x2000  }
0x158: {  	[sflag:s20] =	ssyncset.done $0x0  }
0x159: {  	[sflag:s20] =	ssyncadd.s32 $0xFFFFE000  }
0x15a: {  	_ =	swait.ge [sflag:s20], $0x2000  }
0x15b: {  	[sflag:s20] =	ssyncset.done $0x0  }
0x15c: {  	[sflag:s20] =	ssyncadd.s32 $0xFFFFE000  }
0x15d: {  	_ =	swait.ge [sflag:s20], $0x2000  }
0x15e: {  	[sflag:s20] =	ssyncset.done $0x0  }
0x15f: {  	[sflag:s20] =	ssyncadd.s32 $0xFFFFE000  }
0x160: {  	_ =	swait.ge [sflag:s20], $0x2000  }
0x161: {  	[sflag:s20] =	ssyncset.done $0x0  }
0x162: {  	[sflag:s20] =	ssyncadd.s32 $0xFFFFE000  }
0x163: {  	_ =	swait.ge [sflag:s20], $0x2000  }
0x164: {  	[sflag:s20] =	ssyncset.done $0x0  }
0x165: {  	s0 =	sadd.s32 $0xFFFFD800, s29;
	[sflag:s20] =	ssyncadd.s32 $0xFFFFE000  }
0x166: {  	[hbm4b:s0+s2] =	stream.linear.scatter [tilespmem:s18], [sflag:$0x6], $0xA000, $0x38;
	[tilespmem:$0x1F080] =	vst v63  }
0x167: {  	_ =	swait.ge [sflag:s25], $0xA000  }
0x168: {  	s0 =	rddreg [dreg:$0x9];
	[sflag:s25] =	ssyncset.done $0x0  }
0x169: {  	[sflag:s25] =	ssyncadd.s32 $0xFFFF6000;
	s31 =	sadd.s32 s30, s0  }
0x16a: {  	[tilespmem:s21], [sflag:$0x7] =	stream.linear.gather [hbm4b:s31+s2], $0x140, $0x38;
	[tilespmem:$0x1F080] =	vst v63  }
0x16b: {  	_ =	swait.ge [sflag:s22], $0x140  }
0x16c: {  	s0 =	rddreg [dreg:$0x8];
	[sflag:s22] =	ssyncset.done $0x0  }
0x16d: {  	[sflag:s22] =	ssyncadd.s32 $0xFFFFFEC0;
	s31 =	sadd.s32 s30, s0  }
0x16e: {  	[tilespmem:s23], [sflag:$0x7] =	stream.linear.gather [hbm4b:s31+s2], $0x140, $0x38;
	[tilespmem:$0x1F080] =	vst v63  }
0x16f: {  	_ =	swait.ge [sflag:s22], $0x140  }
0x170: {  	[sflag:s22] =	ssyncset.done $0x0  }
0x171: {  	[sflag:s22] =	ssyncadd.s32 $0xFFFFFEC0  }
0x172: {  	v58 =	vld [tilespmem:$0x180]  }
0x173: {  	v59 =	vld [tilespmem:$0x300]  }
0x174: {  	v60 =	vld [tilespmem:$0x190]  }
0x175: {  	v61 =	vld [tilespmem:$0x310]  }
0x176: {  	v62 =	vld [tilespmem:$0x1A0]  }
0x177: {  	v63 =	vld [tilespmem:$0x320]  }
0x178: {  	v28 =	vld [tilespmem:$0x1B0]  }
0x179: {  	v29 =	vld [tilespmem:$0x330]  }
0x17a: {  	v30 =	vld [tilespmem:$0x1C0]  }
0x17b: {  	v31 =	vld [tilespmem:$0x340]  }
0x17c: {  	v32 =	vld [tilespmem:$0x1D0]  }
0x17d: {  	v33 =	vld [tilespmem:$0x350]  }
0x17e: {  	v34 =	vld [tilespmem:$0x1E0]  }
0x17f: {  	v35 =	vld [tilespmem:$0x360]  }
0x180: {  	v36 =	vld [tilespmem:$0x1F0]  }
0x181: {  	v37 =	vld [tilespmem:$0x370]  }
0x182: {  	v38 =	vld [tilespmem:$0x200]  }
0x183: {  	v39 =	vld [tilespmem:$0x380]  }
0x184: {  	v40 =	vld [tilespmem:$0x210]  }
0x185: {  	v41 =	vld [tilespmem:$0x390]  }
0x186: {  	v42 =	vld [tilespmem:$0x220]  }
0x187: {  	v43 =	vld [tilespmem:$0x3A0]  }
0x188: {  	v44 =	vld [tilespmem:$0x230]  }
0x189: {  	v45 =	vld [tilespmem:$0x3B0]  }
0x18a: {  	v46 =	vld [tilespmem:$0x240];
	v1 =	vshll.u32 v59, $0x4  }
0x18b: {  	v48 =	vld [tilespmem:$0x3C0];
	v47 =	vshll.u32 v61, $0x4;
	v0 =	vadd.s32 v58, v1  }
0x18c: {  	v51 =	vld [tilespmem:$0x250];
	v50 =	vshll.u32 v63, $0x4;
	v49 =	vadd.s32 v60, v47;
	[tilespmem:$0x880] =	vst v0  }
0x18d: {  	v54 =	vld [tilespmem:$0x3D0];
	v53 =	vshll.u32 v29, $0x4;
	v52 =	vadd.s32 v62, v50;
	[tilespmem:$0x890] =	vst v49  }
0x18e: {  	v57 =	vld [tilespmem:$0x260];
	v56 =	vshll.u32 v31, $0x4;
	v55 =	vadd.s32 v28, v53;
	[tilespmem:$0x8A0] =	vst v52  }
0x18f: {  	v27 =	vld [tilespmem:$0x3F0];
	v59 =	vshll.u32 v33, $0x4;
	v58 =	vadd.s32 v30, v56;
	[tilespmem:$0x8B0] =	vst v55  }
0x190: {  	v63 =	vld [tilespmem:$0x270];
	v26 =	vshll.u32 v37, $0x4;
	v61 =	vadd.s32 v32, v59;
	[tilespmem:$0x900] =	vst v58  }
0x191: {  	v29 =	vshll.u32 v39, $0x4;
	v33 =	vld [tilespmem:$0x400];
	v28 =	vadd.s32 v36, v26;
	[tilespmem:$0x910] =	vst v61  }
0x192: {  	v39 =	vld [tilespmem:$0x410];
	v62 =	vshll.u32 v35, $0x4;
	v31 =	vadd.s32 v38, v29;
	[tilespmem:$0x930] =	vst v28  }
0x193: {  	v60 =	vld [tilespmem:$0x3E0];
	v32 =	vshll.u32 v41, $0x4;
	v25 =	vadd.s32 v34, v62;
	[tilespmem:$0x980] =	vst v31  }
0x194: {  	v30 =	vld [tilespmem:$0x280];
	v35 =	vshll.u32 v43, $0x4;
	v34 =	vadd.s32 v40, v32;
	[tilespmem:$0x920] =	vst v25  }
0x195: {  	v36 =	vld [tilespmem:$0x290];
	v38 =	vshll.u32 v45, $0x4;
	v37 =	vadd.s32 v42, v35;
	[tilespmem:$0x990] =	vst v34  }
0x196: {  	v41 =	vshll.u32 v48, $0x4;
	v45 =	vld [tilespmem:$0x420];
	v40 =	vadd.s32 v44, v38;
	[tilespmem:$0x9A0] =	vst v37  }
0x197: {  	v48 =	vld [tilespmem:$0x430];
	v43 =	vadd.s32 v46, v41;
	v44 =	vshll.u32 v54, $0x4;
	[tilespmem:$0x9B0] =	vst v40  }
0x198: {  	v50 =	vshll.u32 v27, $0x4;
	v42 =	vld [tilespmem:$0x2A0];
	[tilespmem:$0xA00] =	vst v43;
	v46 =	vadd.s32 v51, v44  }
0x199: {  	v51 =	vld [tilespmem:$0x2B0];
	[tilespmem:$0xA10] =	vst v46;
	v52 =	vadd.s32 v63, v50;
	v53 =	vshll.u32 v33, $0x4  }
0x19a: {  	v55 =	vshll.u32 v39, $0x4;
	[tilespmem:$0xA30] =	vst v52;
	v54 =	vadd.s32 v30, v53  }
0x19b: {  	v47 =	vshll.u32 v60, $0x4;
	v56 =	vadd.s32 v36, v55;
	[tilespmem:$0xA80] =	vst v54  }
0x19c: {  	v49 =	vadd.s32 v57, v47;
	v57 =	vshll.u32 v45, $0x4;
	[tilespmem:$0xA90] =	vst v56  }
0x19d: {  	v59 =	vshll.u32 v48, $0x4;
	[tilespmem:$0xA20] =	vst v49;
	v58 =	vadd.s32 v42, v57  }
0x19e: {  	v60 =	vadd.s32 v51, v59;
	[tilespmem:$0xAA0] =	vst v58  }
0x19f: {  	s31 =	simm.s32 $0x880;
	[tilespmem:$0xAB0] =	vst v60  }
0x1a0: {  	[tilespmem:s7], [sflag:$0x2] =	stream.indirect.gather [spmem:s1], $0x80, s31, s24, $0xb8;
	[tilespmem:$0x1F080] =	vst v63  }
0x1a1: {  	s0 =	simm.s32 $0x900;
	s31 =	simm.s32 $0xD080  }
0x1a2: {  	[tilespmem:s31], [sflag:$0x2] =	stream.indirect.gather [spmem:s1], $0x80, s0, s24, $0xb8;
	[tilespmem:$0x1F080] =	vst v63  }
0x1a3: {  	s0 =	simm.s32 $0x980;
	s31 =	simm.s32 $0xF080  }
0x1a4: {  	[tilespmem:s31], [sflag:$0x2] =	stream.indirect.gather [spmem:s1], $0x80, s0, s24, $0xb8;
	[tilespmem:$0x1F080] =	vst v63  }
0x1a5: {  	s31 =	simm.s32 $0xA00  }
0x1a6: {  	[tilespmem:s13], [sflag:$0x2] =	stream.indirect.gather [spmem:s1], $0x80, s31, s24, $0xb8;
	[tilespmem:$0x1F080] =	vst v63  }
0x1a7: {  	_ = 	snop  }
0x1a8: {  	[tilespmem:s15], [sflag:$0x2] =	stream.indirect.gather [spmem:s1], $0x80, s14, s24, $0xb8;
	[tilespmem:$0x1F080] =	vst v63  }
0x1a9: {  	_ =	swait.ge [sflag:s16], $0x2000  }
0x1aa: {  	[sflag:s16] =	ssyncset.done $0x0  }
0x1ab: {  	[sflag:s16] =	ssyncadd.s32 $0xFFFFE000  }
0x1ac: {  	_ =	swait.ge [sflag:s16], $0x2000  }
0x1ad: {  	[sflag:s16] =	ssyncset.done $0x0  }
0x1ae: {  	[sflag:s16] =	ssyncadd.s32 $0xFFFFE000  }
0x1af: {  	_ =	swait.ge [sflag:s16], $0x2000  }
0x1b0: {  	[sflag:s16] =	ssyncset.done $0x0  }
0x1b1: {  	[sflag:s16] =	ssyncadd.s32 $0xFFFFE000  }
0x1b2: {  	_ =	swait.ge [sflag:s16], $0x2000  }
0x1b3: {  	[sflag:s16] =	ssyncset.done $0x0  }
0x1b4: {  	[sflag:s16] =	ssyncadd.s32 $0xFFFFE000  }
0x1b5: {  	_ =	swait.ge [sflag:s16], $0x2000  }
0x1b6: {  	[sflag:s16] =	ssyncset.done $0x0  }
0x1b7: {  	s0 =	sadd.s32 $0xFFFFEC00, s29;
	[sflag:s16] =	ssyncadd.s32 $0xFFFFE000  }
0x1b8: {  	[hbm4b:s0+s2] =	stream.linear.scatter [tilespmem:s26], [sflag:$0x4], $0xA000, $0x38;
	[tilespmem:$0x1F080] =	vst v63  }
0x1b9: {  	_ =	swait.ge [sflag:s28], $0xA000  }
0x1ba: {  	s0 =	rddreg [dreg:$0x7];
	[sflag:s28] =	ssyncset.done $0x0  }
0x1bb: {  	[sflag:s28] =	ssyncadd.s32 $0xFFFF6000;
	s31 =	sadd.s32 s30, s0  }
0x1bc: {  	[tilespmem:s21], [sflag:$0x7] =	stream.linear.gather [hbm4b:s31+s2], $0x140, $0x38;
	[tilespmem:$0x1F080] =	vst v63  }
0x1bd: {  	_ =	swait.ge [sflag:s22], $0x140  }
0x1be: {  	s0 =	rddreg [dreg:$0x6];
	[sflag:s22] =	ssyncset.done $0x0  }
0x1bf: {  	[sflag:s22] =	ssyncadd.s32 $0xFFFFFEC0;
	s31 =	sadd.s32 s30, s0  }
0x1c0: {  	[tilespmem:s23], [sflag:$0x7] =	stream.linear.gather [hbm4b:s31+s2], $0x140, $0x38;
	[tilespmem:$0x1F080] =	vst v63  }
0x1c1: {  	_ =	swait.ge [sflag:s22], $0x140  }
0x1c2: {  	[sflag:s22] =	ssyncset.done $0x0  }
0x1c3: {  	[sflag:s22] =	ssyncadd.s32 $0xFFFFFEC0  }
0x1c4: {  	v61 =	vld [tilespmem:$0x180]  }
0x1c5: {  	v62 =	vld [tilespmem:$0x300]  }
0x1c6: {  	v63 =	vld [tilespmem:$0x190]  }
0x1c7: {  	v28 =	vld [tilespmem:$0x310]  }
0x1c8: {  	v29 =	vld [tilespmem:$0x1A0]  }
0x1c9: {  	v30 =	vld [tilespmem:$0x320]  }
0x1ca: {  	v31 =	vld [tilespmem:$0x1B0]  }
0x1cb: {  	v32 =	vld [tilespmem:$0x330]  }
0x1cc: {  	v33 =	vld [tilespmem:$0x1C0]  }
0x1cd: {  	v34 =	vld [tilespmem:$0x340]  }
0x1ce: {  	v35 =	vld [tilespmem:$0x1D0]  }
0x1cf: {  	v36 =	vld [tilespmem:$0x350]  }
0x1d0: {  	v37 =	vld [tilespmem:$0x1E0]  }
0x1d1: {  	v38 =	vld [tilespmem:$0x360]  }
0x1d2: {  	v39 =	vld [tilespmem:$0x1F0]  }
0x1d3: {  	v40 =	vld [tilespmem:$0x370]  }
0x1d4: {  	v41 =	vld [tilespmem:$0x200]  }
0x1d5: {  	v42 =	vld [tilespmem:$0x380]  }
0x1d6: {  	v43 =	vld [tilespmem:$0x210]  }
0x1d7: {  	v44 =	vld [tilespmem:$0x390]  }
0x1d8: {  	v45 =	vld [tilespmem:$0x220]  }
0x1d9: {  	v46 =	vld [tilespmem:$0x3A0]  }
0x1da: {  	v47 =	vld [tilespmem:$0x230]  }
0x1db: {  	v48 =	vld [tilespmem:$0x3B0]  }
0x1dc: {  	v49 =	vld [tilespmem:$0x240];
	v1 =	vshll.u32 v62, $0x4  }
0x1dd: {  	v51 =	vld [tilespmem:$0x3C0];
	v50 =	vshll.u32 v28, $0x4;
	v0 =	vadd.s32 v61, v1  }
0x1de: {  	v54 =	vld [tilespmem:$0x250];
	v53 =	vshll.u32 v30, $0x4;
	v52 =	vadd.s32 v63, v50;
	[tilespmem:$0xC80] =	vst v0  }
0x1df: {  	v57 =	vld [tilespmem:$0x3D0];
	v56 =	vshll.u32 v32, $0x4;
	v55 =	vadd.s32 v29, v53;
	[tilespmem:$0xC90] =	vst v52  }
0x1e0: {  	v60 =	vld [tilespmem:$0x260];
	v59 =	vshll.u32 v34, $0x4;
	v58 =	vadd.s32 v31, v56;
	[tilespmem:$0xCA0] =	vst v55  }
0x1e1: {  	v27 =	vld [tilespmem:$0x270];
	v62 =	vshll.u32 v36, $0x4;
	v61 =	vadd.s32 v33, v59;
	[tilespmem:$0xCB0] =	vst v58  }
0x1e2: {  	v26 =	vshll.u32 v38, $0x4;
	v30 =	vld [tilespmem:$0x3F0];
	v25 =	vadd.s32 v35, v62;
	[tilespmem:$0xD00] =	vst v61  }
0x1e3: {  	v32 =	vshll.u32 v42, $0x4;
	v36 =	vld [tilespmem:$0x400];
	v28 =	vadd.s32 v37, v26;
	[tilespmem:$0xD10] =	vst v25  }
0x1e4: {  	v38 =	vshll.u32 v46, $0x4;
	v42 =	vld [tilespmem:$0x410];
	v34 =	vadd.s32 v41, v32;
	[tilespmem:$0xD20] =	vst v28  }
0x1e5: {  	v63 =	vld [tilespmem:$0x3E0];
	v29 =	vshll.u32 v40, $0x4;
	v40 =	vadd.s32 v45, v38;
	[tilespmem:$0xD80] =	vst v34  }
0x1e6: {  	v33 =	vld [tilespmem:$0x280];
	v35 =	vshll.u32 v44, $0x4;
	v31 =	vadd.s32 v39, v29;
	[tilespmem:$0xDA0] =	vst v40  }
0x1e7: {  	v41 =	vshll.u32 v48, $0x4;
	v45 =	vld [tilespmem:$0x2A0];
	v37 =	vadd.s32 v43, v35;
	[tilespmem:$0xD30] =	vst v31  }
0x1e8: {  	v44 =	vshll.u32 v51, $0x4;
	v48 =	vld [tilespmem:$0x420];
	v43 =	vadd.s32 v47, v41;
	[tilespmem:$0xD90] =	vst v37  }
0x1e9: {  	v39 =	vld [tilespmem:$0x290];
	v46 =	vadd.s32 v49, v44;
	v47 =	vshll.u32 v57, $0x4;
	[tilespmem:$0xDB0] =	vst v43  }
0x1ea: {  	v51 =	vld [tilespmem:$0x430];
	[tilespmem:$0xE00] =	vst v46;
	v49 =	vadd.s32 v54, v47;
	v53 =	vshll.u32 v30, $0x4  }
0x1eb: {  	v54 =	vld [tilespmem:$0x2B0];
	[tilespmem:$0xE10] =	vst v49;
	v56 =	vshll.u32 v36, $0x4;
	v55 =	vadd.s32 v27, v53  }
0x1ec: {  	v50 =	vshll.u32 v63, $0x4;
	v57 =	vadd.s32 v33, v56;
	[tilespmem:$0xE30] =	vst v55  }
0x1ed: {  	v58 =	vshll.u32 v42, $0x4;
	v52 =	vadd.s32 v60, v50;
	[tilespmem:$0xE80] =	vst v57  }
0x1ee: {  	v59 =	vadd.s32 v39, v58;
	v60 =	vshll.u32 v48, $0x4;
	[tilespmem:$0xE20] =	vst v52  }
0x1ef: {  	v62 =	vshll.u32 v51, $0x4;
	[tilespmem:$0xE90] =	vst v59;
	v61 =	vadd.s32 v45, v60  }
0x1f0: {  	v63 =	vadd.s32 v54, v62;
	[tilespmem:$0xEA0] =	vst v61  }
0x1f1: {  	[tilespmem:$0xEB0] =	vst v63  }
0x1f2: {  	[tilespmem:s18], [sflag:$0x3] =	stream.indirect.gather [spmem:s1], $0x80, s3, s24, $0xb8;
	[tilespmem:$0x1F080] =	vst v63  }
0x1f3: {  	_ = 	snop  }
0x1f4: {  	[tilespmem:s5], [sflag:$0x3] =	stream.indirect.gather [spmem:s1], $0x80, s4, s24, $0xb8;
	[tilespmem:$0x1F080] =	vst v63  }
0x1f5: {  	_ = 	snop  }
0x1f6: {  	[tilespmem:s8], [sflag:$0x3] =	stream.indirect.gather [spmem:s1], $0x80, s6, s24, $0xb8;
	[tilespmem:$0x1F080] =	vst v63  }
0x1f7: {  	_ = 	snop  }
0x1f8: {  	[tilespmem:s10], [sflag:$0x3] =	stream.indirect.gather [spmem:s1], $0x80, s9, s24, $0xb8;
	[tilespmem:$0x1F080] =	vst v63  }
0x1f9: {  	_ = 	snop  }
0x1fa: {  	[tilespmem:s12], [sflag:$0x3] =	stream.indirect.gather [spmem:s1], $0x80, s11, s24, $0xb8;
	[tilespmem:$0x1F080] =	vst v63  }
0x1fb: {  	_ =	swait.ge [sflag:s17], $0x2000  }
0x1fc: {  	[sflag:s17] =	ssyncset.done $0x0  }
0x1fd: {  	[sflag:s17] =	ssyncadd.s32 $0xFFFFE000  }
0x1fe: {  	_ =	swait.ge [sflag:s17], $0x2000  }
0x1ff: {  	[sflag:s17] =	ssyncset.done $0x0  }
0x200: {  	[sflag:s17] =	ssyncadd.s32 $0xFFFFE000  }
0x201: {  	_ =	swait.ge [sflag:s17], $0x2000  }
0x202: {  	[sflag:s17] =	ssyncset.done $0x0  }
0x203: {  	[sflag:s17] =	ssyncadd.s32 $0xFFFFE000  }
0x204: {  	_ =	swait.ge [sflag:s17], $0x2000  }
0x205: {  	[sflag:s17] =	ssyncset.done $0x0  }
0x206: {  	p1 =	sne.s32 s30, $0xB40;
	[sflag:s17] =	ssyncadd.s32 $0xFFFFE000  }
.Ltmp0:
0x207: {  	_ =	swait.ge [sflag:s17], $0x2000;
	(pc) =	sbr.rel @p1 .LBB2_2-.Ltmp0, $4  }
0x208: {  	[sflag:s17] =	ssyncset.done $0x0  }
0x209: {  	[sflag:s17] =	ssyncadd.s32 $0xFFFFE000  }
0x20a: {  	[hbm4b:s29+s2] =	stream.linear.scatter [tilespmem:s7], [sflag:$0x5], $0xA000, $0x38;
	[tilespmem:$0x1F080] =	vst v63  }
0x20b: {  	s30 =	sadd.s32 $0x78, s30;
	s29 =	sadd.s32 $0x3C00, s29  }
0x20c: {  	_ =	swait.ge [sflag:s19], $0xA000  }
0x20d: {  	[sflag:s19] =	ssyncset.done $0x0  }
0x20e: {  	s29 =	rddreg [dreg:$0x17];
	[sflag:s19] =	ssyncadd.s32 $0xFFFF6000  }
0x20f: {  	[tilespmem:s21], [sflag:$0x7] =	stream.linear.gather [hbm4b:s29+s2], $0x140, $0x38;
	[tilespmem:$0x1F080] =	vst v63  }
0x210: {  	_ =	swait.ge [sflag:s22], $0x140  }
0x211: {  	[sflag:s22] =	ssyncset.done $0x0  }
0x212: {  	s3 =	rddreg [dreg:$0x18];
	[sflag:s22] =	ssyncadd.s32 $0xFFFFFEC0  }
0x213: {  	[tilespmem:s23], [sflag:$0x7] =	stream.linear.gather [hbm4b:s3+s2], $0x140, $0x38;
	[tilespmem:$0x1F080] =	vst v63  }
0x214: {  	_ =	swait.ge [sflag:s22], $0x140  }
0x215: {  	[sflag:s22] =	ssyncset.done $0x0  }
0x216: {  	[sflag:s22] =	ssyncadd.s32 $0xFFFFFEC0  }
0x217: {  	v0 =	vld [tilespmem:$0x180]  }
0x218: {  	v1 =	vld [tilespmem:$0x300]  }
0x219: {  	v2 =	vld [tilespmem:$0x190]  }
0x21a: {  	v3 =	vld [tilespmem:$0x310]  }
0x21b: {  	v4 =	vld [tilespmem:$0x1A0]  }
0x21c: {  	v5 =	vld [tilespmem:$0x320]  }
0x21d: {  	v6 =	vld [tilespmem:$0x1B0]  }
0x21e: {  	v7 =	vld [tilespmem:$0x330]  }
0x21f: {  	v8 =	vld [tilespmem:$0x1C0]  }
0x220: {  	v9 =	vld [tilespmem:$0x340]  }
0x221: {  	v10 =	vld [tilespmem:$0x1D0]  }
0x222: {  	v11 =	vld [tilespmem:$0x350]  }
0x223: {  	v12 =	vld [tilespmem:$0x1E0]  }
0x224: {  	v13 =	vld [tilespmem:$0x360]  }
0x225: {  	v14 =	vld [tilespmem:$0x1F0]  }
0x226: {  	v15 =	vld [tilespmem:$0x370]  }
0x227: {  	v16 =	vld [tilespmem:$0x200]  }
0x228: {  	v17 =	vld [tilespmem:$0x380]  }
0x229: {  	v18 =	vld [tilespmem:$0x210]  }
0x22a: {  	v19 =	vld [tilespmem:$0x390]  }
0x22b: {  	v20 =	vld [tilespmem:$0x220]  }
0x22c: {  	v21 =	vld [tilespmem:$0x3A0]  }
0x22d: {  	v22 =	vld [tilespmem:$0x230]  }
0x22e: {  	v23 =	vld [tilespmem:$0x3B0]  }
0x22f: {  	v24 =	vld [tilespmem:$0x240];
	v1 =	vshll.u32 v1, $0x4  }
0x230: {  	v48 =	vld [tilespmem:$0x3C0];
	v47 =	vshll.u32 v3, $0x4;
	v0 =	vadd.s32 v0, v1  }
0x231: {  	v51 =	vld [tilespmem:$0x250];
	v50 =	vshll.u32 v5, $0x4;
	v49 =	vadd.s32 v2, v47;
	[tilespmem:$0x480] =	vst v0  }
0x232: {  	v54 =	vld [tilespmem:$0x3D0];
	v53 =	vshll.u32 v7, $0x4;
	v52 =	vadd.s32 v4, v50;
	[tilespmem:$0x490] =	vst v49  }
0x233: {  	v57 =	vld [tilespmem:$0x260];
	v56 =	vshll.u32 v9, $0x4;
	v55 =	vadd.s32 v6, v53;
	[tilespmem:$0x4A0] =	vst v52  }
0x234: {  	v60 =	vld [tilespmem:$0x3E0];
	v59 =	vshll.u32 v11, $0x4;
	v58 =	vadd.s32 v8, v56;
	[tilespmem:$0x4B0] =	vst v55  }
0x235: {  	v63 =	vld [tilespmem:$0x270];
	v62 =	vshll.u32 v13, $0x4;
	v61 =	vadd.s32 v10, v59;
	[tilespmem:$0x500] =	vst v58  }
0x236: {  	v27 =	vld [tilespmem:$0x3F0];
	v26 =	vshll.u32 v15, $0x4;
	v25 =	vadd.s32 v12, v62;
	[tilespmem:$0x510] =	vst v61  }
0x237: {  	v30 =	vld [tilespmem:$0x280];
	v29 =	vshll.u32 v17, $0x4;
	v28 =	vadd.s32 v14, v26;
	[tilespmem:$0x520] =	vst v25  }
0x238: {  	v33 =	vld [tilespmem:$0x400];
	v32 =	vshll.u32 v19, $0x4;
	v31 =	vadd.s32 v16, v29;
	[tilespmem:$0x530] =	vst v28  }
0x239: {  	v36 =	vld [tilespmem:$0x290];
	v35 =	vshll.u32 v21, $0x4;
	v34 =	vadd.s32 v18, v32;
	[tilespmem:$0x580] =	vst v31  }
0x23a: {  	v39 =	vld [tilespmem:$0x410];
	v38 =	vshll.u32 v23, $0x4;
	v37 =	vadd.s32 v20, v35;
	[tilespmem:$0x590] =	vst v34  }
0x23b: {  	v42 =	vld [tilespmem:$0x2A0];
	v41 =	vshll.u32 v48, $0x4;
	v40 =	vadd.s32 v22, v38;
	[tilespmem:$0x5A0] =	vst v37  }
0x23c: {  	v45 =	vld [tilespmem:$0x420];
	v44 =	vshll.u32 v54, $0x4;
	v43 =	vadd.s32 v24, v41;
	[tilespmem:$0x5B0] =	vst v40  }
0x23d: {  	v48 =	vld [tilespmem:$0x430];
	v46 =	vadd.s32 v51, v44;
	v47 =	vshll.u32 v60, $0x4;
	[tilespmem:$0x600] =	vst v43  }
0x23e: {  	v50 =	vshll.u32 v27, $0x4;
	v51 =	vld [tilespmem:$0x2B0];
	[tilespmem:$0x610] =	vst v46;
	v49 =	vadd.s32 v57, v47  }
0x23f: {  	v53 =	vshll.u32 v33, $0x4;
	v52 =	vadd.s32 v63, v50;
	[tilespmem:$0x620] =	vst v49  }
0x240: {  	v54 =	vadd.s32 v30, v53;
	v55 =	vshll.u32 v39, $0x4;
	[tilespmem:$0x630] =	vst v52  }
0x241: {  	v57 =	vshll.u32 v45, $0x4;
	[tilespmem:$0x680] =	vst v54;
	v56 =	vadd.s32 v36, v55  }
0x242: {  	v58 =	vadd.s32 v42, v57;
	[tilespmem:$0x690] =	vst v56;
	v59 =	vshll.u32 v48, $0x4  }
0x243: {  	[tilespmem:$0x6A0] =	vst v58;
	v60 =	vadd.s32 v51, v59  }
0x244: {  	s30 =	simm.s32 $0x480;
	[tilespmem:$0x6B0] =	vst v60  }
0x245: {  	[tilespmem:s26], [sflag:$0x1] =	stream.indirect.gather [spmem:s1], $0x80, s30, s24, $0xb8;
	[tilespmem:$0x1F080] =	vst v63  }
0x246: {  	s31 =	simm.s32 $0x500;
	s0 =	simm.s32 $0x3080  }
0x247: {  	[tilespmem:s0], [sflag:$0x1] =	stream.indirect.gather [spmem:s1], $0x80, s31, s24, $0xb8;
	[tilespmem:$0x1F080] =	vst v63  }
0x248: {  	s3 =	simm.s32 $0x580;
	s30 =	simm.s32 $0x5080  }
0x249: {  	[tilespmem:s30], [sflag:$0x1] =	stream.indirect.gather [spmem:s1], $0x80, s3, s24, $0xb8;
	[tilespmem:$0x1F080] =	vst v63  }
0x24a: {  	s31 =	simm.s32 $0x600;
	s3 =	simm.s32 $0x7080  }
0x24b: {  	[tilespmem:s3], [sflag:$0x1] =	stream.indirect.gather [spmem:s1], $0x80, s31, s24, $0xb8;
	[tilespmem:$0x1F080] =	vst v63  }
0x24c: {  	s29 =	simm.s32 $0x680;
	s30 =	simm.s32 $0x9080  }
0x24d: {  	[tilespmem:s30], [sflag:$0x1] =	stream.indirect.gather [spmem:s1], $0x80, s29, s24, $0xb8;
	[tilespmem:$0x1F080] =	vst v63  }
0x24e: {  	_ =	swait.ge [sflag:s20], $0x2000  }
0x24f: {  	[sflag:s20] =	ssyncset.done $0x0  }
0x250: {  	[sflag:s20] =	ssyncadd.s32 $0xFFFFE000  }
0x251: {  	_ =	swait.ge [sflag:s20], $0x2000  }
0x252: {  	[sflag:s20] =	ssyncset.done $0x0  }
0x253: {  	[sflag:s20] =	ssyncadd.s32 $0xFFFFE000  }
0x254: {  	_ =	swait.ge [sflag:s20], $0x2000  }
0x255: {  	[sflag:s20] =	ssyncset.done $0x0  }
0x256: {  	[sflag:s20] =	ssyncadd.s32 $0xFFFFE000  }
0x257: {  	_ =	swait.ge [sflag:s20], $0x2000  }
0x258: {  	[sflag:s20] =	ssyncset.done $0x0  }
0x259: {  	[sflag:s20] =	ssyncadd.s32 $0xFFFFE000  }
0x25a: {  	_ =	swait.ge [sflag:s20], $0x2000  }
0x25b: {  	[sflag:s20] =	ssyncset.done $0x0  }
0x25c: {  	s31 =	rddreg [dreg:$0x19];
	[sflag:s20] =	ssyncadd.s32 $0xFFFFE000  }
0x25d: {  	[hbm4b:s31+s2] =	stream.linear.scatter [tilespmem:s18], [sflag:$0x6], $0xA000, $0x38;
	[tilespmem:$0x1F080] =	vst v63  }
0x25e: {  	_ =	swait.ge [sflag:s25], $0xA000  }
0x25f: {  	[sflag:s25] =	ssyncset.done $0x0  }
0x260: {  	s0 =	rddreg [dreg:$0x1a];
	[sflag:s25] =	ssyncadd.s32 $0xFFFF6000  }
0x261: {  	[tilespmem:s21], [sflag:$0x7] =	stream.linear.gather [hbm4b:s0+s2], $0x140, $0x38;
	[tilespmem:$0x1F080] =	vst v63  }
0x262: {  	_ =	swait.ge [sflag:s22], $0x140  }
0x263: {  	[sflag:s22] =	ssyncset.done $0x0  }
0x264: {  	s3 =	rddreg [dreg:$0x1b];
	[sflag:s22] =	ssyncadd.s32 $0xFFFFFEC0  }
0x265: {  	[tilespmem:s23], [sflag:$0x7] =	stream.linear.gather [hbm4b:s3+s2], $0x140, $0x38;
	[tilespmem:$0x1F080] =	vst v63  }
0x266: {  	_ =	swait.ge [sflag:s22], $0x140  }
0x267: {  	[sflag:s22] =	ssyncset.done $0x0  }
0x268: {  	[sflag:s22] =	ssyncadd.s32 $0xFFFFFEC0  }
0x269: {  	v61 =	vld [tilespmem:$0x180]  }
0x26a: {  	v62 =	vld [tilespmem:$0x300]  }
0x26b: {  	v63 =	vld [tilespmem:$0x190]  }
0x26c: {  	v28 =	vld [tilespmem:$0x310]  }
0x26d: {  	v29 =	vld [tilespmem:$0x1A0]  }
0x26e: {  	v30 =	vld [tilespmem:$0x320]  }
0x26f: {  	v31 =	vld [tilespmem:$0x1B0]  }
0x270: {  	v32 =	vld [tilespmem:$0x330]  }
0x271: {  	v33 =	vld [tilespmem:$0x1C0]  }
0x272: {  	v34 =	vld [tilespmem:$0x340]  }
0x273: {  	v35 =	vld [tilespmem:$0x1D0]  }
0x274: {  	v36 =	vld [tilespmem:$0x350]  }
0x275: {  	v37 =	vld [tilespmem:$0x1E0]  }
0x276: {  	v38 =	vld [tilespmem:$0x360]  }
0x277: {  	v39 =	vld [tilespmem:$0x1F0]  }
0x278: {  	v40 =	vld [tilespmem:$0x370]  }
0x279: {  	v41 =	vld [tilespmem:$0x200]  }
0x27a: {  	v42 =	vld [tilespmem:$0x380]  }
0x27b: {  	v43 =	vld [tilespmem:$0x210]  }
0x27c: {  	v44 =	vld [tilespmem:$0x390]  }
0x27d: {  	v45 =	vld [tilespmem:$0x220]  }
0x27e: {  	v46 =	vld [tilespmem:$0x3A0]  }
0x27f: {  	v47 =	vld [tilespmem:$0x230]  }
0x280: {  	v48 =	vld [tilespmem:$0x3B0]  }
0x281: {  	v49 =	vld [tilespmem:$0x240];
	v1 =	vshll.u32 v62, $0x4  }
0x282: {  	v51 =	vld [tilespmem:$0x3C0];
	v50 =	vshll.u32 v28, $0x4;
	v0 =	vadd.s32 v61, v1  }
0x283: {  	v54 =	vld [tilespmem:$0x250];
	v53 =	vshll.u32 v30, $0x4;
	v52 =	vadd.s32 v63, v50;
	[tilespmem:$0x880] =	vst v0  }
0x284: {  	v57 =	vld [tilespmem:$0x3D0];
	v56 =	vshll.u32 v32, $0x4;
	v55 =	vadd.s32 v29, v53;
	[tilespmem:$0x890] =	vst v52  }
0x285: {  	v60 =	vld [tilespmem:$0x260];
	v59 =	vshll.u32 v34, $0x4;
	v58 =	vadd.s32 v31, v56;
	[tilespmem:$0x8A0] =	vst v55  }
0x286: {  	v27 =	vld [tilespmem:$0x270];
	v62 =	vshll.u32 v36, $0x4;
	v61 =	vadd.s32 v33, v59;
	[tilespmem:$0x8B0] =	vst v58  }
0x287: {  	v26 =	vshll.u32 v38, $0x4;
	v30 =	vld [tilespmem:$0x3F0];
	v25 =	vadd.s32 v35, v62;
	[tilespmem:$0x900] =	vst v61  }
0x288: {  	v32 =	vshll.u32 v42, $0x4;
	v36 =	vld [tilespmem:$0x400];
	v28 =	vadd.s32 v37, v26;
	[tilespmem:$0x910] =	vst v25  }
0x289: {  	v38 =	vshll.u32 v46, $0x4;
	v42 =	vld [tilespmem:$0x410];
	v34 =	vadd.s32 v41, v32;
	[tilespmem:$0x920] =	vst v28  }
0x28a: {  	v63 =	vld [tilespmem:$0x3E0];
	v29 =	vshll.u32 v40, $0x4;
	v40 =	vadd.s32 v45, v38;
	[tilespmem:$0x980] =	vst v34  }
0x28b: {  	v33 =	vld [tilespmem:$0x280];
	v35 =	vshll.u32 v44, $0x4;
	v31 =	vadd.s32 v39, v29;
	[tilespmem:$0x9A0] =	vst v40  }
0x28c: {  	v41 =	vshll.u32 v48, $0x4;
	v45 =	vld [tilespmem:$0x2A0];
	v37 =	vadd.s32 v43, v35;
	[tilespmem:$0x930] =	vst v31  }
0x28d: {  	v44 =	vshll.u32 v51, $0x4;
	v48 =	vld [tilespmem:$0x420];
	v43 =	vadd.s32 v47, v41;
	[tilespmem:$0x990] =	vst v37  }
0x28e: {  	v39 =	vld [tilespmem:$0x290];
	v46 =	vadd.s32 v49, v44;
	v47 =	vshll.u32 v57, $0x4;
	[tilespmem:$0x9B0] =	vst v43  }
0x28f: {  	v51 =	vld [tilespmem:$0x430];
	[tilespmem:$0xA00] =	vst v46;
	v49 =	vadd.s32 v54, v47;
	v53 =	vshll.u32 v30, $0x4  }
0x290: {  	v54 =	vld [tilespmem:$0x2B0];
	[tilespmem:$0xA10] =	vst v49;
	v56 =	vshll.u32 v36, $0x4;
	v55 =	vadd.s32 v27, v53  }
0x291: {  	v50 =	vshll.u32 v63, $0x4;
	v57 =	vadd.s32 v33, v56;
	[tilespmem:$0xA30] =	vst v55  }
0x292: {  	v58 =	vshll.u32 v42, $0x4;
	v52 =	vadd.s32 v60, v50;
	[tilespmem:$0xA80] =	vst v57  }
0x293: {  	v59 =	vadd.s32 v39, v58;
	v60 =	vshll.u32 v48, $0x4;
	[tilespmem:$0xA20] =	vst v52  }
0x294: {  	v62 =	vshll.u32 v51, $0x4;
	[tilespmem:$0xA90] =	vst v59;
	v61 =	vadd.s32 v45, v60  }
0x295: {  	v63 =	vadd.s32 v54, v62;
	[tilespmem:$0xAA0] =	vst v61  }
0x296: {  	s29 =	simm.s32 $0x880;
	[tilespmem:$0xAB0] =	vst v63  }
0x297: {  	[tilespmem:s7], [sflag:$0x2] =	stream.indirect.gather [spmem:s1], $0x80, s29, s24, $0xb8;
	[tilespmem:$0x1F080] =	vst v63  }
0x298: {  	s30 =	simm.s32 $0x900;
	s31 =	simm.s32 $0xD080  }
0x299: {  	[tilespmem:s31], [sflag:$0x2] =	stream.indirect.gather [spmem:s1], $0x80, s30, s24, $0xb8;
	[tilespmem:$0x1F080] =	vst v63  }
0x29a: {  	s29 =	simm.s32 $0x980;
	s30 =	simm.s32 $0xF080  }
0x29b: {  	[tilespmem:s30], [sflag:$0x2] =	stream.indirect.gather [spmem:s1], $0x80, s29, s24, $0xb8;
	[tilespmem:$0x1F080] =	vst v63  }
0x29c: {  	s31 =	simm.s32 $0xA00  }
0x29d: {  	[tilespmem:s13], [sflag:$0x2] =	stream.indirect.gather [spmem:s1], $0x80, s31, s24, $0xb8;
	[tilespmem:$0x1F080] =	vst v63  }
0x29e: {  	_ = 	snop  }
0x29f: {  	[tilespmem:s15], [sflag:$0x2] =	stream.indirect.gather [spmem:s1], $0x80, s14, s24, $0xb8;
	[tilespmem:$0x1F080] =	vst v63  }
0x2a0: {  	_ =	swait.ge [sflag:s16], $0x2000  }
0x2a1: {  	[sflag:s16] =	ssyncset.done $0x0  }
0x2a2: {  	[sflag:s16] =	ssyncadd.s32 $0xFFFFE000  }
0x2a3: {  	_ =	swait.ge [sflag:s16], $0x2000  }
0x2a4: {  	[sflag:s16] =	ssyncset.done $0x0  }
0x2a5: {  	[sflag:s16] =	ssyncadd.s32 $0xFFFFE000  }
0x2a6: {  	_ =	swait.ge [sflag:s16], $0x2000  }
0x2a7: {  	[sflag:s16] =	ssyncset.done $0x0  }
0x2a8: {  	[sflag:s16] =	ssyncadd.s32 $0xFFFFE000  }
0x2a9: {  	_ =	swait.ge [sflag:s16], $0x2000  }
0x2aa: {  	[sflag:s16] =	ssyncset.done $0x0  }
0x2ab: {  	[sflag:s16] =	ssyncadd.s32 $0xFFFFE000  }
0x2ac: {  	_ =	swait.ge [sflag:s16], $0x2000  }
0x2ad: {  	[sflag:s16] =	ssyncset.done $0x0  }
0x2ae: {  	s0 =	rddreg [dreg:$0x14];
	[sflag:s16] =	ssyncadd.s32 $0xFFFFE000  }
0x2af: {  	[hbm4b:s0+s2] =	stream.linear.scatter [tilespmem:s26], [sflag:$0x4], $0xA000, $0x38;
	[tilespmem:$0x1F080] =	vst v63  }
0x2b0: {  	_ =	swait.ge [sflag:s28], $0xA000  }
0x2b1: {  	[sflag:s28] =	ssyncset.done $0x0  }
0x2b2: {  	[sflag:s28] =	ssyncadd.s32 $0xFFFF6000  }
0x2b3: {  	_ =	swait.ge [sflag:s17], $0x2000  }
0x2b4: {  	[sflag:s17] =	ssyncset.done $0x0  }
0x2b5: {  	[sflag:s17] =	ssyncadd.s32 $0xFFFFE000  }
0x2b6: {  	_ =	swait.ge [sflag:s17], $0x2000  }
0x2b7: {  	[sflag:s17] =	ssyncset.done $0x0  }
0x2b8: {  	[sflag:s17] =	ssyncadd.s32 $0xFFFFE000  }
0x2b9: {  	_ =	swait.ge [sflag:s17], $0x2000  }
0x2ba: {  	[sflag:s17] =	ssyncset.done $0x0  }
0x2bb: {  	[sflag:s17] =	ssyncadd.s32 $0xFFFFE000  }
0x2bc: {  	_ =	swait.ge [sflag:s17], $0x2000  }
0x2bd: {  	[sflag:s17] =	ssyncset.done $0x0  }
0x2be: {  	[sflag:s17] =	ssyncadd.s32 $0xFFFFE000  }
0x2bf: {  	_ =	swait.ge [sflag:s17], $0x2000  }
0x2c0: {  	[sflag:s17] =	ssyncset.done $0x0  }
0x2c1: {  	s3 =	rddreg [dreg:$0x15];
	[sflag:s17] =	ssyncadd.s32 $0xFFFFE000  }
0x2c2: {  	[hbm4b:s3+s2] =	stream.linear.scatter [tilespmem:s7], [sflag:$0x5], $0xA000, $0x38;
	[tilespmem:$0x1F080] =	vst v63  }
0x2c3: {  	_ =	swait.ge [sflag:s25], $0xA000  }
0x2c4: {  	[sflag:s25] =	ssyncset.done $0x0  }
0x2c5: {  	[sflag:s25] =	ssyncadd.s32 $0xFFFF6000  }
0x2c6: {  	_ =	swait.ge [sflag:s19], $0xA000  }
0x2c7: {  	s30 =	rddreg [dreg:$0x1e]  }
0x2c8: {  	s31 =	rddreg [dreg:$0x1c];
	s0 =	sadd.s32 $0x1, s30  }
0x2c9: {  	p1 =	sne.s32 s0, s31  }
.Ltmp1:
0x2ca: {  	_ = 	snop;
	(pc) =	sbr.rel @p1 .LBB2_1-.Ltmp1, $3  }
0x2cb: {  	_ =	sdelay $0x1  }
0x2cc: {  	[sflag:s19] =	ssyncset.done $0x0  }
0x2cd: {  	[sflag:s19] =	ssyncadd.s32 $0xFFFF6000  }
0x2ce: {  	_ =	sfence.sel $0x180000  }
0x2cf: {  	[bflag:$0x0] =	sbarrier.arrive $0xFFFF  }
0x2d0: {  	_ =	strace $0x90000047  }
0x2d1: {  	[bflag:$0x2] =	sbarrier.arrive $0xFFFF  }
0x2d2: {  	s0 =	rddreg [dreg:$0x5]  }
0x2d3: {  	s0 =	sadd.s32 @!p0 $0x100000, s0  }
0x2d4: {  	[sflag:s0] =	ssyncadd.tile.s32 @!p0 $0x1;
	_ =	shalt  }
.Lfunc_end2:
_tile_overlayer_lowered:
.L_overlay_start_2:
0x2d5: {  	(tag) =	ssettag $0x2  }
0x2d6: {  	s0 =	rddreg [dreg:$0x0];
	s2 =	stileid.u32  }
0x2d7: {  	s1 =	rddreg [dreg:$0x1];
	p0 =	sne.s32 s2, $0x0  }
0x2d8: {  	s3 =	rddreg [dreg:$0x2];
	[bflag:$0x3] =	sbarrier.arrive $0xFFFF;
	s2 =	simm.s32 @!p0 $0x1C07  }
0x2d9: {  	[timem:s3], [sflag:s2] =	dma.local @!p0 [hbm:s0], s1  }
0x2da: {  	s0 =	simm.s32 @!p0 $0x7  }
0x2db: {  	_ =	swait.ge @!p0 [sflag:s0], s1  }
0x2dc: {  	s1 =	ssub.s32 @!p0 $0x0, s1;
	[sflag:s0] =	ssyncset.done @!p0 $0x0  }
0x2dd: {  	[sflag:s0] =	ssyncadd.s32 @!p0 s1  }
0x2de: {  	[bflag:$0x3] =	sbarrier.arrive $0xFFFF  }
0x2df: {  	_ =	shalt  }

</sc_bundles>
